<compile_context>
chip_gen: v7x
topology: tpu7x:2x2x1
jax: 0.10.2.dev20260603
libtpu: 0.0.44.dev20260713+nightly
codegen_flags: <defaults>
</compile_context>

<pallas_src>
import functools

import jax
import jax.numpy as jnp
from jax import lax
from jax.experimental import pallas as pl
from jax.experimental.pallas import tpu as pltpu
from jax.experimental.pallas import tpu_sc as plsc

N = 10000
E = 320000
F = 128
H = 256
NP = 10240
NC, NS = 2, 16
NW = NC * NS
RPP = 40
PPW = 2
EP = NW * PPW * RPP * 128
ROWS_PER_TILE = NP // NS


FH = F // 2
TPP = 4


def _k1_body(x, srcp, dstp, out, sidx, didx, rows,
             x_sh, agg_sh, gsem, ssem):
    cid = lax.axis_index("c")
    sid = lax.axis_index("s")
    r_base = sid * ROWS_PER_TILE
    @pl.when(sid < NS - 1)
    def _():
        pltpu.sync_copy(x.at[pl.ds(r_base, ROWS_PER_TILE),
                             pl.ds(cid * FH, FH)],
                        x_sh.at[pl.ds(r_base, ROWS_PER_TILE)])

    @pl.when(sid == NS - 1)
    def _():
        last = N - (NS - 1) * ROWS_PER_TILE
        pltpu.sync_copy(x.at[pl.ds(r_base, last), pl.ds(cid * FH, FH)],
                        x_sh.at[pl.ds(r_base, last)])

    def zrow(t, carry):
        rows[0, t // 4, pl.ds((t % 4) * 16, 16)] = jnp.zeros((16,),
                                                             jnp.float32)
        return carry

    lax.fori_loop(0, 128 * FH // 16, zrow, 0)
    for t in range(ROWS_PER_TILE // 128):
        pltpu.sync_copy(rows.at[0],
                        agg_sh.at[pl.ds(r_base + t * 128, 128)])
    plsc.subcore_barrier()

    NB = 4
    for p in range(TPP):
        pltpu.sync_copy(srcp.at[sid * TPP + p], sidx)
        pltpu.sync_copy(dstp.at[sid * TPP + p], didx)
        for b in range(2):
            pltpu.async_copy(x_sh.at[sidx.at[b]], rows.at[b], gsem.at[b])

        def body(t, carry):
            for u in range(NB):
                j = t * NB + u
                b = j % NB
                pltpu.make_async_copy(x_sh.at[sidx.at[j]], rows.at[b],
                                      gsem.at[b]).wait()
                pltpu.async_copy(rows.at[b], agg_sh.at[didx.at[j]],
                                 ssem.at[b], add=True)
                b2 = (j + 2) % NB

                @pl.when(j >= 2)
                def _():
                    pltpu.make_async_copy(rows.at[b2],
                                          agg_sh.at[didx.at[j - 2]],
                                          ssem.at[b2]).wait()

                @pl.when(j + 2 < RPP)
                def _():
                    pltpu.async_copy(x_sh.at[sidx.at[j + 2]], rows.at[b2],
                                     gsem.at[b2])
            return carry

        lax.fori_loop(0, RPP // NB, body, 0)
        for j in (RPP - 2, RPP - 1):
            pltpu.make_async_copy(rows.at[j % NB], agg_sh.at[didx.at[j]],
                                  ssem.at[j % NB]).wait()
    plsc.subcore_barrier()

    def body2(t, carry):
        r0 = r_base + t * 128
        pltpu.sync_copy(agg_sh.at[pl.ds(r0, 128)], rows.at[0])
        pltpu.sync_copy(rows.at[0], out.at[cid].at[pl.ds(r0, 128)])
        return carry

    lax.fori_loop(0, ROWS_PER_TILE // 128, body2, 0)


_k1 = functools.partial(
    pl.kernel,
    out_type=jax.ShapeDtypeStruct((NC, NP, FH), jnp.float32),
    mesh=plsc.VectorSubcoreMesh(core_axis_name="c", subcore_axis_name="s",
                                num_cores=NC, num_subcores=NS),
    scratch_types=[
        pltpu.VMEM((RPP, 128), jnp.int32),
        pltpu.VMEM((RPP, 128), jnp.int32),
        pltpu.VMEM((4, 128, FH), jnp.float32),
        pltpu.VMEM_SHARED((NP, FH), jnp.float32),
        pltpu.VMEM_SHARED((NP, FH), jnp.float32),
        pltpu.SemaphoreType.DMA((4,)),
        pltpu.SemaphoreType.DMA((4,)),
    ],
    compiler_params=pltpu.CompilerParams(use_tc_tiling_on_sc=False),
)(_k1_body)


def _k2_body(agg0, agg1, xb, wr, wo, b1r, wpr, wpo, bp1s, a_out, b_out):
    aggb = jnp.concatenate([agg0[0], agg1[0]], axis=1)
    h = jnp.dot(aggb, wr[...], preferred_element_type=jnp.float32)
    h += jnp.dot(xb[...], wo[...], preferred_element_type=jnp.float32)
    h = jnp.maximum(h + b1r[...], 0.0)
    a_out[...] = jnp.sum(h * wpr[...], axis=1).reshape(1, 1, -1)
    b_out[...] = (jnp.sum(h * wpo[...], axis=1) + bp1s[0, 0]).reshape(1, 1, -1)


def _k2(aggp, x, Wr1, Wo1, b1r, wpr1, wpo1, bp1s):
    R = 1000
    G = N // R
    return pl.pallas_call(
        _k2_body,
        grid=(G,),
        in_specs=[
            pl.BlockSpec((1, R, FH), lambda i: (0, i, 0)),
            pl.BlockSpec((1, R, FH), lambda i: (1, i, 0)),
            pl.BlockSpec((R, F), lambda i: (i, 0)),
            pl.BlockSpec((F, H), lambda i: (0, 0)),
            pl.BlockSpec((F, H), lambda i: (0, 0)),
            pl.BlockSpec((1, H), lambda i: (0, 0)),
            pl.BlockSpec((1, H), lambda i: (0, 0)),
            pl.BlockSpec((1, H), lambda i: (0, 0)),
            pl.BlockSpec((1, 1), lambda i: (0, 0)),
        ],
        out_specs=[
            pl.BlockSpec((1, 1, R), lambda i: (i, 0, 0)),
            pl.BlockSpec((1, 1, R), lambda i: (i, 0, 0)),
        ],
        out_shape=[
            jax.ShapeDtypeStruct((G, 1, R), jnp.float32),
            jax.ShapeDtypeStruct((G, 1, R), jnp.float32),
        ],
    )(aggp, aggp, x, Wr1, Wo1, b1r, wpr1, wpo1, bp1s)


def _k3_body(a_hbm, srcp, dstp, out, sidx, didx, vals, zb, score_sh, a_sh,
             sem):
    cid = lax.axis_index("c")
    sid = lax.axis_index("s")
    w = cid * NS + sid

    def zbody(i, carry):
        zb[pl.ds(i * 16, 16)] = jnp.zeros((16,), jnp.float32)
        return carry

    lax.fori_loop(0, ROWS_PER_TILE // 16, zbody, 0)
    pltpu.sync_copy(zb.at[pl.ds(0, ROWS_PER_TILE)],
                    score_sh.at[pl.ds(sid * ROWS_PER_TILE, ROWS_PER_TILE)])

    @pl.when(sid < NS - 1)
    def _():
        pltpu.sync_copy(a_hbm.at[pl.ds(sid * ROWS_PER_TILE, ROWS_PER_TILE)],
                        a_sh.at[pl.ds(sid * ROWS_PER_TILE, ROWS_PER_TILE)])

    @pl.when(sid == NS - 1)
    def _():
        last = N - (NS - 1) * ROWS_PER_TILE
        pltpu.sync_copy(a_hbm.at[pl.ds(sid * ROWS_PER_TILE, last)],
                        a_sh.at[pl.ds(sid * ROWS_PER_TILE, last)])

    pltpu.sync_copy(srcp.at[pl.ds(w * PPW, PPW)], sidx)
    pltpu.sync_copy(dstp.at[pl.ds(w * PPW, PPW)], didx)
    plsc.subcore_barrier()

    for p in range(PPW):
        def gfire(j, carry):
            pltpu.async_copy(a_sh.at[sidx.at[p].at[j]], vals.at[p].at[j],
                             sem.at[0])
            return carry
        lax.fori_loop(0, RPP, gfire, 0)
    for p in range(PPW):
        def gdrain(j, carry):
            pltpu.make_async_copy(a_sh.at[sidx.at[p].at[j]],
                                  vals.at[p].at[j], sem.at[0]).wait()
            return carry
        lax.fori_loop(0, RPP, gdrain, 0)

    for p in range(PPW):
        def sfire(j, carry):
            pltpu.async_copy(vals.at[p].at[j], score_sh.at[didx.at[p].at[j]],
                             sem.at[1], add=True)
            return carry
        lax.fori_loop(0, RPP, sfire, 0)
    for p in range(PPW):
        def sdrain(j, carry):
            pltpu.make_async_copy(vals.at[p].at[j],
                                  score_sh.at[didx.at[p].at[j]],
                                  sem.at[1]).wait()
            return carry
        lax.fori_loop(0, RPP, sdrain, 0)
    plsc.subcore_barrier()

    @pl.when(sid == 0)
    def _out():
        pltpu.sync_copy(score_sh, zb)
        pltpu.sync_copy(zb, out.at[cid])


_k3 = functools.partial(
    pl.kernel,
    out_type=jax.ShapeDtypeStruct((NC, NP), jnp.float32),
    mesh=plsc.VectorSubcoreMesh(core_axis_name="c", subcore_axis_name="s",
                                num_cores=NC, num_subcores=NS),
    scratch_types=[
        pltpu.VMEM((PPW, RPP, 128), jnp.int32),
        pltpu.VMEM((PPW, RPP, 128), jnp.int32),
        pltpu.VMEM((PPW, RPP, 128), jnp.float32),
        pltpu.VMEM((NP,), jnp.float32),
        pltpu.VMEM_SHARED((NP,), jnp.float32),
        pltpu.VMEM_SHARED((NP,), jnp.float32),
        pltpu.SemaphoreType.DMA((2,)),
    ],
    compiler_params=pltpu.CompilerParams(use_tc_tiling_on_sc=False),
)(_k3_body)


def _k4_body(scorep, bvec, aggp, x, edges,
             wr1, wo1, b1r,
             wr2, wo2, b2r, wpr2, wpo2, bp2s,
             wr3, wo3, b3r, wpr3, wpo3, bp3s,
             wmt, bmr, out, arow0, arow1, xrow, sem):
    s = scorep[0:1, :N] + scorep[1:2, :N] + bvec[...]
    iota = lax.broadcasted_iota(jnp.int32, (1, N), 1)
    m = jnp.max(s)
    idx = jnp.min(jnp.where(s == m, iota, N))
    c0 = pltpu.make_async_copy(aggp.at[0].at[pl.ds(idx, 1)], arow0, sem)
    c0.start()
    c1 = pltpu.make_async_copy(aggp.at[1].at[pl.ds(idx, 1)], arow1, sem)
    c1.start()
    c2 = pltpu.make_async_copy(x.at[pl.ds(idx, 1)], xrow, sem)
    c2.start()
    c0.wait()
    c1.wait()
    c2.wait()
    agg_row = jnp.concatenate([arow0[...], arow1[...]], axis=1)
    hrow = jnp.dot(agg_row, wr1[...], preferred_element_type=jnp.float32)
    hrow += jnp.dot(xrow[...], wo1[...], preferred_element_type=jnp.float32)
    hrow = jnp.maximum(hrow + b1r[...], 0.0)
    xn = hrow * jnp.tanh(m)
    e0 = edges[0]
    e1 = edges[1]
    cf = jnp.sum(jnp.where((e0 == idx) & (e1 == idx), 1.0, 0.0))

    def gconv(v, wr, wo, br):
        y = cf * jnp.dot(v, wr[...], preferred_element_type=jnp.float32)
        y += jnp.dot(v, wo[...], preferred_element_type=jnp.float32)
        return jnp.maximum(y + br[...], 0.0)

    g2 = gconv(xn, wr2, wo2, b2r)
    s2 = cf * jnp.sum(g2 * wpr2[...]) + jnp.sum(g2 * wpo2[...]) + bp2s[0, 0]
    xn2 = g2 * jnp.tanh(s2)
    g3 = gconv(xn2, wr3, wo3, b3r)
    s3 = cf * jnp.sum(g3 * wpr3[...]) + jnp.sum(g3 * wpo3[...]) + bp3s[0, 0]
    xn3 = g3 * jnp.tanh(s3)
    t = xn + xn2 + xn3
    o0 = jnp.sum(t * wmt[0:1, :]) + bmr[0, 0]
    o1 = jnp.sum(t * wmt[1:2, :]) + bmr[0, 1]
    out[...] = jnp.concatenate([o0.reshape(1, 1), o1.reshape(1, 1)], axis=1)


def _k4(scorep, bvec, aggp, x, edges, *ws):
    return pl.pallas_call(
        _k4_body,
        in_specs=[pl.BlockSpec(memory_space=pl.ANY)
                  if i in (2, 3) else pl.BlockSpec()
                  for i in range(5 + len(ws))],
        out_shape=jax.ShapeDtypeStruct((1, 2), jnp.float32),
        scratch_shapes=[
            pltpu.VMEM((1, FH), jnp.float32),
            pltpu.VMEM((1, FH), jnp.float32),
            pltpu.VMEM((1, F), jnp.float32),
            pltpu.SemaphoreType.DMA,
        ],
    )(scorep, bvec, aggp, x, edges, *ws)


def kernel(x, edge_index, batch, Wr1, Wo1, b1, Wpr1, Wpo1, bp1,
           Wr2, Wo2, b2, Wpr2, Wpo2, bp2, Wr3, Wo3, b3, Wpr3, Wpo3, bp3,
           Wm, bm):
    src = edge_index[0]
    dst = edge_index[1]
    spad = jnp.zeros((EP - E,), jnp.int32)
    dpad = jnp.full((EP - E,), N, jnp.int32)
    srcp = jnp.concatenate([src.astype(jnp.int32), spad]).reshape(
        NW * PPW, RPP, 128)
    dstp = jnp.concatenate([dst.astype(jnp.int32), dpad]).reshape(
        NW * PPW, RPP, 128)
    aggp = _k1(x, srcp, dstp)

    a3, b3v = _k2(aggp, x,
                  Wr1, Wo1, b1.reshape(1, H),
                  Wpr1.reshape(1, H), Wpo1.reshape(1, H),
                  bp1.reshape(1, 1))
    a1 = a3.reshape(N)
    bvec = b3v.reshape(1, N)

    scorep = _k3(a1, srcp, dstp)

    edges = edge_index.astype(jnp.int32).reshape(2, E // 128, 128)
    wmt = (Wm[:H] + Wm[H:]).T
    return _k4(scorep, bvec, aggp, x, edges,
               Wr1, Wo1, b1.reshape(1, H),
               Wr2, Wo2, b2.reshape(1, H), Wpr2.reshape(1, H),
               Wpo2.reshape(1, H), bp2.reshape(1, 1),
               Wr3, Wo3, b3.reshape(1, H), Wpr3.reshape(1, H),
               Wpo3.reshape(1, H), bp3.reshape(1, 1),
               wmt, bm.reshape(1, 2))

# --- scband reference (transcript-rebuilt; emitter-appended) ---
"""Pipeline reference for scband-topk-net-16527034155614 (READ-ONLY COPY).

The authoritative reference and input builder live on the scoring server;
editing this copy changes nothing except your own understanding.
"""

import math
import jax
import jax.numpy as jnp
import numpy as np

N = 10000
E = 320000
F_IN = 128
H = 256
OUT = 2
RATIO = 0.0001

def _lin(k, fi, fo):
    return (jax.random.uniform(k, (fi, fo), jnp.float32, -1.0, 1.0) / np.sqrt(fi)).astype(jnp.float32)

def setup_inputs(seed: int = 0):
    key = jax.random.key(seed)
    ks = jax.random.split(key, 16)
    inp = {}
    inp['x'] = jax.random.normal(ks[0], (N, F_IN), jnp.float32)
    inp['edge_index'] = jax.random.randint(ks[1], (2, E), 0, N)
    inp['batch'] = jnp.zeros((N,), jnp.int32)
    inp['Wr1'] = _lin(ks[2], F_IN, H)
    inp['Wo1'] = _lin(ks[3], F_IN, H)
    inp['b1'] = jnp.zeros((H,), jnp.float32)
    inp['Wpr1'] = _lin(ks[4], H, 1)
    inp['Wpo1'] = _lin(ks[5], H, 1)
    inp['bp1'] = jnp.zeros((1,), jnp.float32)
    inp['Wr2'] = _lin(ks[6], H, H)
    inp['Wo2'] = _lin(ks[7], H, H)
    inp['b2'] = jnp.zeros((H,), jnp.float32)
    inp['Wpr2'] = _lin(ks[8], H, 1)
    inp['Wpo2'] = _lin(ks[9], H, 1)
    inp['bp2'] = jnp.zeros((1,), jnp.float32)
    inp['Wr3'] = _lin(ks[10], H, H)
    inp['Wo3'] = _lin(ks[11], H, H)
    inp['b3'] = jnp.zeros((H,), jnp.float32)
    inp['Wpr3'] = _lin(ks[12], H, 1)
    inp['Wpo3'] = _lin(ks[13], H, 1)
    inp['bp3'] = jnp.zeros((1,), jnp.float32)
    inp['Wm'] = _lin(ks[14], 2 * H, OUT)
    inp['bm'] = jnp.zeros((OUT,), jnp.float32)
    return inp

def _graph_conv(x, src, dst, Wr, Wo, b):
    # PyG GraphConv: out = lin_rel(sum_{j->i} x_j) + lin_root(x); dummy node row n absorbs masked edges
    n, d = x.shape
    xp = jnp.concatenate([x, jnp.zeros((1, d), x.dtype)], axis=0)
    msgs = xp[src]
    agg = jnp.zeros((n + 1, d), x.dtype).at[dst].add(msgs)[:n]
    return agg @ Wr + x @ Wo + b

def _sag_pool(x, src, dst, Wr, Wo, b):
    # SAGPooling(hidden, ratio=0.0001) with GraphConv scorer and tanh nonlinearity; single graph (batch all zeros)
    n = x.shape[0]
    score = _graph_conv(x, src, dst, Wr, Wo, b).reshape(-1)
    k = int(math.ceil(RATIO * n))
    topv, perm = jax.lax.top_k(score, k)
    xn = x[perm] * jnp.tanh(topv)[:, None]
    nm = jnp.full((n + 1,), -1, jnp.int32).at[perm].set(jnp.arange(k, dtype=jnp.int32))
    ns = nm[src]
    nd = nm[dst]
    valid = (ns >= 0) & (nd >= 0)
    ns = jnp.where(valid, ns, k)
    nd = jnp.where(valid, nd, k)
    return xn, ns, nd

def _readout(x):
    # single graph: gmp = max over nodes, gap = mean over nodes
    return jnp.concatenate([jnp.max(x, axis=0), jnp.mean(x, axis=0)])[None, :]

def reference(x, edge_index, batch, Wr1, Wo1, b1, Wpr1, Wpo1, bp1, Wr2, Wo2, b2, Wpr2, Wpo2, bp2, Wr3, Wo3, b3, Wpr3, Wpo3, bp3, Wm, bm):
    src = edge_index[0]
    dst = edge_index[1]
    x = jax.nn.relu(_graph_conv(x, src, dst, Wr1, Wo1, b1))
    x, src, dst = _sag_pool(x, src, dst, Wpr1, Wpo1, bp1)
    x1 = _readout(x)
    x = jax.nn.relu(_graph_conv(x, src, dst, Wr2, Wo2, b2))
    x, src, dst = _sag_pool(x, src, dst, Wpr2, Wpo2, bp2)
    x2 = _readout(x)
    x = jax.nn.relu(_graph_conv(x, src, dst, Wr3, Wo3, b3))
    x, src, dst = _sag_pool(x, src, dst, Wpr3, Wpo3, bp3)
    x3 = _readout(x)
    xs = x1 + x2 + x3
    return xs @ Wm + bm

if __name__ == "__main__":
    import jax
    _d = setup_inputs()
    print(jax.jit(kernel)(*tuple(_d.values())))

</pallas_src>

<mosaic_0001>
#map = affine_map<(d0, d1) -> (0)>
#map1 = affine_map<(d0, d1) -> (0, 0, 0)>
#map2 = affine_map<(d0, d1) -> (0, 0)>
module attributes {stable_mosaic.version = 14 : i64} {
  func.func @_k3_body(%arg0: i32, %arg1: i32, %arg2: memref<10000xf32, #tpu.memory_space<hbm>>, %arg3: memref<64x40x128xi32, #tpu.memory_space<hbm>>, %arg4: memref<64x40x128xi32, #tpu.memory_space<hbm>>, %arg5: memref<2x10240xf32, #tpu.memory_space<hbm>>, %arg6: memref<2x40x128xi32, #tpu.memory_space<vmem>>, %arg7: memref<2x40x128xi32, #tpu.memory_space<vmem>>, %arg8: memref<2x40x128xf32, #tpu.memory_space<vmem>>, %arg9: memref<10240xf32, #tpu.memory_space<vmem>>, %arg10: memref<10240xf32, #tpu.memory_space<vmem_shared>>, %arg11: memref<10240xf32, #tpu.memory_space<vmem_shared>>, %arg12: memref<2x!tpu.dma_semaphore, #tpu.memory_space<semaphore_mem>>) attributes {dimension_semantics = [#tpu.dimension_semantics<core_parallel>, #tpu.dimension_semantics<subcore_parallel>], iteration_bounds = array<i64: 2, 16>, scalar_prefetch = 0 : i64, scratch_operands = 7 : i64, tpu.core_type = #tpu.core_type<sc_vector_subcore>, window_params = [{transform_indices = #map}, {transform_indices = #map1}, {transform_indices = #map1}, {transform_indices = #map2}]} {
    %mul3A = arith.constant 16 : i32
    %mul3A_0 = arith.muli %arg0, %mul3A : i32
    %add3A = arith.addi %mul3A_0, %arg1 : i32
    %scan3A = arith.constant 0 : i32
    %scan3A_1 = arith.constant 0 : i32
    %scan3A_2 = arith.constant 40 : i32
    %scan3A_3 = arith.addi %scan3A_1, %scan3A_2 : i32
    %scan3A_4 = arith.constant 1 : i32
    scf.for %scan3A_72 = %scan3A_1 to %scan3A_3 step %scan3A_4  : i32 {
      %broadcast_in_dim3A = arith.constant 0.000000e+00 : f32
      %broadcast_in_dim3A_73 = vector.broadcast %broadcast_in_dim3A : f32 to vector<16xf32>
      %mul3A_74 = arith.constant 16 : i32
      %mul3A_75 = arith.muli %scan3A_72, %mul3A_74 : i32
      %swap3A = arith.index_cast %mul3A_75 : i32 to index
      %swap3A_76 = tpu.vector_load %arg9[%swap3A] {strides = array<i32>} : memref<10240xf32, #tpu.memory_space<vmem>>, vector<16xf32>,
      %swap3A_77 = vector.shape_cast %swap3A_76 : vector<16xf32> to vector<16xf32>
      %swap3A_78 = vector.shape_cast %broadcast_in_dim3A_73 : vector<16xf32> to vector<16xf32>
      tpu.vector_store %arg9[%swap3A], %swap3A_78 {strides = array<i32>} : memref<10240xf32, #tpu.memory_space<vmem>>, vector<16xf32>,
    }
    %scan3A_5 = arith.constant 40 : i32
    %mul3A_6 = arith.constant 640 : i32
    %mul3A_7 = arith.muli %arg1, %mul3A_6 : i32
    "tpu.region"() ({
      %run_scoped3A = tpu.sem_alloc : memref<!tpu.dma_semaphore, #tpu.memory_space<semaphore_mem>>
      %dma_start3A = arith.constant 0 : i32
      %dma_start3A_72 = tpu.memref_slice %arg9[%dma_start3A] : memref<10240xf32, #tpu.memory_space<vmem>> -> memref<640xf32, #tpu.memory_space<vmem>>
      %dma_start3A_73 = tpu.memref_slice %arg10[%mul3A_7] : memref<10240xf32, #tpu.memory_space<vmem_shared>> -> memref<640xf32, #tpu.memory_space<vmem_shared>>
      %dma_start3A_74 = tpu.memref_slice %arg10[%mul3A_7] : memref<10240xf32, #tpu.memory_space<vmem_shared>> -> memref<640xf32, #tpu.memory_space<vmem_shared>>
      %dma_start3A_75 = arith.constant 0 : i32
      %dma_start3A_76 = tpu.memref_slice %arg9[%dma_start3A_75] : memref<10240xf32, #tpu.memory_space<vmem>> -> memref<640xf32, #tpu.memory_space<vmem>>
      tpu.enqueue_dma source(%dma_start3A_76 : memref<640xf32, #tpu.memory_space<vmem>>) target(%dma_start3A_74 : memref<640xf32, #tpu.memory_space<vmem_shared>>) target_semaphore(%run_scoped3A : memref<!tpu.dma_semaphore, #tpu.memory_space<semaphore_mem>>)
      %dma_wait3A = arith.constant 0 : i32
      %dma_wait3A_77 = tpu.memref_slice %arg9[%dma_wait3A] : memref<10240xf32, #tpu.memory_space<vmem>> -> memref<640xf32, #tpu.memory_space<vmem>>
      %dma_wait3A_78 = tpu.memref_slice %arg10[%mul3A_7] : memref<10240xf32, #tpu.memory_space<vmem_shared>> -> memref<640xf32, #tpu.memory_space<vmem_shared>>
      %dma_wait3A_79 = tpu.memref_slice %arg10[%mul3A_7] : memref<10240xf32, #tpu.memory_space<vmem_shared>> -> memref<640xf32, #tpu.memory_space<vmem_shared>>
      %dma_wait3A_80 = arith.constant 0 : i32
      %dma_wait3A_81 = tpu.memref_slice %arg9[%dma_wait3A_80] : memref<10240xf32, #tpu.memory_space<vmem>> -> memref<640xf32, #tpu.memory_space<vmem>>
      tpu.wait_dma2 semaphore(%run_scoped3A : memref<!tpu.dma_semaphore, #tpu.memory_space<semaphore_mem>>) src(%dma_wait3A_81 : memref<640xf32, #tpu.memory_space<vmem>>) dst(%dma_wait3A_79 : memref<640xf32, #tpu.memory_space<vmem_shared>>)
      tpu.yield
    }) : () -> ()
    %lt3A = arith.constant 15 : i32
    %lt3A_8 = arith.cmpi slt, %arg1, %lt3A : i32
    %convert_element_type3A = arith.extui %lt3A_8 : i1 to i32
    %cond3A = arith.constant 0 : i32
    %cond3A_9 = arith.cmpi ne, %convert_element_type3A, %cond3A : i32
    scf.if %cond3A_9 {
      %mul3A_72 = arith.constant 640 : i32
      %mul3A_73 = arith.muli %arg1, %mul3A_72 : i32
      %mul3A_74 = arith.constant 640 : i32
      %mul3A_75 = arith.muli %arg1, %mul3A_74 : i32
      "tpu.region"() ({
        %run_scoped3A = tpu.sem_alloc : memref<!tpu.dma_semaphore, #tpu.memory_space<semaphore_mem>>
        %dma_start3A = tpu.memref_slice %arg11[%mul3A_75] : memref<10240xf32, #tpu.memory_space<vmem_shared>> -> memref<640xf32, #tpu.memory_space<vmem_shared>>
        %dma_start3A_76 = tpu.memref_slice %arg2[%mul3A_73] : memref<10000xf32, #tpu.memory_space<hbm>> -> memref<640xf32, #tpu.memory_space<hbm>>
        tpu.enqueue_dma source(%dma_start3A_76 : memref<640xf32, #tpu.memory_space<hbm>>) target(%dma_start3A : memref<640xf32, #tpu.memory_space<vmem_shared>>) target_semaphore(%run_scoped3A : memref<!tpu.dma_semaphore, #tpu.memory_space<semaphore_mem>>)
        %dma_wait3A = tpu.memref_slice %arg11[%mul3A_75] : memref<10240xf32, #tpu.memory_space<vmem_shared>> -> memref<640xf32, #tpu.memory_space<vmem_shared>>
        %dma_wait3A_77 = tpu.memref_slice %arg2[%mul3A_73] : memref<10000xf32, #tpu.memory_space<hbm>> -> memref<640xf32, #tpu.memory_space<hbm>>
        tpu.wait_dma2 semaphore(%run_scoped3A : memref<!tpu.dma_semaphore, #tpu.memory_space<semaphore_mem>>) src(%dma_wait3A_77 : memref<640xf32, #tpu.memory_space<hbm>>) dst(%dma_wait3A : memref<640xf32, #tpu.memory_space<vmem_shared>>)
        tpu.yield
      }) : () -> ()
    } else {
    }
    %eq3A = arith.constant 15 : i32
    %eq3A_10 = arith.cmpi eq, %arg1, %eq3A : i32
    %convert_element_type3A_11 = arith.extui %eq3A_10 : i1 to i32
    %cond3A_12 = arith.constant 0 : i32
    %cond3A_13 = arith.cmpi ne, %convert_element_type3A_11, %cond3A_12 : i32
    scf.if %cond3A_13 {
      %mul3A_72 = arith.constant 640 : i32
      %mul3A_73 = arith.muli %arg1, %mul3A_72 : i32
      %mul3A_74 = arith.constant 640 : i32
      %mul3A_75 = arith.muli %arg1, %mul3A_74 : i32
      "tpu.region"() ({
        %run_scoped3A = tpu.sem_alloc : memref<!tpu.dma_semaphore, #tpu.memory_space<semaphore_mem>>
        %dma_start3A = tpu.memref_slice %arg11[%mul3A_75] : memref<10240xf32, #tpu.memory_space<vmem_shared>> -> memref<400xf32, #tpu.memory_space<vmem_shared>>
        %dma_start3A_76 = tpu.memref_slice %arg2[%mul3A_73] : memref<10000xf32, #tpu.memory_space<hbm>> -> memref<400xf32, #tpu.memory_space<hbm>>
        tpu.enqueue_dma source(%dma_start3A_76 : memref<400xf32, #tpu.memory_space<hbm>>) target(%dma_start3A : memref<400xf32, #tpu.memory_space<vmem_shared>>) target_semaphore(%run_scoped3A : memref<!tpu.dma_semaphore, #tpu.memory_space<semaphore_mem>>)
        %dma_wait3A = tpu.memref_slice %arg11[%mul3A_75] : memref<10240xf32, #tpu.memory_space<vmem_shared>> -> memref<400xf32, #tpu.memory_space<vmem_shared>>
        %dma_wait3A_77 = tpu.memref_slice %arg2[%mul3A_73] : memref<10000xf32, #tpu.memory_space<hbm>> -> memref<400xf32, #tpu.memory_space<hbm>>
        tpu.wait_dma2 semaphore(%run_scoped3A : memref<!tpu.dma_semaphore, #tpu.memory_space<semaphore_mem>>) src(%dma_wait3A_77 : memref<400xf32, #tpu.memory_space<hbm>>) dst(%dma_wait3A : memref<400xf32, #tpu.memory_space<vmem_shared>>)
        tpu.yield
      }) : () -> ()
    } else {
    }
    %mul3A_14 = arith.constant 2 : i32
    %mul3A_15 = arith.muli %add3A, %mul3A_14 : i32
    "tpu.region"() ({
      %run_scoped3A = tpu.sem_alloc : memref<!tpu.dma_semaphore, #tpu.memory_space<semaphore_mem>>
      %dma_start3A = arith.constant 0 : i32
      %dma_start3A_72 = arith.constant 0 : i32
      %dma_start3A_73 = tpu.memref_slice %arg3[%mul3A_15, %dma_start3A, %dma_start3A_72] : memref<64x40x128xi32, #tpu.memory_space<hbm>> -> memref<2x40x128xi32, #tpu.memory_space<hbm>>
      %dma_start3A_74 = arith.constant 0 : i32
      %dma_start3A_75 = arith.constant 0 : i32
      %dma_start3A_76 = tpu.memref_slice %arg3[%mul3A_15, %dma_start3A_74, %dma_start3A_75] : memref<64x40x128xi32, #tpu.memory_space<hbm>> -> memref<2x40x128xi32, #tpu.memory_space<hbm>>
      tpu.enqueue_dma source(%dma_start3A_76 : memref<2x40x128xi32, #tpu.memory_space<hbm>>) target(%arg6 : memref<2x40x128xi32, #tpu.memory_space<vmem>>) target_semaphore(%run_scoped3A : memref<!tpu.dma_semaphore, #tpu.memory_space<semaphore_mem>>)
      %dma_wait3A = arith.constant 0 : i32
      %dma_wait3A_77 = arith.constant 0 : i32
      %dma_wait3A_78 = tpu.memref_slice %arg3[%mul3A_15, %dma_wait3A, %dma_wait3A_77] : memref<64x40x128xi32, #tpu.memory_space<hbm>> -> memref<2x40x128xi32, #tpu.memory_space<hbm>>
      %dma_wait3A_79 = arith.constant 0 : i32
      %dma_wait3A_80 = arith.constant 0 : i32
      %dma_wait3A_81 = tpu.memref_slice %arg3[%mul3A_15, %dma_wait3A_79, %dma_wait3A_80] : memref<64x40x128xi32, #tpu.memory_space<hbm>> -> memref<2x40x128xi32, #tpu.memory_space<hbm>>
      tpu.wait_dma2 semaphore(%run_scoped3A : memref<!tpu.dma_semaphore, #tpu.memory_space<semaphore_mem>>) src(%dma_wait3A_81 : memref<2x40x128xi32, #tpu.memory_space<hbm>>) dst(%arg6 : memref<2x40x128xi32, #tpu.memory_space<vmem>>)
      tpu.yield
    }) : () -> ()
    %mul3A_16 = arith.constant 2 : i32
    %mul3A_17 = arith.muli %add3A, %mul3A_16 : i32
    "tpu.region"() ({
      %run_scoped3A = tpu.sem_alloc : memref<!tpu.dma_semaphore, #tpu.memory_space<semaphore_mem>>
      %dma_start3A = arith.constant 0 : i32
      %dma_start3A_72 = arith.constant 0 : i32
      %dma_start3A_73 = tpu.memref_slice %arg4[%mul3A_17, %dma_start3A, %dma_start3A_72] : memref<64x40x128xi32, #tpu.memory_space<hbm>> -> memref<2x40x128xi32, #tpu.memory_space<hbm>>
      %dma_start3A_74 = arith.constant 0 : i32
      %dma_start3A_75 = arith.constant 0 : i32
      %dma_start3A_76 = tpu.memref_slice %arg4[%mul3A_17, %dma_start3A_74, %dma_start3A_75] : memref<64x40x128xi32, #tpu.memory_space<hbm>> -> memref<2x40x128xi32, #tpu.memory_space<hbm>>
      tpu.enqueue_dma source(%dma_start3A_76 : memref<2x40x128xi32, #tpu.memory_space<hbm>>) target(%arg7 : memref<2x40x128xi32, #tpu.memory_space<vmem>>) target_semaphore(%run_scoped3A : memref<!tpu.dma_semaphore, #tpu.memory_space<semaphore_mem>>)
      %dma_wait3A = arith.constant 0 : i32
      %dma_wait3A_77 = arith.constant 0 : i32
      %dma_wait3A_78 = tpu.memref_slice %arg4[%mul3A_17, %dma_wait3A, %dma_wait3A_77] : memref<64x40x128xi32, #tpu.memory_space<hbm>> -> memref<2x40x128xi32, #tpu.memory_space<hbm>>
      %dma_wait3A_79 = arith.constant 0 : i32
      %dma_wait3A_80 = arith.constant 0 : i32
      %dma_wait3A_81 = tpu.memref_slice %arg4[%mul3A_17, %dma_wait3A_79, %dma_wait3A_80] : memref<64x40x128xi32, #tpu.memory_space<hbm>> -> memref<2x40x128xi32, #tpu.memory_space<hbm>>
      tpu.wait_dma2 semaphore(%run_scoped3A : memref<!tpu.dma_semaphore, #tpu.memory_space<semaphore_mem>>) src(%dma_wait3A_81 : memref<2x40x128xi32, #tpu.memory_space<hbm>>) dst(%arg7 : memref<2x40x128xi32, #tpu.memory_space<vmem>>)
      tpu.yield
    }) : () -> ()
    %barrier3A = arith.constant 0 : index
    tpu.barrier barrier_id(%barrier3A)
    %scan3A_18 = arith.constant 0 : i32
    %scan3A_19 = arith.constant 0 : i32
    %scan3A_20 = arith.constant 40 : i32
    %scan3A_21 = arith.addi %scan3A_19, %scan3A_20 : i32
    %scan3A_22 = arith.constant 1 : i32
    scf.for %scan3A_72 = %scan3A_19 to %scan3A_21 step %scan3A_22  : i32 {
      %dma_start3A = arith.constant 0 : i32
      %dma_start3A_73 = arith.constant 0 : i32
      %dma_start3A_74 = arith.constant 0 : i32
      %dma_start3A_75 = arith.constant 0 : i32
      %dma_start3A_76 = arith.constant 0 : i32
      %dma_start3A_77 = tpu.memref_slice %arg8[%dma_start3A_73, %dma_start3A_75, %dma_start3A_76] : memref<2x40x128xf32, #tpu.memory_space<vmem>> -> memref<1x40x128xf32, #tpu.memory_space<vmem>>
      %dma_start3A_78 = tpu.memref_squeeze %dma_start3A_77 : memref<1x40x128xf32, #tpu.memory_space<vmem>> -> memref<40x128xf32, #tpu.memory_space<vmem>>
      %dma_start3A_79 = arith.constant 0 : i32
      %dma_start3A_80 = tpu.memref_slice %dma_start3A_78[%scan3A_72, %dma_start3A_79] : memref<40x128xf32, #tpu.memory_space<vmem>> -> memref<1x128xf32, #tpu.memory_space<vmem>>
      %dma_start3A_81 = tpu.memref_squeeze %dma_start3A_80 : memref<1x128xf32, #tpu.memory_space<vmem>> -> memref<128xf32, #tpu.memory_space<vmem>>
      %dma_start3A_82 = arith.constant 0 : i32
      %dma_start3A_83 = arith.constant 0 : i32
      %dma_start3A_84 = tpu.memref_slice %arg6[%dma_start3A, %dma_start3A_82, %dma_start3A_83] : memref<2x40x128xi32, #tpu.memory_space<vmem>> -> memref<1x40x128xi32, #tpu.memory_space<vmem>>
      %dma_start3A_85 = tpu.memref_squeeze %dma_start3A_84 : memref<1x40x128xi32, #tpu.memory_space<vmem>> -> memref<40x128xi32, #tpu.memory_space<vmem>>
      %dma_start3A_86 = arith.constant 0 : i32
      %dma_start3A_87 = tpu.memref_slice %dma_start3A_85[%scan3A_72, %dma_start3A_86] : memref<40x128xi32, #tpu.memory_space<vmem>> -> memref<1x128xi32, #tpu.memory_space<vmem>>
      %dma_start3A_88 = tpu.memref_squeeze %dma_start3A_87 : memref<1x128xi32, #tpu.memory_space<vmem>> -> memref<128xi32, #tpu.memory_space<vmem>>
      %dma_start3A_89 = arith.constant 0 : i32
      %dma_start3A_90 = tpu.memref_slice %arg11[%dma_start3A_89] : memref<10240xf32, #tpu.memory_space<vmem_shared>> -> memref<10240xf32, #tpu.memory_space<vmem_shared>>
      %dma_start3A_91 = tpu.memref_slice %arg12[%dma_start3A_74] : memref<2x!tpu.dma_semaphore, #tpu.memory_space<semaphore_mem>> -> memref<1x!tpu.dma_semaphore, #tpu.memory_space<semaphore_mem>>
      %dma_start3A_92 = tpu.memref_squeeze %dma_start3A_91 : memref<1x!tpu.dma_semaphore, #tpu.memory_space<semaphore_mem>> -> memref<!tpu.dma_semaphore, #tpu.memory_space<semaphore_mem>>
      tpu.enqueue_indirect_dma source(%dma_start3A_90 : memref<10240xf32, #tpu.memory_space<vmem_shared>>) target(%dma_start3A_81 : memref<128xf32, #tpu.memory_space<vmem>>) offsets(%dma_start3A_88 : memref<128xi32, #tpu.memory_space<vmem>>) semaphore(%dma_start3A_92 : memref<!tpu.dma_semaphore, #tpu.memory_space<semaphore_mem>>)
    }
    %scan3A_23 = arith.constant 40 : i32
    %scan3A_24 = arith.constant 0 : i32
    %scan3A_25 = arith.constant 0 : i32
    %scan3A_26 = arith.constant 40 : i32
    %scan3A_27 = arith.addi %scan3A_25, %scan3A_26 : i32
    %scan3A_28 = arith.constant 1 : i32
    scf.for %scan3A_72 = %scan3A_25 to %scan3A_27 step %scan3A_28  : i32 {
      %dma_start3A = arith.constant 1 : i32
      %dma_start3A_73 = arith.constant 1 : i32
      %dma_start3A_74 = arith.constant 0 : i32
      %dma_start3A_75 = arith.constant 0 : i32
      %dma_start3A_76 = arith.constant 0 : i32
      %dma_start3A_77 = tpu.memref_slice %arg8[%dma_start3A_73, %dma_start3A_75, %dma_start3A_76] : memref<2x40x128xf32, #tpu.memory_space<vmem>> -> memref<1x40x128xf32, #tpu.memory_space<vmem>>
      %dma_start3A_78 = tpu.memref_squeeze %dma_start3A_77 : memref<1x40x128xf32, #tpu.memory_space<vmem>> -> memref<40x128xf32, #tpu.memory_space<vmem>>
      %dma_start3A_79 = arith.constant 0 : i32
      %dma_start3A_80 = tpu.memref_slice %dma_start3A_78[%scan3A_72, %dma_start3A_79] : memref<40x128xf32, #tpu.memory_space<vmem>> -> memref<1x128xf32, #tpu.memory_space<vmem>>
      %dma_start3A_81 = tpu.memref_squeeze %dma_start3A_80 : memref<1x128xf32, #tpu.memory_space<vmem>> -> memref<128xf32, #tpu.memory_space<vmem>>
      %dma_start3A_82 = arith.constant 0 : i32
      %dma_start3A_83 = arith.constant 0 : i32
      %dma_start3A_84 = tpu.memref_slice %arg6[%dma_start3A, %dma_start3A_82, %dma_start3A_83] : memref<2x40x128xi32, #tpu.memory_space<vmem>> -> memref<1x40x128xi32, #tpu.memory_space<vmem>>
      %dma_start3A_85 = tpu.memref_squeeze %dma_start3A_84 : memref<1x40x128xi32, #tpu.memory_space<vmem>> -> memref<40x128xi32, #tpu.memory_space<vmem>>
      %dma_start3A_86 = arith.constant 0 : i32
      %dma_start3A_87 = tpu.memref_slice %dma_start3A_85[%scan3A_72, %dma_start3A_86] : memref<40x128xi32, #tpu.memory_space<vmem>> -> memref<1x128xi32, #tpu.memory_space<vmem>>
      %dma_start3A_88 = tpu.memref_squeeze %dma_start3A_87 : memref<1x128xi32, #tpu.memory_space<vmem>> -> memref<128xi32, #tpu.memory_space<vmem>>
      %dma_start3A_89 = arith.constant 0 : i32
      %dma_start3A_90 = tpu.memref_slice %arg11[%dma_start3A_89] : memref<10240xf32, #tpu.memory_space<vmem_shared>> -> memref<10240xf32, #tpu.memory_space<vmem_shared>>
      %dma_start3A_91 = tpu.memref_slice %arg12[%dma_start3A_74] : memref<2x!tpu.dma_semaphore, #tpu.memory_space<semaphore_mem>> -> memref<1x!tpu.dma_semaphore, #tpu.memory_space<semaphore_mem>>
      %dma_start3A_92 = tpu.memref_squeeze %dma_start3A_91 : memref<1x!tpu.dma_semaphore, #tpu.memory_space<semaphore_mem>> -> memref<!tpu.dma_semaphore, #tpu.memory_space<semaphore_mem>>
      tpu.enqueue_indirect_dma source(%dma_start3A_90 : memref<10240xf32, #tpu.memory_space<vmem_shared>>) target(%dma_start3A_81 : memref<128xf32, #tpu.memory_space<vmem>>) offsets(%dma_start3A_88 : memref<128xi32, #tpu.memory_space<vmem>>) semaphore(%dma_start3A_92 : memref<!tpu.dma_semaphore, #tpu.memory_space<semaphore_mem>>)
    }
    %scan3A_29 = arith.constant 40 : i32
    %scan3A_30 = arith.constant 0 : i32
    %scan3A_31 = arith.constant 0 : i32
    %scan3A_32 = arith.constant 40 : i32
    %scan3A_33 = arith.addi %scan3A_31, %scan3A_32 : i32
    %scan3A_34 = arith.constant 1 : i32
    scf.for %scan3A_72 = %scan3A_31 to %scan3A_33 step %scan3A_34  : i32 {
      %dma_wait3A = arith.constant 0 : i32
      %dma_wait3A_73 = arith.constant 0 : i32
      %dma_wait3A_74 = arith.constant 0 : i32
      %dma_wait3A_75 = arith.constant 0 : i32
      %dma_wait3A_76 = arith.constant 0 : i32
      %dma_wait3A_77 = tpu.memref_slice %arg8[%dma_wait3A_73, %dma_wait3A_75, %dma_wait3A_76] : memref<2x40x128xf32, #tpu.memory_space<vmem>> -> memref<1x40x128xf32, #tpu.memory_space<vmem>>
      %dma_wait3A_78 = tpu.memref_squeeze %dma_wait3A_77 : memref<1x40x128xf32, #tpu.memory_space<vmem>> -> memref<40x128xf32, #tpu.memory_space<vmem>>
      %dma_wait3A_79 = arith.constant 0 : i32
      %dma_wait3A_80 = tpu.memref_slice %dma_wait3A_78[%scan3A_72, %dma_wait3A_79] : memref<40x128xf32, #tpu.memory_space<vmem>> -> memref<1x128xf32, #tpu.memory_space<vmem>>
      %dma_wait3A_81 = tpu.memref_squeeze %dma_wait3A_80 : memref<1x128xf32, #tpu.memory_space<vmem>> -> memref<128xf32, #tpu.memory_space<vmem>>
      %dma_wait3A_82 = arith.constant 0 : i32
      %dma_wait3A_83 = arith.constant 0 : i32
      %dma_wait3A_84 = tpu.memref_slice %arg6[%dma_wait3A, %dma_wait3A_82, %dma_wait3A_83] : memref<2x40x128xi32, #tpu.memory_space<vmem>> -> memref<1x40x128xi32, #tpu.memory_space<vmem>>
      %dma_wait3A_85 = tpu.memref_squeeze %dma_wait3A_84 : memref<1x40x128xi32, #tpu.memory_space<vmem>> -> memref<40x128xi32, #tpu.memory_space<vmem>>
      %dma_wait3A_86 = arith.constant 0 : i32
      %dma_wait3A_87 = tpu.memref_slice %dma_wait3A_85[%scan3A_72, %dma_wait3A_86] : memref<40x128xi32, #tpu.memory_space<vmem>> -> memref<1x128xi32, #tpu.memory_space<vmem>>
      %dma_wait3A_88 = tpu.memref_squeeze %dma_wait3A_87 : memref<1x128xi32, #tpu.memory_space<vmem>> -> memref<128xi32, #tpu.memory_space<vmem>>
      %dma_wait3A_89 = arith.constant 0 : i32
      %dma_wait3A_90 = tpu.memref_slice %arg11[%dma_wait3A_89] : memref<10240xf32, #tpu.memory_space<vmem_shared>> -> memref<10240xf32, #tpu.memory_space<vmem_shared>>
      %dma_wait3A_91 = tpu.memref_slice %arg12[%dma_wait3A_74] : memref<2x!tpu.dma_semaphore, #tpu.memory_space<semaphore_mem>> -> memref<1x!tpu.dma_semaphore, #tpu.memory_space<semaphore_mem>>
      %dma_wait3A_92 = tpu.memref_squeeze %dma_wait3A_91 : memref<1x!tpu.dma_semaphore, #tpu.memory_space<semaphore_mem>> -> memref<!tpu.dma_semaphore, #tpu.memory_space<semaphore_mem>>
      tpu.wait_indirect_dma semaphore(%dma_wait3A_92 : memref<!tpu.dma_semaphore, #tpu.memory_space<semaphore_mem>>) src(%dma_wait3A_90 : memref<10240xf32, #tpu.memory_space<vmem_shared>>) dst(%dma_wait3A_81 : memref<128xf32, #tpu.memory_space<vmem>>)
    }
    %scan3A_35 = arith.constant 40 : i32
    %scan3A_36 = arith.constant 0 : i32
    %scan3A_37 = arith.constant 0 : i32
    %scan3A_38 = arith.constant 40 : i32
    %scan3A_39 = arith.addi %scan3A_37, %scan3A_38 : i32
    %scan3A_40 = arith.constant 1 : i32
    scf.for %scan3A_72 = %scan3A_37 to %scan3A_39 step %scan3A_40  : i32 {
      %dma_wait3A = arith.constant 1 : i32
      %dma_wait3A_73 = arith.constant 1 : i32
      %dma_wait3A_74 = arith.constant 0 : i32
      %dma_wait3A_75 = arith.constant 0 : i32
      %dma_wait3A_76 = arith.constant 0 : i32
      %dma_wait3A_77 = tpu.memref_slice %arg8[%dma_wait3A_73, %dma_wait3A_75, %dma_wait3A_76] : memref<2x40x128xf32, #tpu.memory_space<vmem>> -> memref<1x40x128xf32, #tpu.memory_space<vmem>>
      %dma_wait3A_78 = tpu.memref_squeeze %dma_wait3A_77 : memref<1x40x128xf32, #tpu.memory_space<vmem>> -> memref<40x128xf32, #tpu.memory_space<vmem>>
      %dma_wait3A_79 = arith.constant 0 : i32
      %dma_wait3A_80 = tpu.memref_slice %dma_wait3A_78[%scan3A_72, %dma_wait3A_79] : memref<40x128xf32, #tpu.memory_space<vmem>> -> memref<1x128xf32, #tpu.memory_space<vmem>>
      %dma_wait3A_81 = tpu.memref_squeeze %dma_wait3A_80 : memref<1x128xf32, #tpu.memory_space<vmem>> -> memref<128xf32, #tpu.memory_space<vmem>>
      %dma_wait3A_82 = arith.constant 0 : i32
      %dma_wait3A_83 = arith.constant 0 : i32
      %dma_wait3A_84 = tpu.memref_slice %arg6[%dma_wait3A, %dma_wait3A_82, %dma_wait3A_83] : memref<2x40x128xi32, #tpu.memory_space<vmem>> -> memref<1x40x128xi32, #tpu.memory_space<vmem>>
      %dma_wait3A_85 = tpu.memref_squeeze %dma_wait3A_84 : memref<1x40x128xi32, #tpu.memory_space<vmem>> -> memref<40x128xi32, #tpu.memory_space<vmem>>
      %dma_wait3A_86 = arith.constant 0 : i32
      %dma_wait3A_87 = tpu.memref_slice %dma_wait3A_85[%scan3A_72, %dma_wait3A_86] : memref<40x128xi32, #tpu.memory_space<vmem>> -> memref<1x128xi32, #tpu.memory_space<vmem>>
      %dma_wait3A_88 = tpu.memref_squeeze %dma_wait3A_87 : memref<1x128xi32, #tpu.memory_space<vmem>> -> memref<128xi32, #tpu.memory_space<vmem>>
      %dma_wait3A_89 = arith.constant 0 : i32
      %dma_wait3A_90 = tpu.memref_slice %arg11[%dma_wait3A_89] : memref<10240xf32, #tpu.memory_space<vmem_shared>> -> memref<10240xf32, #tpu.memory_space<vmem_shared>>
      %dma_wait3A_91 = tpu.memref_slice %arg12[%dma_wait3A_74] : memref<2x!tpu.dma_semaphore, #tpu.memory_space<semaphore_mem>> -> memref<1x!tpu.dma_semaphore, #tpu.memory_space<semaphore_mem>>
      %dma_wait3A_92 = tpu.memref_squeeze %dma_wait3A_91 : memref<1x!tpu.dma_semaphore, #tpu.memory_space<semaphore_mem>> -> memref<!tpu.dma_semaphore, #tpu.memory_space<semaphore_mem>>
      tpu.wait_indirect_dma semaphore(%dma_wait3A_92 : memref<!tpu.dma_semaphore, #tpu.memory_space<semaphore_mem>>) src(%dma_wait3A_90 : memref<10240xf32, #tpu.memory_space<vmem_shared>>) dst(%dma_wait3A_81 : memref<128xf32, #tpu.memory_space<vmem>>)
    }
    %scan3A_41 = arith.constant 40 : i32
    %scan3A_42 = arith.constant 0 : i32
    %scan3A_43 = arith.constant 0 : i32
    %scan3A_44 = arith.constant 40 : i32
    %scan3A_45 = arith.addi %scan3A_43, %scan3A_44 : i32
    %scan3A_46 = arith.constant 1 : i32
    scf.for %scan3A_72 = %scan3A_43 to %scan3A_45 step %scan3A_46  : i32 {
      %dma_start3A = arith.constant 0 : i32
      %dma_start3A_73 = arith.constant 0 : i32
      %dma_start3A_74 = arith.constant 1 : i32
      %dma_start3A_75 = arith.constant 0 : i32
      %dma_start3A_76 = arith.constant 0 : i32
      %dma_start3A_77 = tpu.memref_slice %arg8[%dma_start3A, %dma_start3A_75, %dma_start3A_76] : memref<2x40x128xf32, #tpu.memory_space<vmem>> -> memref<1x40x128xf32, #tpu.memory_space<vmem>>
      %dma_start3A_78 = tpu.memref_squeeze %dma_start3A_77 : memref<1x40x128xf32, #tpu.memory_space<vmem>> -> memref<40x128xf32, #tpu.memory_space<vmem>>
      %dma_start3A_79 = arith.constant 0 : i32
      %dma_start3A_80 = tpu.memref_slice %dma_start3A_78[%scan3A_72, %dma_start3A_79] : memref<40x128xf32, #tpu.memory_space<vmem>> -> memref<1x128xf32, #tpu.memory_space<vmem>>
      %dma_start3A_81 = tpu.memref_squeeze %dma_start3A_80 : memref<1x128xf32, #tpu.memory_space<vmem>> -> memref<128xf32, #tpu.memory_space<vmem>>
      %dma_start3A_82 = arith.constant 0 : i32
      %dma_start3A_83 = arith.constant 0 : i32
      %dma_start3A_84 = tpu.memref_slice %arg7[%dma_start3A_73, %dma_start3A_82, %dma_start3A_83] : memref<2x40x128xi32, #tpu.memory_space<vmem>> -> memref<1x40x128xi32, #tpu.memory_space<vmem>>
      %dma_start3A_85 = tpu.memref_squeeze %dma_start3A_84 : memref<1x40x128xi32, #tpu.memory_space<vmem>> -> memref<40x128xi32, #tpu.memory_space<vmem>>
      %dma_start3A_86 = arith.constant 0 : i32
      %dma_start3A_87 = tpu.memref_slice %dma_start3A_85[%scan3A_72, %dma_start3A_86] : memref<40x128xi32, #tpu.memory_space<vmem>> -> memref<1x128xi32, #tpu.memory_space<vmem>>
      %dma_start3A_88 = tpu.memref_squeeze %dma_start3A_87 : memref<1x128xi32, #tpu.memory_space<vmem>> -> memref<128xi32, #tpu.memory_space<vmem>>
      %dma_start3A_89 = arith.constant 0 : i32
      %dma_start3A_90 = tpu.memref_slice %arg10[%dma_start3A_89] : memref<10240xf32, #tpu.memory_space<vmem_shared>> -> memref<10240xf32, #tpu.memory_space<vmem_shared>>
      %dma_start3A_91 = tpu.memref_slice %arg12[%dma_start3A_74] : memref<2x!tpu.dma_semaphore, #tpu.memory_space<semaphore_mem>> -> memref<1x!tpu.dma_semaphore, #tpu.memory_space<semaphore_mem>>
      %dma_start3A_92 = tpu.memref_squeeze %dma_start3A_91 : memref<1x!tpu.dma_semaphore, #tpu.memory_space<semaphore_mem>> -> memref<!tpu.dma_semaphore, #tpu.memory_space<semaphore_mem>>
      tpu.enqueue_indirect_dma source(%dma_start3A_81 : memref<128xf32, #tpu.memory_space<vmem>>) target(%dma_start3A_90 : memref<10240xf32, #tpu.memory_space<vmem_shared>>) offsets(%dma_start3A_88 : memref<128xi32, #tpu.memory_space<vmem>>) semaphore(%dma_start3A_92 : memref<!tpu.dma_semaphore, #tpu.memory_space<semaphore_mem>>) {add = true}
    }
    %scan3A_47 = arith.constant 40 : i32
    %scan3A_48 = arith.constant 0 : i32
    %scan3A_49 = arith.constant 0 : i32
    %scan3A_50 = arith.constant 40 : i32
    %scan3A_51 = arith.addi %scan3A_49, %scan3A_50 : i32
    %scan3A_52 = arith.constant 1 : i32
    scf.for %scan3A_72 = %scan3A_49 to %scan3A_51 step %scan3A_52  : i32 {
      %dma_start3A = arith.constant 1 : i32
      %dma_start3A_73 = arith.constant 1 : i32
      %dma_start3A_74 = arith.constant 1 : i32
      %dma_start3A_75 = arith.constant 0 : i32
      %dma_start3A_76 = arith.constant 0 : i32
      %dma_start3A_77 = tpu.memref_slice %arg8[%dma_start3A, %dma_start3A_75, %dma_start3A_76] : memref<2x40x128xf32, #tpu.memory_space<vmem>> -> memref<1x40x128xf32, #tpu.memory_space<vmem>>
      %dma_start3A_78 = tpu.memref_squeeze %dma_start3A_77 : memref<1x40x128xf32, #tpu.memory_space<vmem>> -> memref<40x128xf32, #tpu.memory_space<vmem>>
      %dma_start3A_79 = arith.constant 0 : i32
      %dma_start3A_80 = tpu.memref_slice %dma_start3A_78[%scan3A_72, %dma_start3A_79] : memref<40x128xf32, #tpu.memory_space<vmem>> -> memref<1x128xf32, #tpu.memory_space<vmem>>
      %dma_start3A_81 = tpu.memref_squeeze %dma_start3A_80 : memref<1x128xf32, #tpu.memory_space<vmem>> -> memref<128xf32, #tpu.memory_space<vmem>>
      %dma_start3A_82 = arith.constant 0 : i32
      %dma_start3A_83 = arith.constant 0 : i32
      %dma_start3A_84 = tpu.memref_slice %arg7[%dma_start3A_73, %dma_start3A_82, %dma_start3A_83] : memref<2x40x128xi32, #tpu.memory_space<vmem>> -> memref<1x40x128xi32, #tpu.memory_space<vmem>>
      %dma_start3A_85 = tpu.memref_squeeze %dma_start3A_84 : memref<1x40x128xi32, #tpu.memory_space<vmem>> -> memref<40x128xi32, #tpu.memory_space<vmem>>
      %dma_start3A_86 = arith.constant 0 : i32
      %dma_start3A_87 = tpu.memref_slice %dma_start3A_85[%scan3A_72, %dma_start3A_86] : memref<40x128xi32, #tpu.memory_space<vmem>> -> memref<1x128xi32, #tpu.memory_space<vmem>>
      %dma_start3A_88 = tpu.memref_squeeze %dma_start3A_87 : memref<1x128xi32, #tpu.memory_space<vmem>> -> memref<128xi32, #tpu.memory_space<vmem>>
      %dma_start3A_89 = arith.constant 0 : i32
      %dma_start3A_90 = tpu.memref_slice %arg10[%dma_start3A_89] : memref<10240xf32, #tpu.memory_space<vmem_shared>> -> memref<10240xf32, #tpu.memory_space<vmem_shared>>
      %dma_start3A_91 = tpu.memref_slice %arg12[%dma_start3A_74] : memref<2x!tpu.dma_semaphore, #tpu.memory_space<semaphore_mem>> -> memref<1x!tpu.dma_semaphore, #tpu.memory_space<semaphore_mem>>
      %dma_start3A_92 = tpu.memref_squeeze %dma_start3A_91 : memref<1x!tpu.dma_semaphore, #tpu.memory_space<semaphore_mem>> -> memref<!tpu.dma_semaphore, #tpu.memory_space<semaphore_mem>>
      tpu.enqueue_indirect_dma source(%dma_start3A_81 : memref<128xf32, #tpu.memory_space<vmem>>) target(%dma_start3A_90 : memref<10240xf32, #tpu.memory_space<vmem_shared>>) offsets(%dma_start3A_88 : memref<128xi32, #tpu.memory_space<vmem>>) semaphore(%dma_start3A_92 : memref<!tpu.dma_semaphore, #tpu.memory_space<semaphore_mem>>) {add = true}
    }
    %scan3A_53 = arith.constant 40 : i32
    %scan3A_54 = arith.constant 0 : i32
    %scan3A_55 = arith.constant 0 : i32
    %scan3A_56 = arith.constant 40 : i32
    %scan3A_57 = arith.addi %scan3A_55, %scan3A_56 : i32
    %scan3A_58 = arith.constant 1 : i32
    scf.for %scan3A_72 = %scan3A_55 to %scan3A_57 step %scan3A_58  : i32 {
      %dma_wait3A = arith.constant 0 : i32
      %dma_wait3A_73 = arith.constant 0 : i32
      %dma_wait3A_74 = arith.constant 1 : i32
      %dma_wait3A_75 = arith.constant 0 : i32
      %dma_wait3A_76 = arith.constant 0 : i32
      %dma_wait3A_77 = tpu.memref_slice %arg8[%dma_wait3A, %dma_wait3A_75, %dma_wait3A_76] : memref<2x40x128xf32, #tpu.memory_space<vmem>> -> memref<1x40x128xf32, #tpu.memory_space<vmem>>
      %dma_wait3A_78 = tpu.memref_squeeze %dma_wait3A_77 : memref<1x40x128xf32, #tpu.memory_space<vmem>> -> memref<40x128xf32, #tpu.memory_space<vmem>>
      %dma_wait3A_79 = arith.constant 0 : i32
      %dma_wait3A_80 = tpu.memref_slice %dma_wait3A_78[%scan3A_72, %dma_wait3A_79] : memref<40x128xf32, #tpu.memory_space<vmem>> -> memref<1x128xf32, #tpu.memory_space<vmem>>
      %dma_wait3A_81 = tpu.memref_squeeze %dma_wait3A_80 : memref<1x128xf32, #tpu.memory_space<vmem>> -> memref<128xf32, #tpu.memory_space<vmem>>
      %dma_wait3A_82 = arith.constant 0 : i32
      %dma_wait3A_83 = arith.constant 0 : i32
      %dma_wait3A_84 = tpu.memref_slice %arg7[%dma_wait3A_73, %dma_wait3A_82, %dma_wait3A_83] : memref<2x40x128xi32, #tpu.memory_space<vmem>> -> memref<1x40x128xi32, #tpu.memory_space<vmem>>
      %dma_wait3A_85 = tpu.memref_squeeze %dma_wait3A_84 : memref<1x40x128xi32, #tpu.memory_space<vmem>> -> memref<40x128xi32, #tpu.memory_space<vmem>>
      %dma_wait3A_86 = arith.constant 0 : i32
      %dma_wait3A_87 = tpu.memref_slice %dma_wait3A_85[%scan3A_72, %dma_wait3A_86] : memref<40x128xi32, #tpu.memory_space<vmem>> -> memref<1x128xi32, #tpu.memory_space<vmem>>
      %dma_wait3A_88 = tpu.memref_squeeze %dma_wait3A_87 : memref<1x128xi32, #tpu.memory_space<vmem>> -> memref<128xi32, #tpu.memory_space<vmem>>
      %dma_wait3A_89 = arith.constant 0 : i32
      %dma_wait3A_90 = tpu.memref_slice %arg10[%dma_wait3A_89] : memref<10240xf32, #tpu.memory_space<vmem_shared>> -> memref<10240xf32, #tpu.memory_space<vmem_shared>>
      %dma_wait3A_91 = tpu.memref_slice %arg12[%dma_wait3A_74] : memref<2x!tpu.dma_semaphore, #tpu.memory_space<semaphore_mem>> -> memref<1x!tpu.dma_semaphore, #tpu.memory_space<semaphore_mem>>
      %dma_wait3A_92 = tpu.memref_squeeze %dma_wait3A_91 : memref<1x!tpu.dma_semaphore, #tpu.memory_space<semaphore_mem>> -> memref<!tpu.dma_semaphore, #tpu.memory_space<semaphore_mem>>
      tpu.wait_indirect_dma semaphore(%dma_wait3A_92 : memref<!tpu.dma_semaphore, #tpu.memory_space<semaphore_mem>>) src(%dma_wait3A_81 : memref<128xf32, #tpu.memory_space<vmem>>) dst(%dma_wait3A_90 : memref<10240xf32, #tpu.memory_space<vmem_shared>>)
    }
    %scan3A_59 = arith.constant 40 : i32
    %scan3A_60 = arith.constant 0 : i32
    %scan3A_61 = arith.constant 0 : i32
    %scan3A_62 = arith.constant 40 : i32
    %scan3A_63 = arith.addi %scan3A_61, %scan3A_62 : i32
    %scan3A_64 = arith.constant 1 : i32
    scf.for %scan3A_72 = %scan3A_61 to %scan3A_63 step %scan3A_64  : i32 {
      %dma_wait3A = arith.constant 1 : i32
      %dma_wait3A_73 = arith.constant 1 : i32
      %dma_wait3A_74 = arith.constant 1 : i32
      %dma_wait3A_75 = arith.constant 0 : i32
      %dma_wait3A_76 = arith.constant 0 : i32
      %dma_wait3A_77 = tpu.memref_slice %arg8[%dma_wait3A, %dma_wait3A_75, %dma_wait3A_76] : memref<2x40x128xf32, #tpu.memory_space<vmem>> -> memref<1x40x128xf32, #tpu.memory_space<vmem>>
      %dma_wait3A_78 = tpu.memref_squeeze %dma_wait3A_77 : memref<1x40x128xf32, #tpu.memory_space<vmem>> -> memref<40x128xf32, #tpu.memory_space<vmem>>
      %dma_wait3A_79 = arith.constant 0 : i32
      %dma_wait3A_80 = tpu.memref_slice %dma_wait3A_78[%scan3A_72, %dma_wait3A_79] : memref<40x128xf32, #tpu.memory_space<vmem>> -> memref<1x128xf32, #tpu.memory_space<vmem>>
      %dma_wait3A_81 = tpu.memref_squeeze %dma_wait3A_80 : memref<1x128xf32, #tpu.memory_space<vmem>> -> memref<128xf32, #tpu.memory_space<vmem>>
      %dma_wait3A_82 = arith.constant 0 : i32
      %dma_wait3A_83 = arith.constant 0 : i32
      %dma_wait3A_84 = tpu.memref_slice %arg7[%dma_wait3A_73, %dma_wait3A_82, %dma_wait3A_83] : memref<2x40x128xi32, #tpu.memory_space<vmem>> -> memref<1x40x128xi32, #tpu.memory_space<vmem>>
      %dma_wait3A_85 = tpu.memref_squeeze %dma_wait3A_84 : memref<1x40x128xi32, #tpu.memory_space<vmem>> -> memref<40x128xi32, #tpu.memory_space<vmem>>
      %dma_wait3A_86 = arith.constant 0 : i32
      %dma_wait3A_87 = tpu.memref_slice %dma_wait3A_85[%scan3A_72, %dma_wait3A_86] : memref<40x128xi32, #tpu.memory_space<vmem>> -> memref<1x128xi32, #tpu.memory_space<vmem>>
      %dma_wait3A_88 = tpu.memref_squeeze %dma_wait3A_87 : memref<1x128xi32, #tpu.memory_space<vmem>> -> memref<128xi32, #tpu.memory_space<vmem>>
      %dma_wait3A_89 = arith.constant 0 : i32
      %dma_wait3A_90 = tpu.memref_slice %arg10[%dma_wait3A_89] : memref<10240xf32, #tpu.memory_space<vmem_shared>> -> memref<10240xf32, #tpu.memory_space<vmem_shared>>
      %dma_wait3A_91 = tpu.memref_slice %arg12[%dma_wait3A_74] : memref<2x!tpu.dma_semaphore, #tpu.memory_space<semaphore_mem>> -> memref<1x!tpu.dma_semaphore, #tpu.memory_space<semaphore_mem>>
      %dma_wait3A_92 = tpu.memref_squeeze %dma_wait3A_91 : memref<1x!tpu.dma_semaphore, #tpu.memory_space<semaphore_mem>> -> memref<!tpu.dma_semaphore, #tpu.memory_space<semaphore_mem>>
      tpu.wait_indirect_dma semaphore(%dma_wait3A_92 : memref<!tpu.dma_semaphore, #tpu.memory_space<semaphore_mem>>) src(%dma_wait3A_81 : memref<128xf32, #tpu.memory_space<vmem>>) dst(%dma_wait3A_90 : memref<10240xf32, #tpu.memory_space<vmem_shared>>)
    }
    %scan3A_65 = arith.constant 40 : i32
    %barrier3A_66 = arith.constant 0 : index
    tpu.barrier barrier_id(%barrier3A_66)
    %eq3A_67 = arith.constant 0 : i32
    %eq3A_68 = arith.cmpi eq, %arg1, %eq3A_67 : i32
    %convert_element_type3A_69 = arith.extui %eq3A_68 : i1 to i32
    %cond3A_70 = arith.constant 0 : i32
    %cond3A_71 = arith.cmpi ne, %convert_element_type3A_69, %cond3A_70 : i32
    scf.if %cond3A_71 {
      "tpu.region"() ({
        %run_scoped3A = tpu.sem_alloc : memref<!tpu.dma_semaphore, #tpu.memory_space<semaphore_mem>>
        tpu.enqueue_dma source(%arg10 : memref<10240xf32, #tpu.memory_space<vmem_shared>>) target(%arg9 : memref<10240xf32, #tpu.memory_space<vmem>>) target_semaphore(%run_scoped3A : memref<!tpu.dma_semaphore, #tpu.memory_space<semaphore_mem>>)
        tpu.wait_dma2 semaphore(%run_scoped3A : memref<!tpu.dma_semaphore, #tpu.memory_space<semaphore_mem>>) src(%arg10 : memref<10240xf32, #tpu.memory_space<vmem_shared>>) dst(%arg9 : memref<10240xf32, #tpu.memory_space<vmem>>)
        tpu.yield
      }) : () -> ()
      "tpu.region"() ({
        %run_scoped3A = tpu.sem_alloc : memref<!tpu.dma_semaphore, #tpu.memory_space<semaphore_mem>>
        %dma_start3A = arith.constant 0 : i32
        %dma_start3A_72 = tpu.memref_slice %arg5[%arg0, %dma_start3A] : memref<2x10240xf32, #tpu.memory_space<hbm>> -> memref<1x10240xf32, #tpu.memory_space<hbm>>
        %dma_start3A_73 = tpu.memref_squeeze %dma_start3A_72 : memref<1x10240xf32, #tpu.memory_space<hbm>> -> memref<10240xf32, #tpu.memory_space<hbm>>
        %dma_start3A_74 = arith.constant 0 : i32
        %dma_start3A_75 = tpu.memref_slice %arg5[%arg0, %dma_start3A_74] : memref<2x10240xf32, #tpu.memory_space<hbm>> -> memref<1x10240xf32, #tpu.memory_space<hbm>>
        %dma_start3A_76 = tpu.memref_squeeze %dma_start3A_75 : memref<1x10240xf32, #tpu.memory_space<hbm>> -> memref<10240xf32, #tpu.memory_space<hbm>>
        tpu.enqueue_dma source(%arg9 : memref<10240xf32, #tpu.memory_space<vmem>>) target(%dma_start3A_76 : memref<10240xf32, #tpu.memory_space<hbm>>) target_semaphore(%run_scoped3A : memref<!tpu.dma_semaphore, #tpu.memory_space<semaphore_mem>>)
        %dma_wait3A = arith.constant 0 : i32
        %dma_wait3A_77 = tpu.memref_slice %arg5[%arg0, %dma_wait3A] : memref<2x10240xf32, #tpu.memory_space<hbm>> -> memref<1x10240xf32, #tpu.memory_space<hbm>>
        %dma_wait3A_78 = tpu.memref_squeeze %dma_wait3A_77 : memref<1x10240xf32, #tpu.memory_space<hbm>> -> memref<10240xf32, #tpu.memory_space<hbm>>
        %dma_wait3A_79 = arith.constant 0 : i32
        %dma_wait3A_80 = tpu.memref_slice %arg5[%arg0, %dma_wait3A_79] : memref<2x10240xf32, #tpu.memory_space<hbm>> -> memref<1x10240xf32, #tpu.memory_space<hbm>>
        %dma_wait3A_81 = tpu.memref_squeeze %dma_wait3A_80 : memref<1x10240xf32, #tpu.memory_space<hbm>> -> memref<10240xf32, #tpu.memory_space<hbm>>
        tpu.wait_dma2 semaphore(%run_scoped3A : memref<!tpu.dma_semaphore, #tpu.memory_space<semaphore_mem>>) src(%arg9 : memref<10240xf32, #tpu.memory_space<vmem>>) dst(%dma_wait3A_81 : memref<10240xf32, #tpu.memory_space<hbm>>)
        tpu.yield
      }) : () -> ()
    } else {
    }
    return
  }
}

#map = affine_map<(d0, d1) -> (0, 0)>
#map1 = affine_map<(d0, d1) -> (0, 0, 0)>
module attributes {stable_mosaic.version = 14 : i64} {
  func.func @_k1_body(%arg0: i32, %arg1: i32, %arg2: memref<10000x128xf32, #tpu.memory_space<hbm>>, %arg3: memref<64x40x128xi32, #tpu.memory_space<hbm>>, %arg4: memref<64x40x128xi32, #tpu.memory_space<hbm>>, %arg5: memref<2x10240x64xf32, #tpu.memory_space<hbm>>, %arg6: memref<40x128xi32, #tpu.memory_space<vmem>>, %arg7: memref<40x128xi32, #tpu.memory_space<vmem>>, %arg8: memref<4x128x64xf32, #tpu.memory_space<vmem>>, %arg9: memref<10240x64xf32, #tpu.memory_space<vmem_shared>>, %arg10: memref<10240x64xf32, #tpu.memory_space<vmem_shared>>, %arg11: memref<4x!tpu.dma_semaphore, #tpu.memory_space<semaphore_mem>>, %arg12: memref<4x!tpu.dma_semaphore, #tpu.memory_space<semaphore_mem>>) attributes {dimension_semantics = [#tpu.dimension_semantics<core_parallel>, #tpu.dimension_semantics<subcore_parallel>], iteration_bounds = array<i64: 2, 16>, scalar_prefetch = 0 : i64, scratch_operands = 7 : i64, tpu.core_type = #tpu.core_type<sc_vector_subcore>, window_params = [{transform_indices = #map}, {transform_indices = #map1}, {transform_indices = #map1}, {transform_indices = #map1}]} {
    %mul3A = arith.constant 640 : i32
    %mul3A_0 = arith.muli %arg1, %mul3A : i32
    %lt3A = arith.constant 15 : i32
    %lt3A_1 = arith.cmpi slt, %arg1, %lt3A : i32
    %convert_element_type3A = arith.extui %lt3A_1 : i1 to i32
    %cond3A = arith.constant 0 : i32
    %cond3A_2 = arith.cmpi ne, %convert_element_type3A, %cond3A : i32
    scf.if %cond3A_2 {
      %mul3A_326 = arith.constant 64 : i32
      %mul3A_327 = arith.muli %arg0, %mul3A_326 : i32
      "tpu.region"() ({
        %run_scoped3A_328 = tpu.sem_alloc : memref<!tpu.dma_semaphore, #tpu.memory_space<semaphore_mem>>
        %dma_start3A_329 = arith.constant 0 : i32
        %dma_start3A_330 = tpu.memref_slice %arg9[%mul3A_0, %dma_start3A_329] : memref<10240x64xf32, #tpu.memory_space<vmem_shared>> -> memref<640x64xf32, #tpu.memory_space<vmem_shared>>
        %dma_start3A_331 = tpu.memref_slice %arg2[%mul3A_0, %mul3A_327] : memref<10000x128xf32, #tpu.memory_space<hbm>> -> memref<640x64xf32, #tpu.memory_space<hbm>>
        tpu.enqueue_dma source(%dma_start3A_331 : memref<640x64xf32, #tpu.memory_space<hbm>>) target(%dma_start3A_330 : memref<640x64xf32, #tpu.memory_space<vmem_shared>>) target_semaphore(%run_scoped3A_328 : memref<!tpu.dma_semaphore, #tpu.memory_space<semaphore_mem>>)
        %dma_wait3A_332 = arith.constant 0 : i32
        %dma_wait3A_333 = tpu.memref_slice %arg9[%mul3A_0, %dma_wait3A_332] : memref<10240x64xf32, #tpu.memory_space<vmem_shared>> -> memref<640x64xf32, #tpu.memory_space<vmem_shared>>
        %dma_wait3A_334 = tpu.memref_slice %arg2[%mul3A_0, %mul3A_327] : memref<10000x128xf32, #tpu.memory_space<hbm>> -> memref<640x64xf32, #tpu.memory_space<hbm>>
        tpu.wait_dma2 semaphore(%run_scoped3A_328 : memref<!tpu.dma_semaphore, #tpu.memory_space<semaphore_mem>>) src(%dma_wait3A_334 : memref<640x64xf32, #tpu.memory_space<hbm>>) dst(%dma_wait3A_333 : memref<640x64xf32, #tpu.memory_space<vmem_shared>>)
        tpu.yield
      }) : () -> ()
    } else {
    }
    %eq3A = arith.constant 15 : i32
    %eq3A_3 = arith.cmpi eq, %arg1, %eq3A : i32
    %convert_element_type3A_4 = arith.extui %eq3A_3 : i1 to i32
    %cond3A_5 = arith.constant 0 : i32
    %cond3A_6 = arith.cmpi ne, %convert_element_type3A_4, %cond3A_5 : i32
    scf.if %cond3A_6 {
      %mul3A_326 = arith.constant 64 : i32
      %mul3A_327 = arith.muli %arg0, %mul3A_326 : i32
      "tpu.region"() ({
        %run_scoped3A_328 = tpu.sem_alloc : memref<!tpu.dma_semaphore, #tpu.memory_space<semaphore_mem>>
        %dma_start3A_329 = arith.constant 0 : i32
        %dma_start3A_330 = tpu.memref_slice %arg9[%mul3A_0, %dma_start3A_329] : memref<10240x64xf32, #tpu.memory_space<vmem_shared>> -> memref<400x64xf32, #tpu.memory_space<vmem_shared>>
        %dma_start3A_331 = tpu.memref_slice %arg2[%mul3A_0, %mul3A_327] : memref<10000x128xf32, #tpu.memory_space<hbm>> -> memref<400x64xf32, #tpu.memory_space<hbm>>
        tpu.enqueue_dma source(%dma_start3A_331 : memref<400x64xf32, #tpu.memory_space<hbm>>) target(%dma_start3A_330 : memref<400x64xf32, #tpu.memory_space<vmem_shared>>) target_semaphore(%run_scoped3A_328 : memref<!tpu.dma_semaphore, #tpu.memory_space<semaphore_mem>>)
        %dma_wait3A_332 = arith.constant 0 : i32
        %dma_wait3A_333 = tpu.memref_slice %arg9[%mul3A_0, %dma_wait3A_332] : memref<10240x64xf32, #tpu.memory_space<vmem_shared>> -> memref<400x64xf32, #tpu.memory_space<vmem_shared>>
        %dma_wait3A_334 = tpu.memref_slice %arg2[%mul3A_0, %mul3A_327] : memref<10000x128xf32, #tpu.memory_space<hbm>> -> memref<400x64xf32, #tpu.memory_space<hbm>>
        tpu.wait_dma2 semaphore(%run_scoped3A_328 : memref<!tpu.dma_semaphore, #tpu.memory_space<semaphore_mem>>) src(%dma_wait3A_334 : memref<400x64xf32, #tpu.memory_space<hbm>>) dst(%dma_wait3A_333 : memref<400x64xf32, #tpu.memory_space<vmem_shared>>)
        tpu.yield
      }) : () -> ()
    } else {
    }
    %scan3A = arith.constant 0 : i32
    %scan3A_7 = arith.constant 0 : i32
    %scan3A_8 = arith.constant 512 : i32
    %scan3A_9 = arith.addi %scan3A_7, %scan3A_8 : i32
    %scan3A_10 = arith.constant 1 : i32
    scf.for %scan3A_326 = %scan3A_7 to %scan3A_9 step %scan3A_10  : i32 {
      %broadcast_in_dim3A = arith.constant 0.000000e+00 : f32
      %broadcast_in_dim3A_327 = vector.broadcast %broadcast_in_dim3A : f32 to vector<16xf32>
      %jit3A = arith.constant 4 : i32
      %div3A = arith.divsi %scan3A_326, %jit3A : i32
      %sign3A = arith.constant 0 : i32
      %sign3A_328 = arith.cmpi sgt, %scan3A_326, %sign3A : i32
      %sign3A_329 = arith.extui %sign3A_328 : i1 to i32
      %sign3A_330 = arith.constant 0 : i32
      %sign3A_331 = arith.cmpi slt, %scan3A_326, %sign3A_330 : i32
      %sign3A_332 = arith.extui %sign3A_331 : i1 to i32
      %sign3A_333 = arith.subi %sign3A_329, %sign3A_332 : i32
      %sign3A_334 = arith.constant 0 : i32
      %sign3A_335 = arith.cmpi sgt, %jit3A, %sign3A_334 : i32
      %sign3A_336 = arith.extui %sign3A_335 : i1 to i32
      %sign3A_337 = arith.constant 0 : i32
      %sign3A_338 = arith.cmpi slt, %jit3A, %sign3A_337 : i32
      %sign3A_339 = arith.extui %sign3A_338 : i1 to i32
      %sign3A_340 = arith.subi %sign3A_336, %sign3A_339 : i32
      %ne3A = arith.cmpi ne, %sign3A_333, %sign3A_340 : i32
      %rem3A = arith.remsi %scan3A_326, %jit3A : i32
      %ne3A_341 = arith.constant 0 : i32
      %ne3A_342 = arith.cmpi ne, %rem3A, %ne3A_341 : i32
      %and3A = arith.andi %ne3A, %ne3A_342 : i1
      %sub3A = arith.constant 1 : i32
      %sub3A_343 = arith.subi %div3A, %sub3A : i32
      %select_n3A = arith.select %and3A, %sub3A_343, %div3A : i32
      %jit3A_344 = arith.constant 4 : i32
      %eq3A_345 = arith.constant 0 : i32
      %eq3A_346 = arith.cmpi eq, %jit3A_344, %eq3A_345 : i32
      %jit3A_347 = arith.constant 1 : i32
      %select_n3A_348 = arith.select %eq3A_346, %jit3A_347, %jit3A_344 : i32
      %rem3A_349 = arith.remsi %scan3A_326, %select_n3A_348 : i32
      %ne3A_350 = arith.constant 0 : i32
      %ne3A_351 = arith.cmpi ne, %rem3A_349, %ne3A_350 : i32
      %lt3A_352 = arith.constant 0 : i32
      %lt3A_353 = arith.cmpi slt, %rem3A_349, %lt3A_352 : i32
      %lt3A_354 = arith.constant 0 : i32
      %lt3A_355 = arith.cmpi slt, %select_n3A_348, %lt3A_354 : i32
      %ne3A_356 = arith.xori %lt3A_353, %lt3A_355 : i1
      %and3A_357 = arith.andi %ne3A_356, %ne3A_351 : i1
      %add3A_358 = arith.addi %rem3A_349, %select_n3A_348 : i32
      %select_n3A_359 = arith.select %and3A_357, %add3A_358, %rem3A_349 : i32
      %mul3A_360 = arith.constant 16 : i32
      %mul3A_361 = arith.muli %select_n3A_359, %mul3A_360 : i32
      %swap3A = arith.constant 0 : i32
      %swap3A_362 = arith.index_cast %swap3A : i32 to index
      %swap3A_363 = arith.index_cast %select_n3A : i32 to index
      %swap3A_364 = arith.index_cast %mul3A_361 : i32 to index
      %swap3A_365 = tpu.vector_load %arg8[%swap3A_362, %swap3A_363, %swap3A_364] {strides = array<i32>} : memref<4x128x64xf32, #tpu.memory_space<vmem>>, vector<1x1x16xf32>,
      %swap3A_366 = vector.shape_cast %swap3A_365 : vector<1x1x16xf32> to vector<16xf32>
      %swap3A_367 = vector.shape_cast %broadcast_in_dim3A_327 : vector<16xf32> to vector<1x1x16xf32>
      tpu.vector_store %arg8[%swap3A_362, %swap3A_363, %swap3A_364], %swap3A_367 {strides = array<i32>} : memref<4x128x64xf32, #tpu.memory_space<vmem>>, vector<1x1x16xf32>,
    }
    %scan3A_11 = arith.constant 512 : i32
    %add3A = arith.constant 0 : i32
    %add3A_12 = arith.addi %mul3A_0, %add3A : i32
    %run_scoped3A = arith.constant 0 : i32
    "tpu.region"() ({
      %run_scoped3A_326 = tpu.sem_alloc : memref<!tpu.dma_semaphore, #tpu.memory_space<semaphore_mem>>
      %dma_start3A_327 = arith.constant 0 : i32
      %dma_start3A_328 = arith.constant 0 : i32
      %dma_start3A_329 = tpu.memref_slice %arg8[%run_scoped3A, %dma_start3A_327, %dma_start3A_328] : memref<4x128x64xf32, #tpu.memory_space<vmem>> -> memref<1x128x64xf32, #tpu.memory_space<vmem>>
      %dma_start3A_330 = tpu.memref_squeeze %dma_start3A_329 : memref<1x128x64xf32, #tpu.memory_space<vmem>> -> memref<128x64xf32, #tpu.memory_space<vmem>>
      %dma_start3A_331 = arith.constant 0 : i32
      %dma_start3A_332 = tpu.memref_slice %arg10[%add3A_12, %dma_start3A_331] : memref<10240x64xf32, #tpu.memory_space<vmem_shared>> -> memref<128x64xf32, #tpu.memory_space<vmem_shared>>
      %dma_start3A_333 = arith.constant 0 : i32
      %dma_start3A_334 = tpu.memref_slice %arg10[%add3A_12, %dma_start3A_333] : memref<10240x64xf32, #tpu.memory_space<vmem_shared>> -> memref<128x64xf32, #tpu.memory_space<vmem_shared>>
      %dma_start3A_335 = arith.constant 0 : i32
      %dma_start3A_336 = arith.constant 0 : i32
      %dma_start3A_337 = tpu.memref_slice %arg8[%run_scoped3A, %dma_start3A_335, %dma_start3A_336] : memref<4x128x64xf32, #tpu.memory_space<vmem>> -> memref<1x128x64xf32, #tpu.memory_space<vmem>>
      %dma_start3A_338 = tpu.memref_squeeze %dma_start3A_337 : memref<1x128x64xf32, #tpu.memory_space<vmem>> -> memref<128x64xf32, #tpu.memory_space<vmem>>
      tpu.enqueue_dma source(%dma_start3A_338 : memref<128x64xf32, #tpu.memory_space<vmem>>) target(%dma_start3A_334 : memref<128x64xf32, #tpu.memory_space<vmem_shared>>) target_semaphore(%run_scoped3A_326 : memref<!tpu.dma_semaphore, #tpu.memory_space<semaphore_mem>>)
      %dma_wait3A_339 = arith.constant 0 : i32
      %dma_wait3A_340 = arith.constant 0 : i32
      %dma_wait3A_341 = tpu.memref_slice %arg8[%run_scoped3A, %dma_wait3A_339, %dma_wait3A_340] : memref<4x128x64xf32, #tpu.memory_space<vmem>> -> memref<1x128x64xf32, #tpu.memory_space<vmem>>
      %dma_wait3A_342 = tpu.memref_squeeze %dma_wait3A_341 : memref<1x128x64xf32, #tpu.memory_space<vmem>> -> memref<128x64xf32, #tpu.memory_space<vmem>>
      %dma_wait3A_343 = arith.constant 0 : i32
      %dma_wait3A_344 = tpu.memref_slice %arg10[%add3A_12, %dma_wait3A_343] : memref<10240x64xf32, #tpu.memory_space<vmem_shared>> -> memref<128x64xf32, #tpu.memory_space<vmem_shared>>
      %dma_wait3A_345 = arith.constant 0 : i32
      %dma_wait3A_346 = tpu.memref_slice %arg10[%add3A_12, %dma_wait3A_345] : memref<10240x64xf32, #tpu.memory_space<vmem_shared>> -> memref<128x64xf32, #tpu.memory_space<vmem_shared>>
      %dma_wait3A_347 = arith.constant 0 : i32
      %dma_wait3A_348 = arith.constant 0 : i32
      %dma_wait3A_349 = tpu.memref_slice %arg8[%run_scoped3A, %dma_wait3A_347, %dma_wait3A_348] : memref<4x128x64xf32, #tpu.memory_space<vmem>> -> memref<1x128x64xf32, #tpu.memory_space<vmem>>
      %dma_wait3A_350 = tpu.memref_squeeze %dma_wait3A_349 : memref<1x128x64xf32, #tpu.memory_space<vmem>> -> memref<128x64xf32, #tpu.memory_space<vmem>>
      tpu.wait_dma2 semaphore(%run_scoped3A_326 : memref<!tpu.dma_semaphore, #tpu.memory_space<semaphore_mem>>) src(%dma_wait3A_350 : memref<128x64xf32, #tpu.memory_space<vmem>>) dst(%dma_wait3A_346 : memref<128x64xf32, #tpu.memory_space<vmem_shared>>)
      tpu.yield
    }) : () -> ()
    %add3A_13 = arith.constant 128 : i32
    %add3A_14 = arith.addi %mul3A_0, %add3A_13 : i32
    %run_scoped3A_15 = arith.constant 0 : i32
    "tpu.region"() ({
      %run_scoped3A_326 = tpu.sem_alloc : memref<!tpu.dma_semaphore, #tpu.memory_space<semaphore_mem>>
      %dma_start3A_327 = arith.constant 0 : i32
      %dma_start3A_328 = arith.constant 0 : i32
      %dma_start3A_329 = tpu.memref_slice %arg8[%run_scoped3A_15, %dma_start3A_327, %dma_start3A_328] : memref<4x128x64xf32, #tpu.memory_space<vmem>> -> memref<1x128x64xf32, #tpu.memory_space<vmem>>
      %dma_start3A_330 = tpu.memref_squeeze %dma_start3A_329 : memref<1x128x64xf32, #tpu.memory_space<vmem>> -> memref<128x64xf32, #tpu.memory_space<vmem>>
      %dma_start3A_331 = arith.constant 0 : i32
      %dma_start3A_332 = tpu.memref_slice %arg10[%add3A_14, %dma_start3A_331] : memref<10240x64xf32, #tpu.memory_space<vmem_shared>> -> memref<128x64xf32, #tpu.memory_space<vmem_shared>>
      %dma_start3A_333 = arith.constant 0 : i32
      %dma_start3A_334 = tpu.memref_slice %arg10[%add3A_14, %dma_start3A_333] : memref<10240x64xf32, #tpu.memory_space<vmem_shared>> -> memref<128x64xf32, #tpu.memory_space<vmem_shared>>
      %dma_start3A_335 = arith.constant 0 : i32
      %dma_start3A_336 = arith.constant 0 : i32
      %dma_start3A_337 = tpu.memref_slice %arg8[%run_scoped3A_15, %dma_start3A_335, %dma_start3A_336] : memref<4x128x64xf32, #tpu.memory_space<vmem>> -> memref<1x128x64xf32, #tpu.memory_space<vmem>>
      %dma_start3A_338 = tpu.memref_squeeze %dma_start3A_337 : memref<1x128x64xf32, #tpu.memory_space<vmem>> -> memref<128x64xf32, #tpu.memory_space<vmem>>
      tpu.enqueue_dma source(%dma_start3A_338 : memref<128x64xf32, #tpu.memory_space<vmem>>) target(%dma_start3A_334 : memref<128x64xf32, #tpu.memory_space<vmem_shared>>) target_semaphore(%run_scoped3A_326 : memref<!tpu.dma_semaphore, #tpu.memory_space<semaphore_mem>>)
      %dma_wait3A_339 = arith.constant 0 : i32
      %dma_wait3A_340 = arith.constant 0 : i32
      %dma_wait3A_341 = tpu.memref_slice %arg8[%run_scoped3A_15, %dma_wait3A_339, %dma_wait3A_340] : memref<4x128x64xf32, #tpu.memory_space<vmem>> -> memref<1x128x64xf32, #tpu.memory_space<vmem>>
      %dma_wait3A_342 = tpu.memref_squeeze %dma_wait3A_341 : memref<1x128x64xf32, #tpu.memory_space<vmem>> -> memref<128x64xf32, #tpu.memory_space<vmem>>
      %dma_wait3A_343 = arith.constant 0 : i32
      %dma_wait3A_344 = tpu.memref_slice %arg10[%add3A_14, %dma_wait3A_343] : memref<10240x64xf32, #tpu.memory_space<vmem_shared>> -> memref<128x64xf32, #tpu.memory_space<vmem_shared>>
      %dma_wait3A_345 = arith.constant 0 : i32
      %dma_wait3A_346 = tpu.memref_slice %arg10[%add3A_14, %dma_wait3A_345] : memref<10240x64xf32, #tpu.memory_space<vmem_shared>> -> memref<128x64xf32, #tpu.memory_space<vmem_shared>>
      %dma_wait3A_347 = arith.constant 0 : i32
      %dma_wait3A_348 = arith.constant 0 : i32
      %dma_wait3A_349 = tpu.memref_slice %arg8[%run_scoped3A_15, %dma_wait3A_347, %dma_wait3A_348] : memref<4x128x64xf32, #tpu.memory_space<vmem>> -> memref<1x128x64xf32, #tpu.memory_space<vmem>>
      %dma_wait3A_350 = tpu.memref_squeeze %dma_wait3A_349 : memref<1x128x64xf32, #tpu.memory_space<vmem>> -> memref<128x64xf32, #tpu.memory_space<vmem>>
      tpu.wait_dma2 semaphore(%run_scoped3A_326 : memref<!tpu.dma_semaphore, #tpu.memory_space<semaphore_mem>>) src(%dma_wait3A_350 : memref<128x64xf32, #tpu.memory_space<vmem>>) dst(%dma_wait3A_346 : memref<128x64xf32, #tpu.memory_space<vmem_shared>>)
      tpu.yield
    }) : () -> ()
    %add3A_16 = arith.constant 256 : i32
    %add3A_17 = arith.addi %mul3A_0, %add3A_16 : i32
    %run_scoped3A_18 = arith.constant 0 : i32
    "tpu.region"() ({
      %run_scoped3A_326 = tpu.sem_alloc : memref<!tpu.dma_semaphore, #tpu.memory_space<semaphore_mem>>
      %dma_start3A_327 = arith.constant 0 : i32
      %dma_start3A_328 = arith.constant 0 : i32
      %dma_start3A_329 = tpu.memref_slice %arg8[%run_scoped3A_18, %dma_start3A_327, %dma_start3A_328] : memref<4x128x64xf32, #tpu.memory_space<vmem>> -> memref<1x128x64xf32, #tpu.memory_space<vmem>>
      %dma_start3A_330 = tpu.memref_squeeze %dma_start3A_329 : memref<1x128x64xf32, #tpu.memory_space<vmem>> -> memref<128x64xf32, #tpu.memory_space<vmem>>
      %dma_start3A_331 = arith.constant 0 : i32
      %dma_start3A_332 = tpu.memref_slice %arg10[%add3A_17, %dma_start3A_331] : memref<10240x64xf32, #tpu.memory_space<vmem_shared>> -> memref<128x64xf32, #tpu.memory_space<vmem_shared>>
      %dma_start3A_333 = arith.constant 0 : i32
      %dma_start3A_334 = tpu.memref_slice %arg10[%add3A_17, %dma_start3A_333] : memref<10240x64xf32, #tpu.memory_space<vmem_shared>> -> memref<128x64xf32, #tpu.memory_space<vmem_shared>>
      %dma_start3A_335 = arith.constant 0 : i32
      %dma_start3A_336 = arith.constant 0 : i32
      %dma_start3A_337 = tpu.memref_slice %arg8[%run_scoped3A_18, %dma_start3A_335, %dma_start3A_336] : memref<4x128x64xf32, #tpu.memory_space<vmem>> -> memref<1x128x64xf32, #tpu.memory_space<vmem>>
      %dma_start3A_338 = tpu.memref_squeeze %dma_start3A_337 : memref<1x128x64xf32, #tpu.memory_space<vmem>> -> memref<128x64xf32, #tpu.memory_space<vmem>>
      tpu.enqueue_dma source(%dma_start3A_338 : memref<128x64xf32, #tpu.memory_space<vmem>>) target(%dma_start3A_334 : memref<128x64xf32, #tpu.memory_space<vmem_shared>>) target_semaphore(%run_scoped3A_326 : memref<!tpu.dma_semaphore, #tpu.memory_space<semaphore_mem>>)
      %dma_wait3A_339 = arith.constant 0 : i32
      %dma_wait3A_340 = arith.constant 0 : i32
      %dma_wait3A_341 = tpu.memref_slice %arg8[%run_scoped3A_18, %dma_wait3A_339, %dma_wait3A_340] : memref<4x128x64xf32, #tpu.memory_space<vmem>> -> memref<1x128x64xf32, #tpu.memory_space<vmem>>
      %dma_wait3A_342 = tpu.memref_squeeze %dma_wait3A_341 : memref<1x128x64xf32, #tpu.memory_space<vmem>> -> memref<128x64xf32, #tpu.memory_space<vmem>>
      %dma_wait3A_343 = arith.constant 0 : i32
      %dma_wait3A_344 = tpu.memref_slice %arg10[%add3A_17, %dma_wait3A_343] : memref<10240x64xf32, #tpu.memory_space<vmem_shared>> -> memref<128x64xf32, #tpu.memory_space<vmem_shared>>
      %dma_wait3A_345 = arith.constant 0 : i32
      %dma_wait3A_346 = tpu.memref_slice %arg10[%add3A_17, %dma_wait3A_345] : memref<10240x64xf32, #tpu.memory_space<vmem_shared>> -> memref<128x64xf32, #tpu.memory_space<vmem_shared>>
      %dma_wait3A_347 = arith.constant 0 : i32
      %dma_wait3A_348 = arith.constant 0 : i32
      %dma_wait3A_349 = tpu.memref_slice %arg8[%run_scoped3A_18, %dma_wait3A_347, %dma_wait3A_348] : memref<4x128x64xf32, #tpu.memory_space<vmem>> -> memref<1x128x64xf32, #tpu.memory_space<vmem>>
      %dma_wait3A_350 = tpu.memref_squeeze %dma_wait3A_349 : memref<1x128x64xf32, #tpu.memory_space<vmem>> -> memref<128x64xf32, #tpu.memory_space<vmem>>
      tpu.wait_dma2 semaphore(%run_scoped3A_326 : memref<!tpu.dma_semaphore, #tpu.memory_space<semaphore_mem>>) src(%dma_wait3A_350 : memref<128x64xf32, #tpu.memory_space<vmem>>) dst(%dma_wait3A_346 : memref<128x64xf32, #tpu.memory_space<vmem_shared>>)
      tpu.yield
    }) : () -> ()
    %add3A_19 = arith.constant 384 : i32
    %add3A_20 = arith.addi %mul3A_0, %add3A_19 : i32
    %run_scoped3A_21 = arith.constant 0 : i32
    "tpu.region"() ({
      %run_scoped3A_326 = tpu.sem_alloc : memref<!tpu.dma_semaphore, #tpu.memory_space<semaphore_mem>>
      %dma_start3A_327 = arith.constant 0 : i32
      %dma_start3A_328 = arith.constant 0 : i32
      %dma_start3A_329 = tpu.memref_slice %arg8[%run_scoped3A_21, %dma_start3A_327, %dma_start3A_328] : memref<4x128x64xf32, #tpu.memory_space<vmem>> -> memref<1x128x64xf32, #tpu.memory_space<vmem>>
      %dma_start3A_330 = tpu.memref_squeeze %dma_start3A_329 : memref<1x128x64xf32, #tpu.memory_space<vmem>> -> memref<128x64xf32, #tpu.memory_space<vmem>>
      %dma_start3A_331 = arith.constant 0 : i32
      %dma_start3A_332 = tpu.memref_slice %arg10[%add3A_20, %dma_start3A_331] : memref<10240x64xf32, #tpu.memory_space<vmem_shared>> -> memref<128x64xf32, #tpu.memory_space<vmem_shared>>
      %dma_start3A_333 = arith.constant 0 : i32
      %dma_start3A_334 = tpu.memref_slice %arg10[%add3A_20, %dma_start3A_333] : memref<10240x64xf32, #tpu.memory_space<vmem_shared>> -> memref<128x64xf32, #tpu.memory_space<vmem_shared>>
      %dma_start3A_335 = arith.constant 0 : i32
      %dma_start3A_336 = arith.constant 0 : i32
      %dma_start3A_337 = tpu.memref_slice %arg8[%run_scoped3A_21, %dma_start3A_335, %dma_start3A_336] : memref<4x128x64xf32, #tpu.memory_space<vmem>> -> memref<1x128x64xf32, #tpu.memory_space<vmem>>
      %dma_start3A_338 = tpu.memref_squeeze %dma_start3A_337 : memref<1x128x64xf32, #tpu.memory_space<vmem>> -> memref<128x64xf32, #tpu.memory_space<vmem>>
      tpu.enqueue_dma source(%dma_start3A_338 : memref<128x64xf32, #tpu.memory_space<vmem>>) target(%dma_start3A_334 : memref<128x64xf32, #tpu.memory_space<vmem_shared>>) target_semaphore(%run_scoped3A_326 : memref<!tpu.dma_semaphore, #tpu.memory_space<semaphore_mem>>)
      %dma_wait3A_339 = arith.constant 0 : i32
      %dma_wait3A_340 = arith.constant 0 : i32
      %dma_wait3A_341 = tpu.memref_slice %arg8[%run_scoped3A_21, %dma_wait3A_339, %dma_wait3A_340] : memref<4x128x64xf32, #tpu.memory_space<vmem>> -> memref<1x128x64xf32, #tpu.memory_space<vmem>>
      %dma_wait3A_342 = tpu.memref_squeeze %dma_wait3A_341 : memref<1x128x64xf32, #tpu.memory_space<vmem>> -> memref<128x64xf32, #tpu.memory_space<vmem>>
      %dma_wait3A_343 = arith.constant 0 : i32
      %dma_wait3A_344 = tpu.memref_slice %arg10[%add3A_20, %dma_wait3A_343] : memref<10240x64xf32, #tpu.memory_space<vmem_shared>> -> memref<128x64xf32, #tpu.memory_space<vmem_shared>>
      %dma_wait3A_345 = arith.constant 0 : i32
      %dma_wait3A_346 = tpu.memref_slice %arg10[%add3A_20, %dma_wait3A_345] : memref<10240x64xf32, #tpu.memory_space<vmem_shared>> -> memref<128x64xf32, #tpu.memory_space<vmem_shared>>
      %dma_wait3A_347 = arith.constant 0 : i32
      %dma_wait3A_348 = arith.constant 0 : i32
      %dma_wait3A_349 = tpu.memref_slice %arg8[%run_scoped3A_21, %dma_wait3A_347, %dma_wait3A_348] : memref<4x128x64xf32, #tpu.memory_space<vmem>> -> memref<1x128x64xf32, #tpu.memory_space<vmem>>
      %dma_wait3A_350 = tpu.memref_squeeze %dma_wait3A_349 : memref<1x128x64xf32, #tpu.memory_space<vmem>> -> memref<128x64xf32, #tpu.memory_space<vmem>>
      tpu.wait_dma2 semaphore(%run_scoped3A_326 : memref<!tpu.dma_semaphore, #tpu.memory_space<semaphore_mem>>) src(%dma_wait3A_350 : memref<128x64xf32, #tpu.memory_space<vmem>>) dst(%dma_wait3A_346 : memref<128x64xf32, #tpu.memory_space<vmem_shared>>)
      tpu.yield
    }) : () -> ()
    %add3A_22 = arith.constant 512 : i32
    %add3A_23 = arith.addi %mul3A_0, %add3A_22 : i32
    %run_scoped3A_24 = arith.constant 0 : i32
    "tpu.region"() ({
      %run_scoped3A_326 = tpu.sem_alloc : memref<!tpu.dma_semaphore, #tpu.memory_space<semaphore_mem>>
      %dma_start3A_327 = arith.constant 0 : i32
      %dma_start3A_328 = arith.constant 0 : i32
      %dma_start3A_329 = tpu.memref_slice %arg8[%run_scoped3A_24, %dma_start3A_327, %dma_start3A_328] : memref<4x128x64xf32, #tpu.memory_space<vmem>> -> memref<1x128x64xf32, #tpu.memory_space<vmem>>
      %dma_start3A_330 = tpu.memref_squeeze %dma_start3A_329 : memref<1x128x64xf32, #tpu.memory_space<vmem>> -> memref<128x64xf32, #tpu.memory_space<vmem>>
      %dma_start3A_331 = arith.constant 0 : i32
      %dma_start3A_332 = tpu.memref_slice %arg10[%add3A_23, %dma_start3A_331] : memref<10240x64xf32, #tpu.memory_space<vmem_shared>> -> memref<128x64xf32, #tpu.memory_space<vmem_shared>>
      %dma_start3A_333 = arith.constant 0 : i32
      %dma_start3A_334 = tpu.memref_slice %arg10[%add3A_23, %dma_start3A_333] : memref<10240x64xf32, #tpu.memory_space<vmem_shared>> -> memref<128x64xf32, #tpu.memory_space<vmem_shared>>
      %dma_start3A_335 = arith.constant 0 : i32
      %dma_start3A_336 = arith.constant 0 : i32
      %dma_start3A_337 = tpu.memref_slice %arg8[%run_scoped3A_24, %dma_start3A_335, %dma_start3A_336] : memref<4x128x64xf32, #tpu.memory_space<vmem>> -> memref<1x128x64xf32, #tpu.memory_space<vmem>>
      %dma_start3A_338 = tpu.memref_squeeze %dma_start3A_337 : memref<1x128x64xf32, #tpu.memory_space<vmem>> -> memref<128x64xf32, #tpu.memory_space<vmem>>
      tpu.enqueue_dma source(%dma_start3A_338 : memref<128x64xf32, #tpu.memory_space<vmem>>) target(%dma_start3A_334 : memref<128x64xf32, #tpu.memory_space<vmem_shared>>) target_semaphore(%run_scoped3A_326 : memref<!tpu.dma_semaphore, #tpu.memory_space<semaphore_mem>>)
      %dma_wait3A_339 = arith.constant 0 : i32
      %dma_wait3A_340 = arith.constant 0 : i32
      %dma_wait3A_341 = tpu.memref_slice %arg8[%run_scoped3A_24, %dma_wait3A_339, %dma_wait3A_340] : memref<4x128x64xf32, #tpu.memory_space<vmem>> -> memref<1x128x64xf32, #tpu.memory_space<vmem>>
      %dma_wait3A_342 = tpu.memref_squeeze %dma_wait3A_341 : memref<1x128x64xf32, #tpu.memory_space<vmem>> -> memref<128x64xf32, #tpu.memory_space<vmem>>
      %dma_wait3A_343 = arith.constant 0 : i32
      %dma_wait3A_344 = tpu.memref_slice %arg10[%add3A_23, %dma_wait3A_343] : memref<10240x64xf32, #tpu.memory_space<vmem_shared>> -> memref<128x64xf32, #tpu.memory_space<vmem_shared>>
      %dma_wait3A_345 = arith.constant 0 : i32
      %dma_wait3A_346 = tpu.memref_slice %arg10[%add3A_23, %dma_wait3A_345] : memref<10240x64xf32, #tpu.memory_space<vmem_shared>> -> memref<128x64xf32, #tpu.memory_space<vmem_shared>>
      %dma_wait3A_347 = arith.constant 0 : i32
      %dma_wait3A_348 = arith.constant 0 : i32
      %dma_wait3A_349 = tpu.memref_slice %arg8[%run_scoped3A_24, %dma_wait3A_347, %dma_wait3A_348] : memref<4x128x64xf32, #tpu.memory_space<vmem>> -> memref<1x128x64xf32, #tpu.memory_space<vmem>>
      %dma_wait3A_350 = tpu.memref_squeeze %dma_wait3A_349 : memref<1x128x64xf32, #tpu.memory_space<vmem>> -> memref<128x64xf32, #tpu.memory_space<vmem>>
      tpu.wait_dma2 semaphore(%run_scoped3A_326 : memref<!tpu.dma_semaphore, #tpu.memory_space<semaphore_mem>>) src(%dma_wait3A_350 : memref<128x64xf32, #tpu.memory_space<vmem>>) dst(%dma_wait3A_346 : memref<128x64xf32, #tpu.memory_space<vmem_shared>>)
      tpu.yield
    }) : () -> ()
    %barrier3A = arith.constant 0 : index
    tpu.barrier barrier_id(%barrier3A)
    %mul3A_25 = arith.constant 4 : i32
    %mul3A_26 = arith.muli %arg1, %mul3A_25 : i32
    %add3A_27 = arith.constant 0 : i32
    %add3A_28 = arith.addi %mul3A_26, %add3A_27 : i32
    "tpu.region"() ({
      %run_scoped3A_326 = tpu.sem_alloc : memref<!tpu.dma_semaphore, #tpu.memory_space<semaphore_mem>>
      %dma_start3A_327 = arith.constant 0 : i32
      %dma_start3A_328 = arith.constant 0 : i32
      %dma_start3A_329 = tpu.memref_slice %arg3[%add3A_28, %dma_start3A_327, %dma_start3A_328] : memref<64x40x128xi32, #tpu.memory_space<hbm>> -> memref<1x40x128xi32, #tpu.memory_space<hbm>>
      %dma_start3A_330 = tpu.memref_squeeze %dma_start3A_329 : memref<1x40x128xi32, #tpu.memory_space<hbm>> -> memref<40x128xi32, #tpu.memory_space<hbm>>
      %dma_start3A_331 = arith.constant 0 : i32
      %dma_start3A_332 = arith.constant 0 : i32
      %dma_start3A_333 = tpu.memref_slice %arg3[%add3A_28, %dma_start3A_331, %dma_start3A_332] : memref<64x40x128xi32, #tpu.memory_space<hbm>> -> memref<1x40x128xi32, #tpu.memory_space<hbm>>
      %dma_start3A_334 = tpu.memref_squeeze %dma_start3A_333 : memref<1x40x128xi32, #tpu.memory_space<hbm>> -> memref<40x128xi32, #tpu.memory_space<hbm>>
      tpu.enqueue_dma source(%dma_start3A_334 : memref<40x128xi32, #tpu.memory_space<hbm>>) target(%arg6 : memref<40x128xi32, #tpu.memory_space<vmem>>) target_semaphore(%run_scoped3A_326 : memref<!tpu.dma_semaphore, #tpu.memory_space<semaphore_mem>>)
      %dma_wait3A_335 = arith.constant 0 : i32
      %dma_wait3A_336 = arith.constant 0 : i32
      %dma_wait3A_337 = tpu.memref_slice %arg3[%add3A_28, %dma_wait3A_335, %dma_wait3A_336] : memref<64x40x128xi32, #tpu.memory_space<hbm>> -> memref<1x40x128xi32, #tpu.memory_space<hbm>>
      %dma_wait3A_338 = tpu.memref_squeeze %dma_wait3A_337 : memref<1x40x128xi32, #tpu.memory_space<hbm>> -> memref<40x128xi32, #tpu.memory_space<hbm>>
      %dma_wait3A_339 = arith.constant 0 : i32
      %dma_wait3A_340 = arith.constant 0 : i32
      %dma_wait3A_341 = tpu.memref_slice %arg3[%add3A_28, %dma_wait3A_339, %dma_wait3A_340] : memref<64x40x128xi32, #tpu.memory_space<hbm>> -> memref<1x40x128xi32, #tpu.memory_space<hbm>>
      %dma_wait3A_342 = tpu.memref_squeeze %dma_wait3A_341 : memref<1x40x128xi32, #tpu.memory_space<hbm>> -> memref<40x128xi32, #tpu.memory_space<hbm>>
      tpu.wait_dma2 semaphore(%run_scoped3A_326 : memref<!tpu.dma_semaphore, #tpu.memory_space<semaphore_mem>>) src(%dma_wait3A_342 : memref<40x128xi32, #tpu.memory_space<hbm>>) dst(%arg6 : memref<40x128xi32, #tpu.memory_space<vmem>>)
      tpu.yield
    }) : () -> ()
    %mul3A_29 = arith.constant 4 : i32
    %mul3A_30 = arith.muli %arg1, %mul3A_29 : i32
    %add3A_31 = arith.constant 0 : i32
    %add3A_32 = arith.addi %mul3A_30, %add3A_31 : i32
    "tpu.region"() ({
      %run_scoped3A_326 = tpu.sem_alloc : memref<!tpu.dma_semaphore, #tpu.memory_space<semaphore_mem>>
      %dma_start3A_327 = arith.constant 0 : i32
      %dma_start3A_328 = arith.constant 0 : i32
      %dma_start3A_329 = tpu.memref_slice %arg4[%add3A_32, %dma_start3A_327, %dma_start3A_328] : memref<64x40x128xi32, #tpu.memory_space<hbm>> -> memref<1x40x128xi32, #tpu.memory_space<hbm>>
      %dma_start3A_330 = tpu.memref_squeeze %dma_start3A_329 : memref<1x40x128xi32, #tpu.memory_space<hbm>> -> memref<40x128xi32, #tpu.memory_space<hbm>>
      %dma_start3A_331 = arith.constant 0 : i32
      %dma_start3A_332 = arith.constant 0 : i32
      %dma_start3A_333 = tpu.memref_slice %arg4[%add3A_32, %dma_start3A_331, %dma_start3A_332] : memref<64x40x128xi32, #tpu.memory_space<hbm>> -> memref<1x40x128xi32, #tpu.memory_space<hbm>>
      %dma_start3A_334 = tpu.memref_squeeze %dma_start3A_333 : memref<1x40x128xi32, #tpu.memory_space<hbm>> -> memref<40x128xi32, #tpu.memory_space<hbm>>
      tpu.enqueue_dma source(%dma_start3A_334 : memref<40x128xi32, #tpu.memory_space<hbm>>) target(%arg7 : memref<40x128xi32, #tpu.memory_space<vmem>>) target_semaphore(%run_scoped3A_326 : memref<!tpu.dma_semaphore, #tpu.memory_space<semaphore_mem>>)
      %dma_wait3A_335 = arith.constant 0 : i32
      %dma_wait3A_336 = arith.constant 0 : i32
      %dma_wait3A_337 = tpu.memref_slice %arg4[%add3A_32, %dma_wait3A_335, %dma_wait3A_336] : memref<64x40x128xi32, #tpu.memory_space<hbm>> -> memref<1x40x128xi32, #tpu.memory_space<hbm>>
      %dma_wait3A_338 = tpu.memref_squeeze %dma_wait3A_337 : memref<1x40x128xi32, #tpu.memory_space<hbm>> -> memref<40x128xi32, #tpu.memory_space<hbm>>
      %dma_wait3A_339 = arith.constant 0 : i32
      %dma_wait3A_340 = arith.constant 0 : i32
      %dma_wait3A_341 = tpu.memref_slice %arg4[%add3A_32, %dma_wait3A_339, %dma_wait3A_340] : memref<64x40x128xi32, #tpu.memory_space<hbm>> -> memref<1x40x128xi32, #tpu.memory_space<hbm>>
      %dma_wait3A_342 = tpu.memref_squeeze %dma_wait3A_341 : memref<1x40x128xi32, #tpu.memory_space<hbm>> -> memref<40x128xi32, #tpu.memory_space<hbm>>
      tpu.wait_dma2 semaphore(%run_scoped3A_326 : memref<!tpu.dma_semaphore, #tpu.memory_space<semaphore_mem>>) src(%dma_wait3A_342 : memref<40x128xi32, #tpu.memory_space<hbm>>) dst(%arg7 : memref<40x128xi32, #tpu.memory_space<vmem>>)
      tpu.yield
    }) : () -> ()
    %dma_start3A = arith.constant 0 : i32
    %dma_start3A_33 = arith.constant 0 : i32
    %dma_start3A_34 = arith.constant 0 : i32
    %dma_start3A_35 = arith.constant 0 : i32
    %dma_start3A_36 = arith.constant 0 : i32
    %dma_start3A_37 = tpu.memref_slice %arg8[%dma_start3A_33, %dma_start3A_35, %dma_start3A_36] : memref<4x128x64xf32, #tpu.memory_space<vmem>> -> memref<1x128x64xf32, #tpu.memory_space<vmem>>
    %dma_start3A_38 = tpu.memref_squeeze %dma_start3A_37 : memref<1x128x64xf32, #tpu.memory_space<vmem>> -> memref<128x64xf32, #tpu.memory_space<vmem>>
    %dma_start3A_39 = arith.constant 0 : i32
    %dma_start3A_40 = tpu.memref_slice %arg6[%dma_start3A, %dma_start3A_39] : memref<40x128xi32, #tpu.memory_space<vmem>> -> memref<1x128xi32, #tpu.memory_space<vmem>>
    %dma_start3A_41 = tpu.memref_squeeze %dma_start3A_40 : memref<1x128xi32, #tpu.memory_space<vmem>> -> memref<128xi32, #tpu.memory_space<vmem>>
    %dma_start3A_42 = arith.constant 0 : i32
    %dma_start3A_43 = arith.constant 0 : i32
    %dma_start3A_44 = tpu.memref_slice %arg9[%dma_start3A_42, %dma_start3A_43] : memref<10240x64xf32, #tpu.memory_space<vmem_shared>> -> memref<10240x64xf32, #tpu.memory_space<vmem_shared>>
    %dma_start3A_45 = tpu.memref_slice %arg11[%dma_start3A_34] : memref<4x!tpu.dma_semaphore, #tpu.memory_space<semaphore_mem>> -> memref<1x!tpu.dma_semaphore, #tpu.memory_space<semaphore_mem>>
    %dma_start3A_46 = tpu.memref_squeeze %dma_start3A_45 : memref<1x!tpu.dma_semaphore, #tpu.memory_space<semaphore_mem>> -> memref<!tpu.dma_semaphore, #tpu.memory_space<semaphore_mem>>
    tpu.enqueue_indirect_dma source(%dma_start3A_44 : memref<10240x64xf32, #tpu.memory_space<vmem_shared>>) target(%dma_start3A_38 : memref<128x64xf32, #tpu.memory_space<vmem>>) offsets(%dma_start3A_41 : memref<128xi32, #tpu.memory_space<vmem>>) semaphore(%dma_start3A_46 : memref<!tpu.dma_semaphore, #tpu.memory_space<semaphore_mem>>)
    %dma_start3A_47 = arith.constant 1 : i32
    %dma_start3A_48 = arith.constant 1 : i32
    %dma_start3A_49 = arith.constant 1 : i32
    %dma_start3A_50 = arith.constant 0 : i32
    %dma_start3A_51 = arith.constant 0 : i32
    %dma_start3A_52 = tpu.memref_slice %arg8[%dma_start3A_48, %dma_start3A_50, %dma_start3A_51] : memref<4x128x64xf32, #tpu.memory_space<vmem>> -> memref<1x128x64xf32, #tpu.memory_space<vmem>>
    %dma_start3A_53 = tpu.memref_squeeze %dma_start3A_52 : memref<1x128x64xf32, #tpu.memory_space<vmem>> -> memref<128x64xf32, #tpu.memory_space<vmem>>
    %dma_start3A_54 = arith.constant 0 : i32
    %dma_start3A_55 = tpu.memref_slice %arg6[%dma_start3A_47, %dma_start3A_54] : memref<40x128xi32, #tpu.memory_space<vmem>> -> memref<1x128xi32, #tpu.memory_space<vmem>>
    %dma_start3A_56 = tpu.memref_squeeze %dma_start3A_55 : memref<1x128xi32, #tpu.memory_space<vmem>> -> memref<128xi32, #tpu.memory_space<vmem>>
    %dma_start3A_57 = arith.constant 0 : i32
    %dma_start3A_58 = arith.constant 0 : i32
    %dma_start3A_59 = tpu.memref_slice %arg9[%dma_start3A_57, %dma_start3A_58] : memref<10240x64xf32, #tpu.memory_space<vmem_shared>> -> memref<10240x64xf32, #tpu.memory_space<vmem_shared>>
    %dma_start3A_60 = tpu.memref_slice %arg11[%dma_start3A_49] : memref<4x!tpu.dma_semaphore, #tpu.memory_space<semaphore_mem>> -> memref<1x!tpu.dma_semaphore, #tpu.memory_space<semaphore_mem>>
    %dma_start3A_61 = tpu.memref_squeeze %dma_start3A_60 : memref<1x!tpu.dma_semaphore, #tpu.memory_space<semaphore_mem>> -> memref<!tpu.dma_semaphore, #tpu.memory_space<semaphore_mem>>
    tpu.enqueue_indirect_dma source(%dma_start3A_59 : memref<10240x64xf32, #tpu.memory_space<vmem_shared>>) target(%dma_start3A_53 : memref<128x64xf32, #tpu.memory_space<vmem>>) offsets(%dma_start3A_56 : memref<128xi32, #tpu.memory_space<vmem>>) semaphore(%dma_start3A_61 : memref<!tpu.dma_semaphore, #tpu.memory_space<semaphore_mem>>)
    %scan3A_62 = arith.constant 0 : i32
    %scan3A_63 = arith.constant 0 : i32
    %scan3A_64 = arith.constant 10 : i32
    %scan3A_65 = arith.addi %scan3A_63, %scan3A_64 : i32
    %scan3A_66 = arith.constant 1 : i32
    scf.for %scan3A_326 = %scan3A_63 to %scan3A_65 step %scan3A_66  : i32 {
      %mul3A_327 = arith.constant 4 : i32
      %mul3A_328 = arith.muli %scan3A_326, %mul3A_327 : i32
      %add3A_329 = arith.constant 0 : i32
      %add3A_330 = arith.addi %mul3A_328, %add3A_329 : i32
      %jit3A = arith.constant 4 : i32
      %eq3A_331 = arith.constant 0 : i32
      %eq3A_332 = arith.cmpi eq, %jit3A, %eq3A_331 : i32
      %jit3A_333 = arith.constant 1 : i32
      %select_n3A = arith.select %eq3A_332, %jit3A_333, %jit3A : i32
      %rem3A = arith.remsi %add3A_330, %select_n3A : i32
      %ne3A = arith.constant 0 : i32
      %ne3A_334 = arith.cmpi ne, %rem3A, %ne3A : i32
      %lt3A_335 = arith.constant 0 : i32
      %lt3A_336 = arith.cmpi slt, %rem3A, %lt3A_335 : i32
      %lt3A_337 = arith.constant 0 : i32
      %lt3A_338 = arith.cmpi slt, %select_n3A, %lt3A_337 : i32
      %ne3A_339 = arith.xori %lt3A_336, %lt3A_338 : i1
      %and3A = arith.andi %ne3A_339, %ne3A_334 : i1
      %add3A_340 = arith.addi %rem3A, %select_n3A : i32
      %select_n3A_341 = arith.select %and3A, %add3A_340, %rem3A : i32
      %dma_wait3A_342 = arith.constant 0 : i32
      %dma_wait3A_343 = arith.constant 0 : i32
      %dma_wait3A_344 = tpu.memref_slice %arg8[%select_n3A_341, %dma_wait3A_342, %dma_wait3A_343] : memref<4x128x64xf32, #tpu.memory_space<vmem>> -> memref<1x128x64xf32, #tpu.memory_space<vmem>>
      %dma_wait3A_345 = tpu.memref_squeeze %dma_wait3A_344 : memref<1x128x64xf32, #tpu.memory_space<vmem>> -> memref<128x64xf32, #tpu.memory_space<vmem>>
      %dma_wait3A_346 = arith.constant 0 : i32
      %dma_wait3A_347 = tpu.memref_slice %arg6[%add3A_330, %dma_wait3A_346] : memref<40x128xi32, #tpu.memory_space<vmem>> -> memref<1x128xi32, #tpu.memory_space<vmem>>
      %dma_wait3A_348 = tpu.memref_squeeze %dma_wait3A_347 : memref<1x128xi32, #tpu.memory_space<vmem>> -> memref<128xi32, #tpu.memory_space<vmem>>
      %dma_wait3A_349 = arith.constant 0 : i32
      %dma_wait3A_350 = arith.constant 0 : i32
      %dma_wait3A_351 = tpu.memref_slice %arg9[%dma_wait3A_349, %dma_wait3A_350] : memref<10240x64xf32, #tpu.memory_space<vmem_shared>> -> memref<10240x64xf32, #tpu.memory_space<vmem_shared>>
      %dma_wait3A_352 = tpu.memref_slice %arg11[%select_n3A_341] : memref<4x!tpu.dma_semaphore, #tpu.memory_space<semaphore_mem>> -> memref<1x!tpu.dma_semaphore, #tpu.memory_space<semaphore_mem>>
      %dma_wait3A_353 = tpu.memref_squeeze %dma_wait3A_352 : memref<1x!tpu.dma_semaphore, #tpu.memory_space<semaphore_mem>> -> memref<!tpu.dma_semaphore, #tpu.memory_space<semaphore_mem>>
      tpu.wait_indirect_dma semaphore(%dma_wait3A_353 : memref<!tpu.dma_semaphore, #tpu.memory_space<semaphore_mem>>) src(%dma_wait3A_351 : memref<10240x64xf32, #tpu.memory_space<vmem_shared>>) dst(%dma_wait3A_345 : memref<128x64xf32, #tpu.memory_space<vmem>>)
      %dma_start3A_354 = arith.constant 0 : i32
      %dma_start3A_355 = arith.constant 0 : i32
      %dma_start3A_356 = tpu.memref_slice %arg8[%select_n3A_341, %dma_start3A_354, %dma_start3A_355] : memref<4x128x64xf32, #tpu.memory_space<vmem>> -> memref<1x128x64xf32, #tpu.memory_space<vmem>>
      %dma_start3A_357 = tpu.memref_squeeze %dma_start3A_356 : memref<1x128x64xf32, #tpu.memory_space<vmem>> -> memref<128x64xf32, #tpu.memory_space<vmem>>
      %dma_start3A_358 = arith.constant 0 : i32
      %dma_start3A_359 = tpu.memref_slice %arg7[%add3A_330, %dma_start3A_358] : memref<40x128xi32, #tpu.memory_space<vmem>> -> memref<1x128xi32, #tpu.memory_space<vmem>>
      %dma_start3A_360 = tpu.memref_squeeze %dma_start3A_359 : memref<1x128xi32, #tpu.memory_space<vmem>> -> memref<128xi32, #tpu.memory_space<vmem>>
      %dma_start3A_361 = arith.constant 0 : i32
      %dma_start3A_362 = arith.constant 0 : i32
      %dma_start3A_363 = tpu.memref_slice %arg10[%dma_start3A_361, %dma_start3A_362] : memref<10240x64xf32, #tpu.memory_space<vmem_shared>> -> memref<10240x64xf32, #tpu.memory_space<vmem_shared>>
      %dma_start3A_364 = tpu.memref_slice %arg12[%select_n3A_341] : memref<4x!tpu.dma_semaphore, #tpu.memory_space<semaphore_mem>> -> memref<1x!tpu.dma_semaphore, #tpu.memory_space<semaphore_mem>>
      %dma_start3A_365 = tpu.memref_squeeze %dma_start3A_364 : memref<1x!tpu.dma_semaphore, #tpu.memory_space<semaphore_mem>> -> memref<!tpu.dma_semaphore, #tpu.memory_space<semaphore_mem>>
      tpu.enqueue_indirect_dma source(%dma_start3A_357 : memref<128x64xf32, #tpu.memory_space<vmem>>) target(%dma_start3A_363 : memref<10240x64xf32, #tpu.memory_space<vmem_shared>>) offsets(%dma_start3A_360 : memref<128xi32, #tpu.memory_space<vmem>>) semaphore(%dma_start3A_365 : memref<!tpu.dma_semaphore, #tpu.memory_space<semaphore_mem>>) {add = true}
      %add3A_366 = arith.constant 2 : i32
      %add3A_367 = arith.addi %add3A_330, %add3A_366 : i32
      %jit3A_368 = arith.constant 4 : i32
      %eq3A_369 = arith.constant 0 : i32
      %eq3A_370 = arith.cmpi eq, %jit3A_368, %eq3A_369 : i32
      %jit3A_371 = arith.constant 1 : i32
      %select_n3A_372 = arith.select %eq3A_370, %jit3A_371, %jit3A_368 : i32
      %rem3A_373 = arith.remsi %add3A_367, %select_n3A_372 : i32
      %ne3A_374 = arith.constant 0 : i32
      %ne3A_375 = arith.cmpi ne, %rem3A_373, %ne3A_374 : i32
      %lt3A_376 = arith.constant 0 : i32
      %lt3A_377 = arith.cmpi slt, %rem3A_373, %lt3A_376 : i32
      %lt3A_378 = arith.constant 0 : i32
      %lt3A_379 = arith.cmpi slt, %select_n3A_372, %lt3A_378 : i32
      %ne3A_380 = arith.xori %lt3A_377, %lt3A_379 : i1
      %and3A_381 = arith.andi %ne3A_380, %ne3A_375 : i1
      %add3A_382 = arith.addi %rem3A_373, %select_n3A_372 : i32
      %select_n3A_383 = arith.select %and3A_381, %add3A_382, %rem3A_373 : i32
      %ge3A = arith.constant 2 : i32
      %ge3A_384 = arith.cmpi sge, %add3A_330, %ge3A : i32
      %convert_element_type3A_385 = arith.extui %ge3A_384 : i1 to i32
      %cond3A_386 = arith.constant 0 : i32
      %cond3A_387 = arith.cmpi ne, %convert_element_type3A_385, %cond3A_386 : i32
      scf.if %cond3A_387 {
        %sub3A = arith.constant 2 : i32
        %sub3A_617 = arith.subi %add3A_330, %sub3A : i32
        %dma_wait3A_618 = arith.constant 0 : i32
        %dma_wait3A_619 = arith.constant 0 : i32
        %dma_wait3A_620 = tpu.memref_slice %arg8[%select_n3A_383, %dma_wait3A_618, %dma_wait3A_619] : memref<4x128x64xf32, #tpu.memory_space<vmem>> -> memref<1x128x64xf32, #tpu.memory_space<vmem>>
        %dma_wait3A_621 = tpu.memref_squeeze %dma_wait3A_620 : memref<1x128x64xf32, #tpu.memory_space<vmem>> -> memref<128x64xf32, #tpu.memory_space<vmem>>
        %dma_wait3A_622 = arith.constant 0 : i32
        %dma_wait3A_623 = tpu.memref_slice %arg7[%sub3A_617, %dma_wait3A_622] : memref<40x128xi32, #tpu.memory_space<vmem>> -> memref<1x128xi32, #tpu.memory_space<vmem>>
        %dma_wait3A_624 = tpu.memref_squeeze %dma_wait3A_623 : memref<1x128xi32, #tpu.memory_space<vmem>> -> memref<128xi32, #tpu.memory_space<vmem>>
        %dma_wait3A_625 = arith.constant 0 : i32
        %dma_wait3A_626 = arith.constant 0 : i32
        %dma_wait3A_627 = tpu.memref_slice %arg10[%dma_wait3A_625, %dma_wait3A_626] : memref<10240x64xf32, #tpu.memory_space<vmem_shared>> -> memref<10240x64xf32, #tpu.memory_space<vmem_shared>>
        %dma_wait3A_628 = tpu.memref_slice %arg12[%select_n3A_383] : memref<4x!tpu.dma_semaphore, #tpu.memory_space<semaphore_mem>> -> memref<1x!tpu.dma_semaphore, #tpu.memory_space<semaphore_mem>>
        %dma_wait3A_629 = tpu.memref_squeeze %dma_wait3A_628 : memref<1x!tpu.dma_semaphore, #tpu.memory_space<semaphore_mem>> -> memref<!tpu.dma_semaphore, #tpu.memory_space<semaphore_mem>>
        tpu.wait_indirect_dma semaphore(%dma_wait3A_629 : memref<!tpu.dma_semaphore, #tpu.memory_space<semaphore_mem>>) src(%dma_wait3A_621 : memref<128x64xf32, #tpu.memory_space<vmem>>) dst(%dma_wait3A_627 : memref<10240x64xf32, #tpu.memory_space<vmem_shared>>)
      } else {
      }
      %add3A_388 = arith.constant 2 : i32
      %add3A_389 = arith.addi %add3A_330, %add3A_388 : i32
      %lt3A_390 = arith.constant 40 : i32
      %lt3A_391 = arith.cmpi slt, %add3A_389, %lt3A_390 : i32
      %convert_element_type3A_392 = arith.extui %lt3A_391 : i1 to i32
      %cond3A_393 = arith.constant 0 : i32
      %cond3A_394 = arith.cmpi ne, %convert_element_type3A_392, %cond3A_393 : i32
      scf.if %cond3A_394 {
        %add3A_617 = arith.constant 2 : i32
        %add3A_618 = arith.addi %add3A_330, %add3A_617 : i32
        %dma_start3A_619 = arith.constant 0 : i32
        %dma_start3A_620 = arith.constant 0 : i32
        %dma_start3A_621 = tpu.memref_slice %arg8[%select_n3A_383, %dma_start3A_619, %dma_start3A_620] : memref<4x128x64xf32, #tpu.memory_space<vmem>> -> memref<1x128x64xf32, #tpu.memory_space<vmem>>
        %dma_start3A_622 = tpu.memref_squeeze %dma_start3A_621 : memref<1x128x64xf32, #tpu.memory_space<vmem>> -> memref<128x64xf32, #tpu.memory_space<vmem>>
        %dma_start3A_623 = arith.constant 0 : i32
        %dma_start3A_624 = tpu.memref_slice %arg6[%add3A_618, %dma_start3A_623] : memref<40x128xi32, #tpu.memory_space<vmem>> -> memref<1x128xi32, #tpu.memory_space<vmem>>
        %dma_start3A_625 = tpu.memref_squeeze %dma_start3A_624 : memref<1x128xi32, #tpu.memory_space<vmem>> -> memref<128xi32, #tpu.memory_space<vmem>>
        %dma_start3A_626 = arith.constant 0 : i32
        %dma_start3A_627 = arith.constant 0 : i32
        %dma_start3A_628 = tpu.memref_slice %arg9[%dma_start3A_626, %dma_start3A_627] : memref<10240x64xf32, #tpu.memory_space<vmem_shared>> -> memref<10240x64xf32, #tpu.memory_space<vmem_shared>>
        %dma_start3A_629 = tpu.memref_slice %arg11[%select_n3A_383] : memref<4x!tpu.dma_semaphore, #tpu.memory_space<semaphore_mem>> -> memref<1x!tpu.dma_semaphore, #tpu.memory_space<semaphore_mem>>
        %dma_start3A_630 = tpu.memref_squeeze %dma_start3A_629 : memref<1x!tpu.dma_semaphore, #tpu.memory_space<semaphore_mem>> -> memref<!tpu.dma_semaphore, #tpu.memory_space<semaphore_mem>>
        tpu.enqueue_indirect_dma source(%dma_start3A_628 : memref<10240x64xf32, #tpu.memory_space<vmem_shared>>) target(%dma_start3A_622 : memref<128x64xf32, #tpu.memory_space<vmem>>) offsets(%dma_start3A_625 : memref<128xi32, #tpu.memory_space<vmem>>) semaphore(%dma_start3A_630 : memref<!tpu.dma_semaphore, #tpu.memory_space<semaphore_mem>>)
      } else {
      }
      %mul3A_395 = arith.constant 4 : i32
      %mul3A_396 = arith.muli %scan3A_326, %mul3A_395 : i32
      %add3A_397 = arith.constant 1 : i32
      %add3A_398 = arith.addi %mul3A_396, %add3A_397 : i32
      %jit3A_399 = arith.constant 4 : i32
      %eq3A_400 = arith.constant 0 : i32
      %eq3A_401 = arith.cmpi eq, %jit3A_399, %eq3A_400 : i32
      %jit3A_402 = arith.constant 1 : i32
      %select_n3A_403 = arith.select %eq3A_401, %jit3A_402, %jit3A_399 : i32
      %rem3A_404 = arith.remsi %add3A_398, %select_n3A_403 : i32
      %ne3A_405 = arith.constant 0 : i32
      %ne3A_406 = arith.cmpi ne, %rem3A_404, %ne3A_405 : i32
      %lt3A_407 = arith.constant 0 : i32
      %lt3A_408 = arith.cmpi slt, %rem3A_404, %lt3A_407 : i32
      %lt3A_409 = arith.constant 0 : i32
      %lt3A_410 = arith.cmpi slt, %select_n3A_403, %lt3A_409 : i32
      %ne3A_411 = arith.xori %lt3A_408, %lt3A_410 : i1
      %and3A_412 = arith.andi %ne3A_411, %ne3A_406 : i1
      %add3A_413 = arith.addi %rem3A_404, %select_n3A_403 : i32
      %select_n3A_414 = arith.select %and3A_412, %add3A_413, %rem3A_404 : i32
      %dma_wait3A_415 = arith.constant 0 : i32
      %dma_wait3A_416 = arith.constant 0 : i32
      %dma_wait3A_417 = tpu.memref_slice %arg8[%select_n3A_414, %dma_wait3A_415, %dma_wait3A_416] : memref<4x128x64xf32, #tpu.memory_space<vmem>> -> memref<1x128x64xf32, #tpu.memory_space<vmem>>
      %dma_wait3A_418 = tpu.memref_squeeze %dma_wait3A_417 : memref<1x128x64xf32, #tpu.memory_space<vmem>> -> memref<128x64xf32, #tpu.memory_space<vmem>>
      %dma_wait3A_419 = arith.constant 0 : i32
      %dma_wait3A_420 = tpu.memref_slice %arg6[%add3A_398, %dma_wait3A_419] : memref<40x128xi32, #tpu.memory_space<vmem>> -> memref<1x128xi32, #tpu.memory_space<vmem>>
      %dma_wait3A_421 = tpu.memref_squeeze %dma_wait3A_420 : memref<1x128xi32, #tpu.memory_space<vmem>> -> memref<128xi32, #tpu.memory_space<vmem>>
      %dma_wait3A_422 = arith.constant 0 : i32
      %dma_wait3A_423 = arith.constant 0 : i32
      %dma_wait3A_424 = tpu.memref_slice %arg9[%dma_wait3A_422, %dma_wait3A_423] : memref<10240x64xf32, #tpu.memory_space<vmem_shared>> -> memref<10240x64xf32, #tpu.memory_space<vmem_shared>>
      %dma_wait3A_425 = tpu.memref_slice %arg11[%select_n3A_414] : memref<4x!tpu.dma_semaphore, #tpu.memory_space<semaphore_mem>> -> memref<1x!tpu.dma_semaphore, #tpu.memory_space<semaphore_mem>>
      %dma_wait3A_426 = tpu.memref_squeeze %dma_wait3A_425 : memref<1x!tpu.dma_semaphore, #tpu.memory_space<semaphore_mem>> -> memref<!tpu.dma_semaphore, #tpu.memory_space<semaphore_mem>>
      tpu.wait_indirect_dma semaphore(%dma_wait3A_426 : memref<!tpu.dma_semaphore, #tpu.memory_space<semaphore_mem>>) src(%dma_wait3A_424 : memref<10240x64xf32, #tpu.memory_space<vmem_shared>>) dst(%dma_wait3A_418 : memref<128x64xf32, #tpu.memory_space<vmem>>)
      %dma_start3A_427 = arith.constant 0 : i32
      %dma_start3A_428 = arith.constant 0 : i32
      %dma_start3A_429 = tpu.memref_slice %arg8[%select_n3A_414, %dma_start3A_427, %dma_start3A_428] : memref<4x128x64xf32, #tpu.memory_space<vmem>> -> memref<1x128x64xf32, #tpu.memory_space<vmem>>
      %dma_start3A_430 = tpu.memref_squeeze %dma_start3A_429 : memref<1x128x64xf32, #tpu.memory_space<vmem>> -> memref<128x64xf32, #tpu.memory_space<vmem>>
      %dma_start3A_431 = arith.constant 0 : i32
      %dma_start3A_432 = tpu.memref_slice %arg7[%add3A_398, %dma_start3A_431] : memref<40x128xi32, #tpu.memory_space<vmem>> -> memref<1x128xi32, #tpu.memory_space<vmem>>
      %dma_start3A_433 = tpu.memref_squeeze %dma_start3A_432 : memref<1x128xi32, #tpu.memory_space<vmem>> -> memref<128xi32, #tpu.memory_space<vmem>>
      %dma_start3A_434 = arith.constant 0 : i32
      %dma_start3A_435 = arith.constant 0 : i32
      %dma_start3A_436 = tpu.memref_slice %arg10[%dma_start3A_434, %dma_start3A_435] : memref<10240x64xf32, #tpu.memory_space<vmem_shared>> -> memref<10240x64xf32, #tpu.memory_space<vmem_shared>>
      %dma_start3A_437 = tpu.memref_slice %arg12[%select_n3A_414] : memref<4x!tpu.dma_semaphore, #tpu.memory_space<semaphore_mem>> -> memref<1x!tpu.dma_semaphore, #tpu.memory_space<semaphore_mem>>
      %dma_start3A_438 = tpu.memref_squeeze %dma_start3A_437 : memref<1x!tpu.dma_semaphore, #tpu.memory_space<semaphore_mem>> -> memref<!tpu.dma_semaphore, #tpu.memory_space<semaphore_mem>>
      tpu.enqueue_indirect_dma source(%dma_start3A_430 : memref<128x64xf32, #tpu.memory_space<vmem>>) target(%dma_start3A_436 : memref<10240x64xf32, #tpu.memory_space<vmem_shared>>) offsets(%dma_start3A_433 : memref<128xi32, #tpu.memory_space<vmem>>) semaphore(%dma_start3A_438 : memref<!tpu.dma_semaphore, #tpu.memory_space<semaphore_mem>>) {add = true}
      %add3A_439 = arith.constant 2 : i32
      %add3A_440 = arith.addi %add3A_398, %add3A_439 : i32
      %jit3A_441 = arith.constant 4 : i32
      %eq3A_442 = arith.constant 0 : i32
      %eq3A_443 = arith.cmpi eq, %jit3A_441, %eq3A_442 : i32
      %jit3A_444 = arith.constant 1 : i32
      %select_n3A_445 = arith.select %eq3A_443, %jit3A_444, %jit3A_441 : i32
      %rem3A_446 = arith.remsi %add3A_440, %select_n3A_445 : i32
      %ne3A_447 = arith.constant 0 : i32
      %ne3A_448 = arith.cmpi ne, %rem3A_446, %ne3A_447 : i32
      %lt3A_449 = arith.constant 0 : i32
      %lt3A_450 = arith.cmpi slt, %rem3A_446, %lt3A_449 : i32
      %lt3A_451 = arith.constant 0 : i32
      %lt3A_452 = arith.cmpi slt, %select_n3A_445, %lt3A_451 : i32
      %ne3A_453 = arith.xori %lt3A_450, %lt3A_452 : i1
      %and3A_454 = arith.andi %ne3A_453, %ne3A_448 : i1
      %add3A_455 = arith.addi %rem3A_446, %select_n3A_445 : i32
      %select_n3A_456 = arith.select %and3A_454, %add3A_455, %rem3A_446 : i32
      %ge3A_457 = arith.constant 2 : i32
      %ge3A_458 = arith.cmpi sge, %add3A_398, %ge3A_457 : i32
      %convert_element_type3A_459 = arith.extui %ge3A_458 : i1 to i32
      %cond3A_460 = arith.constant 0 : i32
      %cond3A_461 = arith.cmpi ne, %convert_element_type3A_459, %cond3A_460 : i32
      scf.if %cond3A_461 {
        %sub3A = arith.constant 2 : i32
        %sub3A_617 = arith.subi %add3A_398, %sub3A : i32
        %dma_wait3A_618 = arith.constant 0 : i32
        %dma_wait3A_619 = arith.constant 0 : i32
        %dma_wait3A_620 = tpu.memref_slice %arg8[%select_n3A_456, %dma_wait3A_618, %dma_wait3A_619] : memref<4x128x64xf32, #tpu.memory_space<vmem>> -> memref<1x128x64xf32, #tpu.memory_space<vmem>>
        %dma_wait3A_621 = tpu.memref_squeeze %dma_wait3A_620 : memref<1x128x64xf32, #tpu.memory_space<vmem>> -> memref<128x64xf32, #tpu.memory_space<vmem>>
        %dma_wait3A_622 = arith.constant 0 : i32
        %dma_wait3A_623 = tpu.memref_slice %arg7[%sub3A_617, %dma_wait3A_622] : memref<40x128xi32, #tpu.memory_space<vmem>> -> memref<1x128xi32, #tpu.memory_space<vmem>>
        %dma_wait3A_624 = tpu.memref_squeeze %dma_wait3A_623 : memref<1x128xi32, #tpu.memory_space<vmem>> -> memref<128xi32, #tpu.memory_space<vmem>>
        %dma_wait3A_625 = arith.constant 0 : i32
        %dma_wait3A_626 = arith.constant 0 : i32
        %dma_wait3A_627 = tpu.memref_slice %arg10[%dma_wait3A_625, %dma_wait3A_626] : memref<10240x64xf32, #tpu.memory_space<vmem_shared>> -> memref<10240x64xf32, #tpu.memory_space<vmem_shared>>
        %dma_wait3A_628 = tpu.memref_slice %arg12[%select_n3A_456] : memref<4x!tpu.dma_semaphore, #tpu.memory_space<semaphore_mem>> -> memref<1x!tpu.dma_semaphore, #tpu.memory_space<semaphore_mem>>
        %dma_wait3A_629 = tpu.memref_squeeze %dma_wait3A_628 : memref<1x!tpu.dma_semaphore, #tpu.memory_space<semaphore_mem>> -> memref<!tpu.dma_semaphore, #tpu.memory_space<semaphore_mem>>
        tpu.wait_indirect_dma semaphore(%dma_wait3A_629 : memref<!tpu.dma_semaphore, #tpu.memory_space<semaphore_mem>>) src(%dma_wait3A_621 : memref<128x64xf32, #tpu.memory_space<vmem>>) dst(%dma_wait3A_627 : memref<10240x64xf32, #tpu.memory_space<vmem_shared>>)
      } else {
      }
      %add3A_462 = arith.constant 2 : i32
      %add3A_463 = arith.addi %add3A_398, %add3A_462 : i32
      %lt3A_464 = arith.constant 40 : i32
      %lt3A_465 = arith.cmpi slt, %add3A_463, %lt3A_464 : i32
      %convert_element_type3A_466 = arith.extui %lt3A_465 : i1 to i32
      %cond3A_467 = arith.constant 0 : i32
      %cond3A_468 = arith.cmpi ne, %convert_element_type3A_466, %cond3A_467 : i32
      scf.if %cond3A_468 {
        %add3A_617 = arith.constant 2 : i32
        %add3A_618 = arith.addi %add3A_398, %add3A_617 : i32
        %dma_start3A_619 = arith.constant 0 : i32
        %dma_start3A_620 = arith.constant 0 : i32
        %dma_start3A_621 = tpu.memref_slice %arg8[%select_n3A_456, %dma_start3A_619, %dma_start3A_620] : memref<4x128x64xf32, #tpu.memory_space<vmem>> -> memref<1x128x64xf32, #tpu.memory_space<vmem>>
        %dma_start3A_622 = tpu.memref_squeeze %dma_start3A_621 : memref<1x128x64xf32, #tpu.memory_space<vmem>> -> memref<128x64xf32, #tpu.memory_space<vmem>>
        %dma_start3A_623 = arith.constant 0 : i32
        %dma_start3A_624 = tpu.memref_slice %arg6[%add3A_618, %dma_start3A_623] : memref<40x128xi32, #tpu.memory_space<vmem>> -> memref<1x128xi32, #tpu.memory_space<vmem>>
        %dma_start3A_625 = tpu.memref_squeeze %dma_start3A_624 : memref<1x128xi32, #tpu.memory_space<vmem>> -> memref<128xi32, #tpu.memory_space<vmem>>
        %dma_start3A_626 = arith.constant 0 : i32
        %dma_start3A_627 = arith.constant 0 : i32
        %dma_start3A_628 = tpu.memref_slice %arg9[%dma_start3A_626, %dma_start3A_627] : memref<10240x64xf32, #tpu.memory_space<vmem_shared>> -> memref<10240x64xf32, #tpu.memory_space<vmem_shared>>
        %dma_start3A_629 = tpu.memref_slice %arg11[%select_n3A_456] : memref<4x!tpu.dma_semaphore, #tpu.memory_space<semaphore_mem>> -> memref<1x!tpu.dma_semaphore, #tpu.memory_space<semaphore_mem>>
        %dma_start3A_630 = tpu.memref_squeeze %dma_start3A_629 : memref<1x!tpu.dma_semaphore, #tpu.memory_space<semaphore_mem>> -> memref<!tpu.dma_semaphore, #tpu.memory_space<semaphore_mem>>
        tpu.enqueue_indirect_dma source(%dma_start3A_628 : memref<10240x64xf32, #tpu.memory_space<vmem_shared>>) target(%dma_start3A_622 : memref<128x64xf32, #tpu.memory_space<vmem>>) offsets(%dma_start3A_625 : memref<128xi32, #tpu.memory_space<vmem>>) semaphore(%dma_start3A_630 : memref<!tpu.dma_semaphore, #tpu.memory_space<semaphore_mem>>)
      } else {
      }
      %mul3A_469 = arith.constant 4 : i32
      %mul3A_470 = arith.muli %scan3A_326, %mul3A_469 : i32
      %add3A_471 = arith.constant 2 : i32
      %add3A_472 = arith.addi %mul3A_470, %add3A_471 : i32
      %jit3A_473 = arith.constant 4 : i32
      %eq3A_474 = arith.constant 0 : i32
      %eq3A_475 = arith.cmpi eq, %jit3A_473, %eq3A_474 : i32
      %jit3A_476 = arith.constant 1 : i32
      %select_n3A_477 = arith.select %eq3A_475, %jit3A_476, %jit3A_473 : i32
      %rem3A_478 = arith.remsi %add3A_472, %select_n3A_477 : i32
      %ne3A_479 = arith.constant 0 : i32
      %ne3A_480 = arith.cmpi ne, %rem3A_478, %ne3A_479 : i32
      %lt3A_481 = arith.constant 0 : i32
      %lt3A_482 = arith.cmpi slt, %rem3A_478, %lt3A_481 : i32
      %lt3A_483 = arith.constant 0 : i32
      %lt3A_484 = arith.cmpi slt, %select_n3A_477, %lt3A_483 : i32
      %ne3A_485 = arith.xori %lt3A_482, %lt3A_484 : i1
      %and3A_486 = arith.andi %ne3A_485, %ne3A_480 : i1
      %add3A_487 = arith.addi %rem3A_478, %select_n3A_477 : i32
      %select_n3A_488 = arith.select %and3A_486, %add3A_487, %rem3A_478 : i32
      %dma_wait3A_489 = arith.constant 0 : i32
      %dma_wait3A_490 = arith.constant 0 : i32
      %dma_wait3A_491 = tpu.memref_slice %arg8[%select_n3A_488, %dma_wait3A_489, %dma_wait3A_490] : memref<4x128x64xf32, #tpu.memory_space<vmem>> -> memref<1x128x64xf32, #tpu.memory_space<vmem>>
      %dma_wait3A_492 = tpu.memref_squeeze %dma_wait3A_491 : memref<1x128x64xf32, #tpu.memory_space<vmem>> -> memref<128x64xf32, #tpu.memory_space<vmem>>
      %dma_wait3A_493 = arith.constant 0 : i32
      %dma_wait3A_494 = tpu.memref_slice %arg6[%add3A_472, %dma_wait3A_493] : memref<40x128xi32, #tpu.memory_space<vmem>> -> memref<1x128xi32, #tpu.memory_space<vmem>>
      %dma_wait3A_495 = tpu.memref_squeeze %dma_wait3A_494 : memref<1x128xi32, #tpu.memory_space<vmem>> -> memref<128xi32, #tpu.memory_space<vmem>>
      %dma_wait3A_496 = arith.constant 0 : i32
      %dma_wait3A_497 = arith.constant 0 : i32
      %dma_wait3A_498 = tpu.memref_slice %arg9[%dma_wait3A_496, %dma_wait3A_497] : memref<10240x64xf32, #tpu.memory_space<vmem_shared>> -> memref<10240x64xf32, #tpu.memory_space<vmem_shared>>
      %dma_wait3A_499 = tpu.memref_slice %arg11[%select_n3A_488] : memref<4x!tpu.dma_semaphore, #tpu.memory_space<semaphore_mem>> -> memref<1x!tpu.dma_semaphore, #tpu.memory_space<semaphore_mem>>
      %dma_wait3A_500 = tpu.memref_squeeze %dma_wait3A_499 : memref<1x!tpu.dma_semaphore, #tpu.memory_space<semaphore_mem>> -> memref<!tpu.dma_semaphore, #tpu.memory_space<semaphore_mem>>
      tpu.wait_indirect_dma semaphore(%dma_wait3A_500 : memref<!tpu.dma_semaphore, #tpu.memory_space<semaphore_mem>>) src(%dma_wait3A_498 : memref<10240x64xf32, #tpu.memory_space<vmem_shared>>) dst(%dma_wait3A_492 : memref<128x64xf32, #tpu.memory_space<vmem>>)
      %dma_start3A_501 = arith.constant 0 : i32
      %dma_start3A_502 = arith.constant 0 : i32
      %dma_start3A_503 = tpu.memref_slice %arg8[%select_n3A_488, %dma_start3A_501, %dma_start3A_502] : memref<4x128x64xf32, #tpu.memory_space<vmem>> -> memref<1x128x64xf32, #tpu.memory_space<vmem>>
      %dma_start3A_504 = tpu.memref_squeeze %dma_start3A_503 : memref<1x128x64xf32, #tpu.memory_space<vmem>> -> memref<128x64xf32, #tpu.memory_space<vmem>>
      %dma_start3A_505 = arith.constant 0 : i32
      %dma_start3A_506 = tpu.memref_slice %arg7[%add3A_472, %dma_start3A_505] : memref<40x128xi32, #tpu.memory_space<vmem>> -> memref<1x128xi32, #tpu.memory_space<vmem>>
      %dma_start3A_507 = tpu.memref_squeeze %dma_start3A_506 : memref<1x128xi32, #tpu.memory_space<vmem>> -> memref<128xi32, #tpu.memory_space<vmem>>
      %dma_start3A_508 = arith.constant 0 : i32
      %dma_start3A_509 = arith.constant 0 : i32
      %dma_start3A_510 = tpu.memref_slice %arg10[%dma_start3A_508, %dma_start3A_509] : memref<10240x64xf32, #tpu.memory_space<vmem_shared>> -> memref<10240x64xf32, #tpu.memory_space<vmem_shared>>
      %dma_start3A_511 = tpu.memref_slice %arg12[%select_n3A_488] : memref<4x!tpu.dma_semaphore, #tpu.memory_space<semaphore_mem>> -> memref<1x!tpu.dma_semaphore, #tpu.memory_space<semaphore_mem>>
      %dma_start3A_512 = tpu.memref_squeeze %dma_start3A_511 : memref<1x!tpu.dma_semaphore, #tpu.memory_space<semaphore_mem>> -> memref<!tpu.dma_semaphore, #tpu.memory_space<semaphore_mem>>
      tpu.enqueue_indirect_dma source(%dma_start3A_504 : memref<128x64xf32, #tpu.memory_space<vmem>>) target(%dma_start3A_510 : memref<10240x64xf32, #tpu.memory_space<vmem_shared>>) offsets(%dma_start3A_507 : memref<128xi32, #tpu.memory_space<vmem>>) semaphore(%dma_start3A_512 : memref<!tpu.dma_semaphore, #tpu.memory_space<semaphore_mem>>) {add = true}
      %add3A_513 = arith.constant 2 : i32
      %add3A_514 = arith.addi %add3A_472, %add3A_513 : i32
      %jit3A_515 = arith.constant 4 : i32
      %eq3A_516 = arith.constant 0 : i32
      %eq3A_517 = arith.cmpi eq, %jit3A_515, %eq3A_516 : i32
      %jit3A_518 = arith.constant 1 : i32
      %select_n3A_519 = arith.select %eq3A_517, %jit3A_518, %jit3A_515 : i32
      %rem3A_520 = arith.remsi %add3A_514, %select_n3A_519 : i32
      %ne3A_521 = arith.constant 0 : i32
      %ne3A_522 = arith.cmpi ne, %rem3A_520, %ne3A_521 : i32
      %lt3A_523 = arith.constant 0 : i32
      %lt3A_524 = arith.cmpi slt, %rem3A_520, %lt3A_523 : i32
      %lt3A_525 = arith.constant 0 : i32
      %lt3A_526 = arith.cmpi slt, %select_n3A_519, %lt3A_525 : i32
      %ne3A_527 = arith.xori %lt3A_524, %lt3A_526 : i1
      %and3A_528 = arith.andi %ne3A_527, %ne3A_522 : i1
      %add3A_529 = arith.addi %rem3A_520, %select_n3A_519 : i32
      %select_n3A_530 = arith.select %and3A_528, %add3A_529, %rem3A_520 : i32
      %ge3A_531 = arith.constant 2 : i32
      %ge3A_532 = arith.cmpi sge, %add3A_472, %ge3A_531 : i32
      %convert_element_type3A_533 = arith.extui %ge3A_532 : i1 to i32
      %cond3A_534 = arith.constant 0 : i32
      %cond3A_535 = arith.cmpi ne, %convert_element_type3A_533, %cond3A_534 : i32
      scf.if %cond3A_535 {
        %sub3A = arith.constant 2 : i32
        %sub3A_617 = arith.subi %add3A_472, %sub3A : i32
        %dma_wait3A_618 = arith.constant 0 : i32
        %dma_wait3A_619 = arith.constant 0 : i32
        %dma_wait3A_620 = tpu.memref_slice %arg8[%select_n3A_530, %dma_wait3A_618, %dma_wait3A_619] : memref<4x128x64xf32, #tpu.memory_space<vmem>> -> memref<1x128x64xf32, #tpu.memory_space<vmem>>
        %dma_wait3A_621 = tpu.memref_squeeze %dma_wait3A_620 : memref<1x128x64xf32, #tpu.memory_space<vmem>> -> memref<128x64xf32, #tpu.memory_space<vmem>>
        %dma_wait3A_622 = arith.constant 0 : i32
        %dma_wait3A_623 = tpu.memref_slice %arg7[%sub3A_617, %dma_wait3A_622] : memref<40x128xi32, #tpu.memory_space<vmem>> -> memref<1x128xi32, #tpu.memory_space<vmem>>
        %dma_wait3A_624 = tpu.memref_squeeze %dma_wait3A_623 : memref<1x128xi32, #tpu.memory_space<vmem>> -> memref<128xi32, #tpu.memory_space<vmem>>
        %dma_wait3A_625 = arith.constant 0 : i32
        %dma_wait3A_626 = arith.constant 0 : i32
        %dma_wait3A_627 = tpu.memref_slice %arg10[%dma_wait3A_625, %dma_wait3A_626] : memref<10240x64xf32, #tpu.memory_space<vmem_shared>> -> memref<10240x64xf32, #tpu.memory_space<vmem_shared>>
        %dma_wait3A_628 = tpu.memref_slice %arg12[%select_n3A_530] : memref<4x!tpu.dma_semaphore, #tpu.memory_space<semaphore_mem>> -> memref<1x!tpu.dma_semaphore, #tpu.memory_space<semaphore_mem>>
        %dma_wait3A_629 = tpu.memref_squeeze %dma_wait3A_628 : memref<1x!tpu.dma_semaphore, #tpu.memory_space<semaphore_mem>> -> memref<!tpu.dma_semaphore, #tpu.memory_space<semaphore_mem>>
        tpu.wait_indirect_dma semaphore(%dma_wait3A_629 : memref<!tpu.dma_semaphore, #tpu.memory_space<semaphore_mem>>) src(%dma_wait3A_621 : memref<128x64xf32, #tpu.memory_space<vmem>>) dst(%dma_wait3A_627 : memref<10240x64xf32, #tpu.memory_space<vmem_shared>>)
      } else {
      }
      %add3A_536 = arith.constant 2 : i32
      %add3A_537 = arith.addi %add3A_472, %add3A_536 : i32
      %lt3A_538 = arith.constant 40 : i32
      %lt3A_539 = arith.cmpi slt, %add3A_537, %lt3A_538 : i32
      %convert_element_type3A_540 = arith.extui %lt3A_539 : i1 to i32
      %cond3A_541 = arith.constant 0 : i32
      %cond3A_542 = arith.cmpi ne, %convert_element_type3A_540, %cond3A_541 : i32
      scf.if %cond3A_542 {
        %add3A_617 = arith.constant 2 : i32
        %add3A_618 = arith.addi %add3A_472, %add3A_617 : i32
        %dma_start3A_619 = arith.constant 0 : i32
        %dma_start3A_620 = arith.constant 0 : i32
        %dma_start3A_621 = tpu.memref_slice %arg8[%select_n3A_530, %dma_start3A_619, %dma_start3A_620] : memref<4x128x64xf32, #tpu.memory_space<vmem>> -> memref<1x128x64xf32, #tpu.memory_space<vmem>>
        %dma_start3A_622 = tpu.memref_squeeze %dma_start3A_621 : memref<1x128x64xf32, #tpu.memory_space<vmem>> -> memref<128x64xf32, #tpu.memory_space<vmem>>
        %dma_start3A_623 = arith.constant 0 : i32
        %dma_start3A_624 = tpu.memref_slice %arg6[%add3A_618, %dma_start3A_623] : memref<40x128xi32, #tpu.memory_space<vmem>> -> memref<1x128xi32, #tpu.memory_space<vmem>>
        %dma_start3A_625 = tpu.memref_squeeze %dma_start3A_624 : memref<1x128xi32, #tpu.memory_space<vmem>> -> memref<128xi32, #tpu.memory_space<vmem>>
        %dma_start3A_626 = arith.constant 0 : i32
        %dma_start3A_627 = arith.constant 0 : i32
        %dma_start3A_628 = tpu.memref_slice %arg9[%dma_start3A_626, %dma_start3A_627] : memref<10240x64xf32, #tpu.memory_space<vmem_shared>> -> memref<10240x64xf32, #tpu.memory_space<vmem_shared>>
        %dma_start3A_629 = tpu.memref_slice %arg11[%select_n3A_530] : memref<4x!tpu.dma_semaphore, #tpu.memory_space<semaphore_mem>> -> memref<1x!tpu.dma_semaphore, #tpu.memory_space<semaphore_mem>>
        %dma_start3A_630 = tpu.memref_squeeze %dma_start3A_629 : memref<1x!tpu.dma_semaphore, #tpu.memory_space<semaphore_mem>> -> memref<!tpu.dma_semaphore, #tpu.memory_space<semaphore_mem>>
        tpu.enqueue_indirect_dma source(%dma_start3A_628 : memref<10240x64xf32, #tpu.memory_space<vmem_shared>>) target(%dma_start3A_622 : memref<128x64xf32, #tpu.memory_space<vmem>>) offsets(%dma_start3A_625 : memref<128xi32, #tpu.memory_space<vmem>>) semaphore(%dma_start3A_630 : memref<!tpu.dma_semaphore, #tpu.memory_space<semaphore_mem>>)
      } else {
      }
      %mul3A_543 = arith.constant 4 : i32
      %mul3A_544 = arith.muli %scan3A_326, %mul3A_543 : i32
      %add3A_545 = arith.constant 3 : i32
      %add3A_546 = arith.addi %mul3A_544, %add3A_545 : i32
      %jit3A_547 = arith.constant 4 : i32
      %eq3A_548 = arith.constant 0 : i32
      %eq3A_549 = arith.cmpi eq, %jit3A_547, %eq3A_548 : i32
      %jit3A_550 = arith.constant 1 : i32
      %select_n3A_551 = arith.select %eq3A_549, %jit3A_550, %jit3A_547 : i32
      %rem3A_552 = arith.remsi %add3A_546, %select_n3A_551 : i32
      %ne3A_553 = arith.constant 0 : i32
      %ne3A_554 = arith.cmpi ne, %rem3A_552, %ne3A_553 : i32
      %lt3A_555 = arith.constant 0 : i32
      %lt3A_556 = arith.cmpi slt, %rem3A_552, %lt3A_555 : i32
      %lt3A_557 = arith.constant 0 : i32
      %lt3A_558 = arith.cmpi slt, %select_n3A_551, %lt3A_557 : i32
      %ne3A_559 = arith.xori %lt3A_556, %lt3A_558 : i1
      %and3A_560 = arith.andi %ne3A_559, %ne3A_554 : i1
      %add3A_561 = arith.addi %rem3A_552, %select_n3A_551 : i32
      %select_n3A_562 = arith.select %and3A_560, %add3A_561, %rem3A_552 : i32
      %dma_wait3A_563 = arith.constant 0 : i32
      %dma_wait3A_564 = arith.constant 0 : i32
      %dma_wait3A_565 = tpu.memref_slice %arg8[%select_n3A_562, %dma_wait3A_563, %dma_wait3A_564] : memref<4x128x64xf32, #tpu.memory_space<vmem>> -> memref<1x128x64xf32, #tpu.memory_space<vmem>>
      %dma_wait3A_566 = tpu.memref_squeeze %dma_wait3A_565 : memref<1x128x64xf32, #tpu.memory_space<vmem>> -> memref<128x64xf32, #tpu.memory_space<vmem>>
      %dma_wait3A_567 = arith.constant 0 : i32
      %dma_wait3A_568 = tpu.memref_slice %arg6[%add3A_546, %dma_wait3A_567] : memref<40x128xi32, #tpu.memory_space<vmem>> -> memref<1x128xi32, #tpu.memory_space<vmem>>
      %dma_wait3A_569 = tpu.memref_squeeze %dma_wait3A_568 : memref<1x128xi32, #tpu.memory_space<vmem>> -> memref<128xi32, #tpu.memory_space<vmem>>
      %dma_wait3A_570 = arith.constant 0 : i32
      %dma_wait3A_571 = arith.constant 0 : i32
      %dma_wait3A_572 = tpu.memref_slice %arg9[%dma_wait3A_570, %dma_wait3A_571] : memref<10240x64xf32, #tpu.memory_space<vmem_shared>> -> memref<10240x64xf32, #tpu.memory_space<vmem_shared>>
      %dma_wait3A_573 = tpu.memref_slice %arg11[%select_n3A_562] : memref<4x!tpu.dma_semaphore, #tpu.memory_space<semaphore_mem>> -> memref<1x!tpu.dma_semaphore, #tpu.memory_space<semaphore_mem>>
      %dma_wait3A_574 = tpu.memref_squeeze %dma_wait3A_573 : memref<1x!tpu.dma_semaphore, #tpu.memory_space<semaphore_mem>> -> memref<!tpu.dma_semaphore, #tpu.memory_space<semaphore_mem>>
      tpu.wait_indirect_dma semaphore(%dma_wait3A_574 : memref<!tpu.dma_semaphore, #tpu.memory_space<semaphore_mem>>) src(%dma_wait3A_572 : memref<10240x64xf32, #tpu.memory_space<vmem_shared>>) dst(%dma_wait3A_566 : memref<128x64xf32, #tpu.memory_space<vmem>>)
      %dma_start3A_575 = arith.constant 0 : i32
      %dma_start3A_576 = arith.constant 0 : i32
      %dma_start3A_577 = tpu.memref_slice %arg8[%select_n3A_562, %dma_start3A_575, %dma_start3A_576] : memref<4x128x64xf32, #tpu.memory_space<vmem>> -> memref<1x128x64xf32, #tpu.memory_space<vmem>>
      %dma_start3A_578 = tpu.memref_squeeze %dma_start3A_577 : memref<1x128x64xf32, #tpu.memory_space<vmem>> -> memref<128x64xf32, #tpu.memory_space<vmem>>
      %dma_start3A_579 = arith.constant 0 : i32
      %dma_start3A_580 = tpu.memref_slice %arg7[%add3A_546, %dma_start3A_579] : memref<40x128xi32, #tpu.memory_space<vmem>> -> memref<1x128xi32, #tpu.memory_space<vmem>>
      %dma_start3A_581 = tpu.memref_squeeze %dma_start3A_580 : memref<1x128xi32, #tpu.memory_space<vmem>> -> memref<128xi32, #tpu.memory_space<vmem>>
      %dma_start3A_582 = arith.constant 0 : i32
      %dma_start3A_583 = arith.constant 0 : i32
      %dma_start3A_584 = tpu.memref_slice %arg10[%dma_start3A_582, %dma_start3A_583] : memref<10240x64xf32, #tpu.memory_space<vmem_shared>> -> memref<10240x64xf32, #tpu.memory_space<vmem_shared>>
      %dma_start3A_585 = tpu.memref_slice %arg12[%select_n3A_562] : memref<4x!tpu.dma_semaphore, #tpu.memory_space<semaphore_mem>> -> memref<1x!tpu.dma_semaphore, #tpu.memory_space<semaphore_mem>>
      %dma_start3A_586 = tpu.memref_squeeze %dma_start3A_585 : memref<1x!tpu.dma_semaphore, #tpu.memory_space<semaphore_mem>> -> memref<!tpu.dma_semaphore, #tpu.memory_space<semaphore_mem>>
      tpu.enqueue_indirect_dma source(%dma_start3A_578 : memref<128x64xf32, #tpu.memory_space<vmem>>) target(%dma_start3A_584 : memref<10240x64xf32, #tpu.memory_space<vmem_shared>>) offsets(%dma_start3A_581 : memref<128xi32, #tpu.memory_space<vmem>>) semaphore(%dma_start3A_586 : memref<!tpu.dma_semaphore, #tpu.memory_space<semaphore_mem>>) {add = true}
      %add3A_587 = arith.constant 2 : i32
      %add3A_588 = arith.addi %add3A_546, %add3A_587 : i32
      %jit3A_589 = arith.constant 4 : i32
      %eq3A_590 = arith.constant 0 : i32
      %eq3A_591 = arith.cmpi eq, %jit3A_589, %eq3A_590 : i32
      %jit3A_592 = arith.constant 1 : i32
      %select_n3A_593 = arith.select %eq3A_591, %jit3A_592, %jit3A_589 : i32
      %rem3A_594 = arith.remsi %add3A_588, %select_n3A_593 : i32
      %ne3A_595 = arith.constant 0 : i32
      %ne3A_596 = arith.cmpi ne, %rem3A_594, %ne3A_595 : i32
      %lt3A_597 = arith.constant 0 : i32
      %lt3A_598 = arith.cmpi slt, %rem3A_594, %lt3A_597 : i32
      %lt3A_599 = arith.constant 0 : i32
      %lt3A_600 = arith.cmpi slt, %select_n3A_593, %lt3A_599 : i32
      %ne3A_601 = arith.xori %lt3A_598, %lt3A_600 : i1
      %and3A_602 = arith.andi %ne3A_601, %ne3A_596 : i1
      %add3A_603 = arith.addi %rem3A_594, %select_n3A_593 : i32
      %select_n3A_604 = arith.select %and3A_602, %add3A_603, %rem3A_594 : i32
      %ge3A_605 = arith.constant 2 : i32
      %ge3A_606 = arith.cmpi sge, %add3A_546, %ge3A_605 : i32
      %convert_element_type3A_607 = arith.extui %ge3A_606 : i1 to i32
      %cond3A_608 = arith.constant 0 : i32
      %cond3A_609 = arith.cmpi ne, %convert_element_type3A_607, %cond3A_608 : i32
      scf.if %cond3A_609 {
        %sub3A = arith.constant 2 : i32
        %sub3A_617 = arith.subi %add3A_546, %sub3A : i32
        %dma_wait3A_618 = arith.constant 0 : i32
        %dma_wait3A_619 = arith.constant 0 : i32
        %dma_wait3A_620 = tpu.memref_slice %arg8[%select_n3A_604, %dma_wait3A_618, %dma_wait3A_619] : memref<4x128x64xf32, #tpu.memory_space<vmem>> -> memref<1x128x64xf32, #tpu.memory_space<vmem>>
        %dma_wait3A_621 = tpu.memref_squeeze %dma_wait3A_620 : memref<1x128x64xf32, #tpu.memory_space<vmem>> -> memref<128x64xf32, #tpu.memory_space<vmem>>
        %dma_wait3A_622 = arith.constant 0 : i32
        %dma_wait3A_623 = tpu.memref_slice %arg7[%sub3A_617, %dma_wait3A_622] : memref<40x128xi32, #tpu.memory_space<vmem>> -> memref<1x128xi32, #tpu.memory_space<vmem>>
        %dma_wait3A_624 = tpu.memref_squeeze %dma_wait3A_623 : memref<1x128xi32, #tpu.memory_space<vmem>> -> memref<128xi32, #tpu.memory_space<vmem>>
        %dma_wait3A_625 = arith.constant 0 : i32
        %dma_wait3A_626 = arith.constant 0 : i32
        %dma_wait3A_627 = tpu.memref_slice %arg10[%dma_wait3A_625, %dma_wait3A_626] : memref<10240x64xf32, #tpu.memory_space<vmem_shared>> -> memref<10240x64xf32, #tpu.memory_space<vmem_shared>>
        %dma_wait3A_628 = tpu.memref_slice %arg12[%select_n3A_604] : memref<4x!tpu.dma_semaphore, #tpu.memory_space<semaphore_mem>> -> memref<1x!tpu.dma_semaphore, #tpu.memory_space<semaphore_mem>>
        %dma_wait3A_629 = tpu.memref_squeeze %dma_wait3A_628 : memref<1x!tpu.dma_semaphore, #tpu.memory_space<semaphore_mem>> -> memref<!tpu.dma_semaphore, #tpu.memory_space<semaphore_mem>>
        tpu.wait_indirect_dma semaphore(%dma_wait3A_629 : memref<!tpu.dma_semaphore, #tpu.memory_space<semaphore_mem>>) src(%dma_wait3A_621 : memref<128x64xf32, #tpu.memory_space<vmem>>) dst(%dma_wait3A_627 : memref<10240x64xf32, #tpu.memory_space<vmem_shared>>)
      } else {
      }
      %add3A_610 = arith.constant 2 : i32
      %add3A_611 = arith.addi %add3A_546, %add3A_610 : i32
      %lt3A_612 = arith.constant 40 : i32
      %lt3A_613 = arith.cmpi slt, %add3A_611, %lt3A_612 : i32
      %convert_element_type3A_614 = arith.extui %lt3A_613 : i1 to i32
      %cond3A_615 = arith.constant 0 : i32
      %cond3A_616 = arith.cmpi ne, %convert_element_type3A_614, %cond3A_615 : i32
      scf.if %cond3A_616 {
        %add3A_617 = arith.constant 2 : i32
        %add3A_618 = arith.addi %add3A_546, %add3A_617 : i32
        %dma_start3A_619 = arith.constant 0 : i32
        %dma_start3A_620 = arith.constant 0 : i32
        %dma_start3A_621 = tpu.memref_slice %arg8[%select_n3A_604, %dma_start3A_619, %dma_start3A_620] : memref<4x128x64xf32, #tpu.memory_space<vmem>> -> memref<1x128x64xf32, #tpu.memory_space<vmem>>
        %dma_start3A_622 = tpu.memref_squeeze %dma_start3A_621 : memref<1x128x64xf32, #tpu.memory_space<vmem>> -> memref<128x64xf32, #tpu.memory_space<vmem>>
        %dma_start3A_623 = arith.constant 0 : i32
        %dma_start3A_624 = tpu.memref_slice %arg6[%add3A_618, %dma_start3A_623] : memref<40x128xi32, #tpu.memory_space<vmem>> -> memref<1x128xi32, #tpu.memory_space<vmem>>
        %dma_start3A_625 = tpu.memref_squeeze %dma_start3A_624 : memref<1x128xi32, #tpu.memory_space<vmem>> -> memref<128xi32, #tpu.memory_space<vmem>>
        %dma_start3A_626 = arith.constant 0 : i32
        %dma_start3A_627 = arith.constant 0 : i32
        %dma_start3A_628 = tpu.memref_slice %arg9[%dma_start3A_626, %dma_start3A_627] : memref<10240x64xf32, #tpu.memory_space<vmem_shared>> -> memref<10240x64xf32, #tpu.memory_space<vmem_shared>>
        %dma_start3A_629 = tpu.memref_slice %arg11[%select_n3A_604] : memref<4x!tpu.dma_semaphore, #tpu.memory_space<semaphore_mem>> -> memref<1x!tpu.dma_semaphore, #tpu.memory_space<semaphore_mem>>
        %dma_start3A_630 = tpu.memref_squeeze %dma_start3A_629 : memref<1x!tpu.dma_semaphore, #tpu.memory_space<semaphore_mem>> -> memref<!tpu.dma_semaphore, #tpu.memory_space<semaphore_mem>>
        tpu.enqueue_indirect_dma source(%dma_start3A_628 : memref<10240x64xf32, #tpu.memory_space<vmem_shared>>) target(%dma_start3A_622 : memref<128x64xf32, #tpu.memory_space<vmem>>) offsets(%dma_start3A_625 : memref<128xi32, #tpu.memory_space<vmem>>) semaphore(%dma_start3A_630 : memref<!tpu.dma_semaphore, #tpu.memory_space<semaphore_mem>>)
      } else {
      }
    }
    %scan3A_67 = arith.constant 10 : i32
    %dma_wait3A = arith.constant 2 : i32
    %dma_wait3A_68 = arith.constant 38 : i32
    %dma_wait3A_69 = arith.constant 2 : i32
    %dma_wait3A_70 = arith.constant 0 : i32
    %dma_wait3A_71 = arith.constant 0 : i32
    %dma_wait3A_72 = tpu.memref_slice %arg8[%dma_wait3A, %dma_wait3A_70, %dma_wait3A_71] : memref<4x128x64xf32, #tpu.memory_space<vmem>> -> memref<1x128x64xf32, #tpu.memory_space<vmem>>
    %dma_wait3A_73 = tpu.memref_squeeze %dma_wait3A_72 : memref<1x128x64xf32, #tpu.memory_space<vmem>> -> memref<128x64xf32, #tpu.memory_space<vmem>>
    %dma_wait3A_74 = arith.constant 0 : i32
    %dma_wait3A_75 = tpu.memref_slice %arg7[%dma_wait3A_68, %dma_wait3A_74] : memref<40x128xi32, #tpu.memory_space<vmem>> -> memref<1x128xi32, #tpu.memory_space<vmem>>
    %dma_wait3A_76 = tpu.memref_squeeze %dma_wait3A_75 : memref<1x128xi32, #tpu.memory_space<vmem>> -> memref<128xi32, #tpu.memory_space<vmem>>
    %dma_wait3A_77 = arith.constant 0 : i32
    %dma_wait3A_78 = arith.constant 0 : i32
    %dma_wait3A_79 = tpu.memref_slice %arg10[%dma_wait3A_77, %dma_wait3A_78] : memref<10240x64xf32, #tpu.memory_space<vmem_shared>> -> memref<10240x64xf32, #tpu.memory_space<vmem_shared>>
    %dma_wait3A_80 = tpu.memref_slice %arg12[%dma_wait3A_69] : memref<4x!tpu.dma_semaphore, #tpu.memory_space<semaphore_mem>> -> memref<1x!tpu.dma_semaphore, #tpu.memory_space<semaphore_mem>>
    %dma_wait3A_81 = tpu.memref_squeeze %dma_wait3A_80 : memref<1x!tpu.dma_semaphore, #tpu.memory_space<semaphore_mem>> -> memref<!tpu.dma_semaphore, #tpu.memory_space<semaphore_mem>>
    tpu.wait_indirect_dma semaphore(%dma_wait3A_81 : memref<!tpu.dma_semaphore, #tpu.memory_space<semaphore_mem>>) src(%dma_wait3A_73 : memref<128x64xf32, #tpu.memory_space<vmem>>) dst(%dma_wait3A_79 : memref<10240x64xf32, #tpu.memory_space<vmem_shared>>)
    %dma_wait3A_82 = arith.constant 3 : i32
    %dma_wait3A_83 = arith.constant 39 : i32
    %dma_wait3A_84 = arith.constant 3 : i32
    %dma_wait3A_85 = arith.constant 0 : i32
    %dma_wait3A_86 = arith.constant 0 : i32
    %dma_wait3A_87 = tpu.memref_slice %arg8[%dma_wait3A_82, %dma_wait3A_85, %dma_wait3A_86] : memref<4x128x64xf32, #tpu.memory_space<vmem>> -> memref<1x128x64xf32, #tpu.memory_space<vmem>>
    %dma_wait3A_88 = tpu.memref_squeeze %dma_wait3A_87 : memref<1x128x64xf32, #tpu.memory_space<vmem>> -> memref<128x64xf32, #tpu.memory_space<vmem>>
    %dma_wait3A_89 = arith.constant 0 : i32
    %dma_wait3A_90 = tpu.memref_slice %arg7[%dma_wait3A_83, %dma_wait3A_89] : memref<40x128xi32, #tpu.memory_space<vmem>> -> memref<1x128xi32, #tpu.memory_space<vmem>>
    %dma_wait3A_91 = tpu.memref_squeeze %dma_wait3A_90 : memref<1x128xi32, #tpu.memory_space<vmem>> -> memref<128xi32, #tpu.memory_space<vmem>>
    %dma_wait3A_92 = arith.constant 0 : i32
    %dma_wait3A_93 = arith.constant 0 : i32
    %dma_wait3A_94 = tpu.memref_slice %arg10[%dma_wait3A_92, %dma_wait3A_93] : memref<10240x64xf32, #tpu.memory_space<vmem_shared>> -> memref<10240x64xf32, #tpu.memory_space<vmem_shared>>
    %dma_wait3A_95 = tpu.memref_slice %arg12[%dma_wait3A_84] : memref<4x!tpu.dma_semaphore, #tpu.memory_space<semaphore_mem>> -> memref<1x!tpu.dma_semaphore, #tpu.memory_space<semaphore_mem>>
    %dma_wait3A_96 = tpu.memref_squeeze %dma_wait3A_95 : memref<1x!tpu.dma_semaphore, #tpu.memory_space<semaphore_mem>> -> memref<!tpu.dma_semaphore, #tpu.memory_space<semaphore_mem>>
    tpu.wait_indirect_dma semaphore(%dma_wait3A_96 : memref<!tpu.dma_semaphore, #tpu.memory_space<semaphore_mem>>) src(%dma_wait3A_88 : memref<128x64xf32, #tpu.memory_space<vmem>>) dst(%dma_wait3A_94 : memref<10240x64xf32, #tpu.memory_space<vmem_shared>>)
    %mul3A_97 = arith.constant 4 : i32
    %mul3A_98 = arith.muli %arg1, %mul3A_97 : i32
    %add3A_99 = arith.constant 1 : i32
    %add3A_100 = arith.addi %mul3A_98, %add3A_99 : i32
    "tpu.region"() ({
      %run_scoped3A_326 = tpu.sem_alloc : memref<!tpu.dma_semaphore, #tpu.memory_space<semaphore_mem>>
      %dma_start3A_327 = arith.constant 0 : i32
      %dma_start3A_328 = arith.constant 0 : i32
      %dma_start3A_329 = tpu.memref_slice %arg3[%add3A_100, %dma_start3A_327, %dma_start3A_328] : memref<64x40x128xi32, #tpu.memory_space<hbm>> -> memref<1x40x128xi32, #tpu.memory_space<hbm>>
      %dma_start3A_330 = tpu.memref_squeeze %dma_start3A_329 : memref<1x40x128xi32, #tpu.memory_space<hbm>> -> memref<40x128xi32, #tpu.memory_space<hbm>>
      %dma_start3A_331 = arith.constant 0 : i32
      %dma_start3A_332 = arith.constant 0 : i32
      %dma_start3A_333 = tpu.memref_slice %arg3[%add3A_100, %dma_start3A_331, %dma_start3A_332] : memref<64x40x128xi32, #tpu.memory_space<hbm>> -> memref<1x40x128xi32, #tpu.memory_space<hbm>>
      %dma_start3A_334 = tpu.memref_squeeze %dma_start3A_333 : memref<1x40x128xi32, #tpu.memory_space<hbm>> -> memref<40x128xi32, #tpu.memory_space<hbm>>
      tpu.enqueue_dma source(%dma_start3A_334 : memref<40x128xi32, #tpu.memory_space<hbm>>) target(%arg6 : memref<40x128xi32, #tpu.memory_space<vmem>>) target_semaphore(%run_scoped3A_326 : memref<!tpu.dma_semaphore, #tpu.memory_space<semaphore_mem>>)
      %dma_wait3A_335 = arith.constant 0 : i32
      %dma_wait3A_336 = arith.constant 0 : i32
      %dma_wait3A_337 = tpu.memref_slice %arg3[%add3A_100, %dma_wait3A_335, %dma_wait3A_336] : memref<64x40x128xi32, #tpu.memory_space<hbm>> -> memref<1x40x128xi32, #tpu.memory_space<hbm>>
      %dma_wait3A_338 = tpu.memref_squeeze %dma_wait3A_337 : memref<1x40x128xi32, #tpu.memory_space<hbm>> -> memref<40x128xi32, #tpu.memory_space<hbm>>
      %dma_wait3A_339 = arith.constant 0 : i32
      %dma_wait3A_340 = arith.constant 0 : i32
      %dma_wait3A_341 = tpu.memref_slice %arg3[%add3A_100, %dma_wait3A_339, %dma_wait3A_340] : memref<64x40x128xi32, #tpu.memory_space<hbm>> -> memref<1x40x128xi32, #tpu.memory_space<hbm>>
      %dma_wait3A_342 = tpu.memref_squeeze %dma_wait3A_341 : memref<1x40x128xi32, #tpu.memory_space<hbm>> -> memref<40x128xi32, #tpu.memory_space<hbm>>
      tpu.wait_dma2 semaphore(%run_scoped3A_326 : memref<!tpu.dma_semaphore, #tpu.memory_space<semaphore_mem>>) src(%dma_wait3A_342 : memref<40x128xi32, #tpu.memory_space<hbm>>) dst(%arg6 : memref<40x128xi32, #tpu.memory_space<vmem>>)
      tpu.yield
    }) : () -> ()
    %mul3A_101 = arith.constant 4 : i32
    %mul3A_102 = arith.muli %arg1, %mul3A_101 : i32
    %add3A_103 = arith.constant 1 : i32
    %add3A_104 = arith.addi %mul3A_102, %add3A_103 : i32
    "tpu.region"() ({
      %run_scoped3A_326 = tpu.sem_alloc : memref<!tpu.dma_semaphore, #tpu.memory_space<semaphore_mem>>
      %dma_start3A_327 = arith.constant 0 : i32
      %dma_start3A_328 = arith.constant 0 : i32
      %dma_start3A_329 = tpu.memref_slice %arg4[%add3A_104, %dma_start3A_327, %dma_start3A_328] : memref<64x40x128xi32, #tpu.memory_space<hbm>> -> memref<1x40x128xi32, #tpu.memory_space<hbm>>
      %dma_start3A_330 = tpu.memref_squeeze %dma_start3A_329 : memref<1x40x128xi32, #tpu.memory_space<hbm>> -> memref<40x128xi32, #tpu.memory_space<hbm>>
      %dma_start3A_331 = arith.constant 0 : i32
      %dma_start3A_332 = arith.constant 0 : i32
      %dma_start3A_333 = tpu.memref_slice %arg4[%add3A_104, %dma_start3A_331, %dma_start3A_332] : memref<64x40x128xi32, #tpu.memory_space<hbm>> -> memref<1x40x128xi32, #tpu.memory_space<hbm>>
      %dma_start3A_334 = tpu.memref_squeeze %dma_start3A_333 : memref<1x40x128xi32, #tpu.memory_space<hbm>> -> memref<40x128xi32, #tpu.memory_space<hbm>>
      tpu.enqueue_dma source(%dma_start3A_334 : memref<40x128xi32, #tpu.memory_space<hbm>>) target(%arg7 : memref<40x128xi32, #tpu.memory_space<vmem>>) target_semaphore(%run_scoped3A_326 : memref<!tpu.dma_semaphore, #tpu.memory_space<semaphore_mem>>)
      %dma_wait3A_335 = arith.constant 0 : i32
      %dma_wait3A_336 = arith.constant 0 : i32
      %dma_wait3A_337 = tpu.memref_slice %arg4[%add3A_104, %dma_wait3A_335, %dma_wait3A_336] : memref<64x40x128xi32, #tpu.memory_space<hbm>> -> memref<1x40x128xi32, #tpu.memory_space<hbm>>
      %dma_wait3A_338 = tpu.memref_squeeze %dma_wait3A_337 : memref<1x40x128xi32, #tpu.memory_space<hbm>> -> memref<40x128xi32, #tpu.memory_space<hbm>>
      %dma_wait3A_339 = arith.constant 0 : i32
      %dma_wait3A_340 = arith.constant 0 : i32
      %dma_wait3A_341 = tpu.memref_slice %arg4[%add3A_104, %dma_wait3A_339, %dma_wait3A_340] : memref<64x40x128xi32, #tpu.memory_space<hbm>> -> memref<1x40x128xi32, #tpu.memory_space<hbm>>
      %dma_wait3A_342 = tpu.memref_squeeze %dma_wait3A_341 : memref<1x40x128xi32, #tpu.memory_space<hbm>> -> memref<40x128xi32, #tpu.memory_space<hbm>>
      tpu.wait_dma2 semaphore(%run_scoped3A_326 : memref<!tpu.dma_semaphore, #tpu.memory_space<semaphore_mem>>) src(%dma_wait3A_342 : memref<40x128xi32, #tpu.memory_space<hbm>>) dst(%arg7 : memref<40x128xi32, #tpu.memory_space<vmem>>)
      tpu.yield
    }) : () -> ()
    %dma_start3A_105 = arith.constant 0 : i32
    %dma_start3A_106 = arith.constant 0 : i32
    %dma_start3A_107 = arith.constant 0 : i32
    %dma_start3A_108 = arith.constant 0 : i32
    %dma_start3A_109 = arith.constant 0 : i32
    %dma_start3A_110 = tpu.memref_slice %arg8[%dma_start3A_106, %dma_start3A_108, %dma_start3A_109] : memref<4x128x64xf32, #tpu.memory_space<vmem>> -> memref<1x128x64xf32, #tpu.memory_space<vmem>>
    %dma_start3A_111 = tpu.memref_squeeze %dma_start3A_110 : memref<1x128x64xf32, #tpu.memory_space<vmem>> -> memref<128x64xf32, #tpu.memory_space<vmem>>
    %dma_start3A_112 = arith.constant 0 : i32
    %dma_start3A_113 = tpu.memref_slice %arg6[%dma_start3A_105, %dma_start3A_112] : memref<40x128xi32, #tpu.memory_space<vmem>> -> memref<1x128xi32, #tpu.memory_space<vmem>>
    %dma_start3A_114 = tpu.memref_squeeze %dma_start3A_113 : memref<1x128xi32, #tpu.memory_space<vmem>> -> memref<128xi32, #tpu.memory_space<vmem>>
    %dma_start3A_115 = arith.constant 0 : i32
    %dma_start3A_116 = arith.constant 0 : i32
    %dma_start3A_117 = tpu.memref_slice %arg9[%dma_start3A_115, %dma_start3A_116] : memref<10240x64xf32, #tpu.memory_space<vmem_shared>> -> memref<10240x64xf32, #tpu.memory_space<vmem_shared>>
    %dma_start3A_118 = tpu.memref_slice %arg11[%dma_start3A_107] : memref<4x!tpu.dma_semaphore, #tpu.memory_space<semaphore_mem>> -> memref<1x!tpu.dma_semaphore, #tpu.memory_space<semaphore_mem>>
    %dma_start3A_119 = tpu.memref_squeeze %dma_start3A_118 : memref<1x!tpu.dma_semaphore, #tpu.memory_space<semaphore_mem>> -> memref<!tpu.dma_semaphore, #tpu.memory_space<semaphore_mem>>
    tpu.enqueue_indirect_dma source(%dma_start3A_117 : memref<10240x64xf32, #tpu.memory_space<vmem_shared>>) target(%dma_start3A_111 : memref<128x64xf32, #tpu.memory_space<vmem>>) offsets(%dma_start3A_114 : memref<128xi32, #tpu.memory_space<vmem>>) semaphore(%dma_start3A_119 : memref<!tpu.dma_semaphore, #tpu.memory_space<semaphore_mem>>)
    %dma_start3A_120 = arith.constant 1 : i32
    %dma_start3A_121 = arith.constant 1 : i32
    %dma_start3A_122 = arith.constant 1 : i32
    %dma_start3A_123 = arith.constant 0 : i32
    %dma_start3A_124 = arith.constant 0 : i32
    %dma_start3A_125 = tpu.memref_slice %arg8[%dma_start3A_121, %dma_start3A_123, %dma_start3A_124] : memref<4x128x64xf32, #tpu.memory_space<vmem>> -> memref<1x128x64xf32, #tpu.memory_space<vmem>>
    %dma_start3A_126 = tpu.memref_squeeze %dma_start3A_125 : memref<1x128x64xf32, #tpu.memory_space<vmem>> -> memref<128x64xf32, #tpu.memory_space<vmem>>
    %dma_start3A_127 = arith.constant 0 : i32
    %dma_start3A_128 = tpu.memref_slice %arg6[%dma_start3A_120, %dma_start3A_127] : memref<40x128xi32, #tpu.memory_space<vmem>> -> memref<1x128xi32, #tpu.memory_space<vmem>>
    %dma_start3A_129 = tpu.memref_squeeze %dma_start3A_128 : memref<1x128xi32, #tpu.memory_space<vmem>> -> memref<128xi32, #tpu.memory_space<vmem>>
    %dma_start3A_130 = arith.constant 0 : i32
    %dma_start3A_131 = arith.constant 0 : i32
    %dma_start3A_132 = tpu.memref_slice %arg9[%dma_start3A_130, %dma_start3A_131] : memref<10240x64xf32, #tpu.memory_space<vmem_shared>> -> memref<10240x64xf32, #tpu.memory_space<vmem_shared>>
    %dma_start3A_133 = tpu.memref_slice %arg11[%dma_start3A_122] : memref<4x!tpu.dma_semaphore, #tpu.memory_space<semaphore_mem>> -> memref<1x!tpu.dma_semaphore, #tpu.memory_space<semaphore_mem>>
    %dma_start3A_134 = tpu.memref_squeeze %dma_start3A_133 : memref<1x!tpu.dma_semaphore, #tpu.memory_space<semaphore_mem>> -> memref<!tpu.dma_semaphore, #tpu.memory_space<semaphore_mem>>
    tpu.enqueue_indirect_dma source(%dma_start3A_132 : memref<10240x64xf32, #tpu.memory_space<vmem_shared>>) target(%dma_start3A_126 : memref<128x64xf32, #tpu.memory_space<vmem>>) offsets(%dma_start3A_129 : memref<128xi32, #tpu.memory_space<vmem>>) semaphore(%dma_start3A_134 : memref<!tpu.dma_semaphore, #tpu.memory_space<semaphore_mem>>)
    %scan3A_135 = arith.constant 0 : i32
    %scan3A_136 = arith.constant 0 : i32
    %scan3A_137 = arith.constant 10 : i32
    %scan3A_138 = arith.addi %scan3A_136, %scan3A_137 : i32
    %scan3A_139 = arith.constant 1 : i32
    scf.for %scan3A_326 = %scan3A_136 to %scan3A_138 step %scan3A_139  : i32 {
      %mul3A_327 = arith.constant 4 : i32
      %mul3A_328 = arith.muli %scan3A_326, %mul3A_327 : i32
      %add3A_329 = arith.constant 0 : i32
      %add3A_330 = arith.addi %mul3A_328, %add3A_329 : i32
      %jit3A = arith.constant 4 : i32
      %eq3A_331 = arith.constant 0 : i32
      %eq3A_332 = arith.cmpi eq, %jit3A, %eq3A_331 : i32
      %jit3A_333 = arith.constant 1 : i32
      %select_n3A = arith.select %eq3A_332, %jit3A_333, %jit3A : i32
      %rem3A = arith.remsi %add3A_330, %select_n3A : i32
      %ne3A = arith.constant 0 : i32
      %ne3A_334 = arith.cmpi ne, %rem3A, %ne3A : i32
      %lt3A_335 = arith.constant 0 : i32
      %lt3A_336 = arith.cmpi slt, %rem3A, %lt3A_335 : i32
      %lt3A_337 = arith.constant 0 : i32
      %lt3A_338 = arith.cmpi slt, %select_n3A, %lt3A_337 : i32
      %ne3A_339 = arith.xori %lt3A_336, %lt3A_338 : i1
      %and3A = arith.andi %ne3A_339, %ne3A_334 : i1
      %add3A_340 = arith.addi %rem3A, %select_n3A : i32
      %select_n3A_341 = arith.select %and3A, %add3A_340, %rem3A : i32
      %dma_wait3A_342 = arith.constant 0 : i32
      %dma_wait3A_343 = arith.constant 0 : i32
      %dma_wait3A_344 = tpu.memref_slice %arg8[%select_n3A_341, %dma_wait3A_342, %dma_wait3A_343] : memref<4x128x64xf32, #tpu.memory_space<vmem>> -> memref<1x128x64xf32, #tpu.memory_space<vmem>>
      %dma_wait3A_345 = tpu.memref_squeeze %dma_wait3A_344 : memref<1x128x64xf32, #tpu.memory_space<vmem>> -> memref<128x64xf32, #tpu.memory_space<vmem>>
      %dma_wait3A_346 = arith.constant 0 : i32
      %dma_wait3A_347 = tpu.memref_slice %arg6[%add3A_330, %dma_wait3A_346] : memref<40x128xi32, #tpu.memory_space<vmem>> -> memref<1x128xi32, #tpu.memory_space<vmem>>
      %dma_wait3A_348 = tpu.memref_squeeze %dma_wait3A_347 : memref<1x128xi32, #tpu.memory_space<vmem>> -> memref<128xi32, #tpu.memory_space<vmem>>
      %dma_wait3A_349 = arith.constant 0 : i32
      %dma_wait3A_350 = arith.constant 0 : i32
      %dma_wait3A_351 = tpu.memref_slice %arg9[%dma_wait3A_349, %dma_wait3A_350] : memref<10240x64xf32, #tpu.memory_space<vmem_shared>> -> memref<10240x64xf32, #tpu.memory_space<vmem_shared>>
      %dma_wait3A_352 = tpu.memref_slice %arg11[%select_n3A_341] : memref<4x!tpu.dma_semaphore, #tpu.memory_space<semaphore_mem>> -> memref<1x!tpu.dma_semaphore, #tpu.memory_space<semaphore_mem>>
      %dma_wait3A_353 = tpu.memref_squeeze %dma_wait3A_352 : memref<1x!tpu.dma_semaphore, #tpu.memory_space<semaphore_mem>> -> memref<!tpu.dma_semaphore, #tpu.memory_space<semaphore_mem>>
      tpu.wait_indirect_dma semaphore(%dma_wait3A_353 : memref<!tpu.dma_semaphore, #tpu.memory_space<semaphore_mem>>) src(%dma_wait3A_351 : memref<10240x64xf32, #tpu.memory_space<vmem_shared>>) dst(%dma_wait3A_345 : memref<128x64xf32, #tpu.memory_space<vmem>>)
      %dma_start3A_354 = arith.constant 0 : i32
      %dma_start3A_355 = arith.constant 0 : i32
      %dma_start3A_356 = tpu.memref_slice %arg8[%select_n3A_341, %dma_start3A_354, %dma_start3A_355] : memref<4x128x64xf32, #tpu.memory_space<vmem>> -> memref<1x128x64xf32, #tpu.memory_space<vmem>>
      %dma_start3A_357 = tpu.memref_squeeze %dma_start3A_356 : memref<1x128x64xf32, #tpu.memory_space<vmem>> -> memref<128x64xf32, #tpu.memory_space<vmem>>
      %dma_start3A_358 = arith.constant 0 : i32
      %dma_start3A_359 = tpu.memref_slice %arg7[%add3A_330, %dma_start3A_358] : memref<40x128xi32, #tpu.memory_space<vmem>> -> memref<1x128xi32, #tpu.memory_space<vmem>>
      %dma_start3A_360 = tpu.memref_squeeze %dma_start3A_359 : memref<1x128xi32, #tpu.memory_space<vmem>> -> memref<128xi32, #tpu.memory_space<vmem>>
      %dma_start3A_361 = arith.constant 0 : i32
      %dma_start3A_362 = arith.constant 0 : i32
      %dma_start3A_363 = tpu.memref_slice %arg10[%dma_start3A_361, %dma_start3A_362] : memref<10240x64xf32, #tpu.memory_space<vmem_shared>> -> memref<10240x64xf32, #tpu.memory_space<vmem_shared>>
      %dma_start3A_364 = tpu.memref_slice %arg12[%select_n3A_341] : memref<4x!tpu.dma_semaphore, #tpu.memory_space<semaphore_mem>> -> memref<1x!tpu.dma_semaphore, #tpu.memory_space<semaphore_mem>>
      %dma_start3A_365 = tpu.memref_squeeze %dma_start3A_364 : memref<1x!tpu.dma_semaphore, #tpu.memory_space<semaphore_mem>> -> memref<!tpu.dma_semaphore, #tpu.memory_space<semaphore_mem>>
      tpu.enqueue_indirect_dma source(%dma_start3A_357 : memref<128x64xf32, #tpu.memory_space<vmem>>) target(%dma_start3A_363 : memref<10240x64xf32, #tpu.memory_space<vmem_shared>>) offsets(%dma_start3A_360 : memref<128xi32, #tpu.memory_space<vmem>>) semaphore(%dma_start3A_365 : memref<!tpu.dma_semaphore, #tpu.memory_space<semaphore_mem>>) {add = true}
      %add3A_366 = arith.constant 2 : i32
      %add3A_367 = arith.addi %add3A_330, %add3A_366 : i32
      %jit3A_368 = arith.constant 4 : i32
      %eq3A_369 = arith.constant 0 : i32
      %eq3A_370 = arith.cmpi eq, %jit3A_368, %eq3A_369 : i32
      %jit3A_371 = arith.constant 1 : i32
      %select_n3A_372 = arith.select %eq3A_370, %jit3A_371, %jit3A_368 : i32
      %rem3A_373 = arith.remsi %add3A_367, %select_n3A_372 : i32
      %ne3A_374 = arith.constant 0 : i32
      %ne3A_375 = arith.cmpi ne, %rem3A_373, %ne3A_374 : i32
      %lt3A_376 = arith.constant 0 : i32
      %lt3A_377 = arith.cmpi slt, %rem3A_373, %lt3A_376 : i32
      %lt3A_378 = arith.constant 0 : i32
      %lt3A_379 = arith.cmpi slt, %select_n3A_372, %lt3A_378 : i32
      %ne3A_380 = arith.xori %lt3A_377, %lt3A_379 : i1
      %and3A_381 = arith.andi %ne3A_380, %ne3A_375 : i1
      %add3A_382 = arith.addi %rem3A_373, %select_n3A_372 : i32
      %select_n3A_383 = arith.select %and3A_381, %add3A_382, %rem3A_373 : i32
      %ge3A = arith.constant 2 : i32
      %ge3A_384 = arith.cmpi sge, %add3A_330, %ge3A : i32
      %convert_element_type3A_385 = arith.extui %ge3A_384 : i1 to i32
      %cond3A_386 = arith.constant 0 : i32
      %cond3A_387 = arith.cmpi ne, %convert_element_type3A_385, %cond3A_386 : i32
      scf.if %cond3A_387 {
        %sub3A = arith.constant 2 : i32
        %sub3A_617 = arith.subi %add3A_330, %sub3A : i32
        %dma_wait3A_618 = arith.constant 0 : i32
        %dma_wait3A_619 = arith.constant 0 : i32
        %dma_wait3A_620 = tpu.memref_slice %arg8[%select_n3A_383, %dma_wait3A_618, %dma_wait3A_619] : memref<4x128x64xf32, #tpu.memory_space<vmem>> -> memref<1x128x64xf32, #tpu.memory_space<vmem>>
        %dma_wait3A_621 = tpu.memref_squeeze %dma_wait3A_620 : memref<1x128x64xf32, #tpu.memory_space<vmem>> -> memref<128x64xf32, #tpu.memory_space<vmem>>
        %dma_wait3A_622 = arith.constant 0 : i32
        %dma_wait3A_623 = tpu.memref_slice %arg7[%sub3A_617, %dma_wait3A_622] : memref<40x128xi32, #tpu.memory_space<vmem>> -> memref<1x128xi32, #tpu.memory_space<vmem>>
        %dma_wait3A_624 = tpu.memref_squeeze %dma_wait3A_623 : memref<1x128xi32, #tpu.memory_space<vmem>> -> memref<128xi32, #tpu.memory_space<vmem>>
        %dma_wait3A_625 = arith.constant 0 : i32
        %dma_wait3A_626 = arith.constant 0 : i32
        %dma_wait3A_627 = tpu.memref_slice %arg10[%dma_wait3A_625, %dma_wait3A_626] : memref<10240x64xf32, #tpu.memory_space<vmem_shared>> -> memref<10240x64xf32, #tpu.memory_space<vmem_shared>>
        %dma_wait3A_628 = tpu.memref_slice %arg12[%select_n3A_383] : memref<4x!tpu.dma_semaphore, #tpu.memory_space<semaphore_mem>> -> memref<1x!tpu.dma_semaphore, #tpu.memory_space<semaphore_mem>>
        %dma_wait3A_629 = tpu.memref_squeeze %dma_wait3A_628 : memref<1x!tpu.dma_semaphore, #tpu.memory_space<semaphore_mem>> -> memref<!tpu.dma_semaphore, #tpu.memory_space<semaphore_mem>>
        tpu.wait_indirect_dma semaphore(%dma_wait3A_629 : memref<!tpu.dma_semaphore, #tpu.memory_space<semaphore_mem>>) src(%dma_wait3A_621 : memref<128x64xf32, #tpu.memory_space<vmem>>) dst(%dma_wait3A_627 : memref<10240x64xf32, #tpu.memory_space<vmem_shared>>)
      } else {
      }
      %add3A_388 = arith.constant 2 : i32
      %add3A_389 = arith.addi %add3A_330, %add3A_388 : i32
      %lt3A_390 = arith.constant 40 : i32
      %lt3A_391 = arith.cmpi slt, %add3A_389, %lt3A_390 : i32
      %convert_element_type3A_392 = arith.extui %lt3A_391 : i1 to i32
      %cond3A_393 = arith.constant 0 : i32
      %cond3A_394 = arith.cmpi ne, %convert_element_type3A_392, %cond3A_393 : i32
      scf.if %cond3A_394 {
        %add3A_617 = arith.constant 2 : i32
        %add3A_618 = arith.addi %add3A_330, %add3A_617 : i32
        %dma_start3A_619 = arith.constant 0 : i32
        %dma_start3A_620 = arith.constant 0 : i32
        %dma_start3A_621 = tpu.memref_slice %arg8[%select_n3A_383, %dma_start3A_619, %dma_start3A_620] : memref<4x128x64xf32, #tpu.memory_space<vmem>> -> memref<1x128x64xf32, #tpu.memory_space<vmem>>
        %dma_start3A_622 = tpu.memref_squeeze %dma_start3A_621 : memref<1x128x64xf32, #tpu.memory_space<vmem>> -> memref<128x64xf32, #tpu.memory_space<vmem>>
        %dma_start3A_623 = arith.constant 0 : i32
        %dma_start3A_624 = tpu.memref_slice %arg6[%add3A_618, %dma_start3A_623] : memref<40x128xi32, #tpu.memory_space<vmem>> -> memref<1x128xi32, #tpu.memory_space<vmem>>
        %dma_start3A_625 = tpu.memref_squeeze %dma_start3A_624 : memref<1x128xi32, #tpu.memory_space<vmem>> -> memref<128xi32, #tpu.memory_space<vmem>>
        %dma_start3A_626 = arith.constant 0 : i32
        %dma_start3A_627 = arith.constant 0 : i32
        %dma_start3A_628 = tpu.memref_slice %arg9[%dma_start3A_626, %dma_start3A_627] : memref<10240x64xf32, #tpu.memory_space<vmem_shared>> -> memref<10240x64xf32, #tpu.memory_space<vmem_shared>>
        %dma_start3A_629 = tpu.memref_slice %arg11[%select_n3A_383] : memref<4x!tpu.dma_semaphore, #tpu.memory_space<semaphore_mem>> -> memref<1x!tpu.dma_semaphore, #tpu.memory_space<semaphore_mem>>
        %dma_start3A_630 = tpu.memref_squeeze %dma_start3A_629 : memref<1x!tpu.dma_semaphore, #tpu.memory_space<semaphore_mem>> -> memref<!tpu.dma_semaphore, #tpu.memory_space<semaphore_mem>>
        tpu.enqueue_indirect_dma source(%dma_start3A_628 : memref<10240x64xf32, #tpu.memory_space<vmem_shared>>) target(%dma_start3A_622 : memref<128x64xf32, #tpu.memory_space<vmem>>) offsets(%dma_start3A_625 : memref<128xi32, #tpu.memory_space<vmem>>) semaphore(%dma_start3A_630 : memref<!tpu.dma_semaphore, #tpu.memory_space<semaphore_mem>>)
      } else {
      }
      %mul3A_395 = arith.constant 4 : i32
      %mul3A_396 = arith.muli %scan3A_326, %mul3A_395 : i32
      %add3A_397 = arith.constant 1 : i32
      %add3A_398 = arith.addi %mul3A_396, %add3A_397 : i32
      %jit3A_399 = arith.constant 4 : i32
      %eq3A_400 = arith.constant 0 : i32
      %eq3A_401 = arith.cmpi eq, %jit3A_399, %eq3A_400 : i32
      %jit3A_402 = arith.constant 1 : i32
      %select_n3A_403 = arith.select %eq3A_401, %jit3A_402, %jit3A_399 : i32
      %rem3A_404 = arith.remsi %add3A_398, %select_n3A_403 : i32
      %ne3A_405 = arith.constant 0 : i32
      %ne3A_406 = arith.cmpi ne, %rem3A_404, %ne3A_405 : i32
      %lt3A_407 = arith.constant 0 : i32
      %lt3A_408 = arith.cmpi slt, %rem3A_404, %lt3A_407 : i32
      %lt3A_409 = arith.constant 0 : i32
      %lt3A_410 = arith.cmpi slt, %select_n3A_403, %lt3A_409 : i32
      %ne3A_411 = arith.xori %lt3A_408, %lt3A_410 : i1
      %and3A_412 = arith.andi %ne3A_411, %ne3A_406 : i1
      %add3A_413 = arith.addi %rem3A_404, %select_n3A_403 : i32
      %select_n3A_414 = arith.select %and3A_412, %add3A_413, %rem3A_404 : i32
      %dma_wait3A_415 = arith.constant 0 : i32
      %dma_wait3A_416 = arith.constant 0 : i32
      %dma_wait3A_417 = tpu.memref_slice %arg8[%select_n3A_414, %dma_wait3A_415, %dma_wait3A_416] : memref<4x128x64xf32, #tpu.memory_space<vmem>> -> memref<1x128x64xf32, #tpu.memory_space<vmem>>
      %dma_wait3A_418 = tpu.memref_squeeze %dma_wait3A_417 : memref<1x128x64xf32, #tpu.memory_space<vmem>> -> memref<128x64xf32, #tpu.memory_space<vmem>>
      %dma_wait3A_419 = arith.constant 0 : i32
      %dma_wait3A_420 = tpu.memref_slice %arg6[%add3A_398, %dma_wait3A_419] : memref<40x128xi32, #tpu.memory_space<vmem>> -> memref<1x128xi32, #tpu.memory_space<vmem>>
      %dma_wait3A_421 = tpu.memref_squeeze %dma_wait3A_420 : memref<1x128xi32, #tpu.memory_space<vmem>> -> memref<128xi32, #tpu.memory_space<vmem>>
      %dma_wait3A_422 = arith.constant 0 : i32
      %dma_wait3A_423 = arith.constant 0 : i32
      %dma_wait3A_424 = tpu.memref_slice %arg9[%dma_wait3A_422, %dma_wait3A_423] : memref<10240x64xf32, #tpu.memory_space<vmem_shared>> -> memref<10240x64xf32, #tpu.memory_space<vmem_shared>>
      %dma_wait3A_425 = tpu.memref_slice %arg11[%select_n3A_414] : memref<4x!tpu.dma_semaphore, #tpu.memory_space<semaphore_mem>> -> memref<1x!tpu.dma_semaphore, #tpu.memory_space<semaphore_mem>>
      %dma_wait3A_426 = tpu.memref_squeeze %dma_wait3A_425 : memref<1x!tpu.dma_semaphore, #tpu.memory_space<semaphore_mem>> -> memref<!tpu.dma_semaphore, #tpu.memory_space<semaphore_mem>>
      tpu.wait_indirect_dma semaphore(%dma_wait3A_426 : memref<!tpu.dma_semaphore, #tpu.memory_space<semaphore_mem>>) src(%dma_wait3A_424 : memref<10240x64xf32, #tpu.memory_space<vmem_shared>>) dst(%dma_wait3A_418 : memref<128x64xf32, #tpu.memory_space<vmem>>)
      %dma_start3A_427 = arith.constant 0 : i32
      %dma_start3A_428 = arith.constant 0 : i32
      %dma_start3A_429 = tpu.memref_slice %arg8[%select_n3A_414, %dma_start3A_427, %dma_start3A_428] : memref<4x128x64xf32, #tpu.memory_space<vmem>> -> memref<1x128x64xf32, #tpu.memory_space<vmem>>
      %dma_start3A_430 = tpu.memref_squeeze %dma_start3A_429 : memref<1x128x64xf32, #tpu.memory_space<vmem>> -> memref<128x64xf32, #tpu.memory_space<vmem>>
      %dma_start3A_431 = arith.constant 0 : i32
      %dma_start3A_432 = tpu.memref_slice %arg7[%add3A_398, %dma_start3A_431] : memref<40x128xi32, #tpu.memory_space<vmem>> -> memref<1x128xi32, #tpu.memory_space<vmem>>
      %dma_start3A_433 = tpu.memref_squeeze %dma_start3A_432 : memref<1x128xi32, #tpu.memory_space<vmem>> -> memref<128xi32, #tpu.memory_space<vmem>>
      %dma_start3A_434 = arith.constant 0 : i32
      %dma_start3A_435 = arith.constant 0 : i32
      %dma_start3A_436 = tpu.memref_slice %arg10[%dma_start3A_434, %dma_start3A_435] : memref<10240x64xf32, #tpu.memory_space<vmem_shared>> -> memref<10240x64xf32, #tpu.memory_space<vmem_shared>>
      %dma_start3A_437 = tpu.memref_slice %arg12[%select_n3A_414] : memref<4x!tpu.dma_semaphore, #tpu.memory_space<semaphore_mem>> -> memref<1x!tpu.dma_semaphore, #tpu.memory_space<semaphore_mem>>
      %dma_start3A_438 = tpu.memref_squeeze %dma_start3A_437 : memref<1x!tpu.dma_semaphore, #tpu.memory_space<semaphore_mem>> -> memref<!tpu.dma_semaphore, #tpu.memory_space<semaphore_mem>>
      tpu.enqueue_indirect_dma source(%dma_start3A_430 : memref<128x64xf32, #tpu.memory_space<vmem>>) target(%dma_start3A_436 : memref<10240x64xf32, #tpu.memory_space<vmem_shared>>) offsets(%dma_start3A_433 : memref<128xi32, #tpu.memory_space<vmem>>) semaphore(%dma_start3A_438 : memref<!tpu.dma_semaphore, #tpu.memory_space<semaphore_mem>>) {add = true}
      %add3A_439 = arith.constant 2 : i32
      %add3A_440 = arith.addi %add3A_398, %add3A_439 : i32
      %jit3A_441 = arith.constant 4 : i32
      %eq3A_442 = arith.constant 0 : i32
      %eq3A_443 = arith.cmpi eq, %jit3A_441, %eq3A_442 : i32
      %jit3A_444 = arith.constant 1 : i32
      %select_n3A_445 = arith.select %eq3A_443, %jit3A_444, %jit3A_441 : i32
      %rem3A_446 = arith.remsi %add3A_440, %select_n3A_445 : i32
      %ne3A_447 = arith.constant 0 : i32
      %ne3A_448 = arith.cmpi ne, %rem3A_446, %ne3A_447 : i32
      %lt3A_449 = arith.constant 0 : i32
      %lt3A_450 = arith.cmpi slt, %rem3A_446, %lt3A_449 : i32
      %lt3A_451 = arith.constant 0 : i32
      %lt3A_452 = arith.cmpi slt, %select_n3A_445, %lt3A_451 : i32
      %ne3A_453 = arith.xori %lt3A_450, %lt3A_452 : i1
      %and3A_454 = arith.andi %ne3A_453, %ne3A_448 : i1
      %add3A_455 = arith.addi %rem3A_446, %select_n3A_445 : i32
      %select_n3A_456 = arith.select %and3A_454, %add3A_455, %rem3A_446 : i32
      %ge3A_457 = arith.constant 2 : i32
      %ge3A_458 = arith.cmpi sge, %add3A_398, %ge3A_457 : i32
      %convert_element_type3A_459 = arith.extui %ge3A_458 : i1 to i32
      %cond3A_460 = arith.constant 0 : i32
      %cond3A_461 = arith.cmpi ne, %convert_element_type3A_459, %cond3A_460 : i32
      scf.if %cond3A_461 {
        %sub3A = arith.constant 2 : i32
        %sub3A_617 = arith.subi %add3A_398, %sub3A : i32
        %dma_wait3A_618 = arith.constant 0 : i32
        %dma_wait3A_619 = arith.constant 0 : i32
        %dma_wait3A_620 = tpu.memref_slice %arg8[%select_n3A_456, %dma_wait3A_618, %dma_wait3A_619] : memref<4x128x64xf32, #tpu.memory_space<vmem>> -> memref<1x128x64xf32, #tpu.memory_space<vmem>>
        %dma_wait3A_621 = tpu.memref_squeeze %dma_wait3A_620 : memref<1x128x64xf32, #tpu.memory_space<vmem>> -> memref<128x64xf32, #tpu.memory_space<vmem>>
        %dma_wait3A_622 = arith.constant 0 : i32
        %dma_wait3A_623 = tpu.memref_slice %arg7[%sub3A_617, %dma_wait3A_622] : memref<40x128xi32, #tpu.memory_space<vmem>> -> memref<1x128xi32, #tpu.memory_space<vmem>>
        %dma_wait3A_624 = tpu.memref_squeeze %dma_wait3A_623 : memref<1x128xi32, #tpu.memory_space<vmem>> -> memref<128xi32, #tpu.memory_space<vmem>>
        %dma_wait3A_625 = arith.constant 0 : i32
        %dma_wait3A_626 = arith.constant 0 : i32
        %dma_wait3A_627 = tpu.memref_slice %arg10[%dma_wait3A_625, %dma_wait3A_626] : memref<10240x64xf32, #tpu.memory_space<vmem_shared>> -> memref<10240x64xf32, #tpu.memory_space<vmem_shared>>
        %dma_wait3A_628 = tpu.memref_slice %arg12[%select_n3A_456] : memref<4x!tpu.dma_semaphore, #tpu.memory_space<semaphore_mem>> -> memref<1x!tpu.dma_semaphore, #tpu.memory_space<semaphore_mem>>
        %dma_wait3A_629 = tpu.memref_squeeze %dma_wait3A_628 : memref<1x!tpu.dma_semaphore, #tpu.memory_space<semaphore_mem>> -> memref<!tpu.dma_semaphore, #tpu.memory_space<semaphore_mem>>
        tpu.wait_indirect_dma semaphore(%dma_wait3A_629 : memref<!tpu.dma_semaphore, #tpu.memory_space<semaphore_mem>>) src(%dma_wait3A_621 : memref<128x64xf32, #tpu.memory_space<vmem>>) dst(%dma_wait3A_627 : memref<10240x64xf32, #tpu.memory_space<vmem_shared>>)
      } else {
      }
      %add3A_462 = arith.constant 2 : i32
      %add3A_463 = arith.addi %add3A_398, %add3A_462 : i32
      %lt3A_464 = arith.constant 40 : i32
      %lt3A_465 = arith.cmpi slt, %add3A_463, %lt3A_464 : i32
      %convert_element_type3A_466 = arith.extui %lt3A_465 : i1 to i32
      %cond3A_467 = arith.constant 0 : i32
      %cond3A_468 = arith.cmpi ne, %convert_element_type3A_466, %cond3A_467 : i32
      scf.if %cond3A_468 {
        %add3A_617 = arith.constant 2 : i32
        %add3A_618 = arith.addi %add3A_398, %add3A_617 : i32
        %dma_start3A_619 = arith.constant 0 : i32
        %dma_start3A_620 = arith.constant 0 : i32
        %dma_start3A_621 = tpu.memref_slice %arg8[%select_n3A_456, %dma_start3A_619, %dma_start3A_620] : memref<4x128x64xf32, #tpu.memory_space<vmem>> -> memref<1x128x64xf32, #tpu.memory_space<vmem>>
        %dma_start3A_622 = tpu.memref_squeeze %dma_start3A_621 : memref<1x128x64xf32, #tpu.memory_space<vmem>> -> memref<128x64xf32, #tpu.memory_space<vmem>>
        %dma_start3A_623 = arith.constant 0 : i32
        %dma_start3A_624 = tpu.memref_slice %arg6[%add3A_618, %dma_start3A_623] : memref<40x128xi32, #tpu.memory_space<vmem>> -> memref<1x128xi32, #tpu.memory_space<vmem>>
        %dma_start3A_625 = tpu.memref_squeeze %dma_start3A_624 : memref<1x128xi32, #tpu.memory_space<vmem>> -> memref<128xi32, #tpu.memory_space<vmem>>
        %dma_start3A_626 = arith.constant 0 : i32
        %dma_start3A_627 = arith.constant 0 : i32
        %dma_start3A_628 = tpu.memref_slice %arg9[%dma_start3A_626, %dma_start3A_627] : memref<10240x64xf32, #tpu.memory_space<vmem_shared>> -> memref<10240x64xf32, #tpu.memory_space<vmem_shared>>
        %dma_start3A_629 = tpu.memref_slice %arg11[%select_n3A_456] : memref<4x!tpu.dma_semaphore, #tpu.memory_space<semaphore_mem>> -> memref<1x!tpu.dma_semaphore, #tpu.memory_space<semaphore_mem>>
        %dma_start3A_630 = tpu.memref_squeeze %dma_start3A_629 : memref<1x!tpu.dma_semaphore, #tpu.memory_space<semaphore_mem>> -> memref<!tpu.dma_semaphore, #tpu.memory_space<semaphore_mem>>
        tpu.enqueue_indirect_dma source(%dma_start3A_628 : memref<10240x64xf32, #tpu.memory_space<vmem_shared>>) target(%dma_start3A_622 : memref<128x64xf32, #tpu.memory_space<vmem>>) offsets(%dma_start3A_625 : memref<128xi32, #tpu.memory_space<vmem>>) semaphore(%dma_start3A_630 : memref<!tpu.dma_semaphore, #tpu.memory_space<semaphore_mem>>)
      } else {
      }
      %mul3A_469 = arith.constant 4 : i32
      %mul3A_470 = arith.muli %scan3A_326, %mul3A_469 : i32
      %add3A_471 = arith.constant 2 : i32
      %add3A_472 = arith.addi %mul3A_470, %add3A_471 : i32
      %jit3A_473 = arith.constant 4 : i32
      %eq3A_474 = arith.constant 0 : i32
      %eq3A_475 = arith.cmpi eq, %jit3A_473, %eq3A_474 : i32
      %jit3A_476 = arith.constant 1 : i32
      %select_n3A_477 = arith.select %eq3A_475, %jit3A_476, %jit3A_473 : i32
      %rem3A_478 = arith.remsi %add3A_472, %select_n3A_477 : i32
      %ne3A_479 = arith.constant 0 : i32
      %ne3A_480 = arith.cmpi ne, %rem3A_478, %ne3A_479 : i32
      %lt3A_481 = arith.constant 0 : i32
      %lt3A_482 = arith.cmpi slt, %rem3A_478, %lt3A_481 : i32
      %lt3A_483 = arith.constant 0 : i32
      %lt3A_484 = arith.cmpi slt, %select_n3A_477, %lt3A_483 : i32
      %ne3A_485 = arith.xori %lt3A_482, %lt3A_484 : i1
      %and3A_486 = arith.andi %ne3A_485, %ne3A_480 : i1
      %add3A_487 = arith.addi %rem3A_478, %select_n3A_477 : i32
      %select_n3A_488 = arith.select %and3A_486, %add3A_487, %rem3A_478 : i32
      %dma_wait3A_489 = arith.constant 0 : i32
      %dma_wait3A_490 = arith.constant 0 : i32
      %dma_wait3A_491 = tpu.memref_slice %arg8[%select_n3A_488, %dma_wait3A_489, %dma_wait3A_490] : memref<4x128x64xf32, #tpu.memory_space<vmem>> -> memref<1x128x64xf32, #tpu.memory_space<vmem>>
      %dma_wait3A_492 = tpu.memref_squeeze %dma_wait3A_491 : memref<1x128x64xf32, #tpu.memory_space<vmem>> -> memref<128x64xf32, #tpu.memory_space<vmem>>
      %dma_wait3A_493 = arith.constant 0 : i32
      %dma_wait3A_494 = tpu.memref_slice %arg6[%add3A_472, %dma_wait3A_493] : memref<40x128xi32, #tpu.memory_space<vmem>> -> memref<1x128xi32, #tpu.memory_space<vmem>>
      %dma_wait3A_495 = tpu.memref_squeeze %dma_wait3A_494 : memref<1x128xi32, #tpu.memory_space<vmem>> -> memref<128xi32, #tpu.memory_space<vmem>>
      %dma_wait3A_496 = arith.constant 0 : i32
      %dma_wait3A_497 = arith.constant 0 : i32
      %dma_wait3A_498 = tpu.memref_slice %arg9[%dma_wait3A_496, %dma_wait3A_497] : memref<10240x64xf32, #tpu.memory_space<vmem_shared>> -> memref<10240x64xf32, #tpu.memory_space<vmem_shared>>
      %dma_wait3A_499 = tpu.memref_slice %arg11[%select_n3A_488] : memref<4x!tpu.dma_semaphore, #tpu.memory_space<semaphore_mem>> -> memref<1x!tpu.dma_semaphore, #tpu.memory_space<semaphore_mem>>
      %dma_wait3A_500 = tpu.memref_squeeze %dma_wait3A_499 : memref<1x!tpu.dma_semaphore, #tpu.memory_space<semaphore_mem>> -> memref<!tpu.dma_semaphore, #tpu.memory_space<semaphore_mem>>
      tpu.wait_indirect_dma semaphore(%dma_wait3A_500 : memref<!tpu.dma_semaphore, #tpu.memory_space<semaphore_mem>>) src(%dma_wait3A_498 : memref<10240x64xf32, #tpu.memory_space<vmem_shared>>) dst(%dma_wait3A_492 : memref<128x64xf32, #tpu.memory_space<vmem>>)
      %dma_start3A_501 = arith.constant 0 : i32
      %dma_start3A_502 = arith.constant 0 : i32
      %dma_start3A_503 = tpu.memref_slice %arg8[%select_n3A_488, %dma_start3A_501, %dma_start3A_502] : memref<4x128x64xf32, #tpu.memory_space<vmem>> -> memref<1x128x64xf32, #tpu.memory_space<vmem>>
      %dma_start3A_504 = tpu.memref_squeeze %dma_start3A_503 : memref<1x128x64xf32, #tpu.memory_space<vmem>> -> memref<128x64xf32, #tpu.memory_space<vmem>>
      %dma_start3A_505 = arith.constant 0 : i32
      %dma_start3A_506 = tpu.memref_slice %arg7[%add3A_472, %dma_start3A_505] : memref<40x128xi32, #tpu.memory_space<vmem>> -> memref<1x128xi32, #tpu.memory_space<vmem>>
      %dma_start3A_507 = tpu.memref_squeeze %dma_start3A_506 : memref<1x128xi32, #tpu.memory_space<vmem>> -> memref<128xi32, #tpu.memory_space<vmem>>
      %dma_start3A_508 = arith.constant 0 : i32
      %dma_start3A_509 = arith.constant 0 : i32
      %dma_start3A_510 = tpu.memref_slice %arg10[%dma_start3A_508, %dma_start3A_509] : memref<10240x64xf32, #tpu.memory_space<vmem_shared>> -> memref<10240x64xf32, #tpu.memory_space<vmem_shared>>
      %dma_start3A_511 = tpu.memref_slice %arg12[%select_n3A_488] : memref<4x!tpu.dma_semaphore, #tpu.memory_space<semaphore_mem>> -> memref<1x!tpu.dma_semaphore, #tpu.memory_space<semaphore_mem>>
      %dma_start3A_512 = tpu.memref_squeeze %dma_start3A_511 : memref<1x!tpu.dma_semaphore, #tpu.memory_space<semaphore_mem>> -> memref<!tpu.dma_semaphore, #tpu.memory_space<semaphore_mem>>
      tpu.enqueue_indirect_dma source(%dma_start3A_504 : memref<128x64xf32, #tpu.memory_space<vmem>>) target(%dma_start3A_510 : memref<10240x64xf32, #tpu.memory_space<vmem_shared>>) offsets(%dma_start3A_507 : memref<128xi32, #tpu.memory_space<vmem>>) semaphore(%dma_start3A_512 : memref<!tpu.dma_semaphore, #tpu.memory_space<semaphore_mem>>) {add = true}
      %add3A_513 = arith.constant 2 : i32
      %add3A_514 = arith.addi %add3A_472, %add3A_513 : i32
      %jit3A_515 = arith.constant 4 : i32
      %eq3A_516 = arith.constant 0 : i32
      %eq3A_517 = arith.cmpi eq, %jit3A_515, %eq3A_516 : i32
      %jit3A_518 = arith.constant 1 : i32
      %select_n3A_519 = arith.select %eq3A_517, %jit3A_518, %jit3A_515 : i32
      %rem3A_520 = arith.remsi %add3A_514, %select_n3A_519 : i32
      %ne3A_521 = arith.constant 0 : i32
      %ne3A_522 = arith.cmpi ne, %rem3A_520, %ne3A_521 : i32
      %lt3A_523 = arith.constant 0 : i32
      %lt3A_524 = arith.cmpi slt, %rem3A_520, %lt3A_523 : i32
      %lt3A_525 = arith.constant 0 : i32
      %lt3A_526 = arith.cmpi slt, %select_n3A_519, %lt3A_525 : i32
      %ne3A_527 = arith.xori %lt3A_524, %lt3A_526 : i1
      %and3A_528 = arith.andi %ne3A_527, %ne3A_522 : i1
      %add3A_529 = arith.addi %rem3A_520, %select_n3A_519 : i32
      %select_n3A_530 = arith.select %and3A_528, %add3A_529, %rem3A_520 : i32
      %ge3A_531 = arith.constant 2 : i32
      %ge3A_532 = arith.cmpi sge, %add3A_472, %ge3A_531 : i32
      %convert_element_type3A_533 = arith.extui %ge3A_532 : i1 to i32
      %cond3A_534 = arith.constant 0 : i32
      %cond3A_535 = arith.cmpi ne, %convert_element_type3A_533, %cond3A_534 : i32
      scf.if %cond3A_535 {
        %sub3A = arith.constant 2 : i32
        %sub3A_617 = arith.subi %add3A_472, %sub3A : i32
        %dma_wait3A_618 = arith.constant 0 : i32
        %dma_wait3A_619 = arith.constant 0 : i32
        %dma_wait3A_620 = tpu.memref_slice %arg8[%select_n3A_530, %dma_wait3A_618, %dma_wait3A_619] : memref<4x128x64xf32, #tpu.memory_space<vmem>> -> memref<1x128x64xf32, #tpu.memory_space<vmem>>
        %dma_wait3A_621 = tpu.memref_squeeze %dma_wait3A_620 : memref<1x128x64xf32, #tpu.memory_space<vmem>> -> memref<128x64xf32, #tpu.memory_space<vmem>>
        %dma_wait3A_622 = arith.constant 0 : i32
        %dma_wait3A_623 = tpu.memref_slice %arg7[%sub3A_617, %dma_wait3A_622] : memref<40x128xi32, #tpu.memory_space<vmem>> -> memref<1x128xi32, #tpu.memory_space<vmem>>
        %dma_wait3A_624 = tpu.memref_squeeze %dma_wait3A_623 : memref<1x128xi32, #tpu.memory_space<vmem>> -> memref<128xi32, #tpu.memory_space<vmem>>
        %dma_wait3A_625 = arith.constant 0 : i32
        %dma_wait3A_626 = arith.constant 0 : i32
        %dma_wait3A_627 = tpu.memref_slice %arg10[%dma_wait3A_625, %dma_wait3A_626] : memref<10240x64xf32, #tpu.memory_space<vmem_shared>> -> memref<10240x64xf32, #tpu.memory_space<vmem_shared>>
        %dma_wait3A_628 = tpu.memref_slice %arg12[%select_n3A_530] : memref<4x!tpu.dma_semaphore, #tpu.memory_space<semaphore_mem>> -> memref<1x!tpu.dma_semaphore, #tpu.memory_space<semaphore_mem>>
        %dma_wait3A_629 = tpu.memref_squeeze %dma_wait3A_628 : memref<1x!tpu.dma_semaphore, #tpu.memory_space<semaphore_mem>> -> memref<!tpu.dma_semaphore, #tpu.memory_space<semaphore_mem>>
        tpu.wait_indirect_dma semaphore(%dma_wait3A_629 : memref<!tpu.dma_semaphore, #tpu.memory_space<semaphore_mem>>) src(%dma_wait3A_621 : memref<128x64xf32, #tpu.memory_space<vmem>>) dst(%dma_wait3A_627 : memref<10240x64xf32, #tpu.memory_space<vmem_shared>>)
      } else {
      }
      %add3A_536 = arith.constant 2 : i32
      %add3A_537 = arith.addi %add3A_472, %add3A_536 : i32
      %lt3A_538 = arith.constant 40 : i32
      %lt3A_539 = arith.cmpi slt, %add3A_537, %lt3A_538 : i32
      %convert_element_type3A_540 = arith.extui %lt3A_539 : i1 to i32
      %cond3A_541 = arith.constant 0 : i32
      %cond3A_542 = arith.cmpi ne, %convert_element_type3A_540, %cond3A_541 : i32
      scf.if %cond3A_542 {
        %add3A_617 = arith.constant 2 : i32
        %add3A_618 = arith.addi %add3A_472, %add3A_617 : i32
        %dma_start3A_619 = arith.constant 0 : i32
        %dma_start3A_620 = arith.constant 0 : i32
        %dma_start3A_621 = tpu.memref_slice %arg8[%select_n3A_530, %dma_start3A_619, %dma_start3A_620] : memref<4x128x64xf32, #tpu.memory_space<vmem>> -> memref<1x128x64xf32, #tpu.memory_space<vmem>>
        %dma_start3A_622 = tpu.memref_squeeze %dma_start3A_621 : memref<1x128x64xf32, #tpu.memory_space<vmem>> -> memref<128x64xf32, #tpu.memory_space<vmem>>
        %dma_start3A_623 = arith.constant 0 : i32
        %dma_start3A_624 = tpu.memref_slice %arg6[%add3A_618, %dma_start3A_623] : memref<40x128xi32, #tpu.memory_space<vmem>> -> memref<1x128xi32, #tpu.memory_space<vmem>>
        %dma_start3A_625 = tpu.memref_squeeze %dma_start3A_624 : memref<1x128xi32, #tpu.memory_space<vmem>> -> memref<128xi32, #tpu.memory_space<vmem>>
        %dma_start3A_626 = arith.constant 0 : i32
        %dma_start3A_627 = arith.constant 0 : i32
        %dma_start3A_628 = tpu.memref_slice %arg9[%dma_start3A_626, %dma_start3A_627] : memref<10240x64xf32, #tpu.memory_space<vmem_shared>> -> memref<10240x64xf32, #tpu.memory_space<vmem_shared>>
        %dma_start3A_629 = tpu.memref_slice %arg11[%select_n3A_530] : memref<4x!tpu.dma_semaphore, #tpu.memory_space<semaphore_mem>> -> memref<1x!tpu.dma_semaphore, #tpu.memory_space<semaphore_mem>>
        %dma_start3A_630 = tpu.memref_squeeze %dma_start3A_629 : memref<1x!tpu.dma_semaphore, #tpu.memory_space<semaphore_mem>> -> memref<!tpu.dma_semaphore, #tpu.memory_space<semaphore_mem>>
        tpu.enqueue_indirect_dma source(%dma_start3A_628 : memref<10240x64xf32, #tpu.memory_space<vmem_shared>>) target(%dma_start3A_622 : memref<128x64xf32, #tpu.memory_space<vmem>>) offsets(%dma_start3A_625 : memref<128xi32, #tpu.memory_space<vmem>>) semaphore(%dma_start3A_630 : memref<!tpu.dma_semaphore, #tpu.memory_space<semaphore_mem>>)
      } else {
      }
      %mul3A_543 = arith.constant 4 : i32
      %mul3A_544 = arith.muli %scan3A_326, %mul3A_543 : i32
      %add3A_545 = arith.constant 3 : i32
      %add3A_546 = arith.addi %mul3A_544, %add3A_545 : i32
      %jit3A_547 = arith.constant 4 : i32
      %eq3A_548 = arith.constant 0 : i32
      %eq3A_549 = arith.cmpi eq, %jit3A_547, %eq3A_548 : i32
      %jit3A_550 = arith.constant 1 : i32
      %select_n3A_551 = arith.select %eq3A_549, %jit3A_550, %jit3A_547 : i32
      %rem3A_552 = arith.remsi %add3A_546, %select_n3A_551 : i32
      %ne3A_553 = arith.constant 0 : i32
      %ne3A_554 = arith.cmpi ne, %rem3A_552, %ne3A_553 : i32
      %lt3A_555 = arith.constant 0 : i32
      %lt3A_556 = arith.cmpi slt, %rem3A_552, %lt3A_555 : i32
      %lt3A_557 = arith.constant 0 : i32
      %lt3A_558 = arith.cmpi slt, %select_n3A_551, %lt3A_557 : i32
      %ne3A_559 = arith.xori %lt3A_556, %lt3A_558 : i1
      %and3A_560 = arith.andi %ne3A_559, %ne3A_554 : i1
      %add3A_561 = arith.addi %rem3A_552, %select_n3A_551 : i32
      %select_n3A_562 = arith.select %and3A_560, %add3A_561, %rem3A_552 : i32
      %dma_wait3A_563 = arith.constant 0 : i32
      %dma_wait3A_564 = arith.constant 0 : i32
      %dma_wait3A_565 = tpu.memref_slice %arg8[%select_n3A_562, %dma_wait3A_563, %dma_wait3A_564] : memref<4x128x64xf32, #tpu.memory_space<vmem>> -> memref<1x128x64xf32, #tpu.memory_space<vmem>>
      %dma_wait3A_566 = tpu.memref_squeeze %dma_wait3A_565 : memref<1x128x64xf32, #tpu.memory_space<vmem>> -> memref<128x64xf32, #tpu.memory_space<vmem>>
      %dma_wait3A_567 = arith.constant 0 : i32
      %dma_wait3A_568 = tpu.memref_slice %arg6[%add3A_546, %dma_wait3A_567] : memref<40x128xi32, #tpu.memory_space<vmem>> -> memref<1x128xi32, #tpu.memory_space<vmem>>
      %dma_wait3A_569 = tpu.memref_squeeze %dma_wait3A_568 : memref<1x128xi32, #tpu.memory_space<vmem>> -> memref<128xi32, #tpu.memory_space<vmem>>
      %dma_wait3A_570 = arith.constant 0 : i32
      %dma_wait3A_571 = arith.constant 0 : i32
      %dma_wait3A_572 = tpu.memref_slice %arg9[%dma_wait3A_570, %dma_wait3A_571] : memref<10240x64xf32, #tpu.memory_space<vmem_shared>> -> memref<10240x64xf32, #tpu.memory_space<vmem_shared>>
      %dma_wait3A_573 = tpu.memref_slice %arg11[%select_n3A_562] : memref<4x!tpu.dma_semaphore, #tpu.memory_space<semaphore_mem>> -> memref<1x!tpu.dma_semaphore, #tpu.memory_space<semaphore_mem>>
      %dma_wait3A_574 = tpu.memref_squeeze %dma_wait3A_573 : memref<1x!tpu.dma_semaphore, #tpu.memory_space<semaphore_mem>> -> memref<!tpu.dma_semaphore, #tpu.memory_space<semaphore_mem>>
      tpu.wait_indirect_dma semaphore(%dma_wait3A_574 : memref<!tpu.dma_semaphore, #tpu.memory_space<semaphore_mem>>) src(%dma_wait3A_572 : memref<10240x64xf32, #tpu.memory_space<vmem_shared>>) dst(%dma_wait3A_566 : memref<128x64xf32, #tpu.memory_space<vmem>>)
      %dma_start3A_575 = arith.constant 0 : i32
      %dma_start3A_576 = arith.constant 0 : i32
      %dma_start3A_577 = tpu.memref_slice %arg8[%select_n3A_562, %dma_start3A_575, %dma_start3A_576] : memref<4x128x64xf32, #tpu.memory_space<vmem>> -> memref<1x128x64xf32, #tpu.memory_space<vmem>>
      %dma_start3A_578 = tpu.memref_squeeze %dma_start3A_577 : memref<1x128x64xf32, #tpu.memory_space<vmem>> -> memref<128x64xf32, #tpu.memory_space<vmem>>
      %dma_start3A_579 = arith.constant 0 : i32
      %dma_start3A_580 = tpu.memref_slice %arg7[%add3A_546, %dma_start3A_579] : memref<40x128xi32, #tpu.memory_space<vmem>> -> memref<1x128xi32, #tpu.memory_space<vmem>>
      %dma_start3A_581 = tpu.memref_squeeze %dma_start3A_580 : memref<1x128xi32, #tpu.memory_space<vmem>> -> memref<128xi32, #tpu.memory_space<vmem>>
      %dma_start3A_582 = arith.constant 0 : i32
      %dma_start3A_583 = arith.constant 0 : i32
      %dma_start3A_584 = tpu.memref_slice %arg10[%dma_start3A_582, %dma_start3A_583] : memref<10240x64xf32, #tpu.memory_space<vmem_shared>> -> memref<10240x64xf32, #tpu.memory_space<vmem_shared>>
      %dma_start3A_585 = tpu.memref_slice %arg12[%select_n3A_562] : memref<4x!tpu.dma_semaphore, #tpu.memory_space<semaphore_mem>> -> memref<1x!tpu.dma_semaphore, #tpu.memory_space<semaphore_mem>>
      %dma_start3A_586 = tpu.memref_squeeze %dma_start3A_585 : memref<1x!tpu.dma_semaphore, #tpu.memory_space<semaphore_mem>> -> memref<!tpu.dma_semaphore, #tpu.memory_space<semaphore_mem>>
      tpu.enqueue_indirect_dma source(%dma_start3A_578 : memref<128x64xf32, #tpu.memory_space<vmem>>) target(%dma_start3A_584 : memref<10240x64xf32, #tpu.memory_space<vmem_shared>>) offsets(%dma_start3A_581 : memref<128xi32, #tpu.memory_space<vmem>>) semaphore(%dma_start3A_586 : memref<!tpu.dma_semaphore, #tpu.memory_space<semaphore_mem>>) {add = true}
      %add3A_587 = arith.constant 2 : i32
      %add3A_588 = arith.addi %add3A_546, %add3A_587 : i32
      %jit3A_589 = arith.constant 4 : i32
      %eq3A_590 = arith.constant 0 : i32
      %eq3A_591 = arith.cmpi eq, %jit3A_589, %eq3A_590 : i32
      %jit3A_592 = arith.constant 1 : i32
      %select_n3A_593 = arith.select %eq3A_591, %jit3A_592, %jit3A_589 : i32
      %rem3A_594 = arith.remsi %add3A_588, %select_n3A_593 : i32
      %ne3A_595 = arith.constant 0 : i32
      %ne3A_596 = arith.cmpi ne, %rem3A_594, %ne3A_595 : i32
      %lt3A_597 = arith.constant 0 : i32
      %lt3A_598 = arith.cmpi slt, %rem3A_594, %lt3A_597 : i32
      %lt3A_599 = arith.constant 0 : i32
      %lt3A_600 = arith.cmpi slt, %select_n3A_593, %lt3A_599 : i32
      %ne3A_601 = arith.xori %lt3A_598, %lt3A_600 : i1
      %and3A_602 = arith.andi %ne3A_601, %ne3A_596 : i1
      %add3A_603 = arith.addi %rem3A_594, %select_n3A_593 : i32
      %select_n3A_604 = arith.select %and3A_602, %add3A_603, %rem3A_594 : i32
      %ge3A_605 = arith.constant 2 : i32
      %ge3A_606 = arith.cmpi sge, %add3A_546, %ge3A_605 : i32
      %convert_element_type3A_607 = arith.extui %ge3A_606 : i1 to i32
      %cond3A_608 = arith.constant 0 : i32
      %cond3A_609 = arith.cmpi ne, %convert_element_type3A_607, %cond3A_608 : i32
      scf.if %cond3A_609 {
        %sub3A = arith.constant 2 : i32
        %sub3A_617 = arith.subi %add3A_546, %sub3A : i32
        %dma_wait3A_618 = arith.constant 0 : i32
        %dma_wait3A_619 = arith.constant 0 : i32
        %dma_wait3A_620 = tpu.memref_slice %arg8[%select_n3A_604, %dma_wait3A_618, %dma_wait3A_619] : memref<4x128x64xf32, #tpu.memory_space<vmem>> -> memref<1x128x64xf32, #tpu.memory_space<vmem>>
        %dma_wait3A_621 = tpu.memref_squeeze %dma_wait3A_620 : memref<1x128x64xf32, #tpu.memory_space<vmem>> -> memref<128x64xf32, #tpu.memory_space<vmem>>
        %dma_wait3A_622 = arith.constant 0 : i32
        %dma_wait3A_623 = tpu.memref_slice %arg7[%sub3A_617, %dma_wait3A_622] : memref<40x128xi32, #tpu.memory_space<vmem>> -> memref<1x128xi32, #tpu.memory_space<vmem>>
        %dma_wait3A_624 = tpu.memref_squeeze %dma_wait3A_623 : memref<1x128xi32, #tpu.memory_space<vmem>> -> memref<128xi32, #tpu.memory_space<vmem>>
        %dma_wait3A_625 = arith.constant 0 : i32
        %dma_wait3A_626 = arith.constant 0 : i32
        %dma_wait3A_627 = tpu.memref_slice %arg10[%dma_wait3A_625, %dma_wait3A_626] : memref<10240x64xf32, #tpu.memory_space<vmem_shared>> -> memref<10240x64xf32, #tpu.memory_space<vmem_shared>>
        %dma_wait3A_628 = tpu.memref_slice %arg12[%select_n3A_604] : memref<4x!tpu.dma_semaphore, #tpu.memory_space<semaphore_mem>> -> memref<1x!tpu.dma_semaphore, #tpu.memory_space<semaphore_mem>>
        %dma_wait3A_629 = tpu.memref_squeeze %dma_wait3A_628 : memref<1x!tpu.dma_semaphore, #tpu.memory_space<semaphore_mem>> -> memref<!tpu.dma_semaphore, #tpu.memory_space<semaphore_mem>>
        tpu.wait_indirect_dma semaphore(%dma_wait3A_629 : memref<!tpu.dma_semaphore, #tpu.memory_space<semaphore_mem>>) src(%dma_wait3A_621 : memref<128x64xf32, #tpu.memory_space<vmem>>) dst(%dma_wait3A_627 : memref<10240x64xf32, #tpu.memory_space<vmem_shared>>)
      } else {
      }
      %add3A_610 = arith.constant 2 : i32
      %add3A_611 = arith.addi %add3A_546, %add3A_610 : i32
      %lt3A_612 = arith.constant 40 : i32
      %lt3A_613 = arith.cmpi slt, %add3A_611, %lt3A_612 : i32
      %convert_element_type3A_614 = arith.extui %lt3A_613 : i1 to i32
      %cond3A_615 = arith.constant 0 : i32
      %cond3A_616 = arith.cmpi ne, %convert_element_type3A_614, %cond3A_615 : i32
      scf.if %cond3A_616 {
        %add3A_617 = arith.constant 2 : i32
        %add3A_618 = arith.addi %add3A_546, %add3A_617 : i32
        %dma_start3A_619 = arith.constant 0 : i32
        %dma_start3A_620 = arith.constant 0 : i32
        %dma_start3A_621 = tpu.memref_slice %arg8[%select_n3A_604, %dma_start3A_619, %dma_start3A_620] : memref<4x128x64xf32, #tpu.memory_space<vmem>> -> memref<1x128x64xf32, #tpu.memory_space<vmem>>
        %dma_start3A_622 = tpu.memref_squeeze %dma_start3A_621 : memref<1x128x64xf32, #tpu.memory_space<vmem>> -> memref<128x64xf32, #tpu.memory_space<vmem>>
        %dma_start3A_623 = arith.constant 0 : i32
        %dma_start3A_624 = tpu.memref_slice %arg6[%add3A_618, %dma_start3A_623] : memref<40x128xi32, #tpu.memory_space<vmem>> -> memref<1x128xi32, #tpu.memory_space<vmem>>
        %dma_start3A_625 = tpu.memref_squeeze %dma_start3A_624 : memref<1x128xi32, #tpu.memory_space<vmem>> -> memref<128xi32, #tpu.memory_space<vmem>>
        %dma_start3A_626 = arith.constant 0 : i32
        %dma_start3A_627 = arith.constant 0 : i32
        %dma_start3A_628 = tpu.memref_slice %arg9[%dma_start3A_626, %dma_start3A_627] : memref<10240x64xf32, #tpu.memory_space<vmem_shared>> -> memref<10240x64xf32, #tpu.memory_space<vmem_shared>>
        %dma_start3A_629 = tpu.memref_slice %arg11[%select_n3A_604] : memref<4x!tpu.dma_semaphore, #tpu.memory_space<semaphore_mem>> -> memref<1x!tpu.dma_semaphore, #tpu.memory_space<semaphore_mem>>
        %dma_start3A_630 = tpu.memref_squeeze %dma_start3A_629 : memref<1x!tpu.dma_semaphore, #tpu.memory_space<semaphore_mem>> -> memref<!tpu.dma_semaphore, #tpu.memory_space<semaphore_mem>>
        tpu.enqueue_indirect_dma source(%dma_start3A_628 : memref<10240x64xf32, #tpu.memory_space<vmem_shared>>) target(%dma_start3A_622 : memref<128x64xf32, #tpu.memory_space<vmem>>) offsets(%dma_start3A_625 : memref<128xi32, #tpu.memory_space<vmem>>) semaphore(%dma_start3A_630 : memref<!tpu.dma_semaphore, #tpu.memory_space<semaphore_mem>>)
      } else {
      }
    }
    %scan3A_140 = arith.constant 10 : i32
    %dma_wait3A_141 = arith.constant 2 : i32
    %dma_wait3A_142 = arith.constant 38 : i32
    %dma_wait3A_143 = arith.constant 2 : i32
    %dma_wait3A_144 = arith.constant 0 : i32
    %dma_wait3A_145 = arith.constant 0 : i32
    %dma_wait3A_146 = tpu.memref_slice %arg8[%dma_wait3A_141, %dma_wait3A_144, %dma_wait3A_145] : memref<4x128x64xf32, #tpu.memory_space<vmem>> -> memref<1x128x64xf32, #tpu.memory_space<vmem>>
    %dma_wait3A_147 = tpu.memref_squeeze %dma_wait3A_146 : memref<1x128x64xf32, #tpu.memory_space<vmem>> -> memref<128x64xf32, #tpu.memory_space<vmem>>
    %dma_wait3A_148 = arith.constant 0 : i32
    %dma_wait3A_149 = tpu.memref_slice %arg7[%dma_wait3A_142, %dma_wait3A_148] : memref<40x128xi32, #tpu.memory_space<vmem>> -> memref<1x128xi32, #tpu.memory_space<vmem>>
    %dma_wait3A_150 = tpu.memref_squeeze %dma_wait3A_149 : memref<1x128xi32, #tpu.memory_space<vmem>> -> memref<128xi32, #tpu.memory_space<vmem>>
    %dma_wait3A_151 = arith.constant 0 : i32
    %dma_wait3A_152 = arith.constant 0 : i32
    %dma_wait3A_153 = tpu.memref_slice %arg10[%dma_wait3A_151, %dma_wait3A_152] : memref<10240x64xf32, #tpu.memory_space<vmem_shared>> -> memref<10240x64xf32, #tpu.memory_space<vmem_shared>>
    %dma_wait3A_154 = tpu.memref_slice %arg12[%dma_wait3A_143] : memref<4x!tpu.dma_semaphore, #tpu.memory_space<semaphore_mem>> -> memref<1x!tpu.dma_semaphore, #tpu.memory_space<semaphore_mem>>
    %dma_wait3A_155 = tpu.memref_squeeze %dma_wait3A_154 : memref<1x!tpu.dma_semaphore, #tpu.memory_space<semaphore_mem>> -> memref<!tpu.dma_semaphore, #tpu.memory_space<semaphore_mem>>
    tpu.wait_indirect_dma semaphore(%dma_wait3A_155 : memref<!tpu.dma_semaphore, #tpu.memory_space<semaphore_mem>>) src(%dma_wait3A_147 : memref<128x64xf32, #tpu.memory_space<vmem>>) dst(%dma_wait3A_153 : memref<10240x64xf32, #tpu.memory_space<vmem_shared>>)
    %dma_wait3A_156 = arith.constant 3 : i32
    %dma_wait3A_157 = arith.constant 39 : i32
    %dma_wait3A_158 = arith.constant 3 : i32
    %dma_wait3A_159 = arith.constant 0 : i32
    %dma_wait3A_160 = arith.constant 0 : i32
    %dma_wait3A_161 = tpu.memref_slice %arg8[%dma_wait3A_156, %dma_wait3A_159, %dma_wait3A_160] : memref<4x128x64xf32, #tpu.memory_space<vmem>> -> memref<1x128x64xf32, #tpu.memory_space<vmem>>
    %dma_wait3A_162 = tpu.memref_squeeze %dma_wait3A_161 : memref<1x128x64xf32, #tpu.memory_space<vmem>> -> memref<128x64xf32, #tpu.memory_space<vmem>>
    %dma_wait3A_163 = arith.constant 0 : i32
    %dma_wait3A_164 = tpu.memref_slice %arg7[%dma_wait3A_157, %dma_wait3A_163] : memref<40x128xi32, #tpu.memory_space<vmem>> -> memref<1x128xi32, #tpu.memory_space<vmem>>
    %dma_wait3A_165 = tpu.memref_squeeze %dma_wait3A_164 : memref<1x128xi32, #tpu.memory_space<vmem>> -> memref<128xi32, #tpu.memory_space<vmem>>
    %dma_wait3A_166 = arith.constant 0 : i32
    %dma_wait3A_167 = arith.constant 0 : i32
    %dma_wait3A_168 = tpu.memref_slice %arg10[%dma_wait3A_166, %dma_wait3A_167] : memref<10240x64xf32, #tpu.memory_space<vmem_shared>> -> memref<10240x64xf32, #tpu.memory_space<vmem_shared>>
    %dma_wait3A_169 = tpu.memref_slice %arg12[%dma_wait3A_158] : memref<4x!tpu.dma_semaphore, #tpu.memory_space<semaphore_mem>> -> memref<1x!tpu.dma_semaphore, #tpu.memory_space<semaphore_mem>>
    %dma_wait3A_170 = tpu.memref_squeeze %dma_wait3A_169 : memref<1x!tpu.dma_semaphore, #tpu.memory_space<semaphore_mem>> -> memref<!tpu.dma_semaphore, #tpu.memory_space<semaphore_mem>>
    tpu.wait_indirect_dma semaphore(%dma_wait3A_170 : memref<!tpu.dma_semaphore, #tpu.memory_space<semaphore_mem>>) src(%dma_wait3A_162 : memref<128x64xf32, #tpu.memory_space<vmem>>) dst(%dma_wait3A_168 : memref<10240x64xf32, #tpu.memory_space<vmem_shared>>)
    %mul3A_171 = arith.constant 4 : i32
    %mul3A_172 = arith.muli %arg1, %mul3A_171 : i32
    %add3A_173 = arith.constant 2 : i32
    %add3A_174 = arith.addi %mul3A_172, %add3A_173 : i32
    "tpu.region"() ({
      %run_scoped3A_326 = tpu.sem_alloc : memref<!tpu.dma_semaphore, #tpu.memory_space<semaphore_mem>>
      %dma_start3A_327 = arith.constant 0 : i32
      %dma_start3A_328 = arith.constant 0 : i32
      %dma_start3A_329 = tpu.memref_slice %arg3[%add3A_174, %dma_start3A_327, %dma_start3A_328] : memref<64x40x128xi32, #tpu.memory_space<hbm>> -> memref<1x40x128xi32, #tpu.memory_space<hbm>>
      %dma_start3A_330 = tpu.memref_squeeze %dma_start3A_329 : memref<1x40x128xi32, #tpu.memory_space<hbm>> -> memref<40x128xi32, #tpu.memory_space<hbm>>
      %dma_start3A_331 = arith.constant 0 : i32
      %dma_start3A_332 = arith.constant 0 : i32
      %dma_start3A_333 = tpu.memref_slice %arg3[%add3A_174, %dma_start3A_331, %dma_start3A_332] : memref<64x40x128xi32, #tpu.memory_space<hbm>> -> memref<1x40x128xi32, #tpu.memory_space<hbm>>
      %dma_start3A_334 = tpu.memref_squeeze %dma_start3A_333 : memref<1x40x128xi32, #tpu.memory_space<hbm>> -> memref<40x128xi32, #tpu.memory_space<hbm>>
      tpu.enqueue_dma source(%dma_start3A_334 : memref<40x128xi32, #tpu.memory_space<hbm>>) target(%arg6 : memref<40x128xi32, #tpu.memory_space<vmem>>) target_semaphore(%run_scoped3A_326 : memref<!tpu.dma_semaphore, #tpu.memory_space<semaphore_mem>>)
      %dma_wait3A_335 = arith.constant 0 : i32
      %dma_wait3A_336 = arith.constant 0 : i32
      %dma_wait3A_337 = tpu.memref_slice %arg3[%add3A_174, %dma_wait3A_335, %dma_wait3A_336] : memref<64x40x128xi32, #tpu.memory_space<hbm>> -> memref<1x40x128xi32, #tpu.memory_space<hbm>>
      %dma_wait3A_338 = tpu.memref_squeeze %dma_wait3A_337 : memref<1x40x128xi32, #tpu.memory_space<hbm>> -> memref<40x128xi32, #tpu.memory_space<hbm>>
      %dma_wait3A_339 = arith.constant 0 : i32
      %dma_wait3A_340 = arith.constant 0 : i32
      %dma_wait3A_341 = tpu.memref_slice %arg3[%add3A_174, %dma_wait3A_339, %dma_wait3A_340] : memref<64x40x128xi32, #tpu.memory_space<hbm>> -> memref<1x40x128xi32, #tpu.memory_space<hbm>>
      %dma_wait3A_342 = tpu.memref_squeeze %dma_wait3A_341 : memref<1x40x128xi32, #tpu.memory_space<hbm>> -> memref<40x128xi32, #tpu.memory_space<hbm>>
      tpu.wait_dma2 semaphore(%run_scoped3A_326 : memref<!tpu.dma_semaphore, #tpu.memory_space<semaphore_mem>>) src(%dma_wait3A_342 : memref<40x128xi32, #tpu.memory_space<hbm>>) dst(%arg6 : memref<40x128xi32, #tpu.memory_space<vmem>>)
      tpu.yield
    }) : () -> ()
    %mul3A_175 = arith.constant 4 : i32
    %mul3A_176 = arith.muli %arg1, %mul3A_175 : i32
    %add3A_177 = arith.constant 2 : i32
    %add3A_178 = arith.addi %mul3A_176, %add3A_177 : i32
    "tpu.region"() ({
      %run_scoped3A_326 = tpu.sem_alloc : memref<!tpu.dma_semaphore, #tpu.memory_space<semaphore_mem>>
      %dma_start3A_327 = arith.constant 0 : i32
      %dma_start3A_328 = arith.constant 0 : i32
      %dma_start3A_329 = tpu.memref_slice %arg4[%add3A_178, %dma_start3A_327, %dma_start3A_328] : memref<64x40x128xi32, #tpu.memory_space<hbm>> -> memref<1x40x128xi32, #tpu.memory_space<hbm>>
      %dma_start3A_330 = tpu.memref_squeeze %dma_start3A_329 : memref<1x40x128xi32, #tpu.memory_space<hbm>> -> memref<40x128xi32, #tpu.memory_space<hbm>>
      %dma_start3A_331 = arith.constant 0 : i32
      %dma_start3A_332 = arith.constant 0 : i32
      %dma_start3A_333 = tpu.memref_slice %arg4[%add3A_178, %dma_start3A_331, %dma_start3A_332] : memref<64x40x128xi32, #tpu.memory_space<hbm>> -> memref<1x40x128xi32, #tpu.memory_space<hbm>>
      %dma_start3A_334 = tpu.memref_squeeze %dma_start3A_333 : memref<1x40x128xi32, #tpu.memory_space<hbm>> -> memref<40x128xi32, #tpu.memory_space<hbm>>
      tpu.enqueue_dma source(%dma_start3A_334 : memref<40x128xi32, #tpu.memory_space<hbm>>) target(%arg7 : memref<40x128xi32, #tpu.memory_space<vmem>>) target_semaphore(%run_scoped3A_326 : memref<!tpu.dma_semaphore, #tpu.memory_space<semaphore_mem>>)
      %dma_wait3A_335 = arith.constant 0 : i32
      %dma_wait3A_336 = arith.constant 0 : i32
      %dma_wait3A_337 = tpu.memref_slice %arg4[%add3A_178, %dma_wait3A_335, %dma_wait3A_336] : memref<64x40x128xi32, #tpu.memory_space<hbm>> -> memref<1x40x128xi32, #tpu.memory_space<hbm>>
      %dma_wait3A_338 = tpu.memref_squeeze %dma_wait3A_337 : memref<1x40x128xi32, #tpu.memory_space<hbm>> -> memref<40x128xi32, #tpu.memory_space<hbm>>
      %dma_wait3A_339 = arith.constant 0 : i32
      %dma_wait3A_340 = arith.constant 0 : i32
      %dma_wait3A_341 = tpu.memref_slice %arg4[%add3A_178, %dma_wait3A_339, %dma_wait3A_340] : memref<64x40x128xi32, #tpu.memory_space<hbm>> -> memref<1x40x128xi32, #tpu.memory_space<hbm>>
      %dma_wait3A_342 = tpu.memref_squeeze %dma_wait3A_341 : memref<1x40x128xi32, #tpu.memory_space<hbm>> -> memref<40x128xi32, #tpu.memory_space<hbm>>
      tpu.wait_dma2 semaphore(%run_scoped3A_326 : memref<!tpu.dma_semaphore, #tpu.memory_space<semaphore_mem>>) src(%dma_wait3A_342 : memref<40x128xi32, #tpu.memory_space<hbm>>) dst(%arg7 : memref<40x128xi32, #tpu.memory_space<vmem>>)
      tpu.yield
    }) : () -> ()
    %dma_start3A_179 = arith.constant 0 : i32
    %dma_start3A_180 = arith.constant 0 : i32
    %dma_start3A_181 = arith.constant 0 : i32
    %dma_start3A_182 = arith.constant 0 : i32
    %dma_start3A_183 = arith.constant 0 : i32
    %dma_start3A_184 = tpu.memref_slice %arg8[%dma_start3A_180, %dma_start3A_182, %dma_start3A_183] : memref<4x128x64xf32, #tpu.memory_space<vmem>> -> memref<1x128x64xf32, #tpu.memory_space<vmem>>
    %dma_start3A_185 = tpu.memref_squeeze %dma_start3A_184 : memref<1x128x64xf32, #tpu.memory_space<vmem>> -> memref<128x64xf32, #tpu.memory_space<vmem>>
    %dma_start3A_186 = arith.constant 0 : i32
    %dma_start3A_187 = tpu.memref_slice %arg6[%dma_start3A_179, %dma_start3A_186] : memref<40x128xi32, #tpu.memory_space<vmem>> -> memref<1x128xi32, #tpu.memory_space<vmem>>
    %dma_start3A_188 = tpu.memref_squeeze %dma_start3A_187 : memref<1x128xi32, #tpu.memory_space<vmem>> -> memref<128xi32, #tpu.memory_space<vmem>>
    %dma_start3A_189 = arith.constant 0 : i32
    %dma_start3A_190 = arith.constant 0 : i32
    %dma_start3A_191 = tpu.memref_slice %arg9[%dma_start3A_189, %dma_start3A_190] : memref<10240x64xf32, #tpu.memory_space<vmem_shared>> -> memref<10240x64xf32, #tpu.memory_space<vmem_shared>>
    %dma_start3A_192 = tpu.memref_slice %arg11[%dma_start3A_181] : memref<4x!tpu.dma_semaphore, #tpu.memory_space<semaphore_mem>> -> memref<1x!tpu.dma_semaphore, #tpu.memory_space<semaphore_mem>>
    %dma_start3A_193 = tpu.memref_squeeze %dma_start3A_192 : memref<1x!tpu.dma_semaphore, #tpu.memory_space<semaphore_mem>> -> memref<!tpu.dma_semaphore, #tpu.memory_space<semaphore_mem>>
    tpu.enqueue_indirect_dma source(%dma_start3A_191 : memref<10240x64xf32, #tpu.memory_space<vmem_shared>>) target(%dma_start3A_185 : memref<128x64xf32, #tpu.memory_space<vmem>>) offsets(%dma_start3A_188 : memref<128xi32, #tpu.memory_space<vmem>>) semaphore(%dma_start3A_193 : memref<!tpu.dma_semaphore, #tpu.memory_space<semaphore_mem>>)
    %dma_start3A_194 = arith.constant 1 : i32
    %dma_start3A_195 = arith.constant 1 : i32
    %dma_start3A_196 = arith.constant 1 : i32
    %dma_start3A_197 = arith.constant 0 : i32
    %dma_start3A_198 = arith.constant 0 : i32
    %dma_start3A_199 = tpu.memref_slice %arg8[%dma_start3A_195, %dma_start3A_197, %dma_start3A_198] : memref<4x128x64xf32, #tpu.memory_space<vmem>> -> memref<1x128x64xf32, #tpu.memory_space<vmem>>
    %dma_start3A_200 = tpu.memref_squeeze %dma_start3A_199 : memref<1x128x64xf32, #tpu.memory_space<vmem>> -> memref<128x64xf32, #tpu.memory_space<vmem>>
    %dma_start3A_201 = arith.constant 0 : i32
    %dma_start3A_202 = tpu.memref_slice %arg6[%dma_start3A_194, %dma_start3A_201] : memref<40x128xi32, #tpu.memory_space<vmem>> -> memref<1x128xi32, #tpu.memory_space<vmem>>
    %dma_start3A_203 = tpu.memref_squeeze %dma_start3A_202 : memref<1x128xi32, #tpu.memory_space<vmem>> -> memref<128xi32, #tpu.memory_space<vmem>>
    %dma_start3A_204 = arith.constant 0 : i32
    %dma_start3A_205 = arith.constant 0 : i32
    %dma_start3A_206 = tpu.memref_slice %arg9[%dma_start3A_204, %dma_start3A_205] : memref<10240x64xf32, #tpu.memory_space<vmem_shared>> -> memref<10240x64xf32, #tpu.memory_space<vmem_shared>>
    %dma_start3A_207 = tpu.memref_slice %arg11[%dma_start3A_196] : memref<4x!tpu.dma_semaphore, #tpu.memory_space<semaphore_mem>> -> memref<1x!tpu.dma_semaphore, #tpu.memory_space<semaphore_mem>>
    %dma_start3A_208 = tpu.memref_squeeze %dma_start3A_207 : memref<1x!tpu.dma_semaphore, #tpu.memory_space<semaphore_mem>> -> memref<!tpu.dma_semaphore, #tpu.memory_space<semaphore_mem>>
    tpu.enqueue_indirect_dma source(%dma_start3A_206 : memref<10240x64xf32, #tpu.memory_space<vmem_shared>>) target(%dma_start3A_200 : memref<128x64xf32, #tpu.memory_space<vmem>>) offsets(%dma_start3A_203 : memref<128xi32, #tpu.memory_space<vmem>>) semaphore(%dma_start3A_208 : memref<!tpu.dma_semaphore, #tpu.memory_space<semaphore_mem>>)
    %scan3A_209 = arith.constant 0 : i32
    %scan3A_210 = arith.constant 0 : i32
    %scan3A_211 = arith.constant 10 : i32
    %scan3A_212 = arith.addi %scan3A_210, %scan3A_211 : i32
    %scan3A_213 = arith.constant 1 : i32
    scf.for %scan3A_326 = %scan3A_210 to %scan3A_212 step %scan3A_213  : i32 {
      %mul3A_327 = arith.constant 4 : i32
      %mul3A_328 = arith.muli %scan3A_326, %mul3A_327 : i32
      %add3A_329 = arith.constant 0 : i32
      %add3A_330 = arith.addi %mul3A_328, %add3A_329 : i32
      %jit3A = arith.constant 4 : i32
      %eq3A_331 = arith.constant 0 : i32
      %eq3A_332 = arith.cmpi eq, %jit3A, %eq3A_331 : i32
      %jit3A_333 = arith.constant 1 : i32
      %select_n3A = arith.select %eq3A_332, %jit3A_333, %jit3A : i32
      %rem3A = arith.remsi %add3A_330, %select_n3A : i32
      %ne3A = arith.constant 0 : i32
      %ne3A_334 = arith.cmpi ne, %rem3A, %ne3A : i32
      %lt3A_335 = arith.constant 0 : i32
      %lt3A_336 = arith.cmpi slt, %rem3A, %lt3A_335 : i32
      %lt3A_337 = arith.constant 0 : i32
      %lt3A_338 = arith.cmpi slt, %select_n3A, %lt3A_337 : i32
      %ne3A_339 = arith.xori %lt3A_336, %lt3A_338 : i1
      %and3A = arith.andi %ne3A_339, %ne3A_334 : i1
      %add3A_340 = arith.addi %rem3A, %select_n3A : i32
      %select_n3A_341 = arith.select %and3A, %add3A_340, %rem3A : i32
      %dma_wait3A_342 = arith.constant 0 : i32
      %dma_wait3A_343 = arith.constant 0 : i32
      %dma_wait3A_344 = tpu.memref_slice %arg8[%select_n3A_341, %dma_wait3A_342, %dma_wait3A_343] : memref<4x128x64xf32, #tpu.memory_space<vmem>> -> memref<1x128x64xf32, #tpu.memory_space<vmem>>
      %dma_wait3A_345 = tpu.memref_squeeze %dma_wait3A_344 : memref<1x128x64xf32, #tpu.memory_space<vmem>> -> memref<128x64xf32, #tpu.memory_space<vmem>>
      %dma_wait3A_346 = arith.constant 0 : i32
      %dma_wait3A_347 = tpu.memref_slice %arg6[%add3A_330, %dma_wait3A_346] : memref<40x128xi32, #tpu.memory_space<vmem>> -> memref<1x128xi32, #tpu.memory_space<vmem>>
      %dma_wait3A_348 = tpu.memref_squeeze %dma_wait3A_347 : memref<1x128xi32, #tpu.memory_space<vmem>> -> memref<128xi32, #tpu.memory_space<vmem>>
      %dma_wait3A_349 = arith.constant 0 : i32
      %dma_wait3A_350 = arith.constant 0 : i32
      %dma_wait3A_351 = tpu.memref_slice %arg9[%dma_wait3A_349, %dma_wait3A_350] : memref<10240x64xf32, #tpu.memory_space<vmem_shared>> -> memref<10240x64xf32, #tpu.memory_space<vmem_shared>>
      %dma_wait3A_352 = tpu.memref_slice %arg11[%select_n3A_341] : memref<4x!tpu.dma_semaphore, #tpu.memory_space<semaphore_mem>> -> memref<1x!tpu.dma_semaphore, #tpu.memory_space<semaphore_mem>>
      %dma_wait3A_353 = tpu.memref_squeeze %dma_wait3A_352 : memref<1x!tpu.dma_semaphore, #tpu.memory_space<semaphore_mem>> -> memref<!tpu.dma_semaphore, #tpu.memory_space<semaphore_mem>>
      tpu.wait_indirect_dma semaphore(%dma_wait3A_353 : memref<!tpu.dma_semaphore, #tpu.memory_space<semaphore_mem>>) src(%dma_wait3A_351 : memref<10240x64xf32, #tpu.memory_space<vmem_shared>>) dst(%dma_wait3A_345 : memref<128x64xf32, #tpu.memory_space<vmem>>)
      %dma_start3A_354 = arith.constant 0 : i32
      %dma_start3A_355 = arith.constant 0 : i32
      %dma_start3A_356 = tpu.memref_slice %arg8[%select_n3A_341, %dma_start3A_354, %dma_start3A_355] : memref<4x128x64xf32, #tpu.memory_space<vmem>> -> memref<1x128x64xf32, #tpu.memory_space<vmem>>
      %dma_start3A_357 = tpu.memref_squeeze %dma_start3A_356 : memref<1x128x64xf32, #tpu.memory_space<vmem>> -> memref<128x64xf32, #tpu.memory_space<vmem>>
      %dma_start3A_358 = arith.constant 0 : i32
      %dma_start3A_359 = tpu.memref_slice %arg7[%add3A_330, %dma_start3A_358] : memref<40x128xi32, #tpu.memory_space<vmem>> -> memref<1x128xi32, #tpu.memory_space<vmem>>
      %dma_start3A_360 = tpu.memref_squeeze %dma_start3A_359 : memref<1x128xi32, #tpu.memory_space<vmem>> -> memref<128xi32, #tpu.memory_space<vmem>>
      %dma_start3A_361 = arith.constant 0 : i32
      %dma_start3A_362 = arith.constant 0 : i32
      %dma_start3A_363 = tpu.memref_slice %arg10[%dma_start3A_361, %dma_start3A_362] : memref<10240x64xf32, #tpu.memory_space<vmem_shared>> -> memref<10240x64xf32, #tpu.memory_space<vmem_shared>>
      %dma_start3A_364 = tpu.memref_slice %arg12[%select_n3A_341] : memref<4x!tpu.dma_semaphore, #tpu.memory_space<semaphore_mem>> -> memref<1x!tpu.dma_semaphore, #tpu.memory_space<semaphore_mem>>
      %dma_start3A_365 = tpu.memref_squeeze %dma_start3A_364 : memref<1x!tpu.dma_semaphore, #tpu.memory_space<semaphore_mem>> -> memref<!tpu.dma_semaphore, #tpu.memory_space<semaphore_mem>>
      tpu.enqueue_indirect_dma source(%dma_start3A_357 : memref<128x64xf32, #tpu.memory_space<vmem>>) target(%dma_start3A_363 : memref<10240x64xf32, #tpu.memory_space<vmem_shared>>) offsets(%dma_start3A_360 : memref<128xi32, #tpu.memory_space<vmem>>) semaphore(%dma_start3A_365 : memref<!tpu.dma_semaphore, #tpu.memory_space<semaphore_mem>>) {add = true}
      %add3A_366 = arith.constant 2 : i32
      %add3A_367 = arith.addi %add3A_330, %add3A_366 : i32
      %jit3A_368 = arith.constant 4 : i32
      %eq3A_369 = arith.constant 0 : i32
      %eq3A_370 = arith.cmpi eq, %jit3A_368, %eq3A_369 : i32
      %jit3A_371 = arith.constant 1 : i32
      %select_n3A_372 = arith.select %eq3A_370, %jit3A_371, %jit3A_368 : i32
      %rem3A_373 = arith.remsi %add3A_367, %select_n3A_372 : i32
      %ne3A_374 = arith.constant 0 : i32
      %ne3A_375 = arith.cmpi ne, %rem3A_373, %ne3A_374 : i32
      %lt3A_376 = arith.constant 0 : i32
      %lt3A_377 = arith.cmpi slt, %rem3A_373, %lt3A_376 : i32
      %lt3A_378 = arith.constant 0 : i32
      %lt3A_379 = arith.cmpi slt, %select_n3A_372, %lt3A_378 : i32
      %ne3A_380 = arith.xori %lt3A_377, %lt3A_379 : i1
      %and3A_381 = arith.andi %ne3A_380, %ne3A_375 : i1
      %add3A_382 = arith.addi %rem3A_373, %select_n3A_372 : i32
      %select_n3A_383 = arith.select %and3A_381, %add3A_382, %rem3A_373 : i32
      %ge3A = arith.constant 2 : i32
      %ge3A_384 = arith.cmpi sge, %add3A_330, %ge3A : i32
      %convert_element_type3A_385 = arith.extui %ge3A_384 : i1 to i32
      %cond3A_386 = arith.constant 0 : i32
      %cond3A_387 = arith.cmpi ne, %convert_element_type3A_385, %cond3A_386 : i32
      scf.if %cond3A_387 {
        %sub3A = arith.constant 2 : i32
        %sub3A_617 = arith.subi %add3A_330, %sub3A : i32
        %dma_wait3A_618 = arith.constant 0 : i32
        %dma_wait3A_619 = arith.constant 0 : i32
        %dma_wait3A_620 = tpu.memref_slice %arg8[%select_n3A_383, %dma_wait3A_618, %dma_wait3A_619] : memref<4x128x64xf32, #tpu.memory_space<vmem>> -> memref<1x128x64xf32, #tpu.memory_space<vmem>>
        %dma_wait3A_621 = tpu.memref_squeeze %dma_wait3A_620 : memref<1x128x64xf32, #tpu.memory_space<vmem>> -> memref<128x64xf32, #tpu.memory_space<vmem>>
        %dma_wait3A_622 = arith.constant 0 : i32
        %dma_wait3A_623 = tpu.memref_slice %arg7[%sub3A_617, %dma_wait3A_622] : memref<40x128xi32, #tpu.memory_space<vmem>> -> memref<1x128xi32, #tpu.memory_space<vmem>>
        %dma_wait3A_624 = tpu.memref_squeeze %dma_wait3A_623 : memref<1x128xi32, #tpu.memory_space<vmem>> -> memref<128xi32, #tpu.memory_space<vmem>>
        %dma_wait3A_625 = arith.constant 0 : i32
        %dma_wait3A_626 = arith.constant 0 : i32
        %dma_wait3A_627 = tpu.memref_slice %arg10[%dma_wait3A_625, %dma_wait3A_626] : memref<10240x64xf32, #tpu.memory_space<vmem_shared>> -> memref<10240x64xf32, #tpu.memory_space<vmem_shared>>
        %dma_wait3A_628 = tpu.memref_slice %arg12[%select_n3A_383] : memref<4x!tpu.dma_semaphore, #tpu.memory_space<semaphore_mem>> -> memref<1x!tpu.dma_semaphore, #tpu.memory_space<semaphore_mem>>
        %dma_wait3A_629 = tpu.memref_squeeze %dma_wait3A_628 : memref<1x!tpu.dma_semaphore, #tpu.memory_space<semaphore_mem>> -> memref<!tpu.dma_semaphore, #tpu.memory_space<semaphore_mem>>
        tpu.wait_indirect_dma semaphore(%dma_wait3A_629 : memref<!tpu.dma_semaphore, #tpu.memory_space<semaphore_mem>>) src(%dma_wait3A_621 : memref<128x64xf32, #tpu.memory_space<vmem>>) dst(%dma_wait3A_627 : memref<10240x64xf32, #tpu.memory_space<vmem_shared>>)
      } else {
      }
      %add3A_388 = arith.constant 2 : i32
      %add3A_389 = arith.addi %add3A_330, %add3A_388 : i32
      %lt3A_390 = arith.constant 40 : i32
      %lt3A_391 = arith.cmpi slt, %add3A_389, %lt3A_390 : i32
      %convert_element_type3A_392 = arith.extui %lt3A_391 : i1 to i32
      %cond3A_393 = arith.constant 0 : i32
      %cond3A_394 = arith.cmpi ne, %convert_element_type3A_392, %cond3A_393 : i32
      scf.if %cond3A_394 {
        %add3A_617 = arith.constant 2 : i32
        %add3A_618 = arith.addi %add3A_330, %add3A_617 : i32
        %dma_start3A_619 = arith.constant 0 : i32
        %dma_start3A_620 = arith.constant 0 : i32
        %dma_start3A_621 = tpu.memref_slice %arg8[%select_n3A_383, %dma_start3A_619, %dma_start3A_620] : memref<4x128x64xf32, #tpu.memory_space<vmem>> -> memref<1x128x64xf32, #tpu.memory_space<vmem>>
        %dma_start3A_622 = tpu.memref_squeeze %dma_start3A_621 : memref<1x128x64xf32, #tpu.memory_space<vmem>> -> memref<128x64xf32, #tpu.memory_space<vmem>>
        %dma_start3A_623 = arith.constant 0 : i32
        %dma_start3A_624 = tpu.memref_slice %arg6[%add3A_618, %dma_start3A_623] : memref<40x128xi32, #tpu.memory_space<vmem>> -> memref<1x128xi32, #tpu.memory_space<vmem>>
        %dma_start3A_625 = tpu.memref_squeeze %dma_start3A_624 : memref<1x128xi32, #tpu.memory_space<vmem>> -> memref<128xi32, #tpu.memory_space<vmem>>
        %dma_start3A_626 = arith.constant 0 : i32
        %dma_start3A_627 = arith.constant 0 : i32
        %dma_start3A_628 = tpu.memref_slice %arg9[%dma_start3A_626, %dma_start3A_627] : memref<10240x64xf32, #tpu.memory_space<vmem_shared>> -> memref<10240x64xf32, #tpu.memory_space<vmem_shared>>
        %dma_start3A_629 = tpu.memref_slice %arg11[%select_n3A_383] : memref<4x!tpu.dma_semaphore, #tpu.memory_space<semaphore_mem>> -> memref<1x!tpu.dma_semaphore, #tpu.memory_space<semaphore_mem>>
        %dma_start3A_630 = tpu.memref_squeeze %dma_start3A_629 : memref<1x!tpu.dma_semaphore, #tpu.memory_space<semaphore_mem>> -> memref<!tpu.dma_semaphore, #tpu.memory_space<semaphore_mem>>
        tpu.enqueue_indirect_dma source(%dma_start3A_628 : memref<10240x64xf32, #tpu.memory_space<vmem_shared>>) target(%dma_start3A_622 : memref<128x64xf32, #tpu.memory_space<vmem>>) offsets(%dma_start3A_625 : memref<128xi32, #tpu.memory_space<vmem>>) semaphore(%dma_start3A_630 : memref<!tpu.dma_semaphore, #tpu.memory_space<semaphore_mem>>)
      } else {
      }
      %mul3A_395 = arith.constant 4 : i32
      %mul3A_396 = arith.muli %scan3A_326, %mul3A_395 : i32
      %add3A_397 = arith.constant 1 : i32
      %add3A_398 = arith.addi %mul3A_396, %add3A_397 : i32
      %jit3A_399 = arith.constant 4 : i32
      %eq3A_400 = arith.constant 0 : i32
      %eq3A_401 = arith.cmpi eq, %jit3A_399, %eq3A_400 : i32
      %jit3A_402 = arith.constant 1 : i32
      %select_n3A_403 = arith.select %eq3A_401, %jit3A_402, %jit3A_399 : i32
      %rem3A_404 = arith.remsi %add3A_398, %select_n3A_403 : i32
      %ne3A_405 = arith.constant 0 : i32
      %ne3A_406 = arith.cmpi ne, %rem3A_404, %ne3A_405 : i32
      %lt3A_407 = arith.constant 0 : i32
      %lt3A_408 = arith.cmpi slt, %rem3A_404, %lt3A_407 : i32
      %lt3A_409 = arith.constant 0 : i32
      %lt3A_410 = arith.cmpi slt, %select_n3A_403, %lt3A_409 : i32
      %ne3A_411 = arith.xori %lt3A_408, %lt3A_410 : i1
      %and3A_412 = arith.andi %ne3A_411, %ne3A_406 : i1
      %add3A_413 = arith.addi %rem3A_404, %select_n3A_403 : i32
      %select_n3A_414 = arith.select %and3A_412, %add3A_413, %rem3A_404 : i32
      %dma_wait3A_415 = arith.constant 0 : i32
      %dma_wait3A_416 = arith.constant 0 : i32
      %dma_wait3A_417 = tpu.memref_slice %arg8[%select_n3A_414, %dma_wait3A_415, %dma_wait3A_416] : memref<4x128x64xf32, #tpu.memory_space<vmem>> -> memref<1x128x64xf32, #tpu.memory_space<vmem>>
      %dma_wait3A_418 = tpu.memref_squeeze %dma_wait3A_417 : memref<1x128x64xf32, #tpu.memory_space<vmem>> -> memref<128x64xf32, #tpu.memory_space<vmem>>
      %dma_wait3A_419 = arith.constant 0 : i32
      %dma_wait3A_420 = tpu.memref_slice %arg6[%add3A_398, %dma_wait3A_419] : memref<40x128xi32, #tpu.memory_space<vmem>> -> memref<1x128xi32, #tpu.memory_space<vmem>>
      %dma_wait3A_421 = tpu.memref_squeeze %dma_wait3A_420 : memref<1x128xi32, #tpu.memory_space<vmem>> -> memref<128xi32, #tpu.memory_space<vmem>>
      %dma_wait3A_422 = arith.constant 0 : i32
      %dma_wait3A_423 = arith.constant 0 : i32
      %dma_wait3A_424 = tpu.memref_slice %arg9[%dma_wait3A_422, %dma_wait3A_423] : memref<10240x64xf32, #tpu.memory_space<vmem_shared>> -> memref<10240x64xf32, #tpu.memory_space<vmem_shared>>
      %dma_wait3A_425 = tpu.memref_slice %arg11[%select_n3A_414] : memref<4x!tpu.dma_semaphore, #tpu.memory_space<semaphore_mem>> -> memref<1x!tpu.dma_semaphore, #tpu.memory_space<semaphore_mem>>
      %dma_wait3A_426 = tpu.memref_squeeze %dma_wait3A_425 : memref<1x!tpu.dma_semaphore, #tpu.memory_space<semaphore_mem>> -> memref<!tpu.dma_semaphore, #tpu.memory_space<semaphore_mem>>
      tpu.wait_indirect_dma semaphore(%dma_wait3A_426 : memref<!tpu.dma_semaphore, #tpu.memory_space<semaphore_mem>>) src(%dma_wait3A_424 : memref<10240x64xf32, #tpu.memory_space<vmem_shared>>) dst(%dma_wait3A_418 : memref<128x64xf32, #tpu.memory_space<vmem>>)
      %dma_start3A_427 = arith.constant 0 : i32
      %dma_start3A_428 = arith.constant 0 : i32
      %dma_start3A_429 = tpu.memref_slice %arg8[%select_n3A_414, %dma_start3A_427, %dma_start3A_428] : memref<4x128x64xf32, #tpu.memory_space<vmem>> -> memref<1x128x64xf32, #tpu.memory_space<vmem>>
      %dma_start3A_430 = tpu.memref_squeeze %dma_start3A_429 : memref<1x128x64xf32, #tpu.memory_space<vmem>> -> memref<128x64xf32, #tpu.memory_space<vmem>>
      %dma_start3A_431 = arith.constant 0 : i32
      %dma_start3A_432 = tpu.memref_slice %arg7[%add3A_398, %dma_start3A_431] : memref<40x128xi32, #tpu.memory_space<vmem>> -> memref<1x128xi32, #tpu.memory_space<vmem>>
      %dma_start3A_433 = tpu.memref_squeeze %dma_start3A_432 : memref<1x128xi32, #tpu.memory_space<vmem>> -> memref<128xi32, #tpu.memory_space<vmem>>
      %dma_start3A_434 = arith.constant 0 : i32
      %dma_start3A_435 = arith.constant 0 : i32
      %dma_start3A_436 = tpu.memref_slice %arg10[%dma_start3A_434, %dma_start3A_435] : memref<10240x64xf32, #tpu.memory_space<vmem_shared>> -> memref<10240x64xf32, #tpu.memory_space<vmem_shared>>
      %dma_start3A_437 = tpu.memref_slice %arg12[%select_n3A_414] : memref<4x!tpu.dma_semaphore, #tpu.memory_space<semaphore_mem>> -> memref<1x!tpu.dma_semaphore, #tpu.memory_space<semaphore_mem>>
      %dma_start3A_438 = tpu.memref_squeeze %dma_start3A_437 : memref<1x!tpu.dma_semaphore, #tpu.memory_space<semaphore_mem>> -> memref<!tpu.dma_semaphore, #tpu.memory_space<semaphore_mem>>
      tpu.enqueue_indirect_dma source(%dma_start3A_430 : memref<128x64xf32, #tpu.memory_space<vmem>>) target(%dma_start3A_436 : memref<10240x64xf32, #tpu.memory_space<vmem_shared>>) offsets(%dma_start3A_433 : memref<128xi32, #tpu.memory_space<vmem>>) semaphore(%dma_start3A_438 : memref<!tpu.dma_semaphore, #tpu.memory_space<semaphore_mem>>) {add = true}
      %add3A_439 = arith.constant 2 : i32
      %add3A_440 = arith.addi %add3A_398, %add3A_439 : i32
      %jit3A_441 = arith.constant 4 : i32
      %eq3A_442 = arith.constant 0 : i32
      %eq3A_443 = arith.cmpi eq, %jit3A_441, %eq3A_442 : i32
      %jit3A_444 = arith.constant 1 : i32
      %select_n3A_445 = arith.select %eq3A_443, %jit3A_444, %jit3A_441 : i32
      %rem3A_446 = arith.remsi %add3A_440, %select_n3A_445 : i32
      %ne3A_447 = arith.constant 0 : i32
      %ne3A_448 = arith.cmpi ne, %rem3A_446, %ne3A_447 : i32
      %lt3A_449 = arith.constant 0 : i32
      %lt3A_450 = arith.cmpi slt, %rem3A_446, %lt3A_449 : i32
      %lt3A_451 = arith.constant 0 : i32
      %lt3A_452 = arith.cmpi slt, %select_n3A_445, %lt3A_451 : i32
      %ne3A_453 = arith.xori %lt3A_450, %lt3A_452 : i1
      %and3A_454 = arith.andi %ne3A_453, %ne3A_448 : i1
      %add3A_455 = arith.addi %rem3A_446, %select_n3A_445 : i32
      %select_n3A_456 = arith.select %and3A_454, %add3A_455, %rem3A_446 : i32
      %ge3A_457 = arith.constant 2 : i32
      %ge3A_458 = arith.cmpi sge, %add3A_398, %ge3A_457 : i32
      %convert_element_type3A_459 = arith.extui %ge3A_458 : i1 to i32
      %cond3A_460 = arith.constant 0 : i32
      %cond3A_461 = arith.cmpi ne, %convert_element_type3A_459, %cond3A_460 : i32
      scf.if %cond3A_461 {
        %sub3A = arith.constant 2 : i32
        %sub3A_617 = arith.subi %add3A_398, %sub3A : i32
        %dma_wait3A_618 = arith.constant 0 : i32
        %dma_wait3A_619 = arith.constant 0 : i32
        %dma_wait3A_620 = tpu.memref_slice %arg8[%select_n3A_456, %dma_wait3A_618, %dma_wait3A_619] : memref<4x128x64xf32, #tpu.memory_space<vmem>> -> memref<1x128x64xf32, #tpu.memory_space<vmem>>
        %dma_wait3A_621 = tpu.memref_squeeze %dma_wait3A_620 : memref<1x128x64xf32, #tpu.memory_space<vmem>> -> memref<128x64xf32, #tpu.memory_space<vmem>>
        %dma_wait3A_622 = arith.constant 0 : i32
        %dma_wait3A_623 = tpu.memref_slice %arg7[%sub3A_617, %dma_wait3A_622] : memref<40x128xi32, #tpu.memory_space<vmem>> -> memref<1x128xi32, #tpu.memory_space<vmem>>
        %dma_wait3A_624 = tpu.memref_squeeze %dma_wait3A_623 : memref<1x128xi32, #tpu.memory_space<vmem>> -> memref<128xi32, #tpu.memory_space<vmem>>
        %dma_wait3A_625 = arith.constant 0 : i32
        %dma_wait3A_626 = arith.constant 0 : i32
        %dma_wait3A_627 = tpu.memref_slice %arg10[%dma_wait3A_625, %dma_wait3A_626] : memref<10240x64xf32, #tpu.memory_space<vmem_shared>> -> memref<10240x64xf32, #tpu.memory_space<vmem_shared>>
        %dma_wait3A_628 = tpu.memref_slice %arg12[%select_n3A_456] : memref<4x!tpu.dma_semaphore, #tpu.memory_space<semaphore_mem>> -> memref<1x!tpu.dma_semaphore, #tpu.memory_space<semaphore_mem>>
        %dma_wait3A_629 = tpu.memref_squeeze %dma_wait3A_628 : memref<1x!tpu.dma_semaphore, #tpu.memory_space<semaphore_mem>> -> memref<!tpu.dma_semaphore, #tpu.memory_space<semaphore_mem>>
        tpu.wait_indirect_dma semaphore(%dma_wait3A_629 : memref<!tpu.dma_semaphore, #tpu.memory_space<semaphore_mem>>) src(%dma_wait3A_621 : memref<128x64xf32, #tpu.memory_space<vmem>>) dst(%dma_wait3A_627 : memref<10240x64xf32, #tpu.memory_space<vmem_shared>>)
      } else {
      }
      %add3A_462 = arith.constant 2 : i32
      %add3A_463 = arith.addi %add3A_398, %add3A_462 : i32
      %lt3A_464 = arith.constant 40 : i32
      %lt3A_465 = arith.cmpi slt, %add3A_463, %lt3A_464 : i32
      %convert_element_type3A_466 = arith.extui %lt3A_465 : i1 to i32
      %cond3A_467 = arith.constant 0 : i32
      %cond3A_468 = arith.cmpi ne, %convert_element_type3A_466, %cond3A_467 : i32
      scf.if %cond3A_468 {
        %add3A_617 = arith.constant 2 : i32
        %add3A_618 = arith.addi %add3A_398, %add3A_617 : i32
        %dma_start3A_619 = arith.constant 0 : i32
        %dma_start3A_620 = arith.constant 0 : i32
        %dma_start3A_621 = tpu.memref_slice %arg8[%select_n3A_456, %dma_start3A_619, %dma_start3A_620] : memref<4x128x64xf32, #tpu.memory_space<vmem>> -> memref<1x128x64xf32, #tpu.memory_space<vmem>>
        %dma_start3A_622 = tpu.memref_squeeze %dma_start3A_621 : memref<1x128x64xf32, #tpu.memory_space<vmem>> -> memref<128x64xf32, #tpu.memory_space<vmem>>
        %dma_start3A_623 = arith.constant 0 : i32
        %dma_start3A_624 = tpu.memref_slice %arg6[%add3A_618, %dma_start3A_623] : memref<40x128xi32, #tpu.memory_space<vmem>> -> memref<1x128xi32, #tpu.memory_space<vmem>>
        %dma_start3A_625 = tpu.memref_squeeze %dma_start3A_624 : memref<1x128xi32, #tpu.memory_space<vmem>> -> memref<128xi32, #tpu.memory_space<vmem>>
        %dma_start3A_626 = arith.constant 0 : i32
        %dma_start3A_627 = arith.constant 0 : i32
        %dma_start3A_628 = tpu.memref_slice %arg9[%dma_start3A_626, %dma_start3A_627] : memref<10240x64xf32, #tpu.memory_space<vmem_shared>> -> memref<10240x64xf32, #tpu.memory_space<vmem_shared>>
        %dma_start3A_629 = tpu.memref_slice %arg11[%select_n3A_456] : memref<4x!tpu.dma_semaphore, #tpu.memory_space<semaphore_mem>> -> memref<1x!tpu.dma_semaphore, #tpu.memory_space<semaphore_mem>>
        %dma_start3A_630 = tpu.memref_squeeze %dma_start3A_629 : memref<1x!tpu.dma_semaphore, #tpu.memory_space<semaphore_mem>> -> memref<!tpu.dma_semaphore, #tpu.memory_space<semaphore_mem>>
        tpu.enqueue_indirect_dma source(%dma_start3A_628 : memref<10240x64xf32, #tpu.memory_space<vmem_shared>>) target(%dma_start3A_622 : memref<128x64xf32, #tpu.memory_space<vmem>>) offsets(%dma_start3A_625 : memref<128xi32, #tpu.memory_space<vmem>>) semaphore(%dma_start3A_630 : memref<!tpu.dma_semaphore, #tpu.memory_space<semaphore_mem>>)
      } else {
      }
      %mul3A_469 = arith.constant 4 : i32
      %mul3A_470 = arith.muli %scan3A_326, %mul3A_469 : i32
      %add3A_471 = arith.constant 2 : i32
      %add3A_472 = arith.addi %mul3A_470, %add3A_471 : i32
      %jit3A_473 = arith.constant 4 : i32
      %eq3A_474 = arith.constant 0 : i32
      %eq3A_475 = arith.cmpi eq, %jit3A_473, %eq3A_474 : i32
      %jit3A_476 = arith.constant 1 : i32
      %select_n3A_477 = arith.select %eq3A_475, %jit3A_476, %jit3A_473 : i32
      %rem3A_478 = arith.remsi %add3A_472, %select_n3A_477 : i32
      %ne3A_479 = arith.constant 0 : i32
      %ne3A_480 = arith.cmpi ne, %rem3A_478, %ne3A_479 : i32
      %lt3A_481 = arith.constant 0 : i32
      %lt3A_482 = arith.cmpi slt, %rem3A_478, %lt3A_481 : i32
      %lt3A_483 = arith.constant 0 : i32
      %lt3A_484 = arith.cmpi slt, %select_n3A_477, %lt3A_483 : i32
      %ne3A_485 = arith.xori %lt3A_482, %lt3A_484 : i1
      %and3A_486 = arith.andi %ne3A_485, %ne3A_480 : i1
      %add3A_487 = arith.addi %rem3A_478, %select_n3A_477 : i32
      %select_n3A_488 = arith.select %and3A_486, %add3A_487, %rem3A_478 : i32
      %dma_wait3A_489 = arith.constant 0 : i32
      %dma_wait3A_490 = arith.constant 0 : i32
      %dma_wait3A_491 = tpu.memref_slice %arg8[%select_n3A_488, %dma_wait3A_489, %dma_wait3A_490] : memref<4x128x64xf32, #tpu.memory_space<vmem>> -> memref<1x128x64xf32, #tpu.memory_space<vmem>>
      %dma_wait3A_492 = tpu.memref_squeeze %dma_wait3A_491 : memref<1x128x64xf32, #tpu.memory_space<vmem>> -> memref<128x64xf32, #tpu.memory_space<vmem>>
      %dma_wait3A_493 = arith.constant 0 : i32
      %dma_wait3A_494 = tpu.memref_slice %arg6[%add3A_472, %dma_wait3A_493] : memref<40x128xi32, #tpu.memory_space<vmem>> -> memref<1x128xi32, #tpu.memory_space<vmem>>
      %dma_wait3A_495 = tpu.memref_squeeze %dma_wait3A_494 : memref<1x128xi32, #tpu.memory_space<vmem>> -> memref<128xi32, #tpu.memory_space<vmem>>
      %dma_wait3A_496 = arith.constant 0 : i32
      %dma_wait3A_497 = arith.constant 0 : i32
      %dma_wait3A_498 = tpu.memref_slice %arg9[%dma_wait3A_496, %dma_wait3A_497] : memref<10240x64xf32, #tpu.memory_space<vmem_shared>> -> memref<10240x64xf32, #tpu.memory_space<vmem_shared>>
      %dma_wait3A_499 = tpu.memref_slice %arg11[%select_n3A_488] : memref<4x!tpu.dma_semaphore, #tpu.memory_space<semaphore_mem>> -> memref<1x!tpu.dma_semaphore, #tpu.memory_space<semaphore_mem>>
      %dma_wait3A_500 = tpu.memref_squeeze %dma_wait3A_499 : memref<1x!tpu.dma_semaphore, #tpu.memory_space<semaphore_mem>> -> memref<!tpu.dma_semaphore, #tpu.memory_space<semaphore_mem>>
      tpu.wait_indirect_dma semaphore(%dma_wait3A_500 : memref<!tpu.dma_semaphore, #tpu.memory_space<semaphore_mem>>) src(%dma_wait3A_498 : memref<10240x64xf32, #tpu.memory_space<vmem_shared>>) dst(%dma_wait3A_492 : memref<128x64xf32, #tpu.memory_space<vmem>>)
      %dma_start3A_501 = arith.constant 0 : i32
      %dma_start3A_502 = arith.constant 0 : i32
      %dma_start3A_503 = tpu.memref_slice %arg8[%select_n3A_488, %dma_start3A_501, %dma_start3A_502] : memref<4x128x64xf32, #tpu.memory_space<vmem>> -> memref<1x128x64xf32, #tpu.memory_space<vmem>>
      %dma_start3A_504 = tpu.memref_squeeze %dma_start3A_503 : memref<1x128x64xf32, #tpu.memory_space<vmem>> -> memref<128x64xf32, #tpu.memory_space<vmem>>
      %dma_start3A_505 = arith.constant 0 : i32
      %dma_start3A_506 = tpu.memref_slice %arg7[%add3A_472, %dma_start3A_505] : memref<40x128xi32, #tpu.memory_space<vmem>> -> memref<1x128xi32, #tpu.memory_space<vmem>>
      %dma_start3A_507 = tpu.memref_squeeze %dma_start3A_506 : memref<1x128xi32, #tpu.memory_space<vmem>> -> memref<128xi32, #tpu.memory_space<vmem>>
      %dma_start3A_508 = arith.constant 0 : i32
      %dma_start3A_509 = arith.constant 0 : i32
      %dma_start3A_510 = tpu.memref_slice %arg10[%dma_start3A_508, %dma_start3A_509] : memref<10240x64xf32, #tpu.memory_space<vmem_shared>> -> memref<10240x64xf32, #tpu.memory_space<vmem_shared>>
      %dma_start3A_511 = tpu.memref_slice %arg12[%select_n3A_488] : memref<4x!tpu.dma_semaphore, #tpu.memory_space<semaphore_mem>> -> memref<1x!tpu.dma_semaphore, #tpu.memory_space<semaphore_mem>>
      %dma_start3A_512 = tpu.memref_squeeze %dma_start3A_511 : memref<1x!tpu.dma_semaphore, #tpu.memory_space<semaphore_mem>> -> memref<!tpu.dma_semaphore, #tpu.memory_space<semaphore_mem>>
      tpu.enqueue_indirect_dma source(%dma_start3A_504 : memref<128x64xf32, #tpu.memory_space<vmem>>) target(%dma_start3A_510 : memref<10240x64xf32, #tpu.memory_space<vmem_shared>>) offsets(%dma_start3A_507 : memref<128xi32, #tpu.memory_space<vmem>>) semaphore(%dma_start3A_512 : memref<!tpu.dma_semaphore, #tpu.memory_space<semaphore_mem>>) {add = true}
      %add3A_513 = arith.constant 2 : i32
      %add3A_514 = arith.addi %add3A_472, %add3A_513 : i32
      %jit3A_515 = arith.constant 4 : i32
      %eq3A_516 = arith.constant 0 : i32
      %eq3A_517 = arith.cmpi eq, %jit3A_515, %eq3A_516 : i32
      %jit3A_518 = arith.constant 1 : i32
      %select_n3A_519 = arith.select %eq3A_517, %jit3A_518, %jit3A_515 : i32
      %rem3A_520 = arith.remsi %add3A_514, %select_n3A_519 : i32
      %ne3A_521 = arith.constant 0 : i32
      %ne3A_522 = arith.cmpi ne, %rem3A_520, %ne3A_521 : i32
      %lt3A_523 = arith.constant 0 : i32
      %lt3A_524 = arith.cmpi slt, %rem3A_520, %lt3A_523 : i32
      %lt3A_525 = arith.constant 0 : i32
      %lt3A_526 = arith.cmpi slt, %select_n3A_519, %lt3A_525 : i32
      %ne3A_527 = arith.xori %lt3A_524, %lt3A_526 : i1
      %and3A_528 = arith.andi %ne3A_527, %ne3A_522 : i1
      %add3A_529 = arith.addi %rem3A_520, %select_n3A_519 : i32
      %select_n3A_530 = arith.select %and3A_528, %add3A_529, %rem3A_520 : i32
      %ge3A_531 = arith.constant 2 : i32
      %ge3A_532 = arith.cmpi sge, %add3A_472, %ge3A_531 : i32
      %convert_element_type3A_533 = arith.extui %ge3A_532 : i1 to i32
      %cond3A_534 = arith.constant 0 : i32
      %cond3A_535 = arith.cmpi ne, %convert_element_type3A_533, %cond3A_534 : i32
      scf.if %cond3A_535 {
        %sub3A = arith.constant 2 : i32
        %sub3A_617 = arith.subi %add3A_472, %sub3A : i32
        %dma_wait3A_618 = arith.constant 0 : i32
        %dma_wait3A_619 = arith.constant 0 : i32
        %dma_wait3A_620 = tpu.memref_slice %arg8[%select_n3A_530, %dma_wait3A_618, %dma_wait3A_619] : memref<4x128x64xf32, #tpu.memory_space<vmem>> -> memref<1x128x64xf32, #tpu.memory_space<vmem>>
        %dma_wait3A_621 = tpu.memref_squeeze %dma_wait3A_620 : memref<1x128x64xf32, #tpu.memory_space<vmem>> -> memref<128x64xf32, #tpu.memory_space<vmem>>
        %dma_wait3A_622 = arith.constant 0 : i32
        %dma_wait3A_623 = tpu.memref_slice %arg7[%sub3A_617, %dma_wait3A_622] : memref<40x128xi32, #tpu.memory_space<vmem>> -> memref<1x128xi32, #tpu.memory_space<vmem>>
        %dma_wait3A_624 = tpu.memref_squeeze %dma_wait3A_623 : memref<1x128xi32, #tpu.memory_space<vmem>> -> memref<128xi32, #tpu.memory_space<vmem>>
        %dma_wait3A_625 = arith.constant 0 : i32
        %dma_wait3A_626 = arith.constant 0 : i32
        %dma_wait3A_627 = tpu.memref_slice %arg10[%dma_wait3A_625, %dma_wait3A_626] : memref<10240x64xf32, #tpu.memory_space<vmem_shared>> -> memref<10240x64xf32, #tpu.memory_space<vmem_shared>>
        %dma_wait3A_628 = tpu.memref_slice %arg12[%select_n3A_530] : memref<4x!tpu.dma_semaphore, #tpu.memory_space<semaphore_mem>> -> memref<1x!tpu.dma_semaphore, #tpu.memory_space<semaphore_mem>>
        %dma_wait3A_629 = tpu.memref_squeeze %dma_wait3A_628 : memref<1x!tpu.dma_semaphore, #tpu.memory_space<semaphore_mem>> -> memref<!tpu.dma_semaphore, #tpu.memory_space<semaphore_mem>>
        tpu.wait_indirect_dma semaphore(%dma_wait3A_629 : memref<!tpu.dma_semaphore, #tpu.memory_space<semaphore_mem>>) src(%dma_wait3A_621 : memref<128x64xf32, #tpu.memory_space<vmem>>) dst(%dma_wait3A_627 : memref<10240x64xf32, #tpu.memory_space<vmem_shared>>)
      } else {
      }
      %add3A_536 = arith.constant 2 : i32
      %add3A_537 = arith.addi %add3A_472, %add3A_536 : i32
      %lt3A_538 = arith.constant 40 : i32
      %lt3A_539 = arith.cmpi slt, %add3A_537, %lt3A_538 : i32
      %convert_element_type3A_540 = arith.extui %lt3A_539 : i1 to i32
      %cond3A_541 = arith.constant 0 : i32
      %cond3A_542 = arith.cmpi ne, %convert_element_type3A_540, %cond3A_541 : i32
      scf.if %cond3A_542 {
        %add3A_617 = arith.constant 2 : i32
        %add3A_618 = arith.addi %add3A_472, %add3A_617 : i32
        %dma_start3A_619 = arith.constant 0 : i32
        %dma_start3A_620 = arith.constant 0 : i32
        %dma_start3A_621 = tpu.memref_slice %arg8[%select_n3A_530, %dma_start3A_619, %dma_start3A_620] : memref<4x128x64xf32, #tpu.memory_space<vmem>> -> memref<1x128x64xf32, #tpu.memory_space<vmem>>
        %dma_start3A_622 = tpu.memref_squeeze %dma_start3A_621 : memref<1x128x64xf32, #tpu.memory_space<vmem>> -> memref<128x64xf32, #tpu.memory_space<vmem>>
        %dma_start3A_623 = arith.constant 0 : i32
        %dma_start3A_624 = tpu.memref_slice %arg6[%add3A_618, %dma_start3A_623] : memref<40x128xi32, #tpu.memory_space<vmem>> -> memref<1x128xi32, #tpu.memory_space<vmem>>
        %dma_start3A_625 = tpu.memref_squeeze %dma_start3A_624 : memref<1x128xi32, #tpu.memory_space<vmem>> -> memref<128xi32, #tpu.memory_space<vmem>>
        %dma_start3A_626 = arith.constant 0 : i32
        %dma_start3A_627 = arith.constant 0 : i32
        %dma_start3A_628 = tpu.memref_slice %arg9[%dma_start3A_626, %dma_start3A_627] : memref<10240x64xf32, #tpu.memory_space<vmem_shared>> -> memref<10240x64xf32, #tpu.memory_space<vmem_shared>>
        %dma_start3A_629 = tpu.memref_slice %arg11[%select_n3A_530] : memref<4x!tpu.dma_semaphore, #tpu.memory_space<semaphore_mem>> -> memref<1x!tpu.dma_semaphore, #tpu.memory_space<semaphore_mem>>
        %dma_start3A_630 = tpu.memref_squeeze %dma_start3A_629 : memref<1x!tpu.dma_semaphore, #tpu.memory_space<semaphore_mem>> -> memref<!tpu.dma_semaphore, #tpu.memory_space<semaphore_mem>>
        tpu.enqueue_indirect_dma source(%dma_start3A_628 : memref<10240x64xf32, #tpu.memory_space<vmem_shared>>) target(%dma_start3A_622 : memref<128x64xf32, #tpu.memory_space<vmem>>) offsets(%dma_start3A_625 : memref<128xi32, #tpu.memory_space<vmem>>) semaphore(%dma_start3A_630 : memref<!tpu.dma_semaphore, #tpu.memory_space<semaphore_mem>>)
      } else {
      }
      %mul3A_543 = arith.constant 4 : i32
      %mul3A_544 = arith.muli %scan3A_326, %mul3A_543 : i32
      %add3A_545 = arith.constant 3 : i32
      %add3A_546 = arith.addi %mul3A_544, %add3A_545 : i32
      %jit3A_547 = arith.constant 4 : i32
      %eq3A_548 = arith.constant 0 : i32
      %eq3A_549 = arith.cmpi eq, %jit3A_547, %eq3A_548 : i32
      %jit3A_550 = arith.constant 1 : i32
      %select_n3A_551 = arith.select %eq3A_549, %jit3A_550, %jit3A_547 : i32
      %rem3A_552 = arith.remsi %add3A_546, %select_n3A_551 : i32
      %ne3A_553 = arith.constant 0 : i32
      %ne3A_554 = arith.cmpi ne, %rem3A_552, %ne3A_553 : i32
      %lt3A_555 = arith.constant 0 : i32
      %lt3A_556 = arith.cmpi slt, %rem3A_552, %lt3A_555 : i32
      %lt3A_557 = arith.constant 0 : i32
      %lt3A_558 = arith.cmpi slt, %select_n3A_551, %lt3A_557 : i32
      %ne3A_559 = arith.xori %lt3A_556, %lt3A_558 : i1
      %and3A_560 = arith.andi %ne3A_559, %ne3A_554 : i1
      %add3A_561 = arith.addi %rem3A_552, %select_n3A_551 : i32
      %select_n3A_562 = arith.select %and3A_560, %add3A_561, %rem3A_552 : i32
      %dma_wait3A_563 = arith.constant 0 : i32
      %dma_wait3A_564 = arith.constant 0 : i32
      %dma_wait3A_565 = tpu.memref_slice %arg8[%select_n3A_562, %dma_wait3A_563, %dma_wait3A_564] : memref<4x128x64xf32, #tpu.memory_space<vmem>> -> memref<1x128x64xf32, #tpu.memory_space<vmem>>
      %dma_wait3A_566 = tpu.memref_squeeze %dma_wait3A_565 : memref<1x128x64xf32, #tpu.memory_space<vmem>> -> memref<128x64xf32, #tpu.memory_space<vmem>>
      %dma_wait3A_567 = arith.constant 0 : i32
      %dma_wait3A_568 = tpu.memref_slice %arg6[%add3A_546, %dma_wait3A_567] : memref<40x128xi32, #tpu.memory_space<vmem>> -> memref<1x128xi32, #tpu.memory_space<vmem>>
      %dma_wait3A_569 = tpu.memref_squeeze %dma_wait3A_568 : memref<1x128xi32, #tpu.memory_space<vmem>> -> memref<128xi32, #tpu.memory_space<vmem>>
      %dma_wait3A_570 = arith.constant 0 : i32
      %dma_wait3A_571 = arith.constant 0 : i32
      %dma_wait3A_572 = tpu.memref_slice %arg9[%dma_wait3A_570, %dma_wait3A_571] : memref<10240x64xf32, #tpu.memory_space<vmem_shared>> -> memref<10240x64xf32, #tpu.memory_space<vmem_shared>>
      %dma_wait3A_573 = tpu.memref_slice %arg11[%select_n3A_562] : memref<4x!tpu.dma_semaphore, #tpu.memory_space<semaphore_mem>> -> memref<1x!tpu.dma_semaphore, #tpu.memory_space<semaphore_mem>>
      %dma_wait3A_574 = tpu.memref_squeeze %dma_wait3A_573 : memref<1x!tpu.dma_semaphore, #tpu.memory_space<semaphore_mem>> -> memref<!tpu.dma_semaphore, #tpu.memory_space<semaphore_mem>>
      tpu.wait_indirect_dma semaphore(%dma_wait3A_574 : memref<!tpu.dma_semaphore, #tpu.memory_space<semaphore_mem>>) src(%dma_wait3A_572 : memref<10240x64xf32, #tpu.memory_space<vmem_shared>>) dst(%dma_wait3A_566 : memref<128x64xf32, #tpu.memory_space<vmem>>)
      %dma_start3A_575 = arith.constant 0 : i32
      %dma_start3A_576 = arith.constant 0 : i32
      %dma_start3A_577 = tpu.memref_slice %arg8[%select_n3A_562, %dma_start3A_575, %dma_start3A_576] : memref<4x128x64xf32, #tpu.memory_space<vmem>> -> memref<1x128x64xf32, #tpu.memory_space<vmem>>
      %dma_start3A_578 = tpu.memref_squeeze %dma_start3A_577 : memref<1x128x64xf32, #tpu.memory_space<vmem>> -> memref<128x64xf32, #tpu.memory_space<vmem>>
      %dma_start3A_579 = arith.constant 0 : i32
      %dma_start3A_580 = tpu.memref_slice %arg7[%add3A_546, %dma_start3A_579] : memref<40x128xi32, #tpu.memory_space<vmem>> -> memref<1x128xi32, #tpu.memory_space<vmem>>
      %dma_start3A_581 = tpu.memref_squeeze %dma_start3A_580 : memref<1x128xi32, #tpu.memory_space<vmem>> -> memref<128xi32, #tpu.memory_space<vmem>>
      %dma_start3A_582 = arith.constant 0 : i32
      %dma_start3A_583 = arith.constant 0 : i32
      %dma_start3A_584 = tpu.memref_slice %arg10[%dma_start3A_582, %dma_start3A_583] : memref<10240x64xf32, #tpu.memory_space<vmem_shared>> -> memref<10240x64xf32, #tpu.memory_space<vmem_shared>>
      %dma_start3A_585 = tpu.memref_slice %arg12[%select_n3A_562] : memref<4x!tpu.dma_semaphore, #tpu.memory_space<semaphore_mem>> -> memref<1x!tpu.dma_semaphore, #tpu.memory_space<semaphore_mem>>
      %dma_start3A_586 = tpu.memref_squeeze %dma_start3A_585 : memref<1x!tpu.dma_semaphore, #tpu.memory_space<semaphore_mem>> -> memref<!tpu.dma_semaphore, #tpu.memory_space<semaphore_mem>>
      tpu.enqueue_indirect_dma source(%dma_start3A_578 : memref<128x64xf32, #tpu.memory_space<vmem>>) target(%dma_start3A_584 : memref<10240x64xf32, #tpu.memory_space<vmem_shared>>) offsets(%dma_start3A_581 : memref<128xi32, #tpu.memory_space<vmem>>) semaphore(%dma_start3A_586 : memref<!tpu.dma_semaphore, #tpu.memory_space<semaphore_mem>>) {add = true}
      %add3A_587 = arith.constant 2 : i32
      %add3A_588 = arith.addi %add3A_546, %add3A_587 : i32
      %jit3A_589 = arith.constant 4 : i32
      %eq3A_590 = arith.constant 0 : i32
      %eq3A_591 = arith.cmpi eq, %jit3A_589, %eq3A_590 : i32
      %jit3A_592 = arith.constant 1 : i32
      %select_n3A_593 = arith.select %eq3A_591, %jit3A_592, %jit3A_589 : i32
      %rem3A_594 = arith.remsi %add3A_588, %select_n3A_593 : i32
      %ne3A_595 = arith.constant 0 : i32
      %ne3A_596 = arith.cmpi ne, %rem3A_594, %ne3A_595 : i32
      %lt3A_597 = arith.constant 0 : i32
      %lt3A_598 = arith.cmpi slt, %rem3A_594, %lt3A_597 : i32
      %lt3A_599 = arith.constant 0 : i32
      %lt3A_600 = arith.cmpi slt, %select_n3A_593, %lt3A_599 : i32
      %ne3A_601 = arith.xori %lt3A_598, %lt3A_600 : i1
      %and3A_602 = arith.andi %ne3A_601, %ne3A_596 : i1
      %add3A_603 = arith.addi %rem3A_594, %select_n3A_593 : i32
      %select_n3A_604 = arith.select %and3A_602, %add3A_603, %rem3A_594 : i32
      %ge3A_605 = arith.constant 2 : i32
      %ge3A_606 = arith.cmpi sge, %add3A_546, %ge3A_605 : i32
      %convert_element_type3A_607 = arith.extui %ge3A_606 : i1 to i32
      %cond3A_608 = arith.constant 0 : i32
      %cond3A_609 = arith.cmpi ne, %convert_element_type3A_607, %cond3A_608 : i32
      scf.if %cond3A_609 {
        %sub3A = arith.constant 2 : i32
        %sub3A_617 = arith.subi %add3A_546, %sub3A : i32
        %dma_wait3A_618 = arith.constant 0 : i32
        %dma_wait3A_619 = arith.constant 0 : i32
        %dma_wait3A_620 = tpu.memref_slice %arg8[%select_n3A_604, %dma_wait3A_618, %dma_wait3A_619] : memref<4x128x64xf32, #tpu.memory_space<vmem>> -> memref<1x128x64xf32, #tpu.memory_space<vmem>>
        %dma_wait3A_621 = tpu.memref_squeeze %dma_wait3A_620 : memref<1x128x64xf32, #tpu.memory_space<vmem>> -> memref<128x64xf32, #tpu.memory_space<vmem>>
        %dma_wait3A_622 = arith.constant 0 : i32
        %dma_wait3A_623 = tpu.memref_slice %arg7[%sub3A_617, %dma_wait3A_622] : memref<40x128xi32, #tpu.memory_space<vmem>> -> memref<1x128xi32, #tpu.memory_space<vmem>>
        %dma_wait3A_624 = tpu.memref_squeeze %dma_wait3A_623 : memref<1x128xi32, #tpu.memory_space<vmem>> -> memref<128xi32, #tpu.memory_space<vmem>>
        %dma_wait3A_625 = arith.constant 0 : i32
        %dma_wait3A_626 = arith.constant 0 : i32
        %dma_wait3A_627 = tpu.memref_slice %arg10[%dma_wait3A_625, %dma_wait3A_626] : memref<10240x64xf32, #tpu.memory_space<vmem_shared>> -> memref<10240x64xf32, #tpu.memory_space<vmem_shared>>
        %dma_wait3A_628 = tpu.memref_slice %arg12[%select_n3A_604] : memref<4x!tpu.dma_semaphore, #tpu.memory_space<semaphore_mem>> -> memref<1x!tpu.dma_semaphore, #tpu.memory_space<semaphore_mem>>
        %dma_wait3A_629 = tpu.memref_squeeze %dma_wait3A_628 : memref<1x!tpu.dma_semaphore, #tpu.memory_space<semaphore_mem>> -> memref<!tpu.dma_semaphore, #tpu.memory_space<semaphore_mem>>
        tpu.wait_indirect_dma semaphore(%dma_wait3A_629 : memref<!tpu.dma_semaphore, #tpu.memory_space<semaphore_mem>>) src(%dma_wait3A_621 : memref<128x64xf32, #tpu.memory_space<vmem>>) dst(%dma_wait3A_627 : memref<10240x64xf32, #tpu.memory_space<vmem_shared>>)
      } else {
      }
      %add3A_610 = arith.constant 2 : i32
      %add3A_611 = arith.addi %add3A_546, %add3A_610 : i32
      %lt3A_612 = arith.constant 40 : i32
      %lt3A_613 = arith.cmpi slt, %add3A_611, %lt3A_612 : i32
      %convert_element_type3A_614 = arith.extui %lt3A_613 : i1 to i32
      %cond3A_615 = arith.constant 0 : i32
      %cond3A_616 = arith.cmpi ne, %convert_element_type3A_614, %cond3A_615 : i32
      scf.if %cond3A_616 {
        %add3A_617 = arith.constant 2 : i32
        %add3A_618 = arith.addi %add3A_546, %add3A_617 : i32
        %dma_start3A_619 = arith.constant 0 : i32
        %dma_start3A_620 = arith.constant 0 : i32
        %dma_start3A_621 = tpu.memref_slice %arg8[%select_n3A_604, %dma_start3A_619, %dma_start3A_620] : memref<4x128x64xf32, #tpu.memory_space<vmem>> -> memref<1x128x64xf32, #tpu.memory_space<vmem>>
        %dma_start3A_622 = tpu.memref_squeeze %dma_start3A_621 : memref<1x128x64xf32, #tpu.memory_space<vmem>> -> memref<128x64xf32, #tpu.memory_space<vmem>>
        %dma_start3A_623 = arith.constant 0 : i32
        %dma_start3A_624 = tpu.memref_slice %arg6[%add3A_618, %dma_start3A_623] : memref<40x128xi32, #tpu.memory_space<vmem>> -> memref<1x128xi32, #tpu.memory_space<vmem>>
        %dma_start3A_625 = tpu.memref_squeeze %dma_start3A_624 : memref<1x128xi32, #tpu.memory_space<vmem>> -> memref<128xi32, #tpu.memory_space<vmem>>
        %dma_start3A_626 = arith.constant 0 : i32
        %dma_start3A_627 = arith.constant 0 : i32
        %dma_start3A_628 = tpu.memref_slice %arg9[%dma_start3A_626, %dma_start3A_627] : memref<10240x64xf32, #tpu.memory_space<vmem_shared>> -> memref<10240x64xf32, #tpu.memory_space<vmem_shared>>
        %dma_start3A_629 = tpu.memref_slice %arg11[%select_n3A_604] : memref<4x!tpu.dma_semaphore, #tpu.memory_space<semaphore_mem>> -> memref<1x!tpu.dma_semaphore, #tpu.memory_space<semaphore_mem>>
        %dma_start3A_630 = tpu.memref_squeeze %dma_start3A_629 : memref<1x!tpu.dma_semaphore, #tpu.memory_space<semaphore_mem>> -> memref<!tpu.dma_semaphore, #tpu.memory_space<semaphore_mem>>
        tpu.enqueue_indirect_dma source(%dma_start3A_628 : memref<10240x64xf32, #tpu.memory_space<vmem_shared>>) target(%dma_start3A_622 : memref<128x64xf32, #tpu.memory_space<vmem>>) offsets(%dma_start3A_625 : memref<128xi32, #tpu.memory_space<vmem>>) semaphore(%dma_start3A_630 : memref<!tpu.dma_semaphore, #tpu.memory_space<semaphore_mem>>)
      } else {
      }
    }
    %scan3A_214 = arith.constant 10 : i32
    %dma_wait3A_215 = arith.constant 2 : i32
    %dma_wait3A_216 = arith.constant 38 : i32
    %dma_wait3A_217 = arith.constant 2 : i32
    %dma_wait3A_218 = arith.constant 0 : i32
    %dma_wait3A_219 = arith.constant 0 : i32
    %dma_wait3A_220 = tpu.memref_slice %arg8[%dma_wait3A_215, %dma_wait3A_218, %dma_wait3A_219] : memref<4x128x64xf32, #tpu.memory_space<vmem>> -> memref<1x128x64xf32, #tpu.memory_space<vmem>>
    %dma_wait3A_221 = tpu.memref_squeeze %dma_wait3A_220 : memref<1x128x64xf32, #tpu.memory_space<vmem>> -> memref<128x64xf32, #tpu.memory_space<vmem>>
    %dma_wait3A_222 = arith.constant 0 : i32
    %dma_wait3A_223 = tpu.memref_slice %arg7[%dma_wait3A_216, %dma_wait3A_222] : memref<40x128xi32, #tpu.memory_space<vmem>> -> memref<1x128xi32, #tpu.memory_space<vmem>>
    %dma_wait3A_224 = tpu.memref_squeeze %dma_wait3A_223 : memref<1x128xi32, #tpu.memory_space<vmem>> -> memref<128xi32, #tpu.memory_space<vmem>>
    %dma_wait3A_225 = arith.constant 0 : i32
    %dma_wait3A_226 = arith.constant 0 : i32
    %dma_wait3A_227 = tpu.memref_slice %arg10[%dma_wait3A_225, %dma_wait3A_226] : memref<10240x64xf32, #tpu.memory_space<vmem_shared>> -> memref<10240x64xf32, #tpu.memory_space<vmem_shared>>
    %dma_wait3A_228 = tpu.memref_slice %arg12[%dma_wait3A_217] : memref<4x!tpu.dma_semaphore, #tpu.memory_space<semaphore_mem>> -> memref<1x!tpu.dma_semaphore, #tpu.memory_space<semaphore_mem>>
    %dma_wait3A_229 = tpu.memref_squeeze %dma_wait3A_228 : memref<1x!tpu.dma_semaphore, #tpu.memory_space<semaphore_mem>> -> memref<!tpu.dma_semaphore, #tpu.memory_space<semaphore_mem>>
    tpu.wait_indirect_dma semaphore(%dma_wait3A_229 : memref<!tpu.dma_semaphore, #tpu.memory_space<semaphore_mem>>) src(%dma_wait3A_221 : memref<128x64xf32, #tpu.memory_space<vmem>>) dst(%dma_wait3A_227 : memref<10240x64xf32, #tpu.memory_space<vmem_shared>>)
    %dma_wait3A_230 = arith.constant 3 : i32
    %dma_wait3A_231 = arith.constant 39 : i32
    %dma_wait3A_232 = arith.constant 3 : i32
    %dma_wait3A_233 = arith.constant 0 : i32
    %dma_wait3A_234 = arith.constant 0 : i32
    %dma_wait3A_235 = tpu.memref_slice %arg8[%dma_wait3A_230, %dma_wait3A_233, %dma_wait3A_234] : memref<4x128x64xf32, #tpu.memory_space<vmem>> -> memref<1x128x64xf32, #tpu.memory_space<vmem>>
    %dma_wait3A_236 = tpu.memref_squeeze %dma_wait3A_235 : memref<1x128x64xf32, #tpu.memory_space<vmem>> -> memref<128x64xf32, #tpu.memory_space<vmem>>
    %dma_wait3A_237 = arith.constant 0 : i32
    %dma_wait3A_238 = tpu.memref_slice %arg7[%dma_wait3A_231, %dma_wait3A_237] : memref<40x128xi32, #tpu.memory_space<vmem>> -> memref<1x128xi32, #tpu.memory_space<vmem>>
    %dma_wait3A_239 = tpu.memref_squeeze %dma_wait3A_238 : memref<1x128xi32, #tpu.memory_space<vmem>> -> memref<128xi32, #tpu.memory_space<vmem>>
    %dma_wait3A_240 = arith.constant 0 : i32
    %dma_wait3A_241 = arith.constant 0 : i32
    %dma_wait3A_242 = tpu.memref_slice %arg10[%dma_wait3A_240, %dma_wait3A_241] : memref<10240x64xf32, #tpu.memory_space<vmem_shared>> -> memref<10240x64xf32, #tpu.memory_space<vmem_shared>>
    %dma_wait3A_243 = tpu.memref_slice %arg12[%dma_wait3A_232] : memref<4x!tpu.dma_semaphore, #tpu.memory_space<semaphore_mem>> -> memref<1x!tpu.dma_semaphore, #tpu.memory_space<semaphore_mem>>
    %dma_wait3A_244 = tpu.memref_squeeze %dma_wait3A_243 : memref<1x!tpu.dma_semaphore, #tpu.memory_space<semaphore_mem>> -> memref<!tpu.dma_semaphore, #tpu.memory_space<semaphore_mem>>
    tpu.wait_indirect_dma semaphore(%dma_wait3A_244 : memref<!tpu.dma_semaphore, #tpu.memory_space<semaphore_mem>>) src(%dma_wait3A_236 : memref<128x64xf32, #tpu.memory_space<vmem>>) dst(%dma_wait3A_242 : memref<10240x64xf32, #tpu.memory_space<vmem_shared>>)
    %mul3A_245 = arith.constant 4 : i32
    %mul3A_246 = arith.muli %arg1, %mul3A_245 : i32
    %add3A_247 = arith.constant 3 : i32
    %add3A_248 = arith.addi %mul3A_246, %add3A_247 : i32
    "tpu.region"() ({
      %run_scoped3A_326 = tpu.sem_alloc : memref<!tpu.dma_semaphore, #tpu.memory_space<semaphore_mem>>
      %dma_start3A_327 = arith.constant 0 : i32
      %dma_start3A_328 = arith.constant 0 : i32
      %dma_start3A_329 = tpu.memref_slice %arg3[%add3A_248, %dma_start3A_327, %dma_start3A_328] : memref<64x40x128xi32, #tpu.memory_space<hbm>> -> memref<1x40x128xi32, #tpu.memory_space<hbm>>
      %dma_start3A_330 = tpu.memref_squeeze %dma_start3A_329 : memref<1x40x128xi32, #tpu.memory_space<hbm>> -> memref<40x128xi32, #tpu.memory_space<hbm>>
      %dma_start3A_331 = arith.constant 0 : i32
      %dma_start3A_332 = arith.constant 0 : i32
      %dma_start3A_333 = tpu.memref_slice %arg3[%add3A_248, %dma_start3A_331, %dma_start3A_332] : memref<64x40x128xi32, #tpu.memory_space<hbm>> -> memref<1x40x128xi32, #tpu.memory_space<hbm>>
      %dma_start3A_334 = tpu.memref_squeeze %dma_start3A_333 : memref<1x40x128xi32, #tpu.memory_space<hbm>> -> memref<40x128xi32, #tpu.memory_space<hbm>>
      tpu.enqueue_dma source(%dma_start3A_334 : memref<40x128xi32, #tpu.memory_space<hbm>>) target(%arg6 : memref<40x128xi32, #tpu.memory_space<vmem>>) target_semaphore(%run_scoped3A_326 : memref<!tpu.dma_semaphore, #tpu.memory_space<semaphore_mem>>)
      %dma_wait3A_335 = arith.constant 0 : i32
      %dma_wait3A_336 = arith.constant 0 : i32
      %dma_wait3A_337 = tpu.memref_slice %arg3[%add3A_248, %dma_wait3A_335, %dma_wait3A_336] : memref<64x40x128xi32, #tpu.memory_space<hbm>> -> memref<1x40x128xi32, #tpu.memory_space<hbm>>
      %dma_wait3A_338 = tpu.memref_squeeze %dma_wait3A_337 : memref<1x40x128xi32, #tpu.memory_space<hbm>> -> memref<40x128xi32, #tpu.memory_space<hbm>>
      %dma_wait3A_339 = arith.constant 0 : i32
      %dma_wait3A_340 = arith.constant 0 : i32
      %dma_wait3A_341 = tpu.memref_slice %arg3[%add3A_248, %dma_wait3A_339, %dma_wait3A_340] : memref<64x40x128xi32, #tpu.memory_space<hbm>> -> memref<1x40x128xi32, #tpu.memory_space<hbm>>
      %dma_wait3A_342 = tpu.memref_squeeze %dma_wait3A_341 : memref<1x40x128xi32, #tpu.memory_space<hbm>> -> memref<40x128xi32, #tpu.memory_space<hbm>>
      tpu.wait_dma2 semaphore(%run_scoped3A_326 : memref<!tpu.dma_semaphore, #tpu.memory_space<semaphore_mem>>) src(%dma_wait3A_342 : memref<40x128xi32, #tpu.memory_space<hbm>>) dst(%arg6 : memref<40x128xi32, #tpu.memory_space<vmem>>)
      tpu.yield
    }) : () -> ()
    %mul3A_249 = arith.constant 4 : i32
    %mul3A_250 = arith.muli %arg1, %mul3A_249 : i32
    %add3A_251 = arith.constant 3 : i32
    %add3A_252 = arith.addi %mul3A_250, %add3A_251 : i32
    "tpu.region"() ({
      %run_scoped3A_326 = tpu.sem_alloc : memref<!tpu.dma_semaphore, #tpu.memory_space<semaphore_mem>>
      %dma_start3A_327 = arith.constant 0 : i32
      %dma_start3A_328 = arith.constant 0 : i32
      %dma_start3A_329 = tpu.memref_slice %arg4[%add3A_252, %dma_start3A_327, %dma_start3A_328] : memref<64x40x128xi32, #tpu.memory_space<hbm>> -> memref<1x40x128xi32, #tpu.memory_space<hbm>>
      %dma_start3A_330 = tpu.memref_squeeze %dma_start3A_329 : memref<1x40x128xi32, #tpu.memory_space<hbm>> -> memref<40x128xi32, #tpu.memory_space<hbm>>
      %dma_start3A_331 = arith.constant 0 : i32
      %dma_start3A_332 = arith.constant 0 : i32
      %dma_start3A_333 = tpu.memref_slice %arg4[%add3A_252, %dma_start3A_331, %dma_start3A_332] : memref<64x40x128xi32, #tpu.memory_space<hbm>> -> memref<1x40x128xi32, #tpu.memory_space<hbm>>
      %dma_start3A_334 = tpu.memref_squeeze %dma_start3A_333 : memref<1x40x128xi32, #tpu.memory_space<hbm>> -> memref<40x128xi32, #tpu.memory_space<hbm>>
      tpu.enqueue_dma source(%dma_start3A_334 : memref<40x128xi32, #tpu.memory_space<hbm>>) target(%arg7 : memref<40x128xi32, #tpu.memory_space<vmem>>) target_semaphore(%run_scoped3A_326 : memref<!tpu.dma_semaphore, #tpu.memory_space<semaphore_mem>>)
      %dma_wait3A_335 = arith.constant 0 : i32
      %dma_wait3A_336 = arith.constant 0 : i32
      %dma_wait3A_337 = tpu.memref_slice %arg4[%add3A_252, %dma_wait3A_335, %dma_wait3A_336] : memref<64x40x128xi32, #tpu.memory_space<hbm>> -> memref<1x40x128xi32, #tpu.memory_space<hbm>>
      %dma_wait3A_338 = tpu.memref_squeeze %dma_wait3A_337 : memref<1x40x128xi32, #tpu.memory_space<hbm>> -> memref<40x128xi32, #tpu.memory_space<hbm>>
      %dma_wait3A_339 = arith.constant 0 : i32
      %dma_wait3A_340 = arith.constant 0 : i32
      %dma_wait3A_341 = tpu.memref_slice %arg4[%add3A_252, %dma_wait3A_339, %dma_wait3A_340] : memref<64x40x128xi32, #tpu.memory_space<hbm>> -> memref<1x40x128xi32, #tpu.memory_space<hbm>>
      %dma_wait3A_342 = tpu.memref_squeeze %dma_wait3A_341 : memref<1x40x128xi32, #tpu.memory_space<hbm>> -> memref<40x128xi32, #tpu.memory_space<hbm>>
      tpu.wait_dma2 semaphore(%run_scoped3A_326 : memref<!tpu.dma_semaphore, #tpu.memory_space<semaphore_mem>>) src(%dma_wait3A_342 : memref<40x128xi32, #tpu.memory_space<hbm>>) dst(%arg7 : memref<40x128xi32, #tpu.memory_space<vmem>>)
      tpu.yield
    }) : () -> ()
    %dma_start3A_253 = arith.constant 0 : i32
    %dma_start3A_254 = arith.constant 0 : i32
    %dma_start3A_255 = arith.constant 0 : i32
    %dma_start3A_256 = arith.constant 0 : i32
    %dma_start3A_257 = arith.constant 0 : i32
    %dma_start3A_258 = tpu.memref_slice %arg8[%dma_start3A_254, %dma_start3A_256, %dma_start3A_257] : memref<4x128x64xf32, #tpu.memory_space<vmem>> -> memref<1x128x64xf32, #tpu.memory_space<vmem>>
    %dma_start3A_259 = tpu.memref_squeeze %dma_start3A_258 : memref<1x128x64xf32, #tpu.memory_space<vmem>> -> memref<128x64xf32, #tpu.memory_space<vmem>>
    %dma_start3A_260 = arith.constant 0 : i32
    %dma_start3A_261 = tpu.memref_slice %arg6[%dma_start3A_253, %dma_start3A_260] : memref<40x128xi32, #tpu.memory_space<vmem>> -> memref<1x128xi32, #tpu.memory_space<vmem>>
    %dma_start3A_262 = tpu.memref_squeeze %dma_start3A_261 : memref<1x128xi32, #tpu.memory_space<vmem>> -> memref<128xi32, #tpu.memory_space<vmem>>
    %dma_start3A_263 = arith.constant 0 : i32
    %dma_start3A_264 = arith.constant 0 : i32
    %dma_start3A_265 = tpu.memref_slice %arg9[%dma_start3A_263, %dma_start3A_264] : memref<10240x64xf32, #tpu.memory_space<vmem_shared>> -> memref<10240x64xf32, #tpu.memory_space<vmem_shared>>
    %dma_start3A_266 = tpu.memref_slice %arg11[%dma_start3A_255] : memref<4x!tpu.dma_semaphore, #tpu.memory_space<semaphore_mem>> -> memref<1x!tpu.dma_semaphore, #tpu.memory_space<semaphore_mem>>
    %dma_start3A_267 = tpu.memref_squeeze %dma_start3A_266 : memref<1x!tpu.dma_semaphore, #tpu.memory_space<semaphore_mem>> -> memref<!tpu.dma_semaphore, #tpu.memory_space<semaphore_mem>>
    tpu.enqueue_indirect_dma source(%dma_start3A_265 : memref<10240x64xf32, #tpu.memory_space<vmem_shared>>) target(%dma_start3A_259 : memref<128x64xf32, #tpu.memory_space<vmem>>) offsets(%dma_start3A_262 : memref<128xi32, #tpu.memory_space<vmem>>) semaphore(%dma_start3A_267 : memref<!tpu.dma_semaphore, #tpu.memory_space<semaphore_mem>>)
    %dma_start3A_268 = arith.constant 1 : i32
    %dma_start3A_269 = arith.constant 1 : i32
    %dma_start3A_270 = arith.constant 1 : i32
    %dma_start3A_271 = arith.constant 0 : i32
    %dma_start3A_272 = arith.constant 0 : i32
    %dma_start3A_273 = tpu.memref_slice %arg8[%dma_start3A_269, %dma_start3A_271, %dma_start3A_272] : memref<4x128x64xf32, #tpu.memory_space<vmem>> -> memref<1x128x64xf32, #tpu.memory_space<vmem>>
    %dma_start3A_274 = tpu.memref_squeeze %dma_start3A_273 : memref<1x128x64xf32, #tpu.memory_space<vmem>> -> memref<128x64xf32, #tpu.memory_space<vmem>>
    %dma_start3A_275 = arith.constant 0 : i32
    %dma_start3A_276 = tpu.memref_slice %arg6[%dma_start3A_268, %dma_start3A_275] : memref<40x128xi32, #tpu.memory_space<vmem>> -> memref<1x128xi32, #tpu.memory_space<vmem>>
    %dma_start3A_277 = tpu.memref_squeeze %dma_start3A_276 : memref<1x128xi32, #tpu.memory_space<vmem>> -> memref<128xi32, #tpu.memory_space<vmem>>
    %dma_start3A_278 = arith.constant 0 : i32
    %dma_start3A_279 = arith.constant 0 : i32
    %dma_start3A_280 = tpu.memref_slice %arg9[%dma_start3A_278, %dma_start3A_279] : memref<10240x64xf32, #tpu.memory_space<vmem_shared>> -> memref<10240x64xf32, #tpu.memory_space<vmem_shared>>
    %dma_start3A_281 = tpu.memref_slice %arg11[%dma_start3A_270] : memref<4x!tpu.dma_semaphore, #tpu.memory_space<semaphore_mem>> -> memref<1x!tpu.dma_semaphore, #tpu.memory_space<semaphore_mem>>
    %dma_start3A_282 = tpu.memref_squeeze %dma_start3A_281 : memref<1x!tpu.dma_semaphore, #tpu.memory_space<semaphore_mem>> -> memref<!tpu.dma_semaphore, #tpu.memory_space<semaphore_mem>>
    tpu.enqueue_indirect_dma source(%dma_start3A_280 : memref<10240x64xf32, #tpu.memory_space<vmem_shared>>) target(%dma_start3A_274 : memref<128x64xf32, #tpu.memory_space<vmem>>) offsets(%dma_start3A_277 : memref<128xi32, #tpu.memory_space<vmem>>) semaphore(%dma_start3A_282 : memref<!tpu.dma_semaphore, #tpu.memory_space<semaphore_mem>>)
    %scan3A_283 = arith.constant 0 : i32
    %scan3A_284 = arith.constant 0 : i32
    %scan3A_285 = arith.constant 10 : i32
    %scan3A_286 = arith.addi %scan3A_284, %scan3A_285 : i32
    %scan3A_287 = arith.constant 1 : i32
    scf.for %scan3A_326 = %scan3A_284 to %scan3A_286 step %scan3A_287  : i32 {
      %mul3A_327 = arith.constant 4 : i32
      %mul3A_328 = arith.muli %scan3A_326, %mul3A_327 : i32
      %add3A_329 = arith.constant 0 : i32
      %add3A_330 = arith.addi %mul3A_328, %add3A_329 : i32
      %jit3A = arith.constant 4 : i32
      %eq3A_331 = arith.constant 0 : i32
      %eq3A_332 = arith.cmpi eq, %jit3A, %eq3A_331 : i32
      %jit3A_333 = arith.constant 1 : i32
      %select_n3A = arith.select %eq3A_332, %jit3A_333, %jit3A : i32
      %rem3A = arith.remsi %add3A_330, %select_n3A : i32
      %ne3A = arith.constant 0 : i32
      %ne3A_334 = arith.cmpi ne, %rem3A, %ne3A : i32
      %lt3A_335 = arith.constant 0 : i32
      %lt3A_336 = arith.cmpi slt, %rem3A, %lt3A_335 : i32
      %lt3A_337 = arith.constant 0 : i32
      %lt3A_338 = arith.cmpi slt, %select_n3A, %lt3A_337 : i32
      %ne3A_339 = arith.xori %lt3A_336, %lt3A_338 : i1
      %and3A = arith.andi %ne3A_339, %ne3A_334 : i1
      %add3A_340 = arith.addi %rem3A, %select_n3A : i32
      %select_n3A_341 = arith.select %and3A, %add3A_340, %rem3A : i32
      %dma_wait3A_342 = arith.constant 0 : i32
      %dma_wait3A_343 = arith.constant 0 : i32
      %dma_wait3A_344 = tpu.memref_slice %arg8[%select_n3A_341, %dma_wait3A_342, %dma_wait3A_343] : memref<4x128x64xf32, #tpu.memory_space<vmem>> -> memref<1x128x64xf32, #tpu.memory_space<vmem>>
      %dma_wait3A_345 = tpu.memref_squeeze %dma_wait3A_344 : memref<1x128x64xf32, #tpu.memory_space<vmem>> -> memref<128x64xf32, #tpu.memory_space<vmem>>
      %dma_wait3A_346 = arith.constant 0 : i32
      %dma_wait3A_347 = tpu.memref_slice %arg6[%add3A_330, %dma_wait3A_346] : memref<40x128xi32, #tpu.memory_space<vmem>> -> memref<1x128xi32, #tpu.memory_space<vmem>>
      %dma_wait3A_348 = tpu.memref_squeeze %dma_wait3A_347 : memref<1x128xi32, #tpu.memory_space<vmem>> -> memref<128xi32, #tpu.memory_space<vmem>>
      %dma_wait3A_349 = arith.constant 0 : i32
      %dma_wait3A_350 = arith.constant 0 : i32
      %dma_wait3A_351 = tpu.memref_slice %arg9[%dma_wait3A_349, %dma_wait3A_350] : memref<10240x64xf32, #tpu.memory_space<vmem_shared>> -> memref<10240x64xf32, #tpu.memory_space<vmem_shared>>
      %dma_wait3A_352 = tpu.memref_slice %arg11[%select_n3A_341] : memref<4x!tpu.dma_semaphore, #tpu.memory_space<semaphore_mem>> -> memref<1x!tpu.dma_semaphore, #tpu.memory_space<semaphore_mem>>
      %dma_wait3A_353 = tpu.memref_squeeze %dma_wait3A_352 : memref<1x!tpu.dma_semaphore, #tpu.memory_space<semaphore_mem>> -> memref<!tpu.dma_semaphore, #tpu.memory_space<semaphore_mem>>
      tpu.wait_indirect_dma semaphore(%dma_wait3A_353 : memref<!tpu.dma_semaphore, #tpu.memory_space<semaphore_mem>>) src(%dma_wait3A_351 : memref<10240x64xf32, #tpu.memory_space<vmem_shared>>) dst(%dma_wait3A_345 : memref<128x64xf32, #tpu.memory_space<vmem>>)
      %dma_start3A_354 = arith.constant 0 : i32
      %dma_start3A_355 = arith.constant 0 : i32
      %dma_start3A_356 = tpu.memref_slice %arg8[%select_n3A_341, %dma_start3A_354, %dma_start3A_355] : memref<4x128x64xf32, #tpu.memory_space<vmem>> -> memref<1x128x64xf32, #tpu.memory_space<vmem>>
      %dma_start3A_357 = tpu.memref_squeeze %dma_start3A_356 : memref<1x128x64xf32, #tpu.memory_space<vmem>> -> memref<128x64xf32, #tpu.memory_space<vmem>>
      %dma_start3A_358 = arith.constant 0 : i32
      %dma_start3A_359 = tpu.memref_slice %arg7[%add3A_330, %dma_start3A_358] : memref<40x128xi32, #tpu.memory_space<vmem>> -> memref<1x128xi32, #tpu.memory_space<vmem>>
      %dma_start3A_360 = tpu.memref_squeeze %dma_start3A_359 : memref<1x128xi32, #tpu.memory_space<vmem>> -> memref<128xi32, #tpu.memory_space<vmem>>
      %dma_start3A_361 = arith.constant 0 : i32
      %dma_start3A_362 = arith.constant 0 : i32
      %dma_start3A_363 = tpu.memref_slice %arg10[%dma_start3A_361, %dma_start3A_362] : memref<10240x64xf32, #tpu.memory_space<vmem_shared>> -> memref<10240x64xf32, #tpu.memory_space<vmem_shared>>
      %dma_start3A_364 = tpu.memref_slice %arg12[%select_n3A_341] : memref<4x!tpu.dma_semaphore, #tpu.memory_space<semaphore_mem>> -> memref<1x!tpu.dma_semaphore, #tpu.memory_space<semaphore_mem>>
      %dma_start3A_365 = tpu.memref_squeeze %dma_start3A_364 : memref<1x!tpu.dma_semaphore, #tpu.memory_space<semaphore_mem>> -> memref<!tpu.dma_semaphore, #tpu.memory_space<semaphore_mem>>
      tpu.enqueue_indirect_dma source(%dma_start3A_357 : memref<128x64xf32, #tpu.memory_space<vmem>>) target(%dma_start3A_363 : memref<10240x64xf32, #tpu.memory_space<vmem_shared>>) offsets(%dma_start3A_360 : memref<128xi32, #tpu.memory_space<vmem>>) semaphore(%dma_start3A_365 : memref<!tpu.dma_semaphore, #tpu.memory_space<semaphore_mem>>) {add = true}
      %add3A_366 = arith.constant 2 : i32
      %add3A_367 = arith.addi %add3A_330, %add3A_366 : i32
      %jit3A_368 = arith.constant 4 : i32
      %eq3A_369 = arith.constant 0 : i32
      %eq3A_370 = arith.cmpi eq, %jit3A_368, %eq3A_369 : i32
      %jit3A_371 = arith.constant 1 : i32
      %select_n3A_372 = arith.select %eq3A_370, %jit3A_371, %jit3A_368 : i32
      %rem3A_373 = arith.remsi %add3A_367, %select_n3A_372 : i32
      %ne3A_374 = arith.constant 0 : i32
      %ne3A_375 = arith.cmpi ne, %rem3A_373, %ne3A_374 : i32
      %lt3A_376 = arith.constant 0 : i32
      %lt3A_377 = arith.cmpi slt, %rem3A_373, %lt3A_376 : i32
      %lt3A_378 = arith.constant 0 : i32
      %lt3A_379 = arith.cmpi slt, %select_n3A_372, %lt3A_378 : i32
      %ne3A_380 = arith.xori %lt3A_377, %lt3A_379 : i1
      %and3A_381 = arith.andi %ne3A_380, %ne3A_375 : i1
      %add3A_382 = arith.addi %rem3A_373, %select_n3A_372 : i32
      %select_n3A_383 = arith.select %and3A_381, %add3A_382, %rem3A_373 : i32
      %ge3A = arith.constant 2 : i32
      %ge3A_384 = arith.cmpi sge, %add3A_330, %ge3A : i32
      %convert_element_type3A_385 = arith.extui %ge3A_384 : i1 to i32
      %cond3A_386 = arith.constant 0 : i32
      %cond3A_387 = arith.cmpi ne, %convert_element_type3A_385, %cond3A_386 : i32
      scf.if %cond3A_387 {
        %sub3A = arith.constant 2 : i32
        %sub3A_617 = arith.subi %add3A_330, %sub3A : i32
        %dma_wait3A_618 = arith.constant 0 : i32
        %dma_wait3A_619 = arith.constant 0 : i32
        %dma_wait3A_620 = tpu.memref_slice %arg8[%select_n3A_383, %dma_wait3A_618, %dma_wait3A_619] : memref<4x128x64xf32, #tpu.memory_space<vmem>> -> memref<1x128x64xf32, #tpu.memory_space<vmem>>
        %dma_wait3A_621 = tpu.memref_squeeze %dma_wait3A_620 : memref<1x128x64xf32, #tpu.memory_space<vmem>> -> memref<128x64xf32, #tpu.memory_space<vmem>>
        %dma_wait3A_622 = arith.constant 0 : i32
        %dma_wait3A_623 = tpu.memref_slice %arg7[%sub3A_617, %dma_wait3A_622] : memref<40x128xi32, #tpu.memory_space<vmem>> -> memref<1x128xi32, #tpu.memory_space<vmem>>
        %dma_wait3A_624 = tpu.memref_squeeze %dma_wait3A_623 : memref<1x128xi32, #tpu.memory_space<vmem>> -> memref<128xi32, #tpu.memory_space<vmem>>
        %dma_wait3A_625 = arith.constant 0 : i32
        %dma_wait3A_626 = arith.constant 0 : i32
        %dma_wait3A_627 = tpu.memref_slice %arg10[%dma_wait3A_625, %dma_wait3A_626] : memref<10240x64xf32, #tpu.memory_space<vmem_shared>> -> memref<10240x64xf32, #tpu.memory_space<vmem_shared>>
        %dma_wait3A_628 = tpu.memref_slice %arg12[%select_n3A_383] : memref<4x!tpu.dma_semaphore, #tpu.memory_space<semaphore_mem>> -> memref<1x!tpu.dma_semaphore, #tpu.memory_space<semaphore_mem>>
        %dma_wait3A_629 = tpu.memref_squeeze %dma_wait3A_628 : memref<1x!tpu.dma_semaphore, #tpu.memory_space<semaphore_mem>> -> memref<!tpu.dma_semaphore, #tpu.memory_space<semaphore_mem>>
        tpu.wait_indirect_dma semaphore(%dma_wait3A_629 : memref<!tpu.dma_semaphore, #tpu.memory_space<semaphore_mem>>) src(%dma_wait3A_621 : memref<128x64xf32, #tpu.memory_space<vmem>>) dst(%dma_wait3A_627 : memref<10240x64xf32, #tpu.memory_space<vmem_shared>>)
      } else {
      }
      %add3A_388 = arith.constant 2 : i32
      %add3A_389 = arith.addi %add3A_330, %add3A_388 : i32
      %lt3A_390 = arith.constant 40 : i32
      %lt3A_391 = arith.cmpi slt, %add3A_389, %lt3A_390 : i32
      %convert_element_type3A_392 = arith.extui %lt3A_391 : i1 to i32
      %cond3A_393 = arith.constant 0 : i32
      %cond3A_394 = arith.cmpi ne, %convert_element_type3A_392, %cond3A_393 : i32
      scf.if %cond3A_394 {
        %add3A_617 = arith.constant 2 : i32
        %add3A_618 = arith.addi %add3A_330, %add3A_617 : i32
        %dma_start3A_619 = arith.constant 0 : i32
        %dma_start3A_620 = arith.constant 0 : i32
        %dma_start3A_621 = tpu.memref_slice %arg8[%select_n3A_383, %dma_start3A_619, %dma_start3A_620] : memref<4x128x64xf32, #tpu.memory_space<vmem>> -> memref<1x128x64xf32, #tpu.memory_space<vmem>>
        %dma_start3A_622 = tpu.memref_squeeze %dma_start3A_621 : memref<1x128x64xf32, #tpu.memory_space<vmem>> -> memref<128x64xf32, #tpu.memory_space<vmem>>
        %dma_start3A_623 = arith.constant 0 : i32
        %dma_start3A_624 = tpu.memref_slice %arg6[%add3A_618, %dma_start3A_623] : memref<40x128xi32, #tpu.memory_space<vmem>> -> memref<1x128xi32, #tpu.memory_space<vmem>>
        %dma_start3A_625 = tpu.memref_squeeze %dma_start3A_624 : memref<1x128xi32, #tpu.memory_space<vmem>> -> memref<128xi32, #tpu.memory_space<vmem>>
        %dma_start3A_626 = arith.constant 0 : i32
        %dma_start3A_627 = arith.constant 0 : i32
        %dma_start3A_628 = tpu.memref_slice %arg9[%dma_start3A_626, %dma_start3A_627] : memref<10240x64xf32, #tpu.memory_space<vmem_shared>> -> memref<10240x64xf32, #tpu.memory_space<vmem_shared>>
        %dma_start3A_629 = tpu.memref_slice %arg11[%select_n3A_383] : memref<4x!tpu.dma_semaphore, #tpu.memory_space<semaphore_mem>> -> memref<1x!tpu.dma_semaphore, #tpu.memory_space<semaphore_mem>>
        %dma_start3A_630 = tpu.memref_squeeze %dma_start3A_629 : memref<1x!tpu.dma_semaphore, #tpu.memory_space<semaphore_mem>> -> memref<!tpu.dma_semaphore, #tpu.memory_space<semaphore_mem>>
        tpu.enqueue_indirect_dma source(%dma_start3A_628 : memref<10240x64xf32, #tpu.memory_space<vmem_shared>>) target(%dma_start3A_622 : memref<128x64xf32, #tpu.memory_space<vmem>>) offsets(%dma_start3A_625 : memref<128xi32, #tpu.memory_space<vmem>>) semaphore(%dma_start3A_630 : memref<!tpu.dma_semaphore, #tpu.memory_space<semaphore_mem>>)
      } else {
      }
      %mul3A_395 = arith.constant 4 : i32
      %mul3A_396 = arith.muli %scan3A_326, %mul3A_395 : i32
      %add3A_397 = arith.constant 1 : i32
      %add3A_398 = arith.addi %mul3A_396, %add3A_397 : i32
      %jit3A_399 = arith.constant 4 : i32
      %eq3A_400 = arith.constant 0 : i32
      %eq3A_401 = arith.cmpi eq, %jit3A_399, %eq3A_400 : i32
      %jit3A_402 = arith.constant 1 : i32
      %select_n3A_403 = arith.select %eq3A_401, %jit3A_402, %jit3A_399 : i32
      %rem3A_404 = arith.remsi %add3A_398, %select_n3A_403 : i32
      %ne3A_405 = arith.constant 0 : i32
      %ne3A_406 = arith.cmpi ne, %rem3A_404, %ne3A_405 : i32
      %lt3A_407 = arith.constant 0 : i32
      %lt3A_408 = arith.cmpi slt, %rem3A_404, %lt3A_407 : i32
      %lt3A_409 = arith.constant 0 : i32
      %lt3A_410 = arith.cmpi slt, %select_n3A_403, %lt3A_409 : i32
      %ne3A_411 = arith.xori %lt3A_408, %lt3A_410 : i1
      %and3A_412 = arith.andi %ne3A_411, %ne3A_406 : i1
      %add3A_413 = arith.addi %rem3A_404, %select_n3A_403 : i32
      %select_n3A_414 = arith.select %and3A_412, %add3A_413, %rem3A_404 : i32
      %dma_wait3A_415 = arith.constant 0 : i32
      %dma_wait3A_416 = arith.constant 0 : i32
      %dma_wait3A_417 = tpu.memref_slice %arg8[%select_n3A_414, %dma_wait3A_415, %dma_wait3A_416] : memref<4x128x64xf32, #tpu.memory_space<vmem>> -> memref<1x128x64xf32, #tpu.memory_space<vmem>>
      %dma_wait3A_418 = tpu.memref_squeeze %dma_wait3A_417 : memref<1x128x64xf32, #tpu.memory_space<vmem>> -> memref<128x64xf32, #tpu.memory_space<vmem>>
      %dma_wait3A_419 = arith.constant 0 : i32
      %dma_wait3A_420 = tpu.memref_slice %arg6[%add3A_398, %dma_wait3A_419] : memref<40x128xi32, #tpu.memory_space<vmem>> -> memref<1x128xi32, #tpu.memory_space<vmem>>
      %dma_wait3A_421 = tpu.memref_squeeze %dma_wait3A_420 : memref<1x128xi32, #tpu.memory_space<vmem>> -> memref<128xi32, #tpu.memory_space<vmem>>
      %dma_wait3A_422 = arith.constant 0 : i32
      %dma_wait3A_423 = arith.constant 0 : i32
      %dma_wait3A_424 = tpu.memref_slice %arg9[%dma_wait3A_422, %dma_wait3A_423] : memref<10240x64xf32, #tpu.memory_space<vmem_shared>> -> memref<10240x64xf32, #tpu.memory_space<vmem_shared>>
      %dma_wait3A_425 = tpu.memref_slice %arg11[%select_n3A_414] : memref<4x!tpu.dma_semaphore, #tpu.memory_space<semaphore_mem>> -> memref<1x!tpu.dma_semaphore, #tpu.memory_space<semaphore_mem>>
      %dma_wait3A_426 = tpu.memref_squeeze %dma_wait3A_425 : memref<1x!tpu.dma_semaphore, #tpu.memory_space<semaphore_mem>> -> memref<!tpu.dma_semaphore, #tpu.memory_space<semaphore_mem>>
      tpu.wait_indirect_dma semaphore(%dma_wait3A_426 : memref<!tpu.dma_semaphore, #tpu.memory_space<semaphore_mem>>) src(%dma_wait3A_424 : memref<10240x64xf32, #tpu.memory_space<vmem_shared>>) dst(%dma_wait3A_418 : memref<128x64xf32, #tpu.memory_space<vmem>>)
      %dma_start3A_427 = arith.constant 0 : i32
      %dma_start3A_428 = arith.constant 0 : i32
      %dma_start3A_429 = tpu.memref_slice %arg8[%select_n3A_414, %dma_start3A_427, %dma_start3A_428] : memref<4x128x64xf32, #tpu.memory_space<vmem>> -> memref<1x128x64xf32, #tpu.memory_space<vmem>>
      %dma_start3A_430 = tpu.memref_squeeze %dma_start3A_429 : memref<1x128x64xf32, #tpu.memory_space<vmem>> -> memref<128x64xf32, #tpu.memory_space<vmem>>
      %dma_start3A_431 = arith.constant 0 : i32
      %dma_start3A_432 = tpu.memref_slice %arg7[%add3A_398, %dma_start3A_431] : memref<40x128xi32, #tpu.memory_space<vmem>> -> memref<1x128xi32, #tpu.memory_space<vmem>>
      %dma_start3A_433 = tpu.memref_squeeze %dma_start3A_432 : memref<1x128xi32, #tpu.memory_space<vmem>> -> memref<128xi32, #tpu.memory_space<vmem>>
      %dma_start3A_434 = arith.constant 0 : i32
      %dma_start3A_435 = arith.constant 0 : i32
      %dma_start3A_436 = tpu.memref_slice %arg10[%dma_start3A_434, %dma_start3A_435] : memref<10240x64xf32, #tpu.memory_space<vmem_shared>> -> memref<10240x64xf32, #tpu.memory_space<vmem_shared>>
      %dma_start3A_437 = tpu.memref_slice %arg12[%select_n3A_414] : memref<4x!tpu.dma_semaphore, #tpu.memory_space<semaphore_mem>> -> memref<1x!tpu.dma_semaphore, #tpu.memory_space<semaphore_mem>>
      %dma_start3A_438 = tpu.memref_squeeze %dma_start3A_437 : memref<1x!tpu.dma_semaphore, #tpu.memory_space<semaphore_mem>> -> memref<!tpu.dma_semaphore, #tpu.memory_space<semaphore_mem>>
      tpu.enqueue_indirect_dma source(%dma_start3A_430 : memref<128x64xf32, #tpu.memory_space<vmem>>) target(%dma_start3A_436 : memref<10240x64xf32, #tpu.memory_space<vmem_shared>>) offsets(%dma_start3A_433 : memref<128xi32, #tpu.memory_space<vmem>>) semaphore(%dma_start3A_438 : memref<!tpu.dma_semaphore, #tpu.memory_space<semaphore_mem>>) {add = true}
      %add3A_439 = arith.constant 2 : i32
      %add3A_440 = arith.addi %add3A_398, %add3A_439 : i32
      %jit3A_441 = arith.constant 4 : i32
      %eq3A_442 = arith.constant 0 : i32
      %eq3A_443 = arith.cmpi eq, %jit3A_441, %eq3A_442 : i32
      %jit3A_444 = arith.constant 1 : i32
      %select_n3A_445 = arith.select %eq3A_443, %jit3A_444, %jit3A_441 : i32
      %rem3A_446 = arith.remsi %add3A_440, %select_n3A_445 : i32
      %ne3A_447 = arith.constant 0 : i32
      %ne3A_448 = arith.cmpi ne, %rem3A_446, %ne3A_447 : i32
      %lt3A_449 = arith.constant 0 : i32
      %lt3A_450 = arith.cmpi slt, %rem3A_446, %lt3A_449 : i32
      %lt3A_451 = arith.constant 0 : i32
      %lt3A_452 = arith.cmpi slt, %select_n3A_445, %lt3A_451 : i32
      %ne3A_453 = arith.xori %lt3A_450, %lt3A_452 : i1
      %and3A_454 = arith.andi %ne3A_453, %ne3A_448 : i1
      %add3A_455 = arith.addi %rem3A_446, %select_n3A_445 : i32
      %select_n3A_456 = arith.select %and3A_454, %add3A_455, %rem3A_446 : i32
      %ge3A_457 = arith.constant 2 : i32
      %ge3A_458 = arith.cmpi sge, %add3A_398, %ge3A_457 : i32
      %convert_element_type3A_459 = arith.extui %ge3A_458 : i1 to i32
      %cond3A_460 = arith.constant 0 : i32
      %cond3A_461 = arith.cmpi ne, %convert_element_type3A_459, %cond3A_460 : i32
      scf.if %cond3A_461 {
        %sub3A = arith.constant 2 : i32
        %sub3A_617 = arith.subi %add3A_398, %sub3A : i32
        %dma_wait3A_618 = arith.constant 0 : i32
        %dma_wait3A_619 = arith.constant 0 : i32
        %dma_wait3A_620 = tpu.memref_slice %arg8[%select_n3A_456, %dma_wait3A_618, %dma_wait3A_619] : memref<4x128x64xf32, #tpu.memory_space<vmem>> -> memref<1x128x64xf32, #tpu.memory_space<vmem>>
        %dma_wait3A_621 = tpu.memref_squeeze %dma_wait3A_620 : memref<1x128x64xf32, #tpu.memory_space<vmem>> -> memref<128x64xf32, #tpu.memory_space<vmem>>
        %dma_wait3A_622 = arith.constant 0 : i32
        %dma_wait3A_623 = tpu.memref_slice %arg7[%sub3A_617, %dma_wait3A_622] : memref<40x128xi32, #tpu.memory_space<vmem>> -> memref<1x128xi32, #tpu.memory_space<vmem>>
        %dma_wait3A_624 = tpu.memref_squeeze %dma_wait3A_623 : memref<1x128xi32, #tpu.memory_space<vmem>> -> memref<128xi32, #tpu.memory_space<vmem>>
        %dma_wait3A_625 = arith.constant 0 : i32
        %dma_wait3A_626 = arith.constant 0 : i32
        %dma_wait3A_627 = tpu.memref_slice %arg10[%dma_wait3A_625, %dma_wait3A_626] : memref<10240x64xf32, #tpu.memory_space<vmem_shared>> -> memref<10240x64xf32, #tpu.memory_space<vmem_shared>>
        %dma_wait3A_628 = tpu.memref_slice %arg12[%select_n3A_456] : memref<4x!tpu.dma_semaphore, #tpu.memory_space<semaphore_mem>> -> memref<1x!tpu.dma_semaphore, #tpu.memory_space<semaphore_mem>>
        %dma_wait3A_629 = tpu.memref_squeeze %dma_wait3A_628 : memref<1x!tpu.dma_semaphore, #tpu.memory_space<semaphore_mem>> -> memref<!tpu.dma_semaphore, #tpu.memory_space<semaphore_mem>>
        tpu.wait_indirect_dma semaphore(%dma_wait3A_629 : memref<!tpu.dma_semaphore, #tpu.memory_space<semaphore_mem>>) src(%dma_wait3A_621 : memref<128x64xf32, #tpu.memory_space<vmem>>) dst(%dma_wait3A_627 : memref<10240x64xf32, #tpu.memory_space<vmem_shared>>)
      } else {
      }
      %add3A_462 = arith.constant 2 : i32
      %add3A_463 = arith.addi %add3A_398, %add3A_462 : i32
      %lt3A_464 = arith.constant 40 : i32
      %lt3A_465 = arith.cmpi slt, %add3A_463, %lt3A_464 : i32
      %convert_element_type3A_466 = arith.extui %lt3A_465 : i1 to i32
      %cond3A_467 = arith.constant 0 : i32
      %cond3A_468 = arith.cmpi ne, %convert_element_type3A_466, %cond3A_467 : i32
      scf.if %cond3A_468 {
        %add3A_617 = arith.constant 2 : i32
        %add3A_618 = arith.addi %add3A_398, %add3A_617 : i32
        %dma_start3A_619 = arith.constant 0 : i32
        %dma_start3A_620 = arith.constant 0 : i32
        %dma_start3A_621 = tpu.memref_slice %arg8[%select_n3A_456, %dma_start3A_619, %dma_start3A_620] : memref<4x128x64xf32, #tpu.memory_space<vmem>> -> memref<1x128x64xf32, #tpu.memory_space<vmem>>
        %dma_start3A_622 = tpu.memref_squeeze %dma_start3A_621 : memref<1x128x64xf32, #tpu.memory_space<vmem>> -> memref<128x64xf32, #tpu.memory_space<vmem>>
        %dma_start3A_623 = arith.constant 0 : i32
        %dma_start3A_624 = tpu.memref_slice %arg6[%add3A_618, %dma_start3A_623] : memref<40x128xi32, #tpu.memory_space<vmem>> -> memref<1x128xi32, #tpu.memory_space<vmem>>
        %dma_start3A_625 = tpu.memref_squeeze %dma_start3A_624 : memref<1x128xi32, #tpu.memory_space<vmem>> -> memref<128xi32, #tpu.memory_space<vmem>>
        %dma_start3A_626 = arith.constant 0 : i32
        %dma_start3A_627 = arith.constant 0 : i32
        %dma_start3A_628 = tpu.memref_slice %arg9[%dma_start3A_626, %dma_start3A_627] : memref<10240x64xf32, #tpu.memory_space<vmem_shared>> -> memref<10240x64xf32, #tpu.memory_space<vmem_shared>>
        %dma_start3A_629 = tpu.memref_slice %arg11[%select_n3A_456] : memref<4x!tpu.dma_semaphore, #tpu.memory_space<semaphore_mem>> -> memref<1x!tpu.dma_semaphore, #tpu.memory_space<semaphore_mem>>
        %dma_start3A_630 = tpu.memref_squeeze %dma_start3A_629 : memref<1x!tpu.dma_semaphore, #tpu.memory_space<semaphore_mem>> -> memref<!tpu.dma_semaphore, #tpu.memory_space<semaphore_mem>>
        tpu.enqueue_indirect_dma source(%dma_start3A_628 : memref<10240x64xf32, #tpu.memory_space<vmem_shared>>) target(%dma_start3A_622 : memref<128x64xf32, #tpu.memory_space<vmem>>) offsets(%dma_start3A_625 : memref<128xi32, #tpu.memory_space<vmem>>) semaphore(%dma_start3A_630 : memref<!tpu.dma_semaphore, #tpu.memory_space<semaphore_mem>>)
      } else {
      }
      %mul3A_469 = arith.constant 4 : i32
      %mul3A_470 = arith.muli %scan3A_326, %mul3A_469 : i32
      %add3A_471 = arith.constant 2 : i32
      %add3A_472 = arith.addi %mul3A_470, %add3A_471 : i32
      %jit3A_473 = arith.constant 4 : i32
      %eq3A_474 = arith.constant 0 : i32
      %eq3A_475 = arith.cmpi eq, %jit3A_473, %eq3A_474 : i32
      %jit3A_476 = arith.constant 1 : i32
      %select_n3A_477 = arith.select %eq3A_475, %jit3A_476, %jit3A_473 : i32
      %rem3A_478 = arith.remsi %add3A_472, %select_n3A_477 : i32
      %ne3A_479 = arith.constant 0 : i32
      %ne3A_480 = arith.cmpi ne, %rem3A_478, %ne3A_479 : i32
      %lt3A_481 = arith.constant 0 : i32
      %lt3A_482 = arith.cmpi slt, %rem3A_478, %lt3A_481 : i32
      %lt3A_483 = arith.constant 0 : i32
      %lt3A_484 = arith.cmpi slt, %select_n3A_477, %lt3A_483 : i32
      %ne3A_485 = arith.xori %lt3A_482, %lt3A_484 : i1
      %and3A_486 = arith.andi %ne3A_485, %ne3A_480 : i1
      %add3A_487 = arith.addi %rem3A_478, %select_n3A_477 : i32
      %select_n3A_488 = arith.select %and3A_486, %add3A_487, %rem3A_478 : i32
      %dma_wait3A_489 = arith.constant 0 : i32
      %dma_wait3A_490 = arith.constant 0 : i32
      %dma_wait3A_491 = tpu.memref_slice %arg8[%select_n3A_488, %dma_wait3A_489, %dma_wait3A_490] : memref<4x128x64xf32, #tpu.memory_space<vmem>> -> memref<1x128x64xf32, #tpu.memory_space<vmem>>
      %dma_wait3A_492 = tpu.memref_squeeze %dma_wait3A_491 : memref<1x128x64xf32, #tpu.memory_space<vmem>> -> memref<128x64xf32, #tpu.memory_space<vmem>>
      %dma_wait3A_493 = arith.constant 0 : i32
      %dma_wait3A_494 = tpu.memref_slice %arg6[%add3A_472, %dma_wait3A_493] : memref<40x128xi32, #tpu.memory_space<vmem>> -> memref<1x128xi32, #tpu.memory_space<vmem>>
      %dma_wait3A_495 = tpu.memref_squeeze %dma_wait3A_494 : memref<1x128xi32, #tpu.memory_space<vmem>> -> memref<128xi32, #tpu.memory_space<vmem>>
      %dma_wait3A_496 = arith.constant 0 : i32
      %dma_wait3A_497 = arith.constant 0 : i32
      %dma_wait3A_498 = tpu.memref_slice %arg9[%dma_wait3A_496, %dma_wait3A_497] : memref<10240x64xf32, #tpu.memory_space<vmem_shared>> -> memref<10240x64xf32, #tpu.memory_space<vmem_shared>>
      %dma_wait3A_499 = tpu.memref_slice %arg11[%select_n3A_488] : memref<4x!tpu.dma_semaphore, #tpu.memory_space<semaphore_mem>> -> memref<1x!tpu.dma_semaphore, #tpu.memory_space<semaphore_mem>>
      %dma_wait3A_500 = tpu.memref_squeeze %dma_wait3A_499 : memref<1x!tpu.dma_semaphore, #tpu.memory_space<semaphore_mem>> -> memref<!tpu.dma_semaphore, #tpu.memory_space<semaphore_mem>>
      tpu.wait_indirect_dma semaphore(%dma_wait3A_500 : memref<!tpu.dma_semaphore, #tpu.memory_space<semaphore_mem>>) src(%dma_wait3A_498 : memref<10240x64xf32, #tpu.memory_space<vmem_shared>>) dst(%dma_wait3A_492 : memref<128x64xf32, #tpu.memory_space<vmem>>)
      %dma_start3A_501 = arith.constant 0 : i32
      %dma_start3A_502 = arith.constant 0 : i32
      %dma_start3A_503 = tpu.memref_slice %arg8[%select_n3A_488, %dma_start3A_501, %dma_start3A_502] : memref<4x128x64xf32, #tpu.memory_space<vmem>> -> memref<1x128x64xf32, #tpu.memory_space<vmem>>
      %dma_start3A_504 = tpu.memref_squeeze %dma_start3A_503 : memref<1x128x64xf32, #tpu.memory_space<vmem>> -> memref<128x64xf32, #tpu.memory_space<vmem>>
      %dma_start3A_505 = arith.constant 0 : i32
      %dma_start3A_506 = tpu.memref_slice %arg7[%add3A_472, %dma_start3A_505] : memref<40x128xi32, #tpu.memory_space<vmem>> -> memref<1x128xi32, #tpu.memory_space<vmem>>
      %dma_start3A_507 = tpu.memref_squeeze %dma_start3A_506 : memref<1x128xi32, #tpu.memory_space<vmem>> -> memref<128xi32, #tpu.memory_space<vmem>>
      %dma_start3A_508 = arith.constant 0 : i32
      %dma_start3A_509 = arith.constant 0 : i32
      %dma_start3A_510 = tpu.memref_slice %arg10[%dma_start3A_508, %dma_start3A_509] : memref<10240x64xf32, #tpu.memory_space<vmem_shared>> -> memref<10240x64xf32, #tpu.memory_space<vmem_shared>>
      %dma_start3A_511 = tpu.memref_slice %arg12[%select_n3A_488] : memref<4x!tpu.dma_semaphore, #tpu.memory_space<semaphore_mem>> -> memref<1x!tpu.dma_semaphore, #tpu.memory_space<semaphore_mem>>
      %dma_start3A_512 = tpu.memref_squeeze %dma_start3A_511 : memref<1x!tpu.dma_semaphore, #tpu.memory_space<semaphore_mem>> -> memref<!tpu.dma_semaphore, #tpu.memory_space<semaphore_mem>>
      tpu.enqueue_indirect_dma source(%dma_start3A_504 : memref<128x64xf32, #tpu.memory_space<vmem>>) target(%dma_start3A_510 : memref<10240x64xf32, #tpu.memory_space<vmem_shared>>) offsets(%dma_start3A_507 : memref<128xi32, #tpu.memory_space<vmem>>) semaphore(%dma_start3A_512 : memref<!tpu.dma_semaphore, #tpu.memory_space<semaphore_mem>>) {add = true}
      %add3A_513 = arith.constant 2 : i32
      %add3A_514 = arith.addi %add3A_472, %add3A_513 : i32
      %jit3A_515 = arith.constant 4 : i32
      %eq3A_516 = arith.constant 0 : i32
      %eq3A_517 = arith.cmpi eq, %jit3A_515, %eq3A_516 : i32
      %jit3A_518 = arith.constant 1 : i32
      %select_n3A_519 = arith.select %eq3A_517, %jit3A_518, %jit3A_515 : i32
      %rem3A_520 = arith.remsi %add3A_514, %select_n3A_519 : i32
      %ne3A_521 = arith.constant 0 : i32
      %ne3A_522 = arith.cmpi ne, %rem3A_520, %ne3A_521 : i32
      %lt3A_523 = arith.constant 0 : i32
      %lt3A_524 = arith.cmpi slt, %rem3A_520, %lt3A_523 : i32
      %lt3A_525 = arith.constant 0 : i32
      %lt3A_526 = arith.cmpi slt, %select_n3A_519, %lt3A_525 : i32
      %ne3A_527 = arith.xori %lt3A_524, %lt3A_526 : i1
      %and3A_528 = arith.andi %ne3A_527, %ne3A_522 : i1
      %add3A_529 = arith.addi %rem3A_520, %select_n3A_519 : i32
      %select_n3A_530 = arith.select %and3A_528, %add3A_529, %rem3A_520 : i32
      %ge3A_531 = arith.constant 2 : i32
      %ge3A_532 = arith.cmpi sge, %add3A_472, %ge3A_531 : i32
      %convert_element_type3A_533 = arith.extui %ge3A_532 : i1 to i32
      %cond3A_534 = arith.constant 0 : i32
      %cond3A_535 = arith.cmpi ne, %convert_element_type3A_533, %cond3A_534 : i32
      scf.if %cond3A_535 {
        %sub3A = arith.constant 2 : i32
        %sub3A_617 = arith.subi %add3A_472, %sub3A : i32
        %dma_wait3A_618 = arith.constant 0 : i32
        %dma_wait3A_619 = arith.constant 0 : i32
        %dma_wait3A_620 = tpu.memref_slice %arg8[%select_n3A_530, %dma_wait3A_618, %dma_wait3A_619] : memref<4x128x64xf32, #tpu.memory_space<vmem>> -> memref<1x128x64xf32, #tpu.memory_space<vmem>>
        %dma_wait3A_621 = tpu.memref_squeeze %dma_wait3A_620 : memref<1x128x64xf32, #tpu.memory_space<vmem>> -> memref<128x64xf32, #tpu.memory_space<vmem>>
        %dma_wait3A_622 = arith.constant 0 : i32
        %dma_wait3A_623 = tpu.memref_slice %arg7[%sub3A_617, %dma_wait3A_622] : memref<40x128xi32, #tpu.memory_space<vmem>> -> memref<1x128xi32, #tpu.memory_space<vmem>>
        %dma_wait3A_624 = tpu.memref_squeeze %dma_wait3A_623 : memref<1x128xi32, #tpu.memory_space<vmem>> -> memref<128xi32, #tpu.memory_space<vmem>>
        %dma_wait3A_625 = arith.constant 0 : i32
        %dma_wait3A_626 = arith.constant 0 : i32
        %dma_wait3A_627 = tpu.memref_slice %arg10[%dma_wait3A_625, %dma_wait3A_626] : memref<10240x64xf32, #tpu.memory_space<vmem_shared>> -> memref<10240x64xf32, #tpu.memory_space<vmem_shared>>
        %dma_wait3A_628 = tpu.memref_slice %arg12[%select_n3A_530] : memref<4x!tpu.dma_semaphore, #tpu.memory_space<semaphore_mem>> -> memref<1x!tpu.dma_semaphore, #tpu.memory_space<semaphore_mem>>
        %dma_wait3A_629 = tpu.memref_squeeze %dma_wait3A_628 : memref<1x!tpu.dma_semaphore, #tpu.memory_space<semaphore_mem>> -> memref<!tpu.dma_semaphore, #tpu.memory_space<semaphore_mem>>
        tpu.wait_indirect_dma semaphore(%dma_wait3A_629 : memref<!tpu.dma_semaphore, #tpu.memory_space<semaphore_mem>>) src(%dma_wait3A_621 : memref<128x64xf32, #tpu.memory_space<vmem>>) dst(%dma_wait3A_627 : memref<10240x64xf32, #tpu.memory_space<vmem_shared>>)
      } else {
      }
      %add3A_536 = arith.constant 2 : i32
      %add3A_537 = arith.addi %add3A_472, %add3A_536 : i32
      %lt3A_538 = arith.constant 40 : i32
      %lt3A_539 = arith.cmpi slt, %add3A_537, %lt3A_538 : i32
      %convert_element_type3A_540 = arith.extui %lt3A_539 : i1 to i32
      %cond3A_541 = arith.constant 0 : i32
      %cond3A_542 = arith.cmpi ne, %convert_element_type3A_540, %cond3A_541 : i32
      scf.if %cond3A_542 {
        %add3A_617 = arith.constant 2 : i32
        %add3A_618 = arith.addi %add3A_472, %add3A_617 : i32
        %dma_start3A_619 = arith.constant 0 : i32
        %dma_start3A_620 = arith.constant 0 : i32
        %dma_start3A_621 = tpu.memref_slice %arg8[%select_n3A_530, %dma_start3A_619, %dma_start3A_620] : memref<4x128x64xf32, #tpu.memory_space<vmem>> -> memref<1x128x64xf32, #tpu.memory_space<vmem>>
        %dma_start3A_622 = tpu.memref_squeeze %dma_start3A_621 : memref<1x128x64xf32, #tpu.memory_space<vmem>> -> memref<128x64xf32, #tpu.memory_space<vmem>>
        %dma_start3A_623 = arith.constant 0 : i32
        %dma_start3A_624 = tpu.memref_slice %arg6[%add3A_618, %dma_start3A_623] : memref<40x128xi32, #tpu.memory_space<vmem>> -> memref<1x128xi32, #tpu.memory_space<vmem>>
        %dma_start3A_625 = tpu.memref_squeeze %dma_start3A_624 : memref<1x128xi32, #tpu.memory_space<vmem>> -> memref<128xi32, #tpu.memory_space<vmem>>
        %dma_start3A_626 = arith.constant 0 : i32
        %dma_start3A_627 = arith.constant 0 : i32
        %dma_start3A_628 = tpu.memref_slice %arg9[%dma_start3A_626, %dma_start3A_627] : memref<10240x64xf32, #tpu.memory_space<vmem_shared>> -> memref<10240x64xf32, #tpu.memory_space<vmem_shared>>
        %dma_start3A_629 = tpu.memref_slice %arg11[%select_n3A_530] : memref<4x!tpu.dma_semaphore, #tpu.memory_space<semaphore_mem>> -> memref<1x!tpu.dma_semaphore, #tpu.memory_space<semaphore_mem>>
        %dma_start3A_630 = tpu.memref_squeeze %dma_start3A_629 : memref<1x!tpu.dma_semaphore, #tpu.memory_space<semaphore_mem>> -> memref<!tpu.dma_semaphore, #tpu.memory_space<semaphore_mem>>
        tpu.enqueue_indirect_dma source(%dma_start3A_628 : memref<10240x64xf32, #tpu.memory_space<vmem_shared>>) target(%dma_start3A_622 : memref<128x64xf32, #tpu.memory_space<vmem>>) offsets(%dma_start3A_625 : memref<128xi32, #tpu.memory_space<vmem>>) semaphore(%dma_start3A_630 : memref<!tpu.dma_semaphore, #tpu.memory_space<semaphore_mem>>)
      } else {
      }
      %mul3A_543 = arith.constant 4 : i32
      %mul3A_544 = arith.muli %scan3A_326, %mul3A_543 : i32
      %add3A_545 = arith.constant 3 : i32
      %add3A_546 = arith.addi %mul3A_544, %add3A_545 : i32
      %jit3A_547 = arith.constant 4 : i32
      %eq3A_548 = arith.constant 0 : i32
      %eq3A_549 = arith.cmpi eq, %jit3A_547, %eq3A_548 : i32
      %jit3A_550 = arith.constant 1 : i32
      %select_n3A_551 = arith.select %eq3A_549, %jit3A_550, %jit3A_547 : i32
      %rem3A_552 = arith.remsi %add3A_546, %select_n3A_551 : i32
      %ne3A_553 = arith.constant 0 : i32
      %ne3A_554 = arith.cmpi ne, %rem3A_552, %ne3A_553 : i32
      %lt3A_555 = arith.constant 0 : i32
      %lt3A_556 = arith.cmpi slt, %rem3A_552, %lt3A_555 : i32
      %lt3A_557 = arith.constant 0 : i32
      %lt3A_558 = arith.cmpi slt, %select_n3A_551, %lt3A_557 : i32
      %ne3A_559 = arith.xori %lt3A_556, %lt3A_558 : i1
      %and3A_560 = arith.andi %ne3A_559, %ne3A_554 : i1
      %add3A_561 = arith.addi %rem3A_552, %select_n3A_551 : i32
      %select_n3A_562 = arith.select %and3A_560, %add3A_561, %rem3A_552 : i32
      %dma_wait3A_563 = arith.constant 0 : i32
      %dma_wait3A_564 = arith.constant 0 : i32
      %dma_wait3A_565 = tpu.memref_slice %arg8[%select_n3A_562, %dma_wait3A_563, %dma_wait3A_564] : memref<4x128x64xf32, #tpu.memory_space<vmem>> -> memref<1x128x64xf32, #tpu.memory_space<vmem>>
      %dma_wait3A_566 = tpu.memref_squeeze %dma_wait3A_565 : memref<1x128x64xf32, #tpu.memory_space<vmem>> -> memref<128x64xf32, #tpu.memory_space<vmem>>
      %dma_wait3A_567 = arith.constant 0 : i32
      %dma_wait3A_568 = tpu.memref_slice %arg6[%add3A_546, %dma_wait3A_567] : memref<40x128xi32, #tpu.memory_space<vmem>> -> memref<1x128xi32, #tpu.memory_space<vmem>>
      %dma_wait3A_569 = tpu.memref_squeeze %dma_wait3A_568 : memref<1x128xi32, #tpu.memory_space<vmem>> -> memref<128xi32, #tpu.memory_space<vmem>>
      %dma_wait3A_570 = arith.constant 0 : i32
      %dma_wait3A_571 = arith.constant 0 : i32
      %dma_wait3A_572 = tpu.memref_slice %arg9[%dma_wait3A_570, %dma_wait3A_571] : memref<10240x64xf32, #tpu.memory_space<vmem_shared>> -> memref<10240x64xf32, #tpu.memory_space<vmem_shared>>
      %dma_wait3A_573 = tpu.memref_slice %arg11[%select_n3A_562] : memref<4x!tpu.dma_semaphore, #tpu.memory_space<semaphore_mem>> -> memref<1x!tpu.dma_semaphore, #tpu.memory_space<semaphore_mem>>
      %dma_wait3A_574 = tpu.memref_squeeze %dma_wait3A_573 : memref<1x!tpu.dma_semaphore, #tpu.memory_space<semaphore_mem>> -> memref<!tpu.dma_semaphore, #tpu.memory_space<semaphore_mem>>
      tpu.wait_indirect_dma semaphore(%dma_wait3A_574 : memref<!tpu.dma_semaphore, #tpu.memory_space<semaphore_mem>>) src(%dma_wait3A_572 : memref<10240x64xf32, #tpu.memory_space<vmem_shared>>) dst(%dma_wait3A_566 : memref<128x64xf32, #tpu.memory_space<vmem>>)
      %dma_start3A_575 = arith.constant 0 : i32
      %dma_start3A_576 = arith.constant 0 : i32
      %dma_start3A_577 = tpu.memref_slice %arg8[%select_n3A_562, %dma_start3A_575, %dma_start3A_576] : memref<4x128x64xf32, #tpu.memory_space<vmem>> -> memref<1x128x64xf32, #tpu.memory_space<vmem>>
      %dma_start3A_578 = tpu.memref_squeeze %dma_start3A_577 : memref<1x128x64xf32, #tpu.memory_space<vmem>> -> memref<128x64xf32, #tpu.memory_space<vmem>>
      %dma_start3A_579 = arith.constant 0 : i32
      %dma_start3A_580 = tpu.memref_slice %arg7[%add3A_546, %dma_start3A_579] : memref<40x128xi32, #tpu.memory_space<vmem>> -> memref<1x128xi32, #tpu.memory_space<vmem>>
      %dma_start3A_581 = tpu.memref_squeeze %dma_start3A_580 : memref<1x128xi32, #tpu.memory_space<vmem>> -> memref<128xi32, #tpu.memory_space<vmem>>
      %dma_start3A_582 = arith.constant 0 : i32
      %dma_start3A_583 = arith.constant 0 : i32
      %dma_start3A_584 = tpu.memref_slice %arg10[%dma_start3A_582, %dma_start3A_583] : memref<10240x64xf32, #tpu.memory_space<vmem_shared>> -> memref<10240x64xf32, #tpu.memory_space<vmem_shared>>
      %dma_start3A_585 = tpu.memref_slice %arg12[%select_n3A_562] : memref<4x!tpu.dma_semaphore, #tpu.memory_space<semaphore_mem>> -> memref<1x!tpu.dma_semaphore, #tpu.memory_space<semaphore_mem>>
      %dma_start3A_586 = tpu.memref_squeeze %dma_start3A_585 : memref<1x!tpu.dma_semaphore, #tpu.memory_space<semaphore_mem>> -> memref<!tpu.dma_semaphore, #tpu.memory_space<semaphore_mem>>
      tpu.enqueue_indirect_dma source(%dma_start3A_578 : memref<128x64xf32, #tpu.memory_space<vmem>>) target(%dma_start3A_584 : memref<10240x64xf32, #tpu.memory_space<vmem_shared>>) offsets(%dma_start3A_581 : memref<128xi32, #tpu.memory_space<vmem>>) semaphore(%dma_start3A_586 : memref<!tpu.dma_semaphore, #tpu.memory_space<semaphore_mem>>) {add = true}
      %add3A_587 = arith.constant 2 : i32
      %add3A_588 = arith.addi %add3A_546, %add3A_587 : i32
      %jit3A_589 = arith.constant 4 : i32
      %eq3A_590 = arith.constant 0 : i32
      %eq3A_591 = arith.cmpi eq, %jit3A_589, %eq3A_590 : i32
      %jit3A_592 = arith.constant 1 : i32
      %select_n3A_593 = arith.select %eq3A_591, %jit3A_592, %jit3A_589 : i32
      %rem3A_594 = arith.remsi %add3A_588, %select_n3A_593 : i32
      %ne3A_595 = arith.constant 0 : i32
      %ne3A_596 = arith.cmpi ne, %rem3A_594, %ne3A_595 : i32
      %lt3A_597 = arith.constant 0 : i32
      %lt3A_598 = arith.cmpi slt, %rem3A_594, %lt3A_597 : i32
      %lt3A_599 = arith.constant 0 : i32
      %lt3A_600 = arith.cmpi slt, %select_n3A_593, %lt3A_599 : i32
      %ne3A_601 = arith.xori %lt3A_598, %lt3A_600 : i1
      %and3A_602 = arith.andi %ne3A_601, %ne3A_596 : i1
      %add3A_603 = arith.addi %rem3A_594, %select_n3A_593 : i32
      %select_n3A_604 = arith.select %and3A_602, %add3A_603, %rem3A_594 : i32
      %ge3A_605 = arith.constant 2 : i32
      %ge3A_606 = arith.cmpi sge, %add3A_546, %ge3A_605 : i32
      %convert_element_type3A_607 = arith.extui %ge3A_606 : i1 to i32
      %cond3A_608 = arith.constant 0 : i32
      %cond3A_609 = arith.cmpi ne, %convert_element_type3A_607, %cond3A_608 : i32
      scf.if %cond3A_609 {
        %sub3A = arith.constant 2 : i32
        %sub3A_617 = arith.subi %add3A_546, %sub3A : i32
        %dma_wait3A_618 = arith.constant 0 : i32
        %dma_wait3A_619 = arith.constant 0 : i32
        %dma_wait3A_620 = tpu.memref_slice %arg8[%select_n3A_604, %dma_wait3A_618, %dma_wait3A_619] : memref<4x128x64xf32, #tpu.memory_space<vmem>> -> memref<1x128x64xf32, #tpu.memory_space<vmem>>
        %dma_wait3A_621 = tpu.memref_squeeze %dma_wait3A_620 : memref<1x128x64xf32, #tpu.memory_space<vmem>> -> memref<128x64xf32, #tpu.memory_space<vmem>>
        %dma_wait3A_622 = arith.constant 0 : i32
        %dma_wait3A_623 = tpu.memref_slice %arg7[%sub3A_617, %dma_wait3A_622] : memref<40x128xi32, #tpu.memory_space<vmem>> -> memref<1x128xi32, #tpu.memory_space<vmem>>
        %dma_wait3A_624 = tpu.memref_squeeze %dma_wait3A_623 : memref<1x128xi32, #tpu.memory_space<vmem>> -> memref<128xi32, #tpu.memory_space<vmem>>
        %dma_wait3A_625 = arith.constant 0 : i32
        %dma_wait3A_626 = arith.constant 0 : i32
        %dma_wait3A_627 = tpu.memref_slice %arg10[%dma_wait3A_625, %dma_wait3A_626] : memref<10240x64xf32, #tpu.memory_space<vmem_shared>> -> memref<10240x64xf32, #tpu.memory_space<vmem_shared>>
        %dma_wait3A_628 = tpu.memref_slice %arg12[%select_n3A_604] : memref<4x!tpu.dma_semaphore, #tpu.memory_space<semaphore_mem>> -> memref<1x!tpu.dma_semaphore, #tpu.memory_space<semaphore_mem>>
        %dma_wait3A_629 = tpu.memref_squeeze %dma_wait3A_628 : memref<1x!tpu.dma_semaphore, #tpu.memory_space<semaphore_mem>> -> memref<!tpu.dma_semaphore, #tpu.memory_space<semaphore_mem>>
        tpu.wait_indirect_dma semaphore(%dma_wait3A_629 : memref<!tpu.dma_semaphore, #tpu.memory_space<semaphore_mem>>) src(%dma_wait3A_621 : memref<128x64xf32, #tpu.memory_space<vmem>>) dst(%dma_wait3A_627 : memref<10240x64xf32, #tpu.memory_space<vmem_shared>>)
      } else {
      }
      %add3A_610 = arith.constant 2 : i32
      %add3A_611 = arith.addi %add3A_546, %add3A_610 : i32
      %lt3A_612 = arith.constant 40 : i32
      %lt3A_613 = arith.cmpi slt, %add3A_611, %lt3A_612 : i32
      %convert_element_type3A_614 = arith.extui %lt3A_613 : i1 to i32
      %cond3A_615 = arith.constant 0 : i32
      %cond3A_616 = arith.cmpi ne, %convert_element_type3A_614, %cond3A_615 : i32
      scf.if %cond3A_616 {
        %add3A_617 = arith.constant 2 : i32
        %add3A_618 = arith.addi %add3A_546, %add3A_617 : i32
        %dma_start3A_619 = arith.constant 0 : i32
        %dma_start3A_620 = arith.constant 0 : i32
        %dma_start3A_621 = tpu.memref_slice %arg8[%select_n3A_604, %dma_start3A_619, %dma_start3A_620] : memref<4x128x64xf32, #tpu.memory_space<vmem>> -> memref<1x128x64xf32, #tpu.memory_space<vmem>>
        %dma_start3A_622 = tpu.memref_squeeze %dma_start3A_621 : memref<1x128x64xf32, #tpu.memory_space<vmem>> -> memref<128x64xf32, #tpu.memory_space<vmem>>
        %dma_start3A_623 = arith.constant 0 : i32
        %dma_start3A_624 = tpu.memref_slice %arg6[%add3A_618, %dma_start3A_623] : memref<40x128xi32, #tpu.memory_space<vmem>> -> memref<1x128xi32, #tpu.memory_space<vmem>>
        %dma_start3A_625 = tpu.memref_squeeze %dma_start3A_624 : memref<1x128xi32, #tpu.memory_space<vmem>> -> memref<128xi32, #tpu.memory_space<vmem>>
        %dma_start3A_626 = arith.constant 0 : i32
        %dma_start3A_627 = arith.constant 0 : i32
        %dma_start3A_628 = tpu.memref_slice %arg9[%dma_start3A_626, %dma_start3A_627] : memref<10240x64xf32, #tpu.memory_space<vmem_shared>> -> memref<10240x64xf32, #tpu.memory_space<vmem_shared>>
        %dma_start3A_629 = tpu.memref_slice %arg11[%select_n3A_604] : memref<4x!tpu.dma_semaphore, #tpu.memory_space<semaphore_mem>> -> memref<1x!tpu.dma_semaphore, #tpu.memory_space<semaphore_mem>>
        %dma_start3A_630 = tpu.memref_squeeze %dma_start3A_629 : memref<1x!tpu.dma_semaphore, #tpu.memory_space<semaphore_mem>> -> memref<!tpu.dma_semaphore, #tpu.memory_space<semaphore_mem>>
        tpu.enqueue_indirect_dma source(%dma_start3A_628 : memref<10240x64xf32, #tpu.memory_space<vmem_shared>>) target(%dma_start3A_622 : memref<128x64xf32, #tpu.memory_space<vmem>>) offsets(%dma_start3A_625 : memref<128xi32, #tpu.memory_space<vmem>>) semaphore(%dma_start3A_630 : memref<!tpu.dma_semaphore, #tpu.memory_space<semaphore_mem>>)
      } else {
      }
    }
    %scan3A_288 = arith.constant 10 : i32
    %dma_wait3A_289 = arith.constant 2 : i32
    %dma_wait3A_290 = arith.constant 38 : i32
    %dma_wait3A_291 = arith.constant 2 : i32
    %dma_wait3A_292 = arith.constant 0 : i32
    %dma_wait3A_293 = arith.constant 0 : i32
    %dma_wait3A_294 = tpu.memref_slice %arg8[%dma_wait3A_289, %dma_wait3A_292, %dma_wait3A_293] : memref<4x128x64xf32, #tpu.memory_space<vmem>> -> memref<1x128x64xf32, #tpu.memory_space<vmem>>
    %dma_wait3A_295 = tpu.memref_squeeze %dma_wait3A_294 : memref<1x128x64xf32, #tpu.memory_space<vmem>> -> memref<128x64xf32, #tpu.memory_space<vmem>>
    %dma_wait3A_296 = arith.constant 0 : i32
    %dma_wait3A_297 = tpu.memref_slice %arg7[%dma_wait3A_290, %dma_wait3A_296] : memref<40x128xi32, #tpu.memory_space<vmem>> -> memref<1x128xi32, #tpu.memory_space<vmem>>
    %dma_wait3A_298 = tpu.memref_squeeze %dma_wait3A_297 : memref<1x128xi32, #tpu.memory_space<vmem>> -> memref<128xi32, #tpu.memory_space<vmem>>
    %dma_wait3A_299 = arith.constant 0 : i32
    %dma_wait3A_300 = arith.constant 0 : i32
    %dma_wait3A_301 = tpu.memref_slice %arg10[%dma_wait3A_299, %dma_wait3A_300] : memref<10240x64xf32, #tpu.memory_space<vmem_shared>> -> memref<10240x64xf32, #tpu.memory_space<vmem_shared>>
    %dma_wait3A_302 = tpu.memref_slice %arg12[%dma_wait3A_291] : memref<4x!tpu.dma_semaphore, #tpu.memory_space<semaphore_mem>> -> memref<1x!tpu.dma_semaphore, #tpu.memory_space<semaphore_mem>>
    %dma_wait3A_303 = tpu.memref_squeeze %dma_wait3A_302 : memref<1x!tpu.dma_semaphore, #tpu.memory_space<semaphore_mem>> -> memref<!tpu.dma_semaphore, #tpu.memory_space<semaphore_mem>>
    tpu.wait_indirect_dma semaphore(%dma_wait3A_303 : memref<!tpu.dma_semaphore, #tpu.memory_space<semaphore_mem>>) src(%dma_wait3A_295 : memref<128x64xf32, #tpu.memory_space<vmem>>) dst(%dma_wait3A_301 : memref<10240x64xf32, #tpu.memory_space<vmem_shared>>)
    %dma_wait3A_304 = arith.constant 3 : i32
    %dma_wait3A_305 = arith.constant 39 : i32
    %dma_wait3A_306 = arith.constant 3 : i32
    %dma_wait3A_307 = arith.constant 0 : i32
    %dma_wait3A_308 = arith.constant 0 : i32
    %dma_wait3A_309 = tpu.memref_slice %arg8[%dma_wait3A_304, %dma_wait3A_307, %dma_wait3A_308] : memref<4x128x64xf32, #tpu.memory_space<vmem>> -> memref<1x128x64xf32, #tpu.memory_space<vmem>>
    %dma_wait3A_310 = tpu.memref_squeeze %dma_wait3A_309 : memref<1x128x64xf32, #tpu.memory_space<vmem>> -> memref<128x64xf32, #tpu.memory_space<vmem>>
    %dma_wait3A_311 = arith.constant 0 : i32
    %dma_wait3A_312 = tpu.memref_slice %arg7[%dma_wait3A_305, %dma_wait3A_311] : memref<40x128xi32, #tpu.memory_space<vmem>> -> memref<1x128xi32, #tpu.memory_space<vmem>>
    %dma_wait3A_313 = tpu.memref_squeeze %dma_wait3A_312 : memref<1x128xi32, #tpu.memory_space<vmem>> -> memref<128xi32, #tpu.memory_space<vmem>>
    %dma_wait3A_314 = arith.constant 0 : i32
    %dma_wait3A_315 = arith.constant 0 : i32
    %dma_wait3A_316 = tpu.memref_slice %arg10[%dma_wait3A_314, %dma_wait3A_315] : memref<10240x64xf32, #tpu.memory_space<vmem_shared>> -> memref<10240x64xf32, #tpu.memory_space<vmem_shared>>
    %dma_wait3A_317 = tpu.memref_slice %arg12[%dma_wait3A_306] : memref<4x!tpu.dma_semaphore, #tpu.memory_space<semaphore_mem>> -> memref<1x!tpu.dma_semaphore, #tpu.memory_space<semaphore_mem>>
    %dma_wait3A_318 = tpu.memref_squeeze %dma_wait3A_317 : memref<1x!tpu.dma_semaphore, #tpu.memory_space<semaphore_mem>> -> memref<!tpu.dma_semaphore, #tpu.memory_space<semaphore_mem>>
    tpu.wait_indirect_dma semaphore(%dma_wait3A_318 : memref<!tpu.dma_semaphore, #tpu.memory_space<semaphore_mem>>) src(%dma_wait3A_310 : memref<128x64xf32, #tpu.memory_space<vmem>>) dst(%dma_wait3A_316 : memref<10240x64xf32, #tpu.memory_space<vmem_shared>>)
    %barrier3A_319 = arith.constant 0 : index
    tpu.barrier barrier_id(%barrier3A_319)
    %scan3A_320 = arith.constant 0 : i32
    %scan3A_321 = arith.constant 0 : i32
    %scan3A_322 = arith.constant 5 : i32
    %scan3A_323 = arith.addi %scan3A_321, %scan3A_322 : i32
    %scan3A_324 = arith.constant 1 : i32
    scf.for %scan3A_326 = %scan3A_321 to %scan3A_323 step %scan3A_324  : i32 {
      %mul3A_327 = arith.constant 128 : i32
      %mul3A_328 = arith.muli %scan3A_326, %mul3A_327 : i32
      %add3A_329 = arith.addi %mul3A_0, %mul3A_328 : i32
      %run_scoped3A_330 = arith.constant 0 : i32
      "tpu.region"() ({
        %run_scoped3A_332 = tpu.sem_alloc : memref<!tpu.dma_semaphore, #tpu.memory_space<semaphore_mem>>
        %dma_start3A_333 = arith.constant 0 : i32
        %dma_start3A_334 = arith.constant 0 : i32
        %dma_start3A_335 = tpu.memref_slice %arg8[%run_scoped3A_330, %dma_start3A_333, %dma_start3A_334] : memref<4x128x64xf32, #tpu.memory_space<vmem>> -> memref<1x128x64xf32, #tpu.memory_space<vmem>>
        %dma_start3A_336 = tpu.memref_squeeze %dma_start3A_335 : memref<1x128x64xf32, #tpu.memory_space<vmem>> -> memref<128x64xf32, #tpu.memory_space<vmem>>
        %dma_start3A_337 = arith.constant 0 : i32
        %dma_start3A_338 = tpu.memref_slice %arg10[%add3A_329, %dma_start3A_337] : memref<10240x64xf32, #tpu.memory_space<vmem_shared>> -> memref<128x64xf32, #tpu.memory_space<vmem_shared>>
        %dma_start3A_339 = arith.constant 0 : i32
        %dma_start3A_340 = arith.constant 0 : i32
        %dma_start3A_341 = tpu.memref_slice %arg8[%run_scoped3A_330, %dma_start3A_339, %dma_start3A_340] : memref<4x128x64xf32, #tpu.memory_space<vmem>> -> memref<1x128x64xf32, #tpu.memory_space<vmem>>
        %dma_start3A_342 = tpu.memref_squeeze %dma_start3A_341 : memref<1x128x64xf32, #tpu.memory_space<vmem>> -> memref<128x64xf32, #tpu.memory_space<vmem>>
        %dma_start3A_343 = arith.constant 0 : i32
        %dma_start3A_344 = tpu.memref_slice %arg10[%add3A_329, %dma_start3A_343] : memref<10240x64xf32, #tpu.memory_space<vmem_shared>> -> memref<128x64xf32, #tpu.memory_space<vmem_shared>>
        tpu.enqueue_dma source(%dma_start3A_344 : memref<128x64xf32, #tpu.memory_space<vmem_shared>>) target(%dma_start3A_342 : memref<128x64xf32, #tpu.memory_space<vmem>>) target_semaphore(%run_scoped3A_332 : memref<!tpu.dma_semaphore, #tpu.memory_space<semaphore_mem>>)
        %dma_wait3A_345 = arith.constant 0 : i32
        %dma_wait3A_346 = arith.constant 0 : i32
        %dma_wait3A_347 = tpu.memref_slice %arg8[%run_scoped3A_330, %dma_wait3A_345, %dma_wait3A_346] : memref<4x128x64xf32, #tpu.memory_space<vmem>> -> memref<1x128x64xf32, #tpu.memory_space<vmem>>
        %dma_wait3A_348 = tpu.memref_squeeze %dma_wait3A_347 : memref<1x128x64xf32, #tpu.memory_space<vmem>> -> memref<128x64xf32, #tpu.memory_space<vmem>>
        %dma_wait3A_349 = arith.constant 0 : i32
        %dma_wait3A_350 = tpu.memref_slice %arg10[%add3A_329, %dma_wait3A_349] : memref<10240x64xf32, #tpu.memory_space<vmem_shared>> -> memref<128x64xf32, #tpu.memory_space<vmem_shared>>
        %dma_wait3A_351 = arith.constant 0 : i32
        %dma_wait3A_352 = arith.constant 0 : i32
        %dma_wait3A_353 = tpu.memref_slice %arg8[%run_scoped3A_330, %dma_wait3A_351, %dma_wait3A_352] : memref<4x128x64xf32, #tpu.memory_space<vmem>> -> memref<1x128x64xf32, #tpu.memory_space<vmem>>
        %dma_wait3A_354 = tpu.memref_squeeze %dma_wait3A_353 : memref<1x128x64xf32, #tpu.memory_space<vmem>> -> memref<128x64xf32, #tpu.memory_space<vmem>>
        %dma_wait3A_355 = arith.constant 0 : i32
        %dma_wait3A_356 = tpu.memref_slice %arg10[%add3A_329, %dma_wait3A_355] : memref<10240x64xf32, #tpu.memory_space<vmem_shared>> -> memref<128x64xf32, #tpu.memory_space<vmem_shared>>
        tpu.wait_dma2 semaphore(%run_scoped3A_332 : memref<!tpu.dma_semaphore, #tpu.memory_space<semaphore_mem>>) src(%dma_wait3A_356 : memref<128x64xf32, #tpu.memory_space<vmem_shared>>) dst(%dma_wait3A_354 : memref<128x64xf32, #tpu.memory_space<vmem>>)
        tpu.yield
      }) : () -> ()
      %run_scoped3A_331 = arith.constant 0 : i32
      "tpu.region"() ({
        %run_scoped3A_332 = tpu.sem_alloc : memref<!tpu.dma_semaphore, #tpu.memory_space<semaphore_mem>>
        %dma_start3A_333 = arith.constant 0 : i32
        %dma_start3A_334 = arith.constant 0 : i32
        %dma_start3A_335 = tpu.memref_slice %arg8[%run_scoped3A_331, %dma_start3A_333, %dma_start3A_334] : memref<4x128x64xf32, #tpu.memory_space<vmem>> -> memref<1x128x64xf32, #tpu.memory_space<vmem>>
        %dma_start3A_336 = tpu.memref_squeeze %dma_start3A_335 : memref<1x128x64xf32, #tpu.memory_space<vmem>> -> memref<128x64xf32, #tpu.memory_space<vmem>>
        %dma_start3A_337 = arith.constant 0 : i32
        %dma_start3A_338 = arith.constant 0 : i32
        %dma_start3A_339 = tpu.memref_slice %arg5[%arg0, %dma_start3A_337, %dma_start3A_338] : memref<2x10240x64xf32, #tpu.memory_space<hbm>> -> memref<1x10240x64xf32, #tpu.memory_space<hbm>>
        %dma_start3A_340 = tpu.memref_squeeze %dma_start3A_339 : memref<1x10240x64xf32, #tpu.memory_space<hbm>> -> memref<10240x64xf32, #tpu.memory_space<hbm>>
        %dma_start3A_341 = arith.constant 0 : i32
        %dma_start3A_342 = tpu.memref_slice %dma_start3A_340[%add3A_329, %dma_start3A_341] : memref<10240x64xf32, #tpu.memory_space<hbm>> -> memref<128x64xf32, #tpu.memory_space<hbm>>
        %dma_start3A_343 = arith.constant 0 : i32
        %dma_start3A_344 = arith.constant 0 : i32
        %dma_start3A_345 = tpu.memref_slice %arg5[%arg0, %dma_start3A_343, %dma_start3A_344] : memref<2x10240x64xf32, #tpu.memory_space<hbm>> -> memref<1x10240x64xf32, #tpu.memory_space<hbm>>
        %dma_start3A_346 = tpu.memref_squeeze %dma_start3A_345 : memref<1x10240x64xf32, #tpu.memory_space<hbm>> -> memref<10240x64xf32, #tpu.memory_space<hbm>>
        %dma_start3A_347 = arith.constant 0 : i32
        %dma_start3A_348 = tpu.memref_slice %dma_start3A_346[%add3A_329, %dma_start3A_347] : memref<10240x64xf32, #tpu.memory_space<hbm>> -> memref<128x64xf32, #tpu.memory_space<hbm>>
        %dma_start3A_349 = arith.constant 0 : i32
        %dma_start3A_350 = arith.constant 0 : i32
        %dma_start3A_351 = tpu.memref_slice %arg8[%run_scoped3A_331, %dma_start3A_349, %dma_start3A_350] : memref<4x128x64xf32, #tpu.memory_space<vmem>> -> memref<1x128x64xf32, #tpu.memory_space<vmem>>
        %dma_start3A_352 = tpu.memref_squeeze %dma_start3A_351 : memref<1x128x64xf32, #tpu.memory_space<vmem>> -> memref<128x64xf32, #tpu.memory_space<vmem>>
        tpu.enqueue_dma source(%dma_start3A_352 : memref<128x64xf32, #tpu.memory_space<vmem>>) target(%dma_start3A_348 : memref<128x64xf32, #tpu.memory_space<hbm>>) target_semaphore(%run_scoped3A_332 : memref<!tpu.dma_semaphore, #tpu.memory_space<semaphore_mem>>)
        %dma_wait3A_353 = arith.constant 0 : i32
        %dma_wait3A_354 = arith.constant 0 : i32
        %dma_wait3A_355 = tpu.memref_slice %arg8[%run_scoped3A_331, %dma_wait3A_353, %dma_wait3A_354] : memref<4x128x64xf32, #tpu.memory_space<vmem>> -> memref<1x128x64xf32, #tpu.memory_space<vmem>>
        %dma_wait3A_356 = tpu.memref_squeeze %dma_wait3A_355 : memref<1x128x64xf32, #tpu.memory_space<vmem>> -> memref<128x64xf32, #tpu.memory_space<vmem>>
        %dma_wait3A_357 = arith.constant 0 : i32
        %dma_wait3A_358 = arith.constant 0 : i32
        %dma_wait3A_359 = tpu.memref_slice %arg5[%arg0, %dma_wait3A_357, %dma_wait3A_358] : memref<2x10240x64xf32, #tpu.memory_space<hbm>> -> memref<1x10240x64xf32, #tpu.memory_space<hbm>>
        %dma_wait3A_360 = tpu.memref_squeeze %dma_wait3A_359 : memref<1x10240x64xf32, #tpu.memory_space<hbm>> -> memref<10240x64xf32, #tpu.memory_space<hbm>>
        %dma_wait3A_361 = arith.constant 0 : i32
        %dma_wait3A_362 = tpu.memref_slice %dma_wait3A_360[%add3A_329, %dma_wait3A_361] : memref<10240x64xf32, #tpu.memory_space<hbm>> -> memref<128x64xf32, #tpu.memory_space<hbm>>
        %dma_wait3A_363 = arith.constant 0 : i32
        %dma_wait3A_364 = arith.constant 0 : i32
        %dma_wait3A_365 = tpu.memref_slice %arg5[%arg0, %dma_wait3A_363, %dma_wait3A_364] : memref<2x10240x64xf32, #tpu.memory_space<hbm>> -> memref<1x10240x64xf32, #tpu.memory_space<hbm>>
        %dma_wait3A_366 = tpu.memref_squeeze %dma_wait3A_365 : memref<1x10240x64xf32, #tpu.memory_space<hbm>> -> memref<10240x64xf32, #tpu.memory_space<hbm>>
        %dma_wait3A_367 = arith.constant 0 : i32
        %dma_wait3A_368 = tpu.memref_slice %dma_wait3A_366[%add3A_329, %dma_wait3A_367] : memref<10240x64xf32, #tpu.memory_space<hbm>> -> memref<128x64xf32, #tpu.memory_space<hbm>>
        %dma_wait3A_369 = arith.constant 0 : i32
        %dma_wait3A_370 = arith.constant 0 : i32
        %dma_wait3A_371 = tpu.memref_slice %arg8[%run_scoped3A_331, %dma_wait3A_369, %dma_wait3A_370] : memref<4x128x64xf32, #tpu.memory_space<vmem>> -> memref<1x128x64xf32, #tpu.memory_space<vmem>>
        %dma_wait3A_372 = tpu.memref_squeeze %dma_wait3A_371 : memref<1x128x64xf32, #tpu.memory_space<vmem>> -> memref<128x64xf32, #tpu.memory_space<vmem>>
        tpu.wait_dma2 semaphore(%run_scoped3A_332 : memref<!tpu.dma_semaphore, #tpu.memory_space<semaphore_mem>>) src(%dma_wait3A_372 : memref<128x64xf32, #tpu.memory_space<vmem>>) dst(%dma_wait3A_368 : memref<128x64xf32, #tpu.memory_space<hbm>>)
        tpu.yield
      }) : () -> ()
    }
    %scan3A_325 = arith.constant 5 : i32
    return
  }
}

module attributes {stable_mosaic.version = 14 : i64} {
  func.func @_k2_body(%arg0: i32, %arg1: memref<1x1000x64xf32, #tpu.memory_space<vmem>>, %arg2: memref<1x1000x64xf32, #tpu.memory_space<vmem>>, %arg3: memref<1000x128xf32, #tpu.memory_space<vmem>>, %arg4: memref<128x256xf32, #tpu.memory_space<vmem>>, %arg5: memref<128x256xf32, #tpu.memory_space<vmem>>, %arg6: memref<1x256xf32, #tpu.memory_space<vmem>>, %arg7: memref<1x256xf32, #tpu.memory_space<vmem>>, %arg8: memref<1x256xf32, #tpu.memory_space<vmem>>, %arg9: memref<1x1xf32, #tpu.memory_space<vmem>>, %arg10: memref<1x1x1000xf32, #tpu.memory_space<vmem>>, %arg11: memref<1x1x1000xf32, #tpu.memory_space<vmem>>) attributes {dimension_semantics = [#tpu.dimension_semantics<arbitrary>], iteration_bounds = array<i64: 10>, scalar_prefetch = 0 : i64, scratch_operands = 0 : i64, tpu.core_type = #tpu.core_type<tc>, window_params = [{transform_indices = @transform_0, window_bounds = array<i64: 1, 1000, 64>}, {transform_indices = @transform_1, window_bounds = array<i64: 1, 1000, 64>}, {transform_indices = @transform_2, window_bounds = array<i64: 1000, 128>}, {pipeline_mode = #tpu.pipeline_mode<synchronous>, transform_indices = @transform_3, window_bounds = array<i64: 128, 256>}, {pipeline_mode = #tpu.pipeline_mode<synchronous>, transform_indices = @transform_4, window_bounds = array<i64: 128, 256>}, {pipeline_mode = #tpu.pipeline_mode<synchronous>, transform_indices = @transform_5, window_bounds = array<i64: 1, 256>}, {pipeline_mode = #tpu.pipeline_mode<synchronous>, transform_indices = @transform_6, window_bounds = array<i64: 1, 256>}, {pipeline_mode = #tpu.pipeline_mode<synchronous>, transform_indices = @transform_7, window_bounds = array<i64: 1, 256>}, {pipeline_mode = #tpu.pipeline_mode<synchronous>, transform_indices = @transform_8, window_bounds = array<i64: 1, 1>}, {transform_indices = @transform_9, window_bounds = array<i64: 1, 1, 1000>}, {transform_indices = @transform_10, window_bounds = array<i64: 1, 1, 1000>}]} {
    %get3A = arith.constant 0 : index
    %get3A_0 = arith.constant 0 : index
    %get3A_1 = arith.constant 0 : index
    %get3A_2 = vector.load %arg1[%get3A, %get3A_0, %get3A_1] : memref<1x1000x64xf32, #tpu.memory_space<vmem>>, vector<1x1000x64xf32>
    %get3A_3 = vector.shape_cast %get3A_2 : vector<1x1000x64xf32> to vector<1000x64xf32>
    %get3A_4 = arith.constant 0 : index
    %get3A_5 = arith.constant 0 : index
    %get3A_6 = arith.constant 0 : index
    %get3A_7 = vector.load %arg2[%get3A_4, %get3A_5, %get3A_6] : memref<1x1000x64xf32, #tpu.memory_space<vmem>>, vector<1x1000x64xf32>
    %get3A_8 = vector.shape_cast %get3A_7 : vector<1x1000x64xf32> to vector<1000x64xf32>
    %concatenate3A = tpu.concatenate %get3A_3, %get3A_8 in 1 : vector<1000x64xf32>, vector<1000x64xf32> -> vector<1000x128xf32>
    %get3A_9 = arith.constant 0 : index
    %get3A_10 = arith.constant 0 : index
    %get3A_11 = vector.load %arg4[%get3A_9, %get3A_10] : memref<128x256xf32, #tpu.memory_space<vmem>>, vector<128x256xf32>
    %dot_general3A = arith.constant dense<0.000000e+00> : vector<1000x256xf32>
    %dot_general3A_12 = tpu.matmul %concatenate3A, %get3A_11, %dot_general3A {dimension_numbers = #tpu.dot_dimension_numbers<[1], [0], [0], [1], [0, 0, 1, 1], [], []>, transpose_lhs_hint = false} : vector<1000x128xf32>, vector<128x256xf32>, vector<1000x256xf32> -> vector<1000x256xf32>
    %get3A_13 = arith.constant 0 : index
    %get3A_14 = arith.constant 0 : index
    %get3A_15 = vector.load %arg3[%get3A_13, %get3A_14] : memref<1000x128xf32, #tpu.memory_space<vmem>>, vector<1000x128xf32>
    %get3A_16 = arith.constant 0 : index
    %get3A_17 = arith.constant 0 : index
    %get3A_18 = vector.load %arg5[%get3A_16, %get3A_17] : memref<128x256xf32, #tpu.memory_space<vmem>>, vector<128x256xf32>
    %dot_general3A_19 = arith.constant dense<0.000000e+00> : vector<1000x256xf32>
    %dot_general3A_20 = tpu.matmul %get3A_15, %get3A_18, %dot_general3A_19 {dimension_numbers = #tpu.dot_dimension_numbers<[1], [0], [0], [1], [0, 0, 1, 1], [], []>, transpose_lhs_hint = false} : vector<1000x128xf32>, vector<128x256xf32>, vector<1000x256xf32> -> vector<1000x256xf32>
    %add3A = arith.addf %dot_general3A_12, %dot_general3A_20 : vector<1000x256xf32>
    %get3A_21 = arith.constant 0 : index
    %get3A_22 = arith.constant 0 : index
    %get3A_23 = vector.load %arg6[%get3A_21, %get3A_22] : memref<1x256xf32, #tpu.memory_space<vmem>>, vector<1x256xf32>
    %add3A_24 = vector.broadcast %get3A_23 : vector<1x256xf32> to vector<1000x256xf32>
    %add3A_25 = arith.addf %add3A, %add3A_24 : vector<1000x256xf32>
    %max3A = arith.constant 0.000000e+00 : f32
    %max3A_26 = vector.broadcast %max3A : f32 to vector<1000x256xf32>
    %max3A_27 = arith.maximumf %add3A_25, %max3A_26 : vector<1000x256xf32>
    %get3A_28 = arith.constant 0 : index
    %get3A_29 = arith.constant 0 : index
    %get3A_30 = vector.load %arg7[%get3A_28, %get3A_29] : memref<1x256xf32, #tpu.memory_space<vmem>>, vector<1x256xf32>
    %mul3A = vector.broadcast %get3A_30 : vector<1x256xf32> to vector<1000x256xf32>
    %mul3A_31 = arith.mulf %max3A_27, %mul3A : vector<1000x256xf32>
    %reduce_sum3A = arith.constant dense<0.000000e+00> : vector<1000xf32>
    %reduce_sum3A_32 = vector.multi_reduction <add>, %mul3A_31, %reduce_sum3A [1] : vector<1000x256xf32> to vector<1000xf32>
    %reshape3A = vector.shape_cast %reduce_sum3A_32 : vector<1000xf32> to vector<1x1x1000xf32>
    %swap3A = arith.constant 0 : index
    %swap3A_33 = arith.constant 0 : index
    %swap3A_34 = arith.constant 0 : index
    %swap3A_35 = vector.load %arg10[%swap3A, %swap3A_33, %swap3A_34] : memref<1x1x1000xf32, #tpu.memory_space<vmem>>, vector<1x1x1000xf32>
    tpu.vector_store %arg10[%swap3A, %swap3A_33, %swap3A_34], %reshape3A {strides = array<i32>} : memref<1x1x1000xf32, #tpu.memory_space<vmem>>, vector<1x1x1000xf32>,
    %get3A_36 = arith.constant 0 : index
    %get3A_37 = arith.constant 0 : index
    %get3A_38 = vector.load %arg8[%get3A_36, %get3A_37] : memref<1x256xf32, #tpu.memory_space<vmem>>, vector<1x256xf32>
    %mul3A_39 = vector.broadcast %get3A_38 : vector<1x256xf32> to vector<1000x256xf32>
    %mul3A_40 = arith.mulf %max3A_27, %mul3A_39 : vector<1000x256xf32>
    %reduce_sum3A_41 = arith.constant dense<0.000000e+00> : vector<1000xf32>
    %reduce_sum3A_42 = vector.multi_reduction <add>, %mul3A_40, %reduce_sum3A_41 [1] : vector<1000x256xf32> to vector<1000xf32>
    %get3A_43 = arith.constant 0 : index
    %get3A_44 = arith.constant 0 : index
    %get3A_45 = vector.load %arg9[%get3A_43, %get3A_44] : memref<1x1xf32, #tpu.memory_space<vmem>>, vector<1x1xf32>
    %get3A_46 = vector.extract %get3A_45[0, 0] : f32 from vector<1x1xf32>
    %add3A_47 = vector.broadcast %get3A_46 : f32 to vector<1000xf32>
    %add3A_48 = arith.addf %reduce_sum3A_42, %add3A_47 : vector<1000xf32>
    %reshape3A_49 = vector.shape_cast %add3A_48 : vector<1000xf32> to vector<1x1x1000xf32>
    %swap3A_50 = arith.constant 0 : index
    %swap3A_51 = arith.constant 0 : index
    %swap3A_52 = arith.constant 0 : index
    %swap3A_53 = vector.load %arg11[%swap3A_50, %swap3A_51, %swap3A_52] : memref<1x1x1000xf32, #tpu.memory_space<vmem>>, vector<1x1x1000xf32>
    tpu.vector_store %arg11[%swap3A_50, %swap3A_51, %swap3A_52], %reshape3A_49 {strides = array<i32>} : memref<1x1x1000xf32, #tpu.memory_space<vmem>>, vector<1x1x1000xf32>,
    return
  }
  func.func @transform_0(%arg0: i32) -> (i32, i32, i32) {
    %c0_i32 = arith.constant 0 : i32
    %c0_i32_0 = arith.constant 0 : i32
    %c0_i32_1 = arith.constant 0 : i32
    return %c0_i32, %arg0, %c0_i32_0 : i32, i32, i32
  }
  func.func @transform_1(%arg0: i32) -> (i32, i32, i32) {
    %c1_i32 = arith.constant 1 : i32
    %c0_i32 = arith.constant 0 : i32
    %c0_i32_0 = arith.constant 0 : i32
    return %c1_i32, %arg0, %c0_i32 : i32, i32, i32
  }
  func.func @transform_2(%arg0: i32) -> (i32, i32) {
    %c0_i32 = arith.constant 0 : i32
    %c0_i32_0 = arith.constant 0 : i32
    return %arg0, %c0_i32 : i32, i32
  }
  func.func @transform_3(%arg0: i32) -> (i32, i32) {
    %c0_i32 = arith.constant 0 : i32
    %c0_i32_0 = arith.constant 0 : i32
    %c0_i32_1 = arith.constant 0 : i32
    return %c0_i32, %c0_i32_0 : i32, i32
  }
  func.func @transform_4(%arg0: i32) -> (i32, i32) {
    %c0_i32 = arith.constant 0 : i32
    %c0_i32_0 = arith.constant 0 : i32
    %c0_i32_1 = arith.constant 0 : i32
    return %c0_i32, %c0_i32_0 : i32, i32
  }
  func.func @transform_5(%arg0: i32) -> (i32, i32) {
    %c0_i32 = arith.constant 0 : i32
    %c0_i32_0 = arith.constant 0 : i32
    %c0_i32_1 = arith.constant 0 : i32
    return %c0_i32, %c0_i32_0 : i32, i32
  }
  func.func @transform_6(%arg0: i32) -> (i32, i32) {
    %c0_i32 = arith.constant 0 : i32
    %c0_i32_0 = arith.constant 0 : i32
    %c0_i32_1 = arith.constant 0 : i32
    return %c0_i32, %c0_i32_0 : i32, i32
  }
  func.func @transform_7(%arg0: i32) -> (i32, i32) {
    %c0_i32 = arith.constant 0 : i32
    %c0_i32_0 = arith.constant 0 : i32
    %c0_i32_1 = arith.constant 0 : i32
    return %c0_i32, %c0_i32_0 : i32, i32
  }
  func.func @transform_8(%arg0: i32) -> (i32, i32) {
    %c0_i32 = arith.constant 0 : i32
    %c0_i32_0 = arith.constant 0 : i32
    %c0_i32_1 = arith.constant 0 : i32
    return %c0_i32, %c0_i32_0 : i32, i32
  }
  func.func @transform_9(%arg0: i32) -> (i32, i32, i32) {
    %c0_i32 = arith.constant 0 : i32
    %c0_i32_0 = arith.constant 0 : i32
    %c0_i32_1 = arith.constant 0 : i32
    return %arg0, %c0_i32, %c0_i32_0 : i32, i32, i32
  }
  func.func @transform_10(%arg0: i32) -> (i32, i32, i32) {
    %c0_i32 = arith.constant 0 : i32
    %c0_i32_0 = arith.constant 0 : i32
    %c0_i32_1 = arith.constant 0 : i32
    return %arg0, %c0_i32, %c0_i32_0 : i32, i32, i32
  }
}

module attributes {stable_mosaic.version = 14 : i64} {
  func.func @_k4_body(%arg0: memref<2x10240xf32, #tpu.memory_space<vmem>>, %arg1: memref<1x10000xf32, #tpu.memory_space<vmem>>, %arg2: memref<2x10240x64xf32, #tpu.memory_space<any>>, %arg3: memref<10000x128xf32, #tpu.memory_space<any>>, %arg4: memref<2x2500x128xi32, #tpu.memory_space<vmem>>, %arg5: memref<128x256xf32, #tpu.memory_space<vmem>>, %arg6: memref<128x256xf32, #tpu.memory_space<vmem>>, %arg7: memref<1x256xf32, #tpu.memory_space<vmem>>, %arg8: memref<256x256xf32, #tpu.memory_space<vmem>>, %arg9: memref<256x256xf32, #tpu.memory_space<vmem>>, %arg10: memref<1x256xf32, #tpu.memory_space<vmem>>, %arg11: memref<1x256xf32, #tpu.memory_space<vmem>>, %arg12: memref<1x256xf32, #tpu.memory_space<vmem>>, %arg13: memref<1x1xf32, #tpu.memory_space<vmem>>, %arg14: memref<256x256xf32, #tpu.memory_space<vmem>>, %arg15: memref<256x256xf32, #tpu.memory_space<vmem>>, %arg16: memref<1x256xf32, #tpu.memory_space<vmem>>, %arg17: memref<1x256xf32, #tpu.memory_space<vmem>>, %arg18: memref<1x256xf32, #tpu.memory_space<vmem>>, %arg19: memref<1x1xf32, #tpu.memory_space<vmem>>, %arg20: memref<2x256xf32, #tpu.memory_space<vmem>>, %arg21: memref<1x2xf32, #tpu.memory_space<vmem>>, %arg22: memref<1x2xf32, #tpu.memory_space<vmem>>, %arg23: memref<1x64xf32, #tpu.memory_space<vmem>>, %arg24: memref<1x64xf32, #tpu.memory_space<vmem>>, %arg25: memref<1x128xf32, #tpu.memory_space<vmem>>, %arg26: memref<!tpu.dma_semaphore, #tpu.memory_space<semaphore_mem>>) attributes {dimension_semantics = [], scalar_prefetch = 0 : i64, scratch_operands = 4 : i64, tpu.core_type = #tpu.core_type<tc>} {
    %get3A = arith.constant 0 : index
    %get3A_0 = arith.constant 0 : index
    %get3A_1 = vector.load %arg0[%get3A, %get3A_0] : memref<2x10240xf32, #tpu.memory_space<vmem>>, vector<1x10000xf32>
    %get3A_2 = arith.constant 1 : index
    %get3A_3 = arith.constant 0 : index
    %get3A_4 = vector.load %arg0[%get3A_2, %get3A_3] : memref<2x10240xf32, #tpu.memory_space<vmem>>, vector<1x10000xf32>
    %add3A = arith.addf %get3A_1, %get3A_4 : vector<1x10000xf32>
    %get3A_5 = arith.constant 0 : index
    %get3A_6 = arith.constant 0 : index
    %get3A_7 = vector.load %arg1[%get3A_5, %get3A_6] : memref<1x10000xf32, #tpu.memory_space<vmem>>, vector<1x10000xf32>
    %add3A_8 = arith.addf %add3A, %get3A_7 : vector<1x10000xf32>
    %iota3A = tpu.iota {dimensions = array<i32: 1>} : vector<1x10000xi32>
    %reduce_max3A = vector.shape_cast %add3A_8 : vector<1x10000xf32> to vector<1x1x10000xf32>
    %reduce_max3A_9 = arith.constant dense<0xFF800000> : vector<1xf32>
    %reduce_max3A_10 = vector.multi_reduction <maximumf>, %reduce_max3A, %reduce_max3A_9 [1, 2] : vector<1x1x10000xf32> to vector<1xf32>
    %reduce_max3A_11 = vector.shape_cast %reduce_max3A_10 : vector<1xf32> to vector<1x1x1xf32>
    %reduce_max3A_12 = vector.extract %reduce_max3A_11[0, 0, 0] : f32 from vector<1x1x1xf32>
    %eq3A = vector.broadcast %reduce_max3A_12 : f32 to vector<1x10000xf32>
    %eq3A_13 = arith.cmpf oeq, %add3A_8, %eq3A : vector<1x10000xf32>
    %jit3A = arith.constant 10000 : i32
    %broadcast_in_dim3A = vector.broadcast %jit3A : i32 to vector<1x10000xi32>
    %select_n3A = arith.select %eq3A_13, %iota3A, %broadcast_in_dim3A : vector<1x10000xi1>, vector<1x10000xi32>
    %reduce_min3A = vector.shape_cast %select_n3A : vector<1x10000xi32> to vector<1x1x10000xi32>
    %reduce_min3A_14 = arith.constant dense<2147483647> : vector<1xi32>
    %reduce_min3A_15 = vector.multi_reduction <minsi>, %reduce_min3A, %reduce_min3A_14 [1, 2] : vector<1x1x10000xi32> to vector<1xi32>
    %reduce_min3A_16 = vector.shape_cast %reduce_min3A_15 : vector<1xi32> to vector<1x1x1xi32>
    %reduce_min3A_17 = vector.extract %reduce_min3A_16[0, 0, 0] : i32 from vector<1x1x1xi32>
    %dma_start3A = arith.constant 0 : i32
    %dma_start3A_18 = arith.constant 0 : i32
    %dma_start3A_19 = arith.constant 0 : i32
    %dma_start3A_20 = tpu.memref_slice %arg2[%dma_start3A, %dma_start3A_18, %dma_start3A_19] : memref<2x10240x64xf32, #tpu.memory_space<any>> -> memref<1x10240x64xf32, #tpu.memory_space<any>>
    %dma_start3A_21 = tpu.memref_squeeze %dma_start3A_20 : memref<1x10240x64xf32, #tpu.memory_space<any>> -> memref<10240x64xf32, #tpu.memory_space<any>>
    %dma_start3A_22 = arith.constant 0 : i32
    %dma_start3A_23 = tpu.memref_slice %dma_start3A_21[%reduce_min3A_17, %dma_start3A_22] : memref<10240x64xf32, #tpu.memory_space<any>> -> memref<1x64xf32, #tpu.memory_space<any>>
    tpu.enqueue_dma source(%dma_start3A_23 : memref<1x64xf32, #tpu.memory_space<any>>) target(%arg23 : memref<1x64xf32, #tpu.memory_space<vmem>>) target_semaphore(%arg26 : memref<!tpu.dma_semaphore, #tpu.memory_space<semaphore_mem>>)
    %dma_start3A_24 = arith.constant 1 : i32
    %dma_start3A_25 = arith.constant 0 : i32
    %dma_start3A_26 = arith.constant 0 : i32
    %dma_start3A_27 = tpu.memref_slice %arg2[%dma_start3A_24, %dma_start3A_25, %dma_start3A_26] : memref<2x10240x64xf32, #tpu.memory_space<any>> -> memref<1x10240x64xf32, #tpu.memory_space<any>>
    %dma_start3A_28 = tpu.memref_squeeze %dma_start3A_27 : memref<1x10240x64xf32, #tpu.memory_space<any>> -> memref<10240x64xf32, #tpu.memory_space<any>>
    %dma_start3A_29 = arith.constant 0 : i32
    %dma_start3A_30 = tpu.memref_slice %dma_start3A_28[%reduce_min3A_17, %dma_start3A_29] : memref<10240x64xf32, #tpu.memory_space<any>> -> memref<1x64xf32, #tpu.memory_space<any>>
    tpu.enqueue_dma source(%dma_start3A_30 : memref<1x64xf32, #tpu.memory_space<any>>) target(%arg24 : memref<1x64xf32, #tpu.memory_space<vmem>>) target_semaphore(%arg26 : memref<!tpu.dma_semaphore, #tpu.memory_space<semaphore_mem>>)
    %dma_start3A_31 = arith.constant 0 : i32
    %dma_start3A_32 = tpu.memref_slice %arg3[%reduce_min3A_17, %dma_start3A_31] : memref<10000x128xf32, #tpu.memory_space<any>> -> memref<1x128xf32, #tpu.memory_space<any>>
    tpu.enqueue_dma source(%dma_start3A_32 : memref<1x128xf32, #tpu.memory_space<any>>) target(%arg25 : memref<1x128xf32, #tpu.memory_space<vmem>>) target_semaphore(%arg26 : memref<!tpu.dma_semaphore, #tpu.memory_space<semaphore_mem>>)
    %dma_wait3A = arith.constant 0 : i32
    %dma_wait3A_33 = arith.constant 0 : i32
    %dma_wait3A_34 = arith.constant 0 : i32
    %dma_wait3A_35 = tpu.memref_slice %arg2[%dma_wait3A, %dma_wait3A_33, %dma_wait3A_34] : memref<2x10240x64xf32, #tpu.memory_space<any>> -> memref<1x10240x64xf32, #tpu.memory_space<any>>
    %dma_wait3A_36 = tpu.memref_squeeze %dma_wait3A_35 : memref<1x10240x64xf32, #tpu.memory_space<any>> -> memref<10240x64xf32, #tpu.memory_space<any>>
    %dma_wait3A_37 = arith.constant 0 : i32
    %dma_wait3A_38 = tpu.memref_slice %dma_wait3A_36[%reduce_min3A_17, %dma_wait3A_37] : memref<10240x64xf32, #tpu.memory_space<any>> -> memref<1x64xf32, #tpu.memory_space<any>>
    tpu.wait_dma2 semaphore(%arg26 : memref<!tpu.dma_semaphore, #tpu.memory_space<semaphore_mem>>) src(%dma_wait3A_38 : memref<1x64xf32, #tpu.memory_space<any>>) dst(%arg23 : memref<1x64xf32, #tpu.memory_space<vmem>>)
    %dma_wait3A_39 = arith.constant 1 : i32
    %dma_wait3A_40 = arith.constant 0 : i32
    %dma_wait3A_41 = arith.constant 0 : i32
    %dma_wait3A_42 = tpu.memref_slice %arg2[%dma_wait3A_39, %dma_wait3A_40, %dma_wait3A_41] : memref<2x10240x64xf32, #tpu.memory_space<any>> -> memref<1x10240x64xf32, #tpu.memory_space<any>>
    %dma_wait3A_43 = tpu.memref_squeeze %dma_wait3A_42 : memref<1x10240x64xf32, #tpu.memory_space<any>> -> memref<10240x64xf32, #tpu.memory_space<any>>
    %dma_wait3A_44 = arith.constant 0 : i32
    %dma_wait3A_45 = tpu.memref_slice %dma_wait3A_43[%reduce_min3A_17, %dma_wait3A_44] : memref<10240x64xf32, #tpu.memory_space<any>> -> memref<1x64xf32, #tpu.memory_space<any>>
    tpu.wait_dma2 semaphore(%arg26 : memref<!tpu.dma_semaphore, #tpu.memory_space<semaphore_mem>>) src(%dma_wait3A_45 : memref<1x64xf32, #tpu.memory_space<any>>) dst(%arg24 : memref<1x64xf32, #tpu.memory_space<vmem>>)
    %dma_wait3A_46 = arith.constant 0 : i32
    %dma_wait3A_47 = tpu.memref_slice %arg3[%reduce_min3A_17, %dma_wait3A_46] : memref<10000x128xf32, #tpu.memory_space<any>> -> memref<1x128xf32, #tpu.memory_space<any>>
    tpu.wait_dma2 semaphore(%arg26 : memref<!tpu.dma_semaphore, #tpu.memory_space<semaphore_mem>>) src(%dma_wait3A_47 : memref<1x128xf32, #tpu.memory_space<any>>) dst(%arg25 : memref<1x128xf32, #tpu.memory_space<vmem>>)
    %get3A_48 = arith.constant 0 : index
    %get3A_49 = arith.constant 0 : index
    %get3A_50 = vector.load %arg23[%get3A_48, %get3A_49] : memref<1x64xf32, #tpu.memory_space<vmem>>, vector<1x64xf32>
    %get3A_51 = arith.constant 0 : index
    %get3A_52 = arith.constant 0 : index
    %get3A_53 = vector.load %arg24[%get3A_51, %get3A_52] : memref<1x64xf32, #tpu.memory_space<vmem>>, vector<1x64xf32>
    %concatenate3A = tpu.concatenate %get3A_50, %get3A_53 in 1 : vector<1x64xf32>, vector<1x64xf32> -> vector<1x128xf32>
    %get3A_54 = arith.constant 0 : index
    %get3A_55 = arith.constant 0 : index
    %get3A_56 = vector.load %arg5[%get3A_54, %get3A_55] : memref<128x256xf32, #tpu.memory_space<vmem>>, vector<128x256xf32>
    %dot_general3A = arith.constant dense<0.000000e+00> : vector<1x256xf32>
    %dot_general3A_57 = tpu.matmul %concatenate3A, %get3A_56, %dot_general3A {dimension_numbers = #tpu.dot_dimension_numbers<[1], [0], [0], [1], [0, 0, 1, 1], [], []>, transpose_lhs_hint = false} : vector<1x128xf32>, vector<128x256xf32>, vector<1x256xf32> -> vector<1x256xf32>
    %get3A_58 = arith.constant 0 : index
    %get3A_59 = arith.constant 0 : index
    %get3A_60 = vector.load %arg25[%get3A_58, %get3A_59] : memref<1x128xf32, #tpu.memory_space<vmem>>, vector<1x128xf32>
    %get3A_61 = arith.constant 0 : index
    %get3A_62 = arith.constant 0 : index
    %get3A_63 = vector.load %arg6[%get3A_61, %get3A_62] : memref<128x256xf32, #tpu.memory_space<vmem>>, vector<128x256xf32>
    %dot_general3A_64 = arith.constant dense<0.000000e+00> : vector<1x256xf32>
    %dot_general3A_65 = tpu.matmul %get3A_60, %get3A_63, %dot_general3A_64 {dimension_numbers = #tpu.dot_dimension_numbers<[1], [0], [0], [1], [0, 0, 1, 1], [], []>, transpose_lhs_hint = false} : vector<1x128xf32>, vector<128x256xf32>, vector<1x256xf32> -> vector<1x256xf32>
    %add3A_66 = arith.addf %dot_general3A_57, %dot_general3A_65 : vector<1x256xf32>
    %get3A_67 = arith.constant 0 : index
    %get3A_68 = arith.constant 0 : index
    %get3A_69 = vector.load %arg7[%get3A_67, %get3A_68] : memref<1x256xf32, #tpu.memory_space<vmem>>, vector<1x256xf32>
    %add3A_70 = arith.addf %add3A_66, %get3A_69 : vector<1x256xf32>
    %max3A = arith.constant 0.000000e+00 : f32
    %max3A_71 = vector.broadcast %max3A : f32 to vector<1x256xf32>
    %max3A_72 = arith.maximumf %add3A_70, %max3A_71 : vector<1x256xf32>
    %tanh3A = math.tanh %reduce_max3A_12 : f32
    %mul3A = vector.broadcast %tanh3A : f32 to vector<1x256xf32>
    %mul3A_73 = arith.mulf %max3A_72, %mul3A : vector<1x256xf32>
    %get3A_74 = arith.constant 0 : index
    %get3A_75 = arith.constant 0 : index
    %get3A_76 = arith.constant 0 : index
    %get3A_77 = vector.load %arg4[%get3A_74, %get3A_75, %get3A_76] : memref<2x2500x128xi32, #tpu.memory_space<vmem>>, vector<1x2500x128xi32>
    %get3A_78 = vector.shape_cast %get3A_77 : vector<1x2500x128xi32> to vector<2500x128xi32>
    %get3A_79 = arith.constant 1 : index
    %get3A_80 = arith.constant 0 : index
    %get3A_81 = arith.constant 0 : index
    %get3A_82 = vector.load %arg4[%get3A_79, %get3A_80, %get3A_81] : memref<2x2500x128xi32, #tpu.memory_space<vmem>>, vector<1x2500x128xi32>
    %get3A_83 = vector.shape_cast %get3A_82 : vector<1x2500x128xi32> to vector<2500x128xi32>
    %eq3A_84 = vector.broadcast %reduce_min3A_17 : i32 to vector<2500x128xi32>
    %eq3A_85 = arith.cmpi eq, %get3A_78, %eq3A_84 : vector<2500x128xi32>
    %eq3A_86 = vector.broadcast %reduce_min3A_17 : i32 to vector<2500x128xi32>
    %eq3A_87 = arith.cmpi eq, %get3A_83, %eq3A_86 : vector<2500x128xi32>
    %and3A = arith.andi %eq3A_85, %eq3A_87 : vector<2500x128xi1>
    %jit3A_88 = arith.constant 1.000000e+00 : f32
    %jit3A_89 = arith.constant 0.000000e+00 : f32
    %broadcast_in_dim3A_90 = vector.broadcast %jit3A_88 : f32 to vector<2500x128xf32>
    %broadcast_in_dim3A_91 = vector.broadcast %jit3A_89 : f32 to vector<2500x128xf32>
    %select_n3A_92 = arith.select %and3A, %broadcast_in_dim3A_90, %broadcast_in_dim3A_91 : vector<2500x128xi1>, vector<2500x128xf32>
    %reduce_sum3A = vector.shape_cast %select_n3A_92 : vector<2500x128xf32> to vector<1x2500x128xf32>
    %reduce_sum3A_93 = arith.constant dense<0.000000e+00> : vector<1xf32>
    %reduce_sum3A_94 = vector.multi_reduction <add>, %reduce_sum3A, %reduce_sum3A_93 [1, 2] : vector<1x2500x128xf32> to vector<1xf32>
    %reduce_sum3A_95 = vector.shape_cast %reduce_sum3A_94 : vector<1xf32> to vector<1x1x1xf32>
    %reduce_sum3A_96 = vector.extract %reduce_sum3A_95[0, 0, 0] : f32 from vector<1x1x1xf32>
    %get3A_97 = arith.constant 0 : index
    %get3A_98 = arith.constant 0 : index
    %get3A_99 = vector.load %arg8[%get3A_97, %get3A_98] : memref<256x256xf32, #tpu.memory_space<vmem>>, vector<256x256xf32>
    %dot_general3A_100 = arith.constant dense<0.000000e+00> : vector<1x256xf32>
    %dot_general3A_101 = tpu.matmul %mul3A_73, %get3A_99, %dot_general3A_100 {dimension_numbers = #tpu.dot_dimension_numbers<[1], [0], [0], [1], [0, 0, 1, 1], [], []>, transpose_lhs_hint = false} : vector<1x256xf32>, vector<256x256xf32>, vector<1x256xf32> -> vector<1x256xf32>
    %mul3A_102 = vector.broadcast %reduce_sum3A_96 : f32 to vector<1x256xf32>
    %mul3A_103 = arith.mulf %mul3A_102, %dot_general3A_101 : vector<1x256xf32>
    %get3A_104 = arith.constant 0 : index
    %get3A_105 = arith.constant 0 : index
    %get3A_106 = vector.load %arg9[%get3A_104, %get3A_105] : memref<256x256xf32, #tpu.memory_space<vmem>>, vector<256x256xf32>
    %dot_general3A_107 = arith.constant dense<0.000000e+00> : vector<1x256xf32>
    %dot_general3A_108 = tpu.matmul %mul3A_73, %get3A_106, %dot_general3A_107 {dimension_numbers = #tpu.dot_dimension_numbers<[1], [0], [0], [1], [0, 0, 1, 1], [], []>, transpose_lhs_hint = false} : vector<1x256xf32>, vector<256x256xf32>, vector<1x256xf32> -> vector<1x256xf32>
    %add3A_109 = arith.addf %mul3A_103, %dot_general3A_108 : vector<1x256xf32>
    %get3A_110 = arith.constant 0 : index
    %get3A_111 = arith.constant 0 : index
    %get3A_112 = vector.load %arg10[%get3A_110, %get3A_111] : memref<1x256xf32, #tpu.memory_space<vmem>>, vector<1x256xf32>
    %add3A_113 = arith.addf %add3A_109, %get3A_112 : vector<1x256xf32>
    %max3A_114 = arith.constant 0.000000e+00 : f32
    %max3A_115 = vector.broadcast %max3A_114 : f32 to vector<1x256xf32>
    %max3A_116 = arith.maximumf %add3A_113, %max3A_115 : vector<1x256xf32>
    %get3A_117 = arith.constant 0 : index
    %get3A_118 = arith.constant 0 : index
    %get3A_119 = vector.load %arg11[%get3A_117, %get3A_118] : memref<1x256xf32, #tpu.memory_space<vmem>>, vector<1x256xf32>
    %mul3A_120 = arith.mulf %max3A_116, %get3A_119 : vector<1x256xf32>
    %reduce_sum3A_121 = vector.shape_cast %mul3A_120 : vector<1x256xf32> to vector<1x1x256xf32>
    %reduce_sum3A_122 = arith.constant dense<0.000000e+00> : vector<1xf32>
    %reduce_sum3A_123 = vector.multi_reduction <add>, %reduce_sum3A_121, %reduce_sum3A_122 [1, 2] : vector<1x1x256xf32> to vector<1xf32>
    %reduce_sum3A_124 = vector.shape_cast %reduce_sum3A_123 : vector<1xf32> to vector<1x1x1xf32>
    %reduce_sum3A_125 = vector.extract %reduce_sum3A_124[0, 0, 0] : f32 from vector<1x1x1xf32>
    %mul3A_126 = arith.mulf %reduce_sum3A_96, %reduce_sum3A_125 : f32
    %get3A_127 = arith.constant 0 : index
    %get3A_128 = arith.constant 0 : index
    %get3A_129 = vector.load %arg12[%get3A_127, %get3A_128] : memref<1x256xf32, #tpu.memory_space<vmem>>, vector<1x256xf32>
    %mul3A_130 = arith.mulf %max3A_116, %get3A_129 : vector<1x256xf32>
    %reduce_sum3A_131 = vector.shape_cast %mul3A_130 : vector<1x256xf32> to vector<1x1x256xf32>
    %reduce_sum3A_132 = arith.constant dense<0.000000e+00> : vector<1xf32>
    %reduce_sum3A_133 = vector.multi_reduction <add>, %reduce_sum3A_131, %reduce_sum3A_132 [1, 2] : vector<1x1x256xf32> to vector<1xf32>
    %reduce_sum3A_134 = vector.shape_cast %reduce_sum3A_133 : vector<1xf32> to vector<1x1x1xf32>
    %reduce_sum3A_135 = vector.extract %reduce_sum3A_134[0, 0, 0] : f32 from vector<1x1x1xf32>
    %add3A_136 = arith.addf %mul3A_126, %reduce_sum3A_135 : f32
    %get3A_137 = arith.constant 0 : index
    %get3A_138 = arith.constant 0 : index
    %get3A_139 = vector.load %arg13[%get3A_137, %get3A_138] : memref<1x1xf32, #tpu.memory_space<vmem>>, vector<1x1xf32>
    %get3A_140 = vector.extract %get3A_139[0, 0] : f32 from vector<1x1xf32>
    %add3A_141 = arith.addf %add3A_136, %get3A_140 : f32
    %tanh3A_142 = math.tanh %add3A_141 : f32
    %mul3A_143 = vector.broadcast %tanh3A_142 : f32 to vector<1x256xf32>
    %mul3A_144 = arith.mulf %max3A_116, %mul3A_143 : vector<1x256xf32>
    %get3A_145 = arith.constant 0 : index
    %get3A_146 = arith.constant 0 : index
    %get3A_147 = vector.load %arg14[%get3A_145, %get3A_146] : memref<256x256xf32, #tpu.memory_space<vmem>>, vector<256x256xf32>
    %dot_general3A_148 = arith.constant dense<0.000000e+00> : vector<1x256xf32>
    %dot_general3A_149 = tpu.matmul %mul3A_144, %get3A_147, %dot_general3A_148 {dimension_numbers = #tpu.dot_dimension_numbers<[1], [0], [0], [1], [0, 0, 1, 1], [], []>, transpose_lhs_hint = false} : vector<1x256xf32>, vector<256x256xf32>, vector<1x256xf32> -> vector<1x256xf32>
    %mul3A_150 = vector.broadcast %reduce_sum3A_96 : f32 to vector<1x256xf32>
    %mul3A_151 = arith.mulf %mul3A_150, %dot_general3A_149 : vector<1x256xf32>
    %get3A_152 = arith.constant 0 : index
    %get3A_153 = arith.constant 0 : index
    %get3A_154 = vector.load %arg15[%get3A_152, %get3A_153] : memref<256x256xf32, #tpu.memory_space<vmem>>, vector<256x256xf32>
    %dot_general3A_155 = arith.constant dense<0.000000e+00> : vector<1x256xf32>
    %dot_general3A_156 = tpu.matmul %mul3A_144, %get3A_154, %dot_general3A_155 {dimension_numbers = #tpu.dot_dimension_numbers<[1], [0], [0], [1], [0, 0, 1, 1], [], []>, transpose_lhs_hint = false} : vector<1x256xf32>, vector<256x256xf32>, vector<1x256xf32> -> vector<1x256xf32>
    %add3A_157 = arith.addf %mul3A_151, %dot_general3A_156 : vector<1x256xf32>
    %get3A_158 = arith.constant 0 : index
    %get3A_159 = arith.constant 0 : index
    %get3A_160 = vector.load %arg16[%get3A_158, %get3A_159] : memref<1x256xf32, #tpu.memory_space<vmem>>, vector<1x256xf32>
    %add3A_161 = arith.addf %add3A_157, %get3A_160 : vector<1x256xf32>
    %max3A_162 = arith.constant 0.000000e+00 : f32
    %max3A_163 = vector.broadcast %max3A_162 : f32 to vector<1x256xf32>
    %max3A_164 = arith.maximumf %add3A_161, %max3A_163 : vector<1x256xf32>
    %get3A_165 = arith.constant 0 : index
    %get3A_166 = arith.constant 0 : index
    %get3A_167 = vector.load %arg17[%get3A_165, %get3A_166] : memref<1x256xf32, #tpu.memory_space<vmem>>, vector<1x256xf32>
    %mul3A_168 = arith.mulf %max3A_164, %get3A_167 : vector<1x256xf32>
    %reduce_sum3A_169 = vector.shape_cast %mul3A_168 : vector<1x256xf32> to vector<1x1x256xf32>
    %reduce_sum3A_170 = arith.constant dense<0.000000e+00> : vector<1xf32>
    %reduce_sum3A_171 = vector.multi_reduction <add>, %reduce_sum3A_169, %reduce_sum3A_170 [1, 2] : vector<1x1x256xf32> to vector<1xf32>
    %reduce_sum3A_172 = vector.shape_cast %reduce_sum3A_171 : vector<1xf32> to vector<1x1x1xf32>
    %reduce_sum3A_173 = vector.extract %reduce_sum3A_172[0, 0, 0] : f32 from vector<1x1x1xf32>
    %mul3A_174 = arith.mulf %reduce_sum3A_96, %reduce_sum3A_173 : f32
    %get3A_175 = arith.constant 0 : index
    %get3A_176 = arith.constant 0 : index
    %get3A_177 = vector.load %arg18[%get3A_175, %get3A_176] : memref<1x256xf32, #tpu.memory_space<vmem>>, vector<1x256xf32>
    %mul3A_178 = arith.mulf %max3A_164, %get3A_177 : vector<1x256xf32>
    %reduce_sum3A_179 = vector.shape_cast %mul3A_178 : vector<1x256xf32> to vector<1x1x256xf32>
    %reduce_sum3A_180 = arith.constant dense<0.000000e+00> : vector<1xf32>
    %reduce_sum3A_181 = vector.multi_reduction <add>, %reduce_sum3A_179, %reduce_sum3A_180 [1, 2] : vector<1x1x256xf32> to vector<1xf32>
    %reduce_sum3A_182 = vector.shape_cast %reduce_sum3A_181 : vector<1xf32> to vector<1x1x1xf32>
    %reduce_sum3A_183 = vector.extract %reduce_sum3A_182[0, 0, 0] : f32 from vector<1x1x1xf32>
    %add3A_184 = arith.addf %mul3A_174, %reduce_sum3A_183 : f32
    %get3A_185 = arith.constant 0 : index
    %get3A_186 = arith.constant 0 : index
    %get3A_187 = vector.load %arg19[%get3A_185, %get3A_186] : memref<1x1xf32, #tpu.memory_space<vmem>>, vector<1x1xf32>
    %get3A_188 = vector.extract %get3A_187[0, 0] : f32 from vector<1x1xf32>
    %add3A_189 = arith.addf %add3A_184, %get3A_188 : f32
    %tanh3A_190 = math.tanh %add3A_189 : f32
    %mul3A_191 = vector.broadcast %tanh3A_190 : f32 to vector<1x256xf32>
    %mul3A_192 = arith.mulf %max3A_164, %mul3A_191 : vector<1x256xf32>
    %add3A_193 = arith.addf %mul3A_73, %mul3A_144 : vector<1x256xf32>
    %add3A_194 = arith.addf %add3A_193, %mul3A_192 : vector<1x256xf32>
    %get3A_195 = arith.constant 0 : index
    %get3A_196 = arith.constant 0 : index
    %get3A_197 = vector.load %arg20[%get3A_195, %get3A_196] : memref<2x256xf32, #tpu.memory_space<vmem>>, vector<1x256xf32>
    %mul3A_198 = arith.mulf %add3A_194, %get3A_197 : vector<1x256xf32>
    %reduce_sum3A_199 = vector.shape_cast %mul3A_198 : vector<1x256xf32> to vector<1x1x256xf32>
    %reduce_sum3A_200 = arith.constant dense<0.000000e+00> : vector<1xf32>
    %reduce_sum3A_201 = vector.multi_reduction <add>, %reduce_sum3A_199, %reduce_sum3A_200 [1, 2] : vector<1x1x256xf32> to vector<1xf32>
    %reduce_sum3A_202 = vector.shape_cast %reduce_sum3A_201 : vector<1xf32> to vector<1x1x1xf32>
    %reduce_sum3A_203 = vector.extract %reduce_sum3A_202[0, 0, 0] : f32 from vector<1x1x1xf32>
    %get3A_204 = arith.constant 0 : index
    %get3A_205 = arith.constant 0 : index
    %get3A_206 = vector.load %arg21[%get3A_204, %get3A_205] : memref<1x2xf32, #tpu.memory_space<vmem>>, vector<1x1xf32>
    %get3A_207 = vector.extract %get3A_206[0, 0] : f32 from vector<1x1xf32>
    %add3A_208 = arith.addf %reduce_sum3A_203, %get3A_207 : f32
    %get3A_209 = arith.constant 1 : index
    %get3A_210 = arith.constant 0 : index
    %get3A_211 = vector.load %arg20[%get3A_209, %get3A_210] : memref<2x256xf32, #tpu.memory_space<vmem>>, vector<1x256xf32>
    %mul3A_212 = arith.mulf %add3A_194, %get3A_211 : vector<1x256xf32>
    %reduce_sum3A_213 = vector.shape_cast %mul3A_212 : vector<1x256xf32> to vector<1x1x256xf32>
    %reduce_sum3A_214 = arith.constant dense<0.000000e+00> : vector<1xf32>
    %reduce_sum3A_215 = vector.multi_reduction <add>, %reduce_sum3A_213, %reduce_sum3A_214 [1, 2] : vector<1x1x256xf32> to vector<1xf32>
    %reduce_sum3A_216 = vector.shape_cast %reduce_sum3A_215 : vector<1xf32> to vector<1x1x1xf32>
    %reduce_sum3A_217 = vector.extract %reduce_sum3A_216[0, 0, 0] : f32 from vector<1x1x1xf32>
    %get3A_218 = arith.constant 0 : index
    %get3A_219 = arith.constant 1 : index
    %get3A_220 = vector.load %arg21[%get3A_218, %get3A_219] : memref<1x2xf32, #tpu.memory_space<vmem>>, vector<1x1xf32>
    %get3A_221 = vector.extract %get3A_220[0, 0] : f32 from vector<1x1xf32>
    %add3A_222 = arith.addf %reduce_sum3A_217, %get3A_221 : f32
    %reshape3A = vector.broadcast %add3A_208 : f32 to vector<1x1xf32>
    %reshape3A_223 = vector.broadcast %add3A_222 : f32 to vector<1x1xf32>
    %concatenate3A_224 = tpu.concatenate %reshape3A, %reshape3A_223 in 1 : vector<1x1xf32>, vector<1x1xf32> -> vector<1x2xf32>
    %swap3A = arith.constant 0 : index
    %swap3A_225 = arith.constant 0 : index
    %swap3A_226 = vector.load %arg22[%swap3A, %swap3A_225] : memref<1x2xf32, #tpu.memory_space<vmem>>, vector<1x2xf32>
    tpu.vector_store %arg22[%swap3A, %swap3A_225], %concatenate3A_224 {strides = array<i32>} : memref<1x2xf32, #tpu.memory_space<vmem>>, vector<1x2xf32>,
    return
  }
}

</mosaic_0001>

<sc_bundles>
// kernel: kernel.6.cloned.1.call-start
scs
__scs_entry_jumppad:
0x0: {  	(pc) =	sbr.rel $0x88, $3  }
0x1: {  	(tag) =	ssettag $0x0;
	lr =	simm.s32 $0x1  }
0x2: {  	[smem:$0x3F8B] =	sst lr;
	_ =	strace $0xD0000000  }
0x3: {  	_ = 	snop  }
0x4: {  	_ = 	snop  }
0x5: {  	_ = 	snop  }
0x6: {  	_ = 	snop  }
0x7: {  	_ = 	snop  }
__scs_overlays_trampoline_lowered:
0x8: {  	[smem:$0x3F9A] =	sst s0  }
0x9: {  	[smem:$0x3F9B] =	sst s1  }
0xa: {  	[smem:$0x3F9C] =	sst s2  }
0xb: {  	[smem:$0x3F9D] =	sst s3  }
0xc: {  	[smem:$0x3F9E] =	sst s4  }
0xd: {  	[smem:$0x3F9F] =	sst s5  }
0xe: {  	[smem:$0x3FA0] =	sst s6  }
0xf: {  	[smem:$0x3FA1] =	sst s7  }
0x10: {  	[smem:$0x3FA2] =	sst s8  }
0x11: {  	[smem:$0x3FA3] =	sst s9;
	s0 =	simm.s32 @!p0 $0x0  }
0x12: {  	s1 =	sld [smem:$0x3F89];
	s0 =	simm.s32 @p0 $0x1  }
0x13: {  	[smem:$0x3FA4] =	sst s0;
	s0 =	simm.s32 @!p1 $0x0  }
0x14: {  	s2 =	sld [smem:$0x3F88];
	s0 =	simm.s32 @p1 $0x1  }
0x15: {  	[smem:$0x3FA5] =	sst s0;
	s0 =	simm.s32 @!p2 $0x0  }
0x16: {  	s3 =	sld [smem:$0x3FDB];
	s0 =	simm.s32 @p2 $0x1  }
0x17: {  	s4 =	simm.s32 $0x1BF5;
	[smem:$0x3FA7] =	sst s0  }
0x18: {  	s0 =	sld [smem:$0x3F8A];
	_ =	swait.ge [sflag:s4], $0x0  }
0x19: {  	s7 =	sld [smem:$0x3F8B]  }
0x1a: {  	s8 =	sadd.s32 $0xFFFFE003, lr  }
0x1b: {  	s9 =	sadd.s32 $0xFFFFFEF7, lr;
	s5 =	simm.s32 $0xFFFFFFFF;
	p2 =	slt.u32 s8, $0xFFFFF086  }
0x1c: {  	p1 =	slt.u32 s9, $0xF7A;
	s5 =	simm.s32 @!p2 $0x0  }
0x1d: {  	s5 =	simm.s32 @p1 $0x1;
	p0 =	seq.s32 s7, s2  }
0x1e: {  	s7 =	smul.u32 @!p0 $0xF7A, s2;
	p2 =	seq.s32 @!p0 s5, $0x0  }
0x1f: {  	s9 =	smul.u32 $0xF7A, s1;
	s8 =	simm.s32 @!p0 $0x1BF5;
	p2 =	por !p2, p0  }
0x20: {  	[sflag:s8] =	ssyncset.s32 @!p0 $0xFFFFF086;
	s6 =	sadd.s32 @!p0 s3, s7;
	s7 =	simm.s32 @!p0 $0x108  }
0x21: {  	s3 =	sadd.s32 s3, s9;
	s6 =	sadd.s32 @!p0 $0x88, s6;
	s7 =	simm.s32 @p2 $0x1082  }
0x22: {  	[simem:s7], [sflag:s8] =	dma.local @!p0 [hbm:s6], $0xF7A  }
0x23: {  	s9 =	sor.u32 $0xD0000000, s2;
	s6 =	simm.s32 $0x108;
	_ =	swait.ge @!p0 [sflag:s8], $0x0  }
0x24: {  	s3 =	sadd.s32 $0x88, s3;
	s6 =	simm.s32 @!p1 $0x1082;
	[sflag:s4] =	ssyncset.s32 $0xFFFFF086  }
0x25: {  	[simem:s6], [sflag:s4] =	dma.local [hbm:s3], $0xF7A  }
0x26: {  	[smem:$0x3F8B] =	sst s1;
	(tag) =	ssettag s2;
	_ =	strace s9  }
0x27: {  	s1 =	sld [smem:$0x3F9B]  }
0x28: {  	s2 =	sld [smem:$0x3F9C]  }
0x29: {  	s4 =	sld [smem:$0x3F9E]  }
0x2a: {  	p0 =	seq.s32 s5, $0x0;
	s5 =	sld [smem:$0x3F9F]  }
0x2b: {  	s6 =	sld [smem:$0x3FA0]  }
0x2c: {  	s7 =	sld [smem:$0x3FA1]  }
0x2d: {  	s3 =	simm.s32 $0x108;
	s8 =	sld [smem:$0x3FA2]  }
0x2e: {  	s3 =	simm.s32 @!p0 $0x1082;
	s9 =	sld [smem:$0x3FA3]  }
0x2f: {  	lr =	sadd.s32 s0, s3;
	s0 =	sld [smem:$0x3F9A]  }
0x30: {  	s3 =	sld [smem:$0x3F9D]  }
0x31: {  	[smem:$0x3FA6] =	sst s10  }
0x32: {  	s10 =	sld [smem:$0x3FA4];
	_ =	sdelay $0x3  }
0x33: {  	p0 =	seq.s32 s10, $0x1;
	s10 =	sld [smem:$0x3FA6];
	_ =	sdelay $0x3  }
0x34: {  	[smem:$0x3FA6] =	sst s10  }
0x35: {  	s10 =	sld [smem:$0x3FA5];
	_ =	sdelay $0x3  }
0x36: {  	p1 =	seq.s32 s10, $0x1;
	s10 =	sld [smem:$0x3FA6];
	_ =	sdelay $0x3  }
0x37: {  	[smem:$0x3FA6] =	sst s10  }
0x38: {  	s10 =	sld [smem:$0x3FA7]  }
0x39: {  	_ = 	snop;
	(pc) =	sbr.ind lr, $3  }
0x3a: {  	_ = 	snop  }
0x3b: {  	_ = 	snop  }
0x3c: {  	p2 =	seq.s32 s10, $0x1;
	s10 =	sld [smem:$0x3FA6]  }
0x3d: {  	_ =	shalt  }
0x3e: {  	_ =	shalt  }
0x3f: {  	_ =	shalt  }
0x40: {  	_ =	shalt  }
0x41: {  	_ =	shalt  }
0x42: {  	_ =	shalt  }
0x43: {  	_ =	shalt  }
0x44: {  	_ =	shalt  }
0x45: {  	_ =	shalt  }
0x46: {  	_ =	shalt  }
0x47: {  	_ =	shalt  }
0x48: {  	_ =	shalt  }
0x49: {  	_ =	shalt  }
0x4a: {  	_ =	shalt  }
0x4b: {  	_ =	shalt  }
0x4c: {  	_ =	shalt  }
0x4d: {  	_ =	shalt  }
0x4e: {  	_ =	shalt  }
0x4f: {  	_ =	shalt  }
0x50: {  	_ =	shalt  }
0x51: {  	_ =	shalt  }
0x52: {  	_ =	shalt  }
0x53: {  	_ =	shalt  }
0x54: {  	_ =	shalt  }
0x55: {  	_ =	shalt  }
0x56: {  	_ =	shalt  }
0x57: {  	_ =	shalt  }
0x58: {  	_ =	shalt  }
0x59: {  	_ =	shalt  }
0x5a: {  	_ =	shalt  }
0x5b: {  	_ =	shalt  }
0x5c: {  	_ =	shalt  }
0x5d: {  	_ =	shalt  }
0x5e: {  	_ =	shalt  }
0x5f: {  	_ =	shalt  }
0x60: {  	_ =	shalt  }
0x61: {  	_ =	shalt  }
0x62: {  	_ =	shalt  }
0x63: {  	_ =	shalt  }
0x64: {  	_ =	shalt  }
0x65: {  	_ =	shalt  }
0x66: {  	_ =	shalt  }
0x67: {  	_ =	shalt  }
0x68: {  	_ =	shalt  }
0x69: {  	_ =	shalt  }
0x6a: {  	_ =	shalt  }
0x6b: {  	_ =	shalt  }
0x6c: {  	_ =	shalt  }
0x6d: {  	_ =	shalt  }
0x6e: {  	_ =	shalt  }
0x6f: {  	_ =	shalt  }
0x70: {  	_ =	shalt  }
0x71: {  	_ =	shalt  }
0x72: {  	_ =	shalt  }
0x73: {  	_ =	shalt  }
0x74: {  	_ =	shalt  }
0x75: {  	_ =	shalt  }
0x76: {  	_ =	shalt  }
0x77: {  	_ =	shalt  }
0x78: {  	_ =	shalt  }
0x79: {  	_ =	shalt  }
0x7a: {  	_ =	shalt  }
0x7b: {  	_ =	shalt  }
0x7c: {  	_ =	shalt  }
0x7d: {  	_ =	shalt  }
0x7e: {  	_ =	shalt  }
0x7f: {  	_ =	shalt  }
0x80: {  	_ =	shalt  }
0x81: {  	_ =	shalt  }
0x82: {  	_ =	shalt  }
0x83: {  	_ =	shalt  }
0x84: {  	_ =	shalt  }
0x85: {  	_ =	shalt  }
0x86: {  	_ =	shalt  }
0x87: {  	_ =	shalt  }
.Lfunc_end0:
.L_simem_size_0:
called_computation_lowered:
.L_overlay_start_0:
0x88: {  	s2 =	sld [smem:$0x3FD9]  }
0x89: {  	s3 =	sld [smem:$0x3FFE];
	_ =	sdelay $0x1  }
0x8a: {  	s1 =	srdreg.scid  }
0x8b: {  	s0 =	sand.u32 $0x1, s1  }
0x8c: {  	s17 =	sshll.u32 s0, $0xA;
	s2 =	sadd.s32 s3, s2  }
0x8d: {  	s2 =	sadd.s32 s2, s17  }
0x8e: {  	[smem:$0x3FB2] =	sst s2  }
0x8f: {  	_ = 	snop  }
0x90: {  	s2 =	sld [smem:$0x3FC9];
	(tm) =	ssettm $0x1  }
0x91: {  	s18 =	sld [smem:$0x3FFB];
	_ =	sdelay $0x3  }
0x92: {  	_ =	strace s18  }
0x93: {  	s3 =	sld [smem:$0x3FFC];
	_ =	sdelay $0x3  }
0x94: {  	_ =	strace s3  }
0x95: {  	s3 =	sld [smem:$0x3FFD];
	_ =	sdelay $0x3  }
0x96: {  	_ =	strace s3  }
0x97: {  	_ =	strace $0x8FFFFFFF  }
0x98: {  	s19 =	sld [smem:$0x3FDB];
	_ =	sdelay $0x1  }
0x99: {  	s4 =	simm.s32 $_scs_section_size  }
0x9a: {  	s5 =	simm.s32 $_size__tile_overlayer_lowered;
	s6 =	simm.s32 $_tile_overlayer_lowered  }
0x9b: {  	s22 =	simm.s32 $0x1BFF;
	s21 =	sshll.u32 s6, $0x1;
	s3 =	sadd.s32 s4, s19  }
0x9c: {  	s7 =	simm.s32 $0x0;
	s20 =	sshll.u32 s5, $0x1;
	s5 =	sadd.s32 s21, s3  }
0x9d: {  	[timem:s7], [sflag:s22] =	dma.local [hbm:s5], s20  }
0x9e: {  	_ =	swait.ge [sflag:s22], s20  }
0x9f: {  	s4 =	ssub.s32 $0x0, s20;
	[sflag:s22] =	ssyncset.done $0x0  }
0xa0: {  	[sflag:s22] =	ssyncadd.s32 s4;
	_ =	sdelay $0x1  }
0xa1: {  	s23 =	simm.s32 $0x1B8B  }
0xa2: {  	_ =	swait.ge [sflag:s23], $0x1  }
0xa3: {  	[sflag:s23] =	ssyncset.done $0x0  }
0xa4: {  	s25 =	simm.s32 $0x1B8E;
	s24 =	sld [smem:$0x3FFE];
	[sflag:s23] =	ssyncadd.s32 $0xFFFFFFFF  }
0xa5: {  	s26 =	simm.s32 $execute0_lowered;
	[smem:$0x3FD2] =	sst s25  }
0xa6: {  	s5 =	sshll.u32 s26, $0x1;
	_ =	strace $0x80000046;
	[dreg:$0x1] =	wrdreg $0xFFFFFFFF  }
0xa7: {  	s28 =	simm.s32 $_size_execute0_lowered;
	s3 =	sadd.s32 s3, s5;
	[dreg:$0x0] =	wrdreg $0x0  }
0xa8: {  	s5 =	sshll.u32 s28, $0x1;
	[dreg:$0x2] =	wrdreg s3  }
0xa9: {  	[dreg:$0x3] =	wrdreg s5  }
0xaa: {  	[dreg:$0x4] =	wrdreg $0xC0  }
0xab: {  	_ =	task [dreg:s7], $0x5FFFF  }
0xac: {  	[dreg:$0x1] =	wrdreg $0xFFFFFFFF  }
0xad: {  	[dreg:$0x0] =	wrdreg $0x60  }
0xae: {  	[dreg:$0x2] =	wrdreg s2  }
0xaf: {  	[dreg:$0x3] =	wrdreg s24  }
0xb0: {  	[dreg:$0x4] =	wrdreg $0xA8000  }
0xb1: {  	[dreg:$0x5] =	wrdreg $0x148000  }
0xb2: {  	[dreg:$0x6] =	wrdreg $0x9  }
0xb3: {  	_ =	task.clear_ibuf [dreg:s7], $0x7FFFF;
	_ =	strace $0x90000046  }
0xb4: {  	s29 =	simm.s32 $0x9;
	_ =	strace $0x80000048  }
0xb5: {  	_ =	swait.ge [sflag:s29], $0x1  }
0xb6: {  	[sflag:s29] =	ssyncadd.s32 $0xFFFFFFFF  }
0xb7: {  	_ =	strace $0x90000048  }
0xb8: {  	_ =	sfence  }
0xb9: {  	s30 =	sld [smem:$0x0];
	_ =	sdelay $0x2  }
0xba: {  	s31 =	sshll.u32 s1, $0xD;
	s1 =	sshrl.u32 s1, $0x2  }
0xbb: {  	s3 =	sand.u32 $0x4000, s31;
	s1 =	sadd.s32 s1, s30  }
0xbc: {  	s0 =	sor.u32 s3, s0;
	s1 =	sshll.u32 s1, $0x11  }
0xbd: {  	s0 =	sor.u32 s1, s0  }
0xbe: {  	s0 =	sadd.s32 $0x8F2B, s0  }
0xbf: {  	[sflag:s0] =	ssyncadd.remote.s32 $0x1  }
0xc0: {  	_ =	sfence.sel $0xFFFF  }
0xc1: {  	[dreg:$0x0] =	wrdreg $0xFFFFFFFF;
	(pc) =	sbr.abs _section_cstart, $3  }
0xc2: {  	[dreg:$0x1] =	wrdreg $0xFFFFFFFF  }
0xc3: {  	_ =	task.clear_ibuf [dreg:s7], $0x2FFFF;
	_ =	strace $0x9FFFFFFF  }
0xc4: {  	(tm) =	ssettm $0x7FFFFFFF  }
0xc5: {  	_ =	shalt  }
tec
execute0_lowered:
.L_overlay_start_1:
0x0: {  	(tag) =	ssettag $0x1  }
0x1: {  	s3 =	rddreg [dreg:$0x0]  }
0x2: {  	s4 =	rddreg [dreg:$0x1]  }
0x3: {  	s0 =	rddreg [dreg:$0x2];
	s16 =	stileid.u32  }
0x4: {  	s1 =	rddreg [dreg:$0x3];
	s2 =	simm.s32 $0x0;
	s9 =	smul.u32 $0x14000, s16  }
0x5: {  	s5 =	srdreg.scid;
	s28 =	simm.s32 $0x8;
	s30 =	smul.u32 $0xA00, s16  }
0x6: {  	s29 =	simm.s32 $0x0;
	[smem:$0x7FF] =	sst s2;
	s31 =	smul.u32 $0x5000, s16  }
0x7: {  	s5 =	sand.u32 $0x1, s5;
	s7 =	sadd.s32 $0xC200, s4;
	s12 =	smul.u32 $0x28000, s16  }
0x8: {  	s8 =	sadd.s32 $0x2200, s4;
	s22 =	smul.u32 $0xA000, s16;
	p0 =	seq.s32 s16, $0xF  }
0x9: {  	s16 =	simm.s32 $0x8800;
	s6 =	smul.u32 $0x14000, s5;
	s26 =	ssub.s32 $0x2, s5  }
0xa: {  	s10 =	sshll.u32 s5, $0x6;
	s5 =	sshll.u32 s5, $0x3;
	s11 =	sshrl.u32 s26, $0x1  }
0xb: {  	s9 =	sor.u32 s10, s9;
	s13 =	sadd.s32 s7, s30;
	s14 =	sshrl.u32 s31, $0x3  }
0xc: {  	s15 =	sadd.s32 s8, s30;
	s23 =	sshrl.u32 s22, $0x3;
	s24 =	sadd.s32 $0x2000, s22  }
0xd: {  	s25 =	sadd.s32 $0x4000, s22;
	s4 =	sadd.s32 s6, s4;
	[dreg:$0x6] =	wrdreg s13  }
0xe: {  	s6 =	ssub.s32 s26, s11;
	s9 =	sshrl.u32 s9, $0x3;
	[dreg:$0x7] =	wrdreg s15  }
0xf: {  	s17 =	sadd.s32 $0x280, s14;
	s18 =	sadd.s32 $0x500, s14;
	s9 =	sadd.s32 s3, s9  }
0x10: {  	s26 =	sshrl.u32 s24, $0x3;
	s19 =	sadd.s32 s7, s17;
	[dreg:$0x5] =	wrdreg s9  }
0x11: {  	s30 =	sshrl.u32 s25, $0x3;
	s20 =	sadd.s32 s7, s18;
	[dreg:$0x8] =	wrdreg s19  }
0x12: {  	s3 =	sadd.s32 s5, s3;
	s21 =	sadd.s32 s8, s18;
	[dreg:$0xa] =	wrdreg s20  }
0x13: {  	s5 =	sadd.s32 $0x780, s14;
	s9 =	sadd.s32 s8, s17;
	[dreg:$0xb] =	wrdreg s21  }
0x14: {  	s13 =	sadd.s32 $0x6000, s22;
	s7 =	sadd.s32 s7, s5;
	[dreg:$0x9] =	wrdreg s9  }
0x15: {  	s4 =	sadd.s32 $0x16200, s4;
	s5 =	sadd.s32 s8, s5;
	[dreg:$0xc] =	wrdreg s7  }
0x16: {  	s15 =	sadd.s32 $0x8000, s22;
	s31 =	sadd.s32 s26, s4;
	[dreg:$0xd] =	wrdreg s5  }
0x17: {  	s14 =	sshrl.u32 s13, $0x3;
	s10 =	sadd.s32 s30, s4;
	[dreg:$0xf] =	wrdreg s31  }
0x18: {  	s11 =	sshrl.u32 s15, $0x3;
	s14 =	sadd.s32 s14, s4;
	[dreg:$0x10] =	wrdreg s10  }
0x19: {  	s17 =	sshrl.u32 s12, $0x2;
	s5 =	sadd.s32 s23, s4;
	[dreg:$0x11] =	wrdreg s14  }
0x1a: {  	s3 =	sadd.s32 $0x25800, s3;
	s4 =	sadd.s32 s11, s4;
	[dreg:$0xe] =	wrdreg s5  }
0x1b: {  	s19 =	sadd.s32 s22, s1;
	s20 =	smax.u32 s6, $0x1;
	[dreg:$0x12] =	wrdreg s4  }
0x1c: {  	s21 =	sadd.s32 s24, s1;
	_ =	strace $0x80000047;
	[dreg:$0x13] =	wrdreg s3  }
0x1d: {  	s22 =	sadd.s32 s25, s1;
	s24 =	sadd.s32 s15, s1;
	[dreg:$0x15] =	wrdreg s19  }
0x1e: {  	s6 =	simm.s32 $0x1400;
	s8 =	simm.s32 $0x4800;
	[dreg:$0x16] =	wrdreg s20  }
0x1f: {  	s12 =	simm.s32 $0x2;
	s15 =	simm.s32 $0x180;
	[dreg:$0x17] =	wrdreg s21  }
0x20: {  	s18 =	sadd.s32 s17, s1;
	s23 =	sadd.s32 s13, s1;
	[dreg:$0x18] =	wrdreg s22  }
0x21: {  	s7 =	simm.s32 $0x80;
	s9 =	simm.s32 $0x1;
	[dreg:$0x19] =	wrdreg s23  }
0x22: {  	s11 =	simm.s32 $0x6800;
	s25 =	sadd.s32 $0x2000, s18;
	[dreg:$0x1a] =	wrdreg s24  }
0x23: {  	s14 =	simm.s32 $0x1480;
	s26 =	sadd.s32 $0x4000, s18;
	[dreg:$0x1d] =	wrdreg s25  }
0x24: {  	s4 =	sadd.s32 $0x96000, s0;
	s30 =	sadd.s32 $0x6000, s18;
	[dreg:$0x1e] =	wrdreg s26  }
0x25: {  	s31 =	sadd.s32 $0x8000, s18;
	s5 =	simm.s32 $0x9;
	[dreg:$0x1f] =	wrdreg s30  }
0x26: {  	s3 =	sadd.s32 s17, s0;
	s4 =	sshrl.u32 @p0 s4, $0x3;
	[dreg:$0x14] =	wrdreg s18  }
.Ltmp0:
0x27: {  	[smem:$0x7FD] =	sst s31;
	s17 =	simm.s32 $0x3;
	(pc) =	sbr.rel .LBB2_1-.Ltmp0, $4  }
0x28: {  	s18 =	simm.s32 $0x1500;
	s19 =	simm.s32 $0x5;
	s21 =	simm.s32 $0x200  }
0x29: {  	s22 =	simm.s32 $0x4;
	s23 =	simm.s32 $0x1580;
	s24 =	simm.s32 $0x6  }
0x2a: {  	s25 =	simm.s32 $0x280;
	[dreg:$0x1b] =	wrdreg s4;
	s3 =	sshrl.u32 @!p0 s3, $0x3  }
0x2b: {  	v0 =	vimm.f32 $0.0e+00;
	s26 =	simm.s32 $0x7;
	s4 =	simm.s32 $0x2800;
	[dreg:$0x1c] =	wrdreg s3  }
.LBB2_15:
0x2c: {  	_ =	swait.ge [sflag:s22], $0x2000  }
0x2d: {  	[sflag:s22] =	ssyncset.done $0x0  }
0x2e: {  	[sflag:s22] =	ssyncadd.s32 $0xFFFFE000  }
0x2f: {  	[spmem:s1] =	stream.indirect.scatter.add.f32 [tilespmem:s16], [sflag:$0x8], $0x40, s13, s7, $0xb8;
	[tilespmem:$0x1E800] =	vst v63  }
0x30: {  	_ =	swait.ge [sflag:s24], $0x2000  }
0x31: {  	[sflag:s24] =	ssyncset.done $0x0  }
0x32: {  	[sflag:s24] =	ssyncadd.s32 $0xFFFFE000  }
0x33: {  	_ =	swait.ge [sflag:s26], $0x2000  }
0x34: {  	[sflag:s26] =	ssyncset.done $0x0  }
0x35: {  	[sflag:s26] =	ssyncadd.s32 $0xFFFFE000  }
0x36: {  	_ =	swait.ge [sflag:s28], $0x2000  }
0x37: {  	[sflag:s28] =	ssyncset.done $0x0  }
0x38: {  	[sflag:s28] =	ssyncadd.s32 $0xFFFFE000  }
0x39: {  	[bflag:$0x0] =	sbarrier.arrive $0xFFFF  }
0x3a: {  	s3 =	rddreg [dreg:$0x15]  }
0x3b: {  	[tilespmem:s4], [sflag:$0x9] =	stream.linear.gather [spmem:s3], $0x2000, $0x38;
	[tilespmem:$0x1E800] =	vst v63  }
0x3c: {  	_ =	swait.ge [sflag:s5], $0x2000  }
0x3d: {  	[sflag:s5] =	ssyncset.done $0x0  }
0x3e: {  	s10 =	rddreg [dreg:$0xe];
	[sflag:s5] =	ssyncadd.s32 $0xFFFFE000  }
0x3f: {  	[hbm4b:s10+s2] =	stream.linear.scatter [tilespmem:s4], [sflag:$0x9], $0x2000, $0x38;
	[tilespmem:$0x1E800] =	vst v63  }
0x40: {  	_ =	swait.ge [sflag:s5], $0x2000  }
0x41: {  	[sflag:s5] =	ssyncset.done $0x0  }
0x42: {  	s13 =	rddreg [dreg:$0x17];
	[sflag:s5] =	ssyncadd.s32 $0xFFFFE000  }
0x43: {  	[tilespmem:s4], [sflag:$0x9] =	stream.linear.gather [spmem:s13], $0x2000, $0x38;
	[tilespmem:$0x1E800] =	vst v63  }
0x44: {  	_ =	swait.ge [sflag:s5], $0x2000  }
0x45: {  	[sflag:s5] =	ssyncset.done $0x0  }
0x46: {  	s20 =	rddreg [dreg:$0xf];
	[sflag:s5] =	ssyncadd.s32 $0xFFFFE000  }
0x47: {  	[hbm4b:s20+s2] =	stream.linear.scatter [tilespmem:s4], [sflag:$0x9], $0x2000, $0x38;
	[tilespmem:$0x1E800] =	vst v63  }
0x48: {  	_ =	swait.ge [sflag:s5], $0x2000  }
0x49: {  	[sflag:s5] =	ssyncset.done $0x0  }
0x4a: {  	s30 =	rddreg [dreg:$0x18];
	[sflag:s5] =	ssyncadd.s32 $0xFFFFE000  }
0x4b: {  	[tilespmem:s4], [sflag:$0x9] =	stream.linear.gather [spmem:s30], $0x2000, $0x38;
	[tilespmem:$0x1E800] =	vst v63  }
0x4c: {  	_ =	swait.ge [sflag:s5], $0x2000  }
0x4d: {  	[sflag:s5] =	ssyncset.done $0x0  }
0x4e: {  	s31 =	rddreg [dreg:$0x10];
	[sflag:s5] =	ssyncadd.s32 $0xFFFFE000  }
0x4f: {  	[hbm4b:s31+s2] =	stream.linear.scatter [tilespmem:s4], [sflag:$0x9], $0x2000, $0x38;
	[tilespmem:$0x1E800] =	vst v63  }
0x50: {  	_ =	swait.ge [sflag:s5], $0x2000  }
0x51: {  	[sflag:s5] =	ssyncset.done $0x0  }
0x52: {  	s10 =	rddreg [dreg:$0x19];
	[sflag:s5] =	ssyncadd.s32 $0xFFFFE000  }
0x53: {  	[tilespmem:s4], [sflag:$0x9] =	stream.linear.gather [spmem:s10], $0x2000, $0x38;
	[tilespmem:$0x1E800] =	vst v63  }
0x54: {  	_ =	swait.ge [sflag:s5], $0x2000  }
0x55: {  	[sflag:s5] =	ssyncset.done $0x0  }
0x56: {  	s13 =	rddreg [dreg:$0x11];
	[sflag:s5] =	ssyncadd.s32 $0xFFFFE000  }
0x57: {  	[hbm4b:s13+s2] =	stream.linear.scatter [tilespmem:s4], [sflag:$0x9], $0x2000, $0x38;
	[tilespmem:$0x1E800] =	vst v63  }
0x58: {  	_ =	swait.ge [sflag:s5], $0x2000  }
0x59: {  	[sflag:s5] =	ssyncset.done $0x0  }
0x5a: {  	s20 =	rddreg [dreg:$0x1a];
	[sflag:s5] =	ssyncadd.s32 $0xFFFFE000  }
0x5b: {  	[tilespmem:s4], [sflag:$0x9] =	stream.linear.gather [spmem:s20], $0x2000, $0x38;
	[tilespmem:$0x1E800] =	vst v63  }
0x5c: {  	_ =	swait.ge [sflag:s5], $0x2000  }
0x5d: {  	[sflag:s5] =	ssyncset.done $0x0  }
0x5e: {  	s30 =	rddreg [dreg:$0x12];
	[sflag:s5] =	ssyncadd.s32 $0xFFFFE000  }
0x5f: {  	[hbm4b:s30+s2] =	stream.linear.scatter [tilespmem:s4], [sflag:$0x9], $0x2000, $0x38;
	[tilespmem:$0x1E800] =	vst v63  }
0x60: {  	_ =	swait.ge [sflag:s5], $0x2000  }
0x61: {  	s29 =	sadd.s32 $0x1, s29;
	s31 =	rddreg [dreg:$0x16]  }
0x62: {  	p1 =	sne.s32 s29, s31  }
.Ltmp1:
0x63: {  	_ = 	snop;
	(pc) =	sbr.rel @!p1 .LBB2_16-.Ltmp1, $3  }
0x64: {  	_ =	sdelay $0x1  }
0x65: {  	[sflag:s5] =	ssyncset.done $0x0  }
0x66: {  	[sflag:s5] =	ssyncadd.s32 $0xFFFFE000  }
.LBB2_1:
0x67: {  	s13 =	simm.s32 @p0 $0x1;
	s30 =	simm.s32 @p0 $0x8;
	s20 =	rddreg [dreg:$0x13]  }
0x68: {  	s31 =	simm.s32 @p0 $0x10;
	s3 =	simm.s32 @p0 $0x1FC9;
	s10 =	rddreg [dreg:$0x1b]  }
0x69: {  	[spmem:s10@s30], [sflag:s3] =	dma.strided @p0 [hbm:s20@s31], $0xC80, s13, $0x8   }
0x6a: {  	s3 =	simm.s32 @p0 $0x9  }
0x6b: {  	s13 =	stileid.u32;
	_ =	swait.ge @p0 [sflag:s3], $0xC80  }
0x6c: {  	s30 =	simm.s32 @!p0 $0x8;
	s31 =	simm.s32 @!p0 $0x10;
	s20 =	rddreg [dreg:$0x5]  }
0x6d: {  	s13 =	sshll.u32 @!p0 s13, $0x6;
	[sflag:s3] =	ssyncset.done @p0 $0x0;
	s10 =	rddreg [dreg:$0x1c]  }
0x6e: {  	[sflag:s3] =	ssyncadd.s32 @p0 $0xFFFFF380;
	s3 =	sor.u32 @!p0 $0x1C09, s13;
	s13 =	simm.s32 @!p0 $0x1  }
0x6f: {  	[spmem:s10@s30], [sflag:s3] =	dma.strided @!p0 [hbm:s20@s31], $0x1400, s13, $0x8   }
0x70: {  	s3 =	simm.s32 @!p0 $0x9  }
0x71: {  	s10 =	sand.u32 $0x7F00, s2;
	s20 =	sand.u32 $0x30, s2;
	_ =	swait.ge @!p0 [sflag:s3], $0x1400  }
0x72: {  	s30 =	simm.s32 $0x40;
	s13 =	sshrl.u32 s10, $0x2;
	[sflag:s3] =	ssyncset.done @!p0 $0x0  }
0x73: {  	s31 =	simm.s32 $0x0;
	s13 =	sor.u32 s20, s13;
	[sflag:s3] =	ssyncadd.s32 @!p0 $0xFFFFEC00  }
.LBB2_2:
0x74: {  	p1 =	sne.s32 s30, $0x7FC0  }
0x75: {  	[tilespmem:s13+$0x2800] =	vst v0;
	s31 =	sadd.s32 $0x10, s31;
	s3 =	smov.u32 s30;
	s30 =	sadd.s32 $0x40, s30  }
.Ltmp2:
0x76: {  	(pc) =	sbr.rel @p1 .LBB2_2-.Ltmp2, $4  }
0x77: {  	_ = 	snop  }
0x78: {  	s3 =	sand.u32 $0x7F00, s3  }
0x79: {  	s13 =	sand.u32 $0x30, s31;
	s3 =	sshrl.u32 s3, $0x2  }
0x7a: {  	s13 =	sor.u32 s13, s3  }
0x7b: {  	[tilespmem:s13+$0x2800] =	vst v0;
	s3 =	rddreg [dreg:$0x14]  }
0x7c: {  	[spmem:s3] =	stream.linear.scatter [tilespmem:s4], [sflag:$0x9], $0x2000, $0x38;
	[tilespmem:$0x1E800] =	vst v63  }
0x7d: {  	_ =	swait.ge [sflag:s5], $0x2000  }
0x7e: {  	[sflag:s5] =	ssyncset.done $0x0  }
0x7f: {  	s20 =	rddreg [dreg:$0x1d];
	[sflag:s5] =	ssyncadd.s32 $0xFFFFE000  }
0x80: {  	[spmem:s20] =	stream.linear.scatter [tilespmem:s4], [sflag:$0x9], $0x2000, $0x38;
	[tilespmem:$0x1E800] =	vst v63  }
0x81: {  	_ =	swait.ge [sflag:s5], $0x2000  }
0x82: {  	[sflag:s5] =	ssyncset.done $0x0  }
0x83: {  	s31 =	rddreg [dreg:$0x1e];
	[sflag:s5] =	ssyncadd.s32 $0xFFFFE000  }
0x84: {  	[spmem:s31] =	stream.linear.scatter [tilespmem:s4], [sflag:$0x9], $0x2000, $0x38;
	[tilespmem:$0x1E800] =	vst v63  }
0x85: {  	_ =	swait.ge [sflag:s5], $0x2000  }
0x86: {  	[sflag:s5] =	ssyncset.done $0x0  }
0x87: {  	s10 =	rddreg [dreg:$0x1f];
	[sflag:s5] =	ssyncadd.s32 $0xFFFFE000  }
0x88: {  	[spmem:s10] =	stream.linear.scatter [tilespmem:s4], [sflag:$0x9], $0x2000, $0x38;
	[tilespmem:$0x1E800] =	vst v63  }
0x89: {  	_ =	swait.ge [sflag:s5], $0x2000  }
0x8a: {  	s13 =	sld [smem:$0x7FD]  }
0x8b: {  	[sflag:s5] =	ssyncset.done $0x0  }
0x8c: {  	[sflag:s5] =	ssyncadd.s32 $0xFFFFE000  }
0x8d: {  	[spmem:s13] =	stream.linear.scatter [tilespmem:s4], [sflag:$0x9], $0x2000, $0x38;
	[tilespmem:$0x1E800] =	vst v63  }
0x8e: {  	_ =	swait.ge [sflag:s5], $0x2000  }
0x8f: {  	[sflag:s5] =	ssyncset.done $0x0  }
0x90: {  	[sflag:s5] =	ssyncadd.s32 $0xFFFFE000  }
0x91: {  	[bflag:$0x0] =	sbarrier.arrive $0xFFFF  }
0x92: {  	s30 =	simm.s32 $0x0;
	s20 =	rddreg [dreg:$0x6]  }
0x93: {  	[tilespmem:s30], [sflag:$0x9] =	stream.linear.gather [hbm4b:s20+s30], $0x1400, $0x38;
	[tilespmem:$0x1E800] =	vst v63  }
0x94: {  	_ =	swait.ge [sflag:s5], $0x1400  }
0x95: {  	[sflag:s5] =	ssyncset.done $0x0  }
0x96: {  	s31 =	rddreg [dreg:$0x7];
	[sflag:s5] =	ssyncadd.s32 $0xFFFFEC00  }
0x97: {  	[tilespmem:s6], [sflag:$0x9] =	stream.linear.gather [hbm4b:s31+s30], $0x1400, $0x38;
	[tilespmem:$0x1E800] =	vst v63  }
0x98: {  	_ =	swait.ge [sflag:s5], $0x1400  }
0x99: {  	[sflag:s5] =	ssyncset.done $0x0  }
0x9a: {  	[sflag:s5] =	ssyncadd.s32 $0xFFFFEC00  }
0x9b: {  	[tilespmem:s4], [sflag:$0x1] =	stream.indirect.gather [spmem:s0], $0x40, s30, s7, $0xb8;
	[tilespmem:$0x1E800] =	vst v63  }
0x9c: {  	_ = 	snop  }
0x9d: {  	[tilespmem:s8], [sflag:$0x2] =	stream.indirect.gather [spmem:s0], $0x40, s7, s7, $0xb8;
	[tilespmem:$0x1E800] =	vst v63  }
0x9e: {  	_ =	swait.ge [sflag:s9], $0x2000  }
0x9f: {  	[sflag:s9] =	ssyncset.done $0x0  }
0xa0: {  	[sflag:s9] =	ssyncadd.s32 $0xFFFFE000  }
0xa1: {  	[spmem:s1] =	stream.indirect.scatter.add.f32 [tilespmem:s4], [sflag:$0x5], $0x40, s6, s7, $0xb8;
	[tilespmem:$0x1E800] =	vst v63  }
0xa2: {  	s10 =	simm.s32 $0x100  }
0xa3: {  	[tilespmem:s11], [sflag:$0x3] =	stream.indirect.gather [spmem:s0], $0x40, s10, s7, $0xb8;
	[tilespmem:$0x1E800] =	vst v63  }
0xa4: {  	_ =	swait.ge [sflag:s12], $0x2000  }
0xa5: {  	[sflag:s12] =	ssyncset.done $0x0  }
0xa6: {  	[sflag:s12] =	ssyncadd.s32 $0xFFFFE000  }
0xa7: {  	[spmem:s1] =	stream.indirect.scatter.add.f32 [tilespmem:s8], [sflag:$0x6], $0x40, s14, s7, $0xb8;
	[tilespmem:$0x1E800] =	vst v63  }
0xa8: {  	_ = 	snop  }
0xa9: {  	[tilespmem:s16], [sflag:$0x4] =	stream.indirect.gather [spmem:s0], $0x40, s15, s7, $0xb8;
	[tilespmem:$0x1E800] =	vst v63  }
0xaa: {  	_ =	swait.ge [sflag:s17], $0x2000  }
0xab: {  	[sflag:s17] =	ssyncset.done $0x0  }
0xac: {  	[sflag:s17] =	ssyncadd.s32 $0xFFFFE000  }
0xad: {  	[spmem:s1] =	stream.indirect.scatter.add.f32 [tilespmem:s11], [sflag:$0x7], $0x40, s18, s7, $0xb8;
	[tilespmem:$0x1E800] =	vst v63  }
0xae: {  	_ =	swait.ge [sflag:s19], $0x2000  }
0xaf: {  	[sflag:s19] =	ssyncset.done $0x0  }
0xb0: {  	[sflag:s19] =	ssyncadd.s32 $0xFFFFE000  }
0xb1: {  	[tilespmem:s4], [sflag:$0x1] =	stream.indirect.gather [spmem:s0], $0x40, s21, s7, $0xb8;
	[tilespmem:$0x1E800] =	vst v63  }
0xb2: {  	_ =	swait.ge [sflag:s22], $0x2000  }
0xb3: {  	[sflag:s22] =	ssyncset.done $0x0  }
0xb4: {  	[sflag:s22] =	ssyncadd.s32 $0xFFFFE000  }
0xb5: {  	[spmem:s1] =	stream.indirect.scatter.add.f32 [tilespmem:s16], [sflag:$0x8], $0x40, s23, s7, $0xb8;
	[tilespmem:$0x1E800] =	vst v63  }
0xb6: {  	_ =	swait.ge [sflag:s24], $0x2000  }
0xb7: {  	[sflag:s24] =	ssyncset.done $0x0  }
0xb8: {  	[sflag:s24] =	ssyncadd.s32 $0xFFFFE000  }
0xb9: {  	[tilespmem:s8], [sflag:$0x2] =	stream.indirect.gather [spmem:s0], $0x40, s25, s7, $0xb8;
	[tilespmem:$0x1E800] =	vst v63  }
.LBB2_4:
0xba: {  	_ =	swait.ge [sflag:s9], $0x2000  }
0xbb: {  	s31 =	sshra.s32 s30, $0x2;
	[sflag:s9] =	ssyncset.done $0x0  }
0xbc: {  	s3 =	sadd.s32 $0x1600, s31;
	[sflag:s9] =	ssyncadd.s32 $0xFFFFE000  }
0xbd: {  	[spmem:s1] =	stream.indirect.scatter.add.f32 [tilespmem:s4], [sflag:$0x5], $0x40, s3, s7, $0xb8;
	[tilespmem:$0x1E800] =	vst v63  }
0xbe: {  	_ =	swait.ge [sflag:s26], $0x2000  }
0xbf: {  	[sflag:s26] =	ssyncset.done $0x0  }
0xc0: {  	s13 =	sadd.s32 $0x300, s31;
	[sflag:s26] =	ssyncadd.s32 $0xFFFFE000  }
0xc1: {  	[tilespmem:s11], [sflag:$0x3] =	stream.indirect.gather [spmem:s0], $0x40, s13, s7, $0xb8;
	[tilespmem:$0x1E800] =	vst v63  }
0xc2: {  	_ =	swait.ge [sflag:s12], $0x2000  }
0xc3: {  	[sflag:s12] =	ssyncset.done $0x0  }
0xc4: {  	s20 =	sadd.s32 $0x1680, s31;
	[sflag:s12] =	ssyncadd.s32 $0xFFFFE000  }
0xc5: {  	[spmem:s1] =	stream.indirect.scatter.add.f32 [tilespmem:s8], [sflag:$0x6], $0x40, s20, s7, $0xb8;
	[tilespmem:$0x1E800] =	vst v63  }
0xc6: {  	_ =	swait.ge [sflag:s28], $0x2000  }
0xc7: {  	[sflag:s28] =	ssyncset.done $0x0  }
0xc8: {  	s13 =	sadd.s32 $0x380, s31;
	[sflag:s28] =	ssyncadd.s32 $0xFFFFE000  }
0xc9: {  	[tilespmem:s16], [sflag:$0x4] =	stream.indirect.gather [spmem:s0], $0x40, s13, s7, $0xb8;
	[tilespmem:$0x1E800] =	vst v63  }
0xca: {  	_ =	swait.ge [sflag:s17], $0x2000  }
0xcb: {  	p1 =	seq.s32 s30, $0x4000;
	[sflag:s17] =	ssyncset.done $0x0  }
.Ltmp3:
0xcc: {  	s20 =	sadd.s32 $0x1700, s31;
	[sflag:s17] =	ssyncadd.s32 $0xFFFFE000;
	(pc) =	sbr.rel @p1 .LBB2_6-.Ltmp3, $4  }
0xcd: {  	[spmem:s1] =	stream.indirect.scatter.add.f32 [tilespmem:s11], [sflag:$0x7], $0x40, s20, s7, $0xb8;
	[tilespmem:$0x1E800] =	vst v63  }
0xce: {  	_ =	swait.ge [sflag:s19], $0x2000  }
0xcf: {  	[sflag:s19] =	ssyncset.done $0x0  }
0xd0: {  	s13 =	sadd.s32 $0x1780, s31;
	[sflag:s19] =	ssyncadd.s32 $0xFFFFE000  }
0xd1: {  	s3 =	sadd.s32 $0x400, s31  }
0xd2: {  	[tilespmem:s4], [sflag:$0x1] =	stream.indirect.gather [spmem:s0], $0x40, s3, s7, $0xb8;
	[tilespmem:$0x1E800] =	vst v63  }
0xd3: {  	_ =	swait.ge [sflag:s22], $0x2000  }
0xd4: {  	[sflag:s22] =	ssyncset.done $0x0  }
0xd5: {  	[sflag:s22] =	ssyncadd.s32 $0xFFFFE000  }
0xd6: {  	[spmem:s1] =	stream.indirect.scatter.add.f32 [tilespmem:s16], [sflag:$0x8], $0x40, s13, s7, $0xb8;
	[tilespmem:$0x1E800] =	vst v63  }
.Ltmp4:
0xd7: {  	_ = 	snop;
	(pc) =	sbr.rel .LBB2_4-.Ltmp4, $4  }
0xd8: {  	_ =	swait.ge [sflag:s24], $0x2000  }
0xd9: {  	[sflag:s24] =	ssyncset.done $0x0  }
0xda: {  	s31 =	sadd.s32 $0x480, s31;
	s30 =	sadd.s32 $0x800, s30;
	[sflag:s24] =	ssyncadd.s32 $0xFFFFE000  }
0xdb: {  	[tilespmem:s8], [sflag:$0x2] =	stream.indirect.gather [spmem:s0], $0x40, s31, s7, $0xb8;
	[tilespmem:$0x1E800] =	vst v63  }
.LBB2_6:
0xdc: {  	_ =	swait.ge [sflag:s22], $0x2000  }
0xdd: {  	[sflag:s22] =	ssyncset.done $0x0  }
0xde: {  	[sflag:s22] =	ssyncadd.s32 $0xFFFFE000  }
0xdf: {  	[spmem:s1] =	stream.indirect.scatter.add.f32 [tilespmem:s16], [sflag:$0x8], $0x40, s13, s7, $0xb8;
	[tilespmem:$0x1E800] =	vst v63  }
0xe0: {  	_ =	swait.ge [sflag:s24], $0x2000  }
0xe1: {  	[sflag:s24] =	ssyncset.done $0x0  }
0xe2: {  	[sflag:s24] =	ssyncadd.s32 $0xFFFFE000  }
0xe3: {  	_ =	swait.ge [sflag:s26], $0x2000  }
0xe4: {  	[sflag:s26] =	ssyncset.done $0x0  }
0xe5: {  	[sflag:s26] =	ssyncadd.s32 $0xFFFFE000  }
0xe6: {  	_ =	swait.ge [sflag:s28], $0x2000  }
0xe7: {  	[sflag:s28] =	ssyncset.done $0x0  }
0xe8: {  	s30 =	simm.s32 $0x0;
	s3 =	rddreg [dreg:$0x8];
	[sflag:s28] =	ssyncadd.s32 $0xFFFFE000  }
0xe9: {  	[tilespmem:s30], [sflag:$0x9] =	stream.linear.gather [hbm4b:s3+s30], $0x1400, $0x38;
	[tilespmem:$0x1E800] =	vst v63  }
0xea: {  	_ =	swait.ge [sflag:s5], $0x1400  }
0xeb: {  	[sflag:s5] =	ssyncset.done $0x0  }
0xec: {  	s31 =	rddreg [dreg:$0x9];
	[sflag:s5] =	ssyncadd.s32 $0xFFFFEC00  }
0xed: {  	[tilespmem:s6], [sflag:$0x9] =	stream.linear.gather [hbm4b:s31+s30], $0x1400, $0x38;
	[tilespmem:$0x1E800] =	vst v63  }
0xee: {  	_ =	swait.ge [sflag:s5], $0x1400  }
0xef: {  	[sflag:s5] =	ssyncset.done $0x0  }
0xf0: {  	[sflag:s5] =	ssyncadd.s32 $0xFFFFEC00  }
0xf1: {  	[tilespmem:s4], [sflag:$0x1] =	stream.indirect.gather [spmem:s0], $0x40, s30, s7, $0xb8;
	[tilespmem:$0x1E800] =	vst v63  }
0xf2: {  	_ = 	snop  }
0xf3: {  	[tilespmem:s8], [sflag:$0x2] =	stream.indirect.gather [spmem:s0], $0x40, s7, s7, $0xb8;
	[tilespmem:$0x1E800] =	vst v63  }
0xf4: {  	_ =	swait.ge [sflag:s9], $0x2000  }
0xf5: {  	[sflag:s9] =	ssyncset.done $0x0  }
0xf6: {  	[sflag:s9] =	ssyncadd.s32 $0xFFFFE000  }
0xf7: {  	[spmem:s1] =	stream.indirect.scatter.add.f32 [tilespmem:s4], [sflag:$0x5], $0x40, s6, s7, $0xb8;
	[tilespmem:$0x1E800] =	vst v63  }
0xf8: {  	_ = 	snop  }
0xf9: {  	[tilespmem:s11], [sflag:$0x3] =	stream.indirect.gather [spmem:s0], $0x40, s10, s7, $0xb8;
	[tilespmem:$0x1E800] =	vst v63  }
0xfa: {  	_ =	swait.ge [sflag:s12], $0x2000  }
0xfb: {  	[sflag:s12] =	ssyncset.done $0x0  }
0xfc: {  	[sflag:s12] =	ssyncadd.s32 $0xFFFFE000  }
0xfd: {  	[spmem:s1] =	stream.indirect.scatter.add.f32 [tilespmem:s8], [sflag:$0x6], $0x40, s14, s7, $0xb8;
	[tilespmem:$0x1E800] =	vst v63  }
0xfe: {  	_ = 	snop  }
0xff: {  	[tilespmem:s16], [sflag:$0x4] =	stream.indirect.gather [spmem:s0], $0x40, s15, s7, $0xb8;
	[tilespmem:$0x1E800] =	vst v63  }
0x100: {  	_ =	swait.ge [sflag:s17], $0x2000  }
0x101: {  	[sflag:s17] =	ssyncset.done $0x0  }
0x102: {  	[sflag:s17] =	ssyncadd.s32 $0xFFFFE000  }
0x103: {  	[spmem:s1] =	stream.indirect.scatter.add.f32 [tilespmem:s11], [sflag:$0x7], $0x40, s18, s7, $0xb8;
	[tilespmem:$0x1E800] =	vst v63  }
0x104: {  	_ =	swait.ge [sflag:s19], $0x2000  }
0x105: {  	[sflag:s19] =	ssyncset.done $0x0  }
0x106: {  	[sflag:s19] =	ssyncadd.s32 $0xFFFFE000  }
0x107: {  	[tilespmem:s4], [sflag:$0x1] =	stream.indirect.gather [spmem:s0], $0x40, s21, s7, $0xb8;
	[tilespmem:$0x1E800] =	vst v63  }
0x108: {  	_ =	swait.ge [sflag:s22], $0x2000  }
0x109: {  	[sflag:s22] =	ssyncset.done $0x0  }
0x10a: {  	[sflag:s22] =	ssyncadd.s32 $0xFFFFE000  }
0x10b: {  	[spmem:s1] =	stream.indirect.scatter.add.f32 [tilespmem:s16], [sflag:$0x8], $0x40, s23, s7, $0xb8;
	[tilespmem:$0x1E800] =	vst v63  }
0x10c: {  	_ =	swait.ge [sflag:s24], $0x2000  }
0x10d: {  	[sflag:s24] =	ssyncset.done $0x0  }
0x10e: {  	[sflag:s24] =	ssyncadd.s32 $0xFFFFE000  }
0x10f: {  	[tilespmem:s8], [sflag:$0x2] =	stream.indirect.gather [spmem:s0], $0x40, s25, s7, $0xb8;
	[tilespmem:$0x1E800] =	vst v63  }
.LBB2_7:
0x110: {  	_ =	swait.ge [sflag:s9], $0x2000  }
0x111: {  	s31 =	sshra.s32 s30, $0x2;
	[sflag:s9] =	ssyncset.done $0x0  }
0x112: {  	s3 =	sadd.s32 $0x1600, s31;
	[sflag:s9] =	ssyncadd.s32 $0xFFFFE000  }
0x113: {  	[spmem:s1] =	stream.indirect.scatter.add.f32 [tilespmem:s4], [sflag:$0x5], $0x40, s3, s7, $0xb8;
	[tilespmem:$0x1E800] =	vst v63  }
0x114: {  	_ =	swait.ge [sflag:s26], $0x2000  }
0x115: {  	[sflag:s26] =	ssyncset.done $0x0  }
0x116: {  	s13 =	sadd.s32 $0x300, s31;
	[sflag:s26] =	ssyncadd.s32 $0xFFFFE000  }
0x117: {  	[tilespmem:s11], [sflag:$0x3] =	stream.indirect.gather [spmem:s0], $0x40, s13, s7, $0xb8;
	[tilespmem:$0x1E800] =	vst v63  }
0x118: {  	_ =	swait.ge [sflag:s12], $0x2000  }
0x119: {  	[sflag:s12] =	ssyncset.done $0x0  }
0x11a: {  	s20 =	sadd.s32 $0x1680, s31;
	[sflag:s12] =	ssyncadd.s32 $0xFFFFE000  }
0x11b: {  	[spmem:s1] =	stream.indirect.scatter.add.f32 [tilespmem:s8], [sflag:$0x6], $0x40, s20, s7, $0xb8;
	[tilespmem:$0x1E800] =	vst v63  }
0x11c: {  	_ =	swait.ge [sflag:s28], $0x2000  }
0x11d: {  	[sflag:s28] =	ssyncset.done $0x0  }
0x11e: {  	s13 =	sadd.s32 $0x380, s31;
	[sflag:s28] =	ssyncadd.s32 $0xFFFFE000  }
0x11f: {  	[tilespmem:s16], [sflag:$0x4] =	stream.indirect.gather [spmem:s0], $0x40, s13, s7, $0xb8;
	[tilespmem:$0x1E800] =	vst v63  }
0x120: {  	_ =	swait.ge [sflag:s17], $0x2000  }
0x121: {  	p1 =	seq.s32 s30, $0x4000;
	[sflag:s17] =	ssyncset.done $0x0  }
.Ltmp5:
0x122: {  	s20 =	sadd.s32 $0x1700, s31;
	[sflag:s17] =	ssyncadd.s32 $0xFFFFE000;
	(pc) =	sbr.rel @p1 .LBB2_9-.Ltmp5, $4  }
0x123: {  	[spmem:s1] =	stream.indirect.scatter.add.f32 [tilespmem:s11], [sflag:$0x7], $0x40, s20, s7, $0xb8;
	[tilespmem:$0x1E800] =	vst v63  }
0x124: {  	_ =	swait.ge [sflag:s19], $0x2000  }
0x125: {  	[sflag:s19] =	ssyncset.done $0x0  }
0x126: {  	s13 =	sadd.s32 $0x1780, s31;
	[sflag:s19] =	ssyncadd.s32 $0xFFFFE000  }
0x127: {  	s3 =	sadd.s32 $0x400, s31  }
0x128: {  	[tilespmem:s4], [sflag:$0x1] =	stream.indirect.gather [spmem:s0], $0x40, s3, s7, $0xb8;
	[tilespmem:$0x1E800] =	vst v63  }
0x129: {  	_ =	swait.ge [sflag:s22], $0x2000  }
0x12a: {  	[sflag:s22] =	ssyncset.done $0x0  }
0x12b: {  	[sflag:s22] =	ssyncadd.s32 $0xFFFFE000  }
0x12c: {  	[spmem:s1] =	stream.indirect.scatter.add.f32 [tilespmem:s16], [sflag:$0x8], $0x40, s13, s7, $0xb8;
	[tilespmem:$0x1E800] =	vst v63  }
.Ltmp6:
0x12d: {  	_ = 	snop;
	(pc) =	sbr.rel .LBB2_7-.Ltmp6, $4  }
0x12e: {  	_ =	swait.ge [sflag:s24], $0x2000  }
0x12f: {  	[sflag:s24] =	ssyncset.done $0x0  }
0x130: {  	s31 =	sadd.s32 $0x480, s31;
	s30 =	sadd.s32 $0x800, s30;
	[sflag:s24] =	ssyncadd.s32 $0xFFFFE000  }
0x131: {  	[tilespmem:s8], [sflag:$0x2] =	stream.indirect.gather [spmem:s0], $0x40, s31, s7, $0xb8;
	[tilespmem:$0x1E800] =	vst v63  }
.LBB2_9:
0x132: {  	_ =	swait.ge [sflag:s22], $0x2000  }
0x133: {  	[sflag:s22] =	ssyncset.done $0x0  }
0x134: {  	[sflag:s22] =	ssyncadd.s32 $0xFFFFE000  }
0x135: {  	[spmem:s1] =	stream.indirect.scatter.add.f32 [tilespmem:s16], [sflag:$0x8], $0x40, s13, s7, $0xb8;
	[tilespmem:$0x1E800] =	vst v63  }
0x136: {  	_ =	swait.ge [sflag:s24], $0x2000  }
0x137: {  	[sflag:s24] =	ssyncset.done $0x0  }
0x138: {  	[sflag:s24] =	ssyncadd.s32 $0xFFFFE000  }
0x139: {  	_ =	swait.ge [sflag:s26], $0x2000  }
0x13a: {  	[sflag:s26] =	ssyncset.done $0x0  }
0x13b: {  	[sflag:s26] =	ssyncadd.s32 $0xFFFFE000  }
0x13c: {  	_ =	swait.ge [sflag:s28], $0x2000  }
0x13d: {  	[sflag:s28] =	ssyncset.done $0x0  }
0x13e: {  	s30 =	simm.s32 $0x0;
	s3 =	rddreg [dreg:$0xa];
	[sflag:s28] =	ssyncadd.s32 $0xFFFFE000  }
0x13f: {  	[tilespmem:s30], [sflag:$0x9] =	stream.linear.gather [hbm4b:s3+s30], $0x1400, $0x38;
	[tilespmem:$0x1E800] =	vst v63  }
0x140: {  	_ =	swait.ge [sflag:s5], $0x1400  }
0x141: {  	[sflag:s5] =	ssyncset.done $0x0  }
0x142: {  	s31 =	rddreg [dreg:$0xb];
	[sflag:s5] =	ssyncadd.s32 $0xFFFFEC00  }
0x143: {  	[tilespmem:s6], [sflag:$0x9] =	stream.linear.gather [hbm4b:s31+s30], $0x1400, $0x38;
	[tilespmem:$0x1E800] =	vst v63  }
0x144: {  	_ =	swait.ge [sflag:s5], $0x1400  }
0x145: {  	[sflag:s5] =	ssyncset.done $0x0  }
0x146: {  	[sflag:s5] =	ssyncadd.s32 $0xFFFFEC00  }
0x147: {  	[tilespmem:s4], [sflag:$0x1] =	stream.indirect.gather [spmem:s0], $0x40, s30, s7, $0xb8;
	[tilespmem:$0x1E800] =	vst v63  }
0x148: {  	_ = 	snop  }
0x149: {  	[tilespmem:s8], [sflag:$0x2] =	stream.indirect.gather [spmem:s0], $0x40, s7, s7, $0xb8;
	[tilespmem:$0x1E800] =	vst v63  }
0x14a: {  	_ =	swait.ge [sflag:s9], $0x2000  }
0x14b: {  	[sflag:s9] =	ssyncset.done $0x0  }
0x14c: {  	[sflag:s9] =	ssyncadd.s32 $0xFFFFE000  }
0x14d: {  	[spmem:s1] =	stream.indirect.scatter.add.f32 [tilespmem:s4], [sflag:$0x5], $0x40, s6, s7, $0xb8;
	[tilespmem:$0x1E800] =	vst v63  }
0x14e: {  	_ = 	snop  }
0x14f: {  	[tilespmem:s11], [sflag:$0x3] =	stream.indirect.gather [spmem:s0], $0x40, s10, s7, $0xb8;
	[tilespmem:$0x1E800] =	vst v63  }
0x150: {  	_ =	swait.ge [sflag:s12], $0x2000  }
0x151: {  	[sflag:s12] =	ssyncset.done $0x0  }
0x152: {  	[sflag:s12] =	ssyncadd.s32 $0xFFFFE000  }
0x153: {  	[spmem:s1] =	stream.indirect.scatter.add.f32 [tilespmem:s8], [sflag:$0x6], $0x40, s14, s7, $0xb8;
	[tilespmem:$0x1E800] =	vst v63  }
0x154: {  	_ = 	snop  }
0x155: {  	[tilespmem:s16], [sflag:$0x4] =	stream.indirect.gather [spmem:s0], $0x40, s15, s7, $0xb8;
	[tilespmem:$0x1E800] =	vst v63  }
0x156: {  	_ =	swait.ge [sflag:s17], $0x2000  }
0x157: {  	[sflag:s17] =	ssyncset.done $0x0  }
0x158: {  	[sflag:s17] =	ssyncadd.s32 $0xFFFFE000  }
0x159: {  	[spmem:s1] =	stream.indirect.scatter.add.f32 [tilespmem:s11], [sflag:$0x7], $0x40, s18, s7, $0xb8;
	[tilespmem:$0x1E800] =	vst v63  }
0x15a: {  	_ =	swait.ge [sflag:s19], $0x2000  }
0x15b: {  	[sflag:s19] =	ssyncset.done $0x0  }
0x15c: {  	[sflag:s19] =	ssyncadd.s32 $0xFFFFE000  }
0x15d: {  	[tilespmem:s4], [sflag:$0x1] =	stream.indirect.gather [spmem:s0], $0x40, s21, s7, $0xb8;
	[tilespmem:$0x1E800] =	vst v63  }
0x15e: {  	_ =	swait.ge [sflag:s22], $0x2000  }
0x15f: {  	[sflag:s22] =	ssyncset.done $0x0  }
0x160: {  	[sflag:s22] =	ssyncadd.s32 $0xFFFFE000  }
0x161: {  	[spmem:s1] =	stream.indirect.scatter.add.f32 [tilespmem:s16], [sflag:$0x8], $0x40, s23, s7, $0xb8;
	[tilespmem:$0x1E800] =	vst v63  }
0x162: {  	_ =	swait.ge [sflag:s24], $0x2000  }
0x163: {  	[sflag:s24] =	ssyncset.done $0x0  }
0x164: {  	[sflag:s24] =	ssyncadd.s32 $0xFFFFE000  }
0x165: {  	[tilespmem:s8], [sflag:$0x2] =	stream.indirect.gather [spmem:s0], $0x40, s25, s7, $0xb8;
	[tilespmem:$0x1E800] =	vst v63  }
.LBB2_10:
0x166: {  	_ =	swait.ge [sflag:s9], $0x2000  }
0x167: {  	s31 =	sshra.s32 s30, $0x2;
	[sflag:s9] =	ssyncset.done $0x0  }
0x168: {  	s3 =	sadd.s32 $0x1600, s31;
	[sflag:s9] =	ssyncadd.s32 $0xFFFFE000  }
0x169: {  	[spmem:s1] =	stream.indirect.scatter.add.f32 [tilespmem:s4], [sflag:$0x5], $0x40, s3, s7, $0xb8;
	[tilespmem:$0x1E800] =	vst v63  }
0x16a: {  	_ =	swait.ge [sflag:s26], $0x2000  }
0x16b: {  	[sflag:s26] =	ssyncset.done $0x0  }
0x16c: {  	s13 =	sadd.s32 $0x300, s31;
	[sflag:s26] =	ssyncadd.s32 $0xFFFFE000  }
0x16d: {  	[tilespmem:s11], [sflag:$0x3] =	stream.indirect.gather [spmem:s0], $0x40, s13, s7, $0xb8;
	[tilespmem:$0x1E800] =	vst v63  }
0x16e: {  	_ =	swait.ge [sflag:s12], $0x2000  }
0x16f: {  	[sflag:s12] =	ssyncset.done $0x0  }
0x170: {  	s20 =	sadd.s32 $0x1680, s31;
	[sflag:s12] =	ssyncadd.s32 $0xFFFFE000  }
0x171: {  	[spmem:s1] =	stream.indirect.scatter.add.f32 [tilespmem:s8], [sflag:$0x6], $0x40, s20, s7, $0xb8;
	[tilespmem:$0x1E800] =	vst v63  }
0x172: {  	_ =	swait.ge [sflag:s28], $0x2000  }
0x173: {  	[sflag:s28] =	ssyncset.done $0x0  }
0x174: {  	s13 =	sadd.s32 $0x380, s31;
	[sflag:s28] =	ssyncadd.s32 $0xFFFFE000  }
0x175: {  	[tilespmem:s16], [sflag:$0x4] =	stream.indirect.gather [spmem:s0], $0x40, s13, s7, $0xb8;
	[tilespmem:$0x1E800] =	vst v63  }
0x176: {  	_ =	swait.ge [sflag:s17], $0x2000  }
0x177: {  	p1 =	seq.s32 s30, $0x4000;
	[sflag:s17] =	ssyncset.done $0x0  }
.Ltmp7:
0x178: {  	s20 =	sadd.s32 $0x1700, s31;
	[sflag:s17] =	ssyncadd.s32 $0xFFFFE000;
	(pc) =	sbr.rel @p1 .LBB2_12-.Ltmp7, $4  }
0x179: {  	[spmem:s1] =	stream.indirect.scatter.add.f32 [tilespmem:s11], [sflag:$0x7], $0x40, s20, s7, $0xb8;
	[tilespmem:$0x1E800] =	vst v63  }
0x17a: {  	_ =	swait.ge [sflag:s19], $0x2000  }
0x17b: {  	[sflag:s19] =	ssyncset.done $0x0  }
0x17c: {  	s13 =	sadd.s32 $0x1780, s31;
	[sflag:s19] =	ssyncadd.s32 $0xFFFFE000  }
0x17d: {  	s3 =	sadd.s32 $0x400, s31  }
0x17e: {  	[tilespmem:s4], [sflag:$0x1] =	stream.indirect.gather [spmem:s0], $0x40, s3, s7, $0xb8;
	[tilespmem:$0x1E800] =	vst v63  }
0x17f: {  	_ =	swait.ge [sflag:s22], $0x2000  }
0x180: {  	[sflag:s22] =	ssyncset.done $0x0  }
0x181: {  	[sflag:s22] =	ssyncadd.s32 $0xFFFFE000  }
0x182: {  	[spmem:s1] =	stream.indirect.scatter.add.f32 [tilespmem:s16], [sflag:$0x8], $0x40, s13, s7, $0xb8;
	[tilespmem:$0x1E800] =	vst v63  }
.Ltmp8:
0x183: {  	_ = 	snop;
	(pc) =	sbr.rel .LBB2_10-.Ltmp8, $4  }
0x184: {  	_ =	swait.ge [sflag:s24], $0x2000  }
0x185: {  	[sflag:s24] =	ssyncset.done $0x0  }
0x186: {  	s31 =	sadd.s32 $0x480, s31;
	s30 =	sadd.s32 $0x800, s30;
	[sflag:s24] =	ssyncadd.s32 $0xFFFFE000  }
0x187: {  	[tilespmem:s8], [sflag:$0x2] =	stream.indirect.gather [spmem:s0], $0x40, s31, s7, $0xb8;
	[tilespmem:$0x1E800] =	vst v63  }
.LBB2_12:
0x188: {  	_ =	swait.ge [sflag:s22], $0x2000  }
0x189: {  	[sflag:s22] =	ssyncset.done $0x0  }
0x18a: {  	[sflag:s22] =	ssyncadd.s32 $0xFFFFE000  }
0x18b: {  	[spmem:s1] =	stream.indirect.scatter.add.f32 [tilespmem:s16], [sflag:$0x8], $0x40, s13, s7, $0xb8;
	[tilespmem:$0x1E800] =	vst v63  }
0x18c: {  	_ =	swait.ge [sflag:s24], $0x2000  }
0x18d: {  	[sflag:s24] =	ssyncset.done $0x0  }
0x18e: {  	[sflag:s24] =	ssyncadd.s32 $0xFFFFE000  }
0x18f: {  	_ =	swait.ge [sflag:s26], $0x2000  }
0x190: {  	[sflag:s26] =	ssyncset.done $0x0  }
0x191: {  	[sflag:s26] =	ssyncadd.s32 $0xFFFFE000  }
0x192: {  	_ =	swait.ge [sflag:s28], $0x2000  }
0x193: {  	[sflag:s28] =	ssyncset.done $0x0  }
0x194: {  	s30 =	simm.s32 $0x0;
	s3 =	rddreg [dreg:$0xc];
	[sflag:s28] =	ssyncadd.s32 $0xFFFFE000  }
0x195: {  	[tilespmem:s30], [sflag:$0x9] =	stream.linear.gather [hbm4b:s3+s30], $0x1400, $0x38;
	[tilespmem:$0x1E800] =	vst v63  }
0x196: {  	_ =	swait.ge [sflag:s5], $0x1400  }
0x197: {  	[sflag:s5] =	ssyncset.done $0x0  }
0x198: {  	s31 =	rddreg [dreg:$0xd];
	[sflag:s5] =	ssyncadd.s32 $0xFFFFEC00  }
0x199: {  	[tilespmem:s6], [sflag:$0x9] =	stream.linear.gather [hbm4b:s31+s30], $0x1400, $0x38;
	[tilespmem:$0x1E800] =	vst v63  }
0x19a: {  	_ =	swait.ge [sflag:s5], $0x1400  }
0x19b: {  	[sflag:s5] =	ssyncset.done $0x0  }
0x19c: {  	[sflag:s5] =	ssyncadd.s32 $0xFFFFEC00  }
0x19d: {  	[tilespmem:s4], [sflag:$0x1] =	stream.indirect.gather [spmem:s0], $0x40, s30, s7, $0xb8;
	[tilespmem:$0x1E800] =	vst v63  }
0x19e: {  	_ = 	snop  }
0x19f: {  	[tilespmem:s8], [sflag:$0x2] =	stream.indirect.gather [spmem:s0], $0x40, s7, s7, $0xb8;
	[tilespmem:$0x1E800] =	vst v63  }
0x1a0: {  	_ =	swait.ge [sflag:s9], $0x2000  }
0x1a1: {  	[sflag:s9] =	ssyncset.done $0x0  }
0x1a2: {  	[sflag:s9] =	ssyncadd.s32 $0xFFFFE000  }
0x1a3: {  	[spmem:s1] =	stream.indirect.scatter.add.f32 [tilespmem:s4], [sflag:$0x5], $0x40, s6, s7, $0xb8;
	[tilespmem:$0x1E800] =	vst v63  }
0x1a4: {  	_ = 	snop  }
0x1a5: {  	[tilespmem:s11], [sflag:$0x3] =	stream.indirect.gather [spmem:s0], $0x40, s10, s7, $0xb8;
	[tilespmem:$0x1E800] =	vst v63  }
0x1a6: {  	_ =	swait.ge [sflag:s12], $0x2000  }
0x1a7: {  	[sflag:s12] =	ssyncset.done $0x0  }
0x1a8: {  	[sflag:s12] =	ssyncadd.s32 $0xFFFFE000  }
0x1a9: {  	[spmem:s1] =	stream.indirect.scatter.add.f32 [tilespmem:s8], [sflag:$0x6], $0x40, s14, s7, $0xb8;
	[tilespmem:$0x1E800] =	vst v63  }
0x1aa: {  	_ = 	snop  }
0x1ab: {  	[tilespmem:s16], [sflag:$0x4] =	stream.indirect.gather [spmem:s0], $0x40, s15, s7, $0xb8;
	[tilespmem:$0x1E800] =	vst v63  }
0x1ac: {  	_ =	swait.ge [sflag:s17], $0x2000  }
0x1ad: {  	[sflag:s17] =	ssyncset.done $0x0  }
0x1ae: {  	[sflag:s17] =	ssyncadd.s32 $0xFFFFE000  }
0x1af: {  	[spmem:s1] =	stream.indirect.scatter.add.f32 [tilespmem:s11], [sflag:$0x7], $0x40, s18, s7, $0xb8;
	[tilespmem:$0x1E800] =	vst v63  }
0x1b0: {  	_ =	swait.ge [sflag:s19], $0x2000  }
0x1b1: {  	[sflag:s19] =	ssyncset.done $0x0  }
0x1b2: {  	[sflag:s19] =	ssyncadd.s32 $0xFFFFE000  }
0x1b3: {  	[tilespmem:s4], [sflag:$0x1] =	stream.indirect.gather [spmem:s0], $0x40, s21, s7, $0xb8;
	[tilespmem:$0x1E800] =	vst v63  }
0x1b4: {  	_ =	swait.ge [sflag:s22], $0x2000  }
0x1b5: {  	[sflag:s22] =	ssyncset.done $0x0  }
0x1b6: {  	[sflag:s22] =	ssyncadd.s32 $0xFFFFE000  }
0x1b7: {  	[spmem:s1] =	stream.indirect.scatter.add.f32 [tilespmem:s16], [sflag:$0x8], $0x40, s23, s7, $0xb8;
	[tilespmem:$0x1E800] =	vst v63  }
0x1b8: {  	_ =	swait.ge [sflag:s24], $0x2000  }
0x1b9: {  	[sflag:s24] =	ssyncset.done $0x0  }
0x1ba: {  	[sflag:s24] =	ssyncadd.s32 $0xFFFFE000  }
0x1bb: {  	[tilespmem:s8], [sflag:$0x2] =	stream.indirect.gather [spmem:s0], $0x40, s25, s7, $0xb8;
	[tilespmem:$0x1E800] =	vst v63  }
.LBB2_13:
0x1bc: {  	_ =	swait.ge [sflag:s9], $0x2000  }
0x1bd: {  	s31 =	sshra.s32 s30, $0x2;
	[sflag:s9] =	ssyncset.done $0x0  }
0x1be: {  	s3 =	sadd.s32 $0x1600, s31;
	[sflag:s9] =	ssyncadd.s32 $0xFFFFE000  }
0x1bf: {  	[spmem:s1] =	stream.indirect.scatter.add.f32 [tilespmem:s4], [sflag:$0x5], $0x40, s3, s7, $0xb8;
	[tilespmem:$0x1E800] =	vst v63  }
0x1c0: {  	_ =	swait.ge [sflag:s26], $0x2000  }
0x1c1: {  	[sflag:s26] =	ssyncset.done $0x0  }
0x1c2: {  	s20 =	sadd.s32 $0x300, s31;
	[sflag:s26] =	ssyncadd.s32 $0xFFFFE000  }
0x1c3: {  	[tilespmem:s11], [sflag:$0x3] =	stream.indirect.gather [spmem:s0], $0x40, s20, s7, $0xb8;
	[tilespmem:$0x1E800] =	vst v63  }
0x1c4: {  	_ =	swait.ge [sflag:s12], $0x2000  }
0x1c5: {  	[sflag:s12] =	ssyncset.done $0x0  }
0x1c6: {  	s10 =	sadd.s32 $0x1680, s31;
	[sflag:s12] =	ssyncadd.s32 $0xFFFFE000  }
0x1c7: {  	[spmem:s1] =	stream.indirect.scatter.add.f32 [tilespmem:s8], [sflag:$0x6], $0x40, s10, s7, $0xb8;
	[tilespmem:$0x1E800] =	vst v63  }
0x1c8: {  	_ =	swait.ge [sflag:s28], $0x2000  }
0x1c9: {  	[sflag:s28] =	ssyncset.done $0x0  }
0x1ca: {  	s13 =	sadd.s32 $0x380, s31;
	[sflag:s28] =	ssyncadd.s32 $0xFFFFE000  }
0x1cb: {  	[tilespmem:s16], [sflag:$0x4] =	stream.indirect.gather [spmem:s0], $0x40, s13, s7, $0xb8;
	[tilespmem:$0x1E800] =	vst v63  }
0x1cc: {  	_ =	swait.ge [sflag:s17], $0x2000  }
0x1cd: {  	p1 =	seq.s32 s30, $0x4000;
	[sflag:s17] =	ssyncset.done $0x0  }
.Ltmp9:
0x1ce: {  	s20 =	sadd.s32 $0x1700, s31;
	[sflag:s17] =	ssyncadd.s32 $0xFFFFE000;
	(pc) =	sbr.rel @p1 .LBB2_15-.Ltmp9, $4  }
0x1cf: {  	[spmem:s1] =	stream.indirect.scatter.add.f32 [tilespmem:s11], [sflag:$0x7], $0x40, s20, s7, $0xb8;
	[tilespmem:$0x1E800] =	vst v63  }
0x1d0: {  	_ =	swait.ge [sflag:s19], $0x2000  }
0x1d1: {  	[sflag:s19] =	ssyncset.done $0x0  }
0x1d2: {  	s13 =	sadd.s32 $0x1780, s31;
	[sflag:s19] =	ssyncadd.s32 $0xFFFFE000  }
0x1d3: {  	s3 =	sadd.s32 $0x400, s31  }
0x1d4: {  	[tilespmem:s4], [sflag:$0x1] =	stream.indirect.gather [spmem:s0], $0x40, s3, s7, $0xb8;
	[tilespmem:$0x1E800] =	vst v63  }
0x1d5: {  	_ =	swait.ge [sflag:s22], $0x2000  }
0x1d6: {  	[sflag:s22] =	ssyncset.done $0x0  }
0x1d7: {  	[sflag:s22] =	ssyncadd.s32 $0xFFFFE000  }
0x1d8: {  	[spmem:s1] =	stream.indirect.scatter.add.f32 [tilespmem:s16], [sflag:$0x8], $0x40, s13, s7, $0xb8;
	[tilespmem:$0x1E800] =	vst v63  }
.Ltmp10:
0x1d9: {  	_ = 	snop;
	(pc) =	sbr.rel .LBB2_13-.Ltmp10, $4  }
0x1da: {  	_ =	swait.ge [sflag:s24], $0x2000  }
0x1db: {  	[sflag:s24] =	ssyncset.done $0x0  }
0x1dc: {  	s31 =	sadd.s32 $0x480, s31;
	s30 =	sadd.s32 $0x800, s30;
	[sflag:s24] =	ssyncadd.s32 $0xFFFFE000  }
0x1dd: {  	[tilespmem:s8], [sflag:$0x2] =	stream.indirect.gather [spmem:s0], $0x40, s31, s7, $0xb8;
	[tilespmem:$0x1E800] =	vst v63  }
.LBB2_16:
0x1de: {  	_ =	sfence.sel $0x180000  }
0x1df: {  	[bflag:$0x0] =	sbarrier.arrive $0xFFFF  }
0x1e0: {  	_ =	strace $0x90000047  }
0x1e1: {  	s0 =	stileid.u32;
	[bflag:$0x2] =	sbarrier.arrive $0xFFFF  }
0x1e2: {  	p0 =	sne.s32 s0, $0x0;
	s0 =	rddreg [dreg:$0x4]  }
0x1e3: {  	s0 =	sadd.s32 @!p0 $0x100000, s0  }
0x1e4: {  	[sflag:s0] =	ssyncadd.tile.s32 @!p0 $0x1;
	_ =	shalt  }
.Lfunc_end2:
_tile_overlayer_lowered:
.L_overlay_start_2:
0x1e5: {  	(tag) =	ssettag $0x2  }
0x1e6: {  	s0 =	rddreg [dreg:$0x0];
	s2 =	stileid.u32  }
0x1e7: {  	s1 =	rddreg [dreg:$0x1];
	p0 =	sne.s32 s2, $0x0  }
0x1e8: {  	s3 =	rddreg [dreg:$0x2];
	[bflag:$0x3] =	sbarrier.arrive $0xFFFF;
	s2 =	simm.s32 @!p0 $0x1C09  }
0x1e9: {  	[timem:s3], [sflag:s2] =	dma.local @!p0 [hbm:s0], s1  }
0x1ea: {  	s0 =	simm.s32 @!p0 $0x9  }
0x1eb: {  	_ =	swait.ge @!p0 [sflag:s0], s1  }
0x1ec: {  	s1 =	ssub.s32 @!p0 $0x0, s1;
	[sflag:s0] =	ssyncset.done @!p0 $0x0  }
0x1ed: {  	[sflag:s0] =	ssyncadd.s32 @!p0 s1  }
0x1ee: {  	[bflag:$0x3] =	sbarrier.arrive $0xFFFF  }
0x1ef: {  	_ =	shalt  }

// kernel: kernel.9.cloned.1.call-start
scs
__scs_entry_jumppad:
0x0: {  	(pc) =	sbr.rel $0x88, $3  }
0x1: {  	(tag) =	ssettag $0x0;
	lr =	simm.s32 $0x1  }
0x2: {  	[smem:$0x3F8B] =	sst lr;
	_ =	strace $0xD0000000  }
0x3: {  	_ = 	snop  }
0x4: {  	_ = 	snop  }
0x5: {  	_ = 	snop  }
0x6: {  	_ = 	snop  }
0x7: {  	_ = 	snop  }
__scs_overlays_trampoline_lowered:
0x8: {  	[smem:$0x3F9A] =	sst s0  }
0x9: {  	[smem:$0x3F9B] =	sst s1  }
0xa: {  	[smem:$0x3F9C] =	sst s2  }
0xb: {  	[smem:$0x3F9D] =	sst s3  }
0xc: {  	[smem:$0x3F9E] =	sst s4  }
0xd: {  	[smem:$0x3F9F] =	sst s5  }
0xe: {  	[smem:$0x3FA0] =	sst s6  }
0xf: {  	[smem:$0x3FA1] =	sst s7  }
0x10: {  	[smem:$0x3FA2] =	sst s8  }
0x11: {  	[smem:$0x3FA3] =	sst s9;
	s0 =	simm.s32 @!p0 $0x0  }
0x12: {  	s1 =	sld [smem:$0x3F89];
	s0 =	simm.s32 @p0 $0x1  }
0x13: {  	[smem:$0x3FA4] =	sst s0;
	s0 =	simm.s32 @!p1 $0x0  }
0x14: {  	s2 =	sld [smem:$0x3F88];
	s0 =	simm.s32 @p1 $0x1  }
0x15: {  	[smem:$0x3FA5] =	sst s0;
	s0 =	simm.s32 @!p2 $0x0  }
0x16: {  	s3 =	sld [smem:$0x3FDB];
	s0 =	simm.s32 @p2 $0x1  }
0x17: {  	s4 =	simm.s32 $0x1BF5;
	[smem:$0x3FA7] =	sst s0  }
0x18: {  	s0 =	sld [smem:$0x3F8A];
	_ =	swait.ge [sflag:s4], $0x0  }
0x19: {  	s7 =	sld [smem:$0x3F8B]  }
0x1a: {  	s8 =	sadd.s32 $0xFFFFE003, lr  }
0x1b: {  	s9 =	sadd.s32 $0xFFFFFEF7, lr;
	s5 =	simm.s32 $0xFFFFFFFF;
	p2 =	slt.u32 s8, $0xFFFFF086  }
0x1c: {  	p1 =	slt.u32 s9, $0xF7A;
	s5 =	simm.s32 @!p2 $0x0  }
0x1d: {  	s5 =	simm.s32 @p1 $0x1;
	p0 =	seq.s32 s7, s2  }
0x1e: {  	s7 =	smul.u32 @!p0 $0xF7A, s2;
	p2 =	seq.s32 @!p0 s5, $0x0  }
0x1f: {  	s9 =	smul.u32 $0xF7A, s1;
	s8 =	simm.s32 @!p0 $0x1BF5;
	p2 =	por !p2, p0  }
0x20: {  	[sflag:s8] =	ssyncset.s32 @!p0 $0xFFFFF086;
	s6 =	sadd.s32 @!p0 s3, s7;
	s7 =	simm.s32 @!p0 $0x108  }
0x21: {  	s3 =	sadd.s32 s3, s9;
	s6 =	sadd.s32 @!p0 $0x88, s6;
	s7 =	simm.s32 @p2 $0x1082  }
0x22: {  	[simem:s7], [sflag:s8] =	dma.local @!p0 [hbm:s6], $0xF7A  }
0x23: {  	s9 =	sor.u32 $0xD0000000, s2;
	s6 =	simm.s32 $0x108;
	_ =	swait.ge @!p0 [sflag:s8], $0x0  }
0x24: {  	s3 =	sadd.s32 $0x88, s3;
	s6 =	simm.s32 @!p1 $0x1082;
	[sflag:s4] =	ssyncset.s32 $0xFFFFF086  }
0x25: {  	[simem:s6], [sflag:s4] =	dma.local [hbm:s3], $0xF7A  }
0x26: {  	[smem:$0x3F8B] =	sst s1;
	(tag) =	ssettag s2;
	_ =	strace s9  }
0x27: {  	s1 =	sld [smem:$0x3F9B]  }
0x28: {  	s2 =	sld [smem:$0x3F9C]  }
0x29: {  	s4 =	sld [smem:$0x3F9E]  }
0x2a: {  	p0 =	seq.s32 s5, $0x0;
	s5 =	sld [smem:$0x3F9F]  }
0x2b: {  	s6 =	sld [smem:$0x3FA0]  }
0x2c: {  	s7 =	sld [smem:$0x3FA1]  }
0x2d: {  	s3 =	simm.s32 $0x108;
	s8 =	sld [smem:$0x3FA2]  }
0x2e: {  	s3 =	simm.s32 @!p0 $0x1082;
	s9 =	sld [smem:$0x3FA3]  }
0x2f: {  	lr =	sadd.s32 s0, s3;
	s0 =	sld [smem:$0x3F9A]  }
0x30: {  	s3 =	sld [smem:$0x3F9D]  }
0x31: {  	[smem:$0x3FA6] =	sst s10  }
0x32: {  	s10 =	sld [smem:$0x3FA4];
	_ =	sdelay $0x3  }
0x33: {  	p0 =	seq.s32 s10, $0x1;
	s10 =	sld [smem:$0x3FA6];
	_ =	sdelay $0x3  }
0x34: {  	[smem:$0x3FA6] =	sst s10  }
0x35: {  	s10 =	sld [smem:$0x3FA5];
	_ =	sdelay $0x3  }
0x36: {  	p1 =	seq.s32 s10, $0x1;
	s10 =	sld [smem:$0x3FA6];
	_ =	sdelay $0x3  }
0x37: {  	[smem:$0x3FA6] =	sst s10  }
0x38: {  	s10 =	sld [smem:$0x3FA7]  }
0x39: {  	_ = 	snop;
	(pc) =	sbr.ind lr, $3  }
0x3a: {  	_ = 	snop  }
0x3b: {  	_ = 	snop  }
0x3c: {  	p2 =	seq.s32 s10, $0x1;
	s10 =	sld [smem:$0x3FA6]  }
0x3d: {  	_ =	shalt  }
0x3e: {  	_ =	shalt  }
0x3f: {  	_ =	shalt  }
0x40: {  	_ =	shalt  }
0x41: {  	_ =	shalt  }
0x42: {  	_ =	shalt  }
0x43: {  	_ =	shalt  }
0x44: {  	_ =	shalt  }
0x45: {  	_ =	shalt  }
0x46: {  	_ =	shalt  }
0x47: {  	_ =	shalt  }
0x48: {  	_ =	shalt  }
0x49: {  	_ =	shalt  }
0x4a: {  	_ =	shalt  }
0x4b: {  	_ =	shalt  }
0x4c: {  	_ =	shalt  }
0x4d: {  	_ =	shalt  }
0x4e: {  	_ =	shalt  }
0x4f: {  	_ =	shalt  }
0x50: {  	_ =	shalt  }
0x51: {  	_ =	shalt  }
0x52: {  	_ =	shalt  }
0x53: {  	_ =	shalt  }
0x54: {  	_ =	shalt  }
0x55: {  	_ =	shalt  }
0x56: {  	_ =	shalt  }
0x57: {  	_ =	shalt  }
0x58: {  	_ =	shalt  }
0x59: {  	_ =	shalt  }
0x5a: {  	_ =	shalt  }
0x5b: {  	_ =	shalt  }
0x5c: {  	_ =	shalt  }
0x5d: {  	_ =	shalt  }
0x5e: {  	_ =	shalt  }
0x5f: {  	_ =	shalt  }
0x60: {  	_ =	shalt  }
0x61: {  	_ =	shalt  }
0x62: {  	_ =	shalt  }
0x63: {  	_ =	shalt  }
0x64: {  	_ =	shalt  }
0x65: {  	_ =	shalt  }
0x66: {  	_ =	shalt  }
0x67: {  	_ =	shalt  }
0x68: {  	_ =	shalt  }
0x69: {  	_ =	shalt  }
0x6a: {  	_ =	shalt  }
0x6b: {  	_ =	shalt  }
0x6c: {  	_ =	shalt  }
0x6d: {  	_ =	shalt  }
0x6e: {  	_ =	shalt  }
0x6f: {  	_ =	shalt  }
0x70: {  	_ =	shalt  }
0x71: {  	_ =	shalt  }
0x72: {  	_ =	shalt  }
0x73: {  	_ =	shalt  }
0x74: {  	_ =	shalt  }
0x75: {  	_ =	shalt  }
0x76: {  	_ =	shalt  }
0x77: {  	_ =	shalt  }
0x78: {  	_ =	shalt  }
0x79: {  	_ =	shalt  }
0x7a: {  	_ =	shalt  }
0x7b: {  	_ =	shalt  }
0x7c: {  	_ =	shalt  }
0x7d: {  	_ =	shalt  }
0x7e: {  	_ =	shalt  }
0x7f: {  	_ =	shalt  }
0x80: {  	_ =	shalt  }
0x81: {  	_ =	shalt  }
0x82: {  	_ =	shalt  }
0x83: {  	_ =	shalt  }
0x84: {  	_ =	shalt  }
0x85: {  	_ =	shalt  }
0x86: {  	_ =	shalt  }
0x87: {  	_ =	shalt  }
.Lfunc_end0:
.L_simem_size_0:
called_computation.1_lowered:
.L_overlay_start_0:
0x88: {  	s2 =	sld [smem:$0x3FD9]  }
0x89: {  	s3 =	sld [smem:$0x3FFE];
	_ =	sdelay $0x1  }
0x8a: {  	s1 =	srdreg.scid  }
0x8b: {  	s0 =	sand.u32 $0x1, s1  }
0x8c: {  	s16 =	sshll.u32 s0, $0xA;
	s2 =	sadd.s32 s3, s2  }
0x8d: {  	s2 =	sadd.s32 s2, s16  }
0x8e: {  	[smem:$0x3FB2] =	sst s2  }
0x8f: {  	_ = 	snop  }
0x90: {  	(tm) =	ssettm $0x1  }
0x91: {  	s17 =	sld [smem:$0x3FFB];
	_ =	sdelay $0x3  }
0x92: {  	_ =	strace s17  }
0x93: {  	s2 =	sld [smem:$0x3FFC];
	_ =	sdelay $0x3  }
0x94: {  	_ =	strace s2  }
0x95: {  	s2 =	sld [smem:$0x3FFD];
	_ =	sdelay $0x3  }
0x96: {  	_ =	strace s2  }
0x97: {  	_ =	strace $0x8FFFFFFF  }
0x98: {  	s18 =	sld [smem:$0x3FDB];
	_ =	sdelay $0x1  }
0x99: {  	s19 =	simm.s32 $_scs_section_size  }
0x9a: {  	s4 =	simm.s32 $_size__tile_overlayer_lowered;
	s5 =	simm.s32 $_tile_overlayer_lowered  }
0x9b: {  	s22 =	simm.s32 $0x1BFF;
	s21 =	sshll.u32 s5, $0x1;
	s2 =	sadd.s32 s19, s18  }
0x9c: {  	s6 =	simm.s32 $0x0;
	s20 =	sshll.u32 s4, $0x1;
	s4 =	sadd.s32 s21, s2  }
0x9d: {  	[timem:s6], [sflag:s22] =	dma.local [hbm:s4], s20  }
0x9e: {  	_ =	swait.ge [sflag:s22], s20  }
0x9f: {  	s3 =	ssub.s32 $0x0, s20;
	[sflag:s22] =	ssyncset.done $0x0  }
0xa0: {  	[sflag:s22] =	ssyncadd.s32 s3;
	_ =	sdelay $0x1  }
0xa1: {  	s23 =	simm.s32 $0x1B8B  }
0xa2: {  	_ =	swait.ge [sflag:s23], $0x1  }
0xa3: {  	[sflag:s23] =	ssyncset.done $0x0  }
0xa4: {  	s25 =	simm.s32 $0x1B8E;
	s24 =	sld [smem:$0x3FFE];
	[sflag:s23] =	ssyncadd.s32 $0xFFFFFFFF  }
0xa5: {  	s26 =	simm.s32 $execute0_lowered;
	[smem:$0x3FD2] =	sst s25  }
0xa6: {  	s4 =	sshll.u32 s26, $0x1;
	_ =	strace $0x80000049;
	[dreg:$0x1] =	wrdreg $0xFFFFFFFF  }
0xa7: {  	s28 =	simm.s32 $_size_execute0_lowered;
	s2 =	sadd.s32 s2, s4;
	[dreg:$0x0] =	wrdreg $0x0  }
0xa8: {  	s4 =	sshll.u32 s28, $0x1;
	[dreg:$0x2] =	wrdreg s2  }
0xa9: {  	[dreg:$0x3] =	wrdreg s4  }
0xaa: {  	[dreg:$0x4] =	wrdreg $0xC0  }
0xab: {  	_ =	task [dreg:s6], $0x5FFFF  }
0xac: {  	[dreg:$0x1] =	wrdreg $0xFFFFFFFF  }
0xad: {  	[dreg:$0x0] =	wrdreg $0x60  }
0xae: {  	[dreg:$0x2] =	wrdreg s24  }
0xaf: {  	[dreg:$0x3] =	wrdreg $0xA0000  }
0xb0: {  	[dreg:$0x4] =	wrdreg $0xA2800  }
0xb1: {  	[dreg:$0x5] =	wrdreg $0x9  }
0xb2: {  	_ =	task.clear_ibuf [dreg:s6], $0x6FFFF;
	_ =	strace $0x90000049  }
0xb3: {  	s29 =	simm.s32 $0x9;
	_ =	strace $0x8000004B  }
0xb4: {  	_ =	swait.ge [sflag:s29], $0x1  }
0xb5: {  	[sflag:s29] =	ssyncadd.s32 $0xFFFFFFFF  }
0xb6: {  	_ =	strace $0x9000004B  }
0xb7: {  	_ =	sfence  }
0xb8: {  	s30 =	sld [smem:$0x0];
	_ =	sdelay $0x2  }
0xb9: {  	s31 =	sshll.u32 s1, $0xD;
	s1 =	sshrl.u32 s1, $0x2  }
0xba: {  	s3 =	sand.u32 $0x4000, s31;
	s1 =	sadd.s32 s1, s30  }
0xbb: {  	s0 =	sor.u32 s3, s0;
	s1 =	sshll.u32 s1, $0x11  }
0xbc: {  	s0 =	sor.u32 s1, s0  }
0xbd: {  	s0 =	sadd.s32 $0x8F2B, s0  }
0xbe: {  	[sflag:s0] =	ssyncadd.remote.s32 $0x1  }
0xbf: {  	_ =	sfence.sel $0xFFFF  }
0xc0: {  	[dreg:$0x0] =	wrdreg $0xFFFFFFFF;
	(pc) =	sbr.abs _section_cstart, $3  }
0xc1: {  	[dreg:$0x1] =	wrdreg $0xFFFFFFFF  }
0xc2: {  	_ =	task.clear_ibuf [dreg:s6], $0x2FFFF;
	_ =	strace $0x9FFFFFFF  }
0xc3: {  	(tm) =	ssettm $0x7FFFFFFF  }
tec
execute0_lowered:
.L_overlay_start_1:
0x0: {  	(tag) =	ssettag $0x1  }
0x1: {  	s6 =	rddreg [dreg:$0x0]  }
0x2: {  	s1 =	rddreg [dreg:$0x1];
	s0 =	srdreg.scid  }
0x3: {  	s2 =	rddreg [dreg:$0x2];
	s20 =	stileid.u32  }
0x4: {  	s3 =	simm.s32 $0x0;
	s12 =	simm.s32 $0x3;
	s16 =	simm.s32 $0x2800  }
0x5: {  	s17 =	simm.s32 $0x80;
	s18 =	simm.s32 $0x1;
	s19 =	simm.s32 $0x2  }
0x6: {  	s4 =	sand.u32 $0x1, s0;
	s0 =	rddreg [dreg:$0x3];
	s7 =	sshll.u32 s20, $0x1  }
0x7: {  	s8 =	smul.u32 $0x280, s20;
	[smem:$0x7FF] =	sst s3;
	p0 =	seq.s32 s20, $0xF  }
0x8: {  	p1 =	sne.s32 s20, $0x0;
	s5 =	sshll.u32 s4, $0x5;
	s9 =	smul.u32 $0x500, s4  }
0x9: {  	s4 =	ssub.s32 $0x2, s4;
	_ =	strace $0x8000004A;
	s14 =	sshll.u32 @!p0 s20, $0x6  }
0xa: {  	s20 =	simm.s32 $0x0;
	s5 =	sor.u32 s7, s5;
	s31 =	sshrl.u32 s8, $0x3  }
0xb: {  	s10 =	sshrl.u32 s4, $0x1;
	s15 =	sadd.s32 s8, s2;
	s14 =	sor.u32 @!p0 $0x1C03, s14  }
0xc: {  	s5 =	smul.u32 $0x280, s5;
	s7 =	sadd.s32 s31, s6;
	s9 =	sadd.s32 s9, s6  }
0xd: {  	s10 =	ssub.s32 s4, s10;
	s4 =	sadd.s32 s8, s1;
	s13 =	sshrl.u32 @p0 s15, $0x3  }
0xe: {  	s15 =	sshrl.u32 @!p0 s15, $0x3;
	s9 =	sadd.s32 $0x16800, s9;
	s10 =	smax.u32 s10, $0x1  }
0xf: {  	s11 =	sadd.s32 s5, s6;
	s5 =	sadd.s32 $0x16200, s7;
	s6 =	sadd.s32 $0x166B0, s6  }
0x10: {  	v0 =	vimm.f32 $0.0e+00;
	s7 =	sadd.s32 $0xC200, s11;
	s8 =	sadd.s32 $0x2200, s11;
	s11 =	simm.s32 $0x7800  }
.LBB2_1:
0x11: {  	[tilespmem:$0x7800] =	vst v0  }
0x12: {  	[tilespmem:$0x7810] =	vst v0  }
0x13: {  	[tilespmem:$0x7820] =	vst v0  }
0x14: {  	[tilespmem:$0x7830] =	vst v0  }
0x15: {  	[tilespmem:$0x7840] =	vst v0  }
0x16: {  	[tilespmem:$0x7850] =	vst v0  }
0x17: {  	[tilespmem:$0x7860] =	vst v0  }
0x18: {  	[tilespmem:$0x7870] =	vst v0  }
0x19: {  	[tilespmem:$0x7880] =	vst v0  }
0x1a: {  	[tilespmem:$0x7890] =	vst v0  }
0x1b: {  	[tilespmem:$0x78A0] =	vst v0  }
0x1c: {  	[tilespmem:$0x78B0] =	vst v0  }
0x1d: {  	[tilespmem:$0x78C0] =	vst v0  }
0x1e: {  	[tilespmem:$0x78D0] =	vst v0  }
0x1f: {  	[tilespmem:$0x78E0] =	vst v0  }
0x20: {  	[tilespmem:$0x78F0] =	vst v0  }
0x21: {  	[tilespmem:$0x7900] =	vst v0  }
0x22: {  	[tilespmem:$0x7910] =	vst v0  }
0x23: {  	[tilespmem:$0x7920] =	vst v0  }
0x24: {  	[tilespmem:$0x7930] =	vst v0  }
0x25: {  	[tilespmem:$0x7940] =	vst v0  }
0x26: {  	[tilespmem:$0x7950] =	vst v0  }
0x27: {  	[tilespmem:$0x7960] =	vst v0  }
0x28: {  	[tilespmem:$0x7970] =	vst v0  }
0x29: {  	[tilespmem:$0x7980] =	vst v0  }
0x2a: {  	[tilespmem:$0x7990] =	vst v0  }
0x2b: {  	[tilespmem:$0x79A0] =	vst v0  }
0x2c: {  	[tilespmem:$0x79B0] =	vst v0  }
0x2d: {  	[tilespmem:$0x79C0] =	vst v0  }
0x2e: {  	[tilespmem:$0x79D0] =	vst v0  }
0x2f: {  	[tilespmem:$0x79E0] =	vst v0  }
0x30: {  	[tilespmem:$0x79F0] =	vst v0  }
0x31: {  	[tilespmem:$0x7A00] =	vst v0  }
0x32: {  	[tilespmem:$0x7A10] =	vst v0  }
0x33: {  	[tilespmem:$0x7A20] =	vst v0  }
0x34: {  	[tilespmem:$0x7A30] =	vst v0  }
0x35: {  	[tilespmem:$0x7A40] =	vst v0  }
0x36: {  	[tilespmem:$0x7A50] =	vst v0  }
0x37: {  	[tilespmem:$0x7A60] =	vst v0  }
0x38: {  	[tilespmem:$0x7A70] =	vst v0  }
0x39: {  	[spmem:s4] =	stream.linear.scatter [tilespmem:s11], [sflag:$0x3], $0x280, $0x38;
	[tilespmem:$0xA500] =	vst v63  }
0x3a: {  	_ =	swait.ge [sflag:s12], $0x280  }
0x3b: {  	[sflag:s12] =	ssyncset.done $0x0  }
0x3c: {  	s21 =	simm.s32 @p0 $0x1FC3;
	[sflag:s12] =	ssyncadd.s32 $0xFFFFFD80  }
0x3d: {  	[spmem:s13], [sflag:s21] =	dma.local @p0 [hbm:s6], $0x32  }
0x3e: {  	s21 =	simm.s32 @p0 $0x3  }
0x3f: {  	_ =	swait.ge @p0 [sflag:s21], $0x32  }
0x40: {  	[sflag:s21] =	ssyncset.done @p0 $0x0  }
0x41: {  	[sflag:s21] =	ssyncadd.s32 @p0 $0xFFFFFFCE;
	s21 =	simm.s32 @!p0 $0x3  }
0x42: {  	[spmem:s15], [sflag:s14] =	dma.local @!p0 [hbm:s5], $0x50  }
0x43: {  	_ =	swait.ge @!p0 [sflag:s21], $0x50  }
0x44: {  	[sflag:s21] =	ssyncset.done @!p0 $0x0  }
0x45: {  	[sflag:s21] =	ssyncadd.s32 @!p0 $0xFFFFFFB0  }
0x46: {  	[tilespmem:s3], [sflag:$0x3] =	stream.linear.gather [hbm4b:s7+s3], $0x2800, $0x38;
	[tilespmem:$0xA500] =	vst v63  }
0x47: {  	_ =	swait.ge [sflag:s12], $0x2800  }
0x48: {  	[sflag:s12] =	ssyncset.done $0x0  }
0x49: {  	[sflag:s12] =	ssyncadd.s32 $0xFFFFD800  }
0x4a: {  	[tilespmem:s16], [sflag:$0x3] =	stream.linear.gather [hbm4b:s8+s3], $0x2800, $0x38;
	[tilespmem:$0xA500] =	vst v63  }
0x4b: {  	_ =	swait.ge [sflag:s12], $0x2800  }
0x4c: {  	[sflag:s12] =	ssyncset.done $0x0  }
0x4d: {  	[sflag:s12] =	ssyncadd.s32 $0xFFFFD800  }
0x4e: {  	s21 =	simm.s32 $0x0;
	[bflag:$0x0] =	sbarrier.arrive $0xFFFF  }
.LBB2_2:
0x4f: {  	p2 =	sne.s32 s21, $0x4E00  }
.Ltmp0:
0x50: {  	_ = 	snop;
	(pc) =	sbr.rel @p2 .LBB2_2-.Ltmp0, $4  }
0x51: {  	_ = 	snop  }
0x52: {  	s22 =	sshra.s32 s21, $0x2  }
0x53: {  	s21 =	sadd.s32 $0x200, s21;
	s23 =	sadd.s32 $0x5000, s22  }
0x54: {  	[tilespmem:s23], [sflag:$0x1] =	stream.indirect.gather [spmem:s2], $0x1, s22, s17, $0xb8;
	[tilespmem:$0xA500] =	vst v63  }
0x55: {  	s21 =	simm.s32 $0x200;
	s22 =	simm.s32 $0x6400;
	s23 =	simm.s32 $0x1400  }
.LBB2_4:
0x56: {  	[tilespmem:s22], [sflag:$0x1] =	stream.indirect.gather [spmem:s2], $0x1, s23, s17, $0xb8;
	[tilespmem:$0xA500] =	vst v63  }
0x57: {  	s22 =	smov.u32 s21;
	p2 =	sne.s32 s21, $0x4E00  }
.Ltmp1:
0x58: {  	s21 =	sadd.s32 $0x200, s21;
	(pc) =	sbr.rel @p2 .LBB2_4-.Ltmp1, $3  }
0x59: {  	_ =	sdelay $0x1  }
0x5a: {  	s23 =	sshra.s32 s22, $0x2  }
0x5b: {  	s22 =	sadd.s32 $0x6400, s23;
	s23 =	sadd.s32 $0x1400, s23  }
0x5c: {  	[tilespmem:s22], [sflag:$0x1] =	stream.indirect.gather [spmem:s2], $0x1, s23, s17, $0xb8;
	[tilespmem:$0xA500] =	vst v63  }
0x5d: {  	_ =	swait.ge [sflag:s18], $0x80  }
0x5e: {  	s21 =	simm.s32 $0x27;
	[sflag:s18] =	ssyncset.done $0x0  }
.LBB2_6:
0x5f: {  	p2 =	sne.s32 s21, $0x1;
	s21 =	sadd.s32 $0xFFFFFFFF, s21;
	[sflag:s18] =	ssyncadd.s32 $0xFFFFFF80  }
.Ltmp2:
0x60: {  	(pc) =	sbr.rel @p2 .LBB2_6-.Ltmp2, $3  }
0x61: {  	_ =	sdelay $0x1  }
0x62: {  	_ =	swait.ge [sflag:s18], $0x80  }
0x63: {  	[sflag:s18] =	ssyncset.done $0x0  }
0x64: {  	[sflag:s18] =	ssyncadd.s32 $0xFFFFFF80  }
0x65: {  	_ =	swait.ge [sflag:s18], $0x80  }
0x66: {  	s21 =	simm.s32 $0x27;
	[sflag:s18] =	ssyncset.done $0x0  }
.LBB2_8:
0x67: {  	p2 =	sne.s32 s21, $0x1;
	s21 =	sadd.s32 $0xFFFFFFFF, s21;
	[sflag:s18] =	ssyncadd.s32 $0xFFFFFF80  }
.Ltmp3:
0x68: {  	(pc) =	sbr.rel @p2 .LBB2_8-.Ltmp3, $3  }
0x69: {  	_ =	sdelay $0x1  }
0x6a: {  	_ =	swait.ge [sflag:s18], $0x80  }
0x6b: {  	[sflag:s18] =	ssyncset.done $0x0  }
0x6c: {  	[sflag:s18] =	ssyncadd.s32 $0xFFFFFF80  }
0x6d: {  	s21 =	simm.s32 $0x200;
	s22 =	simm.s32 $0x5000;
	s23 =	simm.s32 $0x2800  }
.LBB2_10:
0x6e: {  	[spmem:s1] =	stream.indirect.scatter.add.f32 [tilespmem:s22], [sflag:$0x2], $0x1, s23, s17, $0xb8;
	[tilespmem:$0xA500] =	vst v63  }
0x6f: {  	s22 =	smov.u32 s21;
	p2 =	sne.s32 s21, $0x4E00  }
.Ltmp4:
0x70: {  	s21 =	sadd.s32 $0x200, s21;
	(pc) =	sbr.rel @p2 .LBB2_10-.Ltmp4, $3  }
0x71: {  	_ =	sdelay $0x1  }
0x72: {  	s23 =	sshra.s32 s22, $0x2  }
0x73: {  	s22 =	sadd.s32 $0x5000, s23;
	s23 =	sadd.s32 $0x2800, s23  }
0x74: {  	[spmem:s1] =	stream.indirect.scatter.add.f32 [tilespmem:s22], [sflag:$0x2], $0x1, s23, s17, $0xb8;
	[tilespmem:$0xA500] =	vst v63  }
0x75: {  	s21 =	simm.s32 $0x200;
	s22 =	simm.s32 $0x6400;
	s23 =	simm.s32 $0x3C00  }
.LBB2_12:
0x76: {  	[spmem:s1] =	stream.indirect.scatter.add.f32 [tilespmem:s22], [sflag:$0x2], $0x1, s23, s17, $0xb8;
	[tilespmem:$0xA500] =	vst v63  }
0x77: {  	s22 =	smov.u32 s21;
	p2 =	sne.s32 s21, $0x4E00  }
.Ltmp5:
0x78: {  	s21 =	sadd.s32 $0x200, s21;
	(pc) =	sbr.rel @p2 .LBB2_12-.Ltmp5, $3  }
0x79: {  	_ =	sdelay $0x1  }
0x7a: {  	s23 =	sshra.s32 s22, $0x2  }
0x7b: {  	s22 =	sadd.s32 $0x6400, s23;
	s23 =	sadd.s32 $0x3C00, s23  }
0x7c: {  	[spmem:s1] =	stream.indirect.scatter.add.f32 [tilespmem:s22], [sflag:$0x2], $0x1, s23, s17, $0xb8;
	[tilespmem:$0xA500] =	vst v63  }
0x7d: {  	_ =	swait.ge [sflag:s19], $0x80  }
0x7e: {  	s21 =	simm.s32 $0x27;
	[sflag:s19] =	ssyncset.done $0x0  }
.LBB2_14:
0x7f: {  	p2 =	sne.s32 s21, $0x1;
	s21 =	sadd.s32 $0xFFFFFFFF, s21;
	[sflag:s19] =	ssyncadd.s32 $0xFFFFFF80  }
.Ltmp6:
0x80: {  	(pc) =	sbr.rel @p2 .LBB2_14-.Ltmp6, $3  }
0x81: {  	_ =	sdelay $0x1  }
0x82: {  	_ =	swait.ge [sflag:s19], $0x80  }
0x83: {  	[sflag:s19] =	ssyncset.done $0x0  }
0x84: {  	[sflag:s19] =	ssyncadd.s32 $0xFFFFFF80  }
0x85: {  	_ =	swait.ge [sflag:s19], $0x80  }
0x86: {  	s21 =	simm.s32 $0x27;
	[sflag:s19] =	ssyncset.done $0x0  }
.LBB2_16:
0x87: {  	p2 =	sne.s32 s21, $0x1;
	s21 =	sadd.s32 $0xFFFFFFFF, s21;
	[sflag:s19] =	ssyncadd.s32 $0xFFFFFF80  }
.Ltmp7:
0x88: {  	(pc) =	sbr.rel @p2 .LBB2_16-.Ltmp7, $3  }
0x89: {  	_ =	sdelay $0x1  }
0x8a: {  	_ =	swait.ge [sflag:s19], $0x80  }
0x8b: {  	[sflag:s19] =	ssyncset.done $0x0  }
0x8c: {  	[sflag:s19] =	ssyncadd.s32 $0xFFFFFF80  }
0x8d: {  	s21 =	simm.s32 @!p1 $0x7800;
	s22 =	simm.s32 @!p1 $0x3;
	[bflag:$0x0] =	sbarrier.arrive $0xFFFF  }
0x8e: {  	[tilespmem:s21], [sflag:$0x3] =	stream.linear.gather @!p1 [spmem:s1], $0x2800, $0x38;
	[tilespmem:$0xA500] =	vst v63  }
0x8f: {  	s20 =	sadd.s32 $0x1, s20;
	_ =	swait.ge @!p1 [sflag:s22], $0x2800  }
0x90: {  	p2 =	sne.s32 s20, s10;
	[sflag:s22] =	ssyncset.done @!p1 $0x0  }
.Ltmp8:
0x91: {  	s23 =	simm.s32 @!p1 $0x0;
	[sflag:s22] =	ssyncadd.s32 @!p1 $0xFFFFD800;
	(pc) =	sbr.rel @p2 .LBB2_1-.Ltmp8, $4  }
0x92: {  	[hbm4b:s9+s23] =	stream.linear.scatter @!p1 [tilespmem:s21], [sflag:$0x3], $0x2800, $0x38;
	[tilespmem:$0xA500] =	vst v63  }
0x93: {  	_ =	swait.ge @!p1 [sflag:s22], $0x2800  }
0x94: {  	[sflag:s22] =	ssyncset.done @!p1 $0x0  }
0x95: {  	[sflag:s22] =	ssyncadd.s32 @!p1 $0xFFFFD800  }
0x96: {  	_ =	sfence.sel $0x180000  }
0x97: {  	[bflag:$0x0] =	sbarrier.arrive $0xFFFF  }
0x98: {  	_ =	strace $0x9000004A  }
0x99: {  	s0 =	sadd.s32 @!p1 $0x100000, s0;
	[bflag:$0x2] =	sbarrier.arrive $0xFFFF  }
0x9a: {  	[sflag:s0] =	ssyncadd.tile.s32 @!p1 $0x1;
	_ =	shalt  }
.Lfunc_end2:
_tile_overlayer_lowered:
.L_overlay_start_2:
0x9b: {  	(tag) =	ssettag $0x2  }
0x9c: {  	s0 =	rddreg [dreg:$0x0];
	s2 =	stileid.u32  }
0x9d: {  	s1 =	rddreg [dreg:$0x1];
	p0 =	sne.s32 s2, $0x0  }
0x9e: {  	s3 =	rddreg [dreg:$0x2];
	[bflag:$0x3] =	sbarrier.arrive $0xFFFF;
	s2 =	simm.s32 @!p0 $0x1C03  }
0x9f: {  	[timem:s3], [sflag:s2] =	dma.local @!p0 [hbm:s0], s1  }
0xa0: {  	s0 =	simm.s32 @!p0 $0x3  }
0xa1: {  	_ =	swait.ge @!p0 [sflag:s0], s1  }
0xa2: {  	s1 =	ssub.s32 @!p0 $0x0, s1;
	[sflag:s0] =	ssyncset.done @!p0 $0x0  }
0xa3: {  	[sflag:s0] =	ssyncadd.s32 @!p0 s1  }
0xa4: {  	[bflag:$0x3] =	sbarrier.arrive $0xFFFF  }
0xa5: {  	_ =	shalt  }

</sc_bundles>
